<compile_context>
chip_gen: v7x
topology: tpu7x:2x2x1
jax: 0.10.2.dev20260603
libtpu: 0.0.44.dev20260713+nightly
codegen_flags: <defaults>
</compile_context>

<pallas_src>
import functools

import jax
import jax.numpy as jnp
from jax import lax
from jax.experimental import pallas as pl
from jax.experimental.pallas import tpu as pltpu
from jax.experimental.pallas import tpu_sc as plsc

_NUM_EMB = 100000
_EMB_DIM = 50
_ROW_PAD = 56
_BATCH = 4096

_info = plsc.get_sparse_core_info()
_NC = _info.num_cores
_NS = _info.num_subcores
_NW = _NC * _NS
_BPW = _BATCH // _NW

_mesh = plsc.VectorSubcoreMesh(core_axis_name="c", subcore_axis_name="s")


@functools.partial(
    pl.kernel,
    mesh=_mesh,
    out_type=jax.ShapeDtypeStruct((_BATCH, _ROW_PAD), jnp.float32),
    scratch_types=[
        pltpu.VMEM((_BPW,), jnp.int32),
        pltpu.VMEM((_EMB_DIM, _BPW), jnp.float32),
        pltpu.VMEM((_BPW, _ROW_PAD), jnp.float32),
        pltpu.SemaphoreType.DMA,
    ],
    compiler_params=pltpu.CompilerParams(
        use_tc_tiling_on_sc=False,
        disable_bounds_checks=True,
        needs_layout_passes=False,
    ),
)
def _gather_rows(idx_hbm, tcol_hbm, out_hbm, idx_v, raw_v, out_v, sem):
    wid = lax.axis_index("s") * _NC + lax.axis_index("c")
    base = wid * _BPW
    pltpu.sync_copy(idx_hbm.at[pl.ds(base, _BPW)], idx_v)
    copies = [
        pltpu.async_copy(tcol_hbm.at[c].at[idx_v], raw_v.at[c], sem)
        for c in range(_EMB_DIM)
    ]
    r_vecs = [g * 16 + lax.iota(jnp.int32, 16) for g in range(_BPW // 16)]
    for c in range(_EMB_DIM):
        copies[c].wait()
        c_vec = jnp.full((16,), c, jnp.int32)
        for g in range(_BPW // 16):
            vals = raw_v[c, pl.ds(g * 16, 16)]
            plsc.store_scatter(out_v, [r_vecs[g], c_vec], vals)
    pltpu.sync_copy(out_v, out_hbm.at[pl.ds(base, _BPW)])


def kernel(cats, conts, prefix_table):
    idx = cats[:, 0].astype(jnp.int32)
    tcol = jnp.reshape(prefix_table.T, (_EMB_DIM, _NUM_EMB))
    padded = _gather_rows(idx, tcol)
    return padded[:, :_EMB_DIM]

# --- scband reference (transcript-rebuilt; emitter-appended) ---
"""Pipeline reference for scband-embedding-dot-1717986918618 (READ-ONLY COPY).

The authoritative reference and input builder live on the scoring server;
editing this copy changes nothing except your own understanding.
"""

import jax, jax.numpy as jnp
import numpy as np

NUM_EMB = 100000
EMB_DIM = 50
BATCH = 4096
N_FIELDS = 26
N_CONT = 13

def setup_inputs(seed: int = 0) -> dict:
    key = jax.random.key(seed)
    k1, k2, k3 = jax.random.split(key, 3)
    cats = jax.random.randint(k1, (BATCH, N_FIELDS), 0, NUM_EMB, dtype=jnp.int64 if jax.config.jax_enable_x64 else jnp.int32).astype(jnp.int32)
    conts = jax.random.normal(k2, (BATCH, N_CONT), dtype=jnp.float32)
    # nn.Embedding weight initialized uniform_(0, 0.05)
    prefix_table = jax.random.uniform(k3, (NUM_EMB, EMB_DIM), dtype=jnp.float32, minval=0.0, maxval=0.05)
    return {"cats": cats, "conts": conts, "prefix_table": prefix_table}

def reference(cats, conts, prefix_table):
    prefix = cats[:, 0]
    prefix_weight = jnp.take(prefix_table, prefix, axis=0)
    return prefix_weight

if __name__ == "__main__":
    import jax
    _d = setup_inputs()
    print(jax.jit(kernel)(*tuple(_d.values())))

</pallas_src>

<mosaic_0001>
#map = affine_map<(d0, d1) -> (0)>
#map1 = affine_map<(d0, d1) -> (0, 0)>
module attributes {stable_mosaic.version = 14 : i64} {
  func.func @_gather_rows(%arg0: i32, %arg1: i32, %arg2: memref<4096xi32, #tpu.memory_space<hbm>>, %arg3: memref<50x100000xf32, #tpu.memory_space<hbm>>, %arg4: memref<4096x56xf32, #tpu.memory_space<hbm>>, %arg5: memref<128xi32, #tpu.memory_space<vmem>>, %arg6: memref<50x128xf32, #tpu.memory_space<vmem>>, %arg7: memref<128x56xf32, #tpu.memory_space<vmem>>, %arg8: memref<!tpu.dma_semaphore, #tpu.memory_space<semaphore_mem>>) attributes {dimension_semantics = [#tpu.dimension_semantics<core_parallel>, #tpu.dimension_semantics<subcore_parallel>], iteration_bounds = array<i64: 2, 16>, scalar_prefetch = 0 : i64, scratch_operands = 4 : i64, tpu.core_type = #tpu.core_type<sc_vector_subcore>, window_params = [{transform_indices = #map}, {transform_indices = #map1}, {transform_indices = #map1}]} {
    %mul3A = arith.constant 2 : i32
    %mul3A_0 = arith.muli %arg1, %mul3A : i32
    %add3A = arith.addi %mul3A_0, %arg0 : i32
    %mul3A_1 = arith.constant 128 : i32
    %mul3A_2 = arith.muli %add3A, %mul3A_1 : i32
    "tpu.region"() ({
      %run_scoped3A = tpu.sem_alloc : memref<!tpu.dma_semaphore, #tpu.memory_space<semaphore_mem>>
      %dma_start3A_2730 = tpu.memref_slice %arg2[%mul3A_2] : memref<4096xi32, #tpu.memory_space<hbm>> -> memref<128xi32, #tpu.memory_space<hbm>>
      %dma_start3A_2731 = tpu.memref_slice %arg2[%mul3A_2] : memref<4096xi32, #tpu.memory_space<hbm>> -> memref<128xi32, #tpu.memory_space<hbm>>
      tpu.enqueue_dma source(%dma_start3A_2731 : memref<128xi32, #tpu.memory_space<hbm>>) target(%arg5 : memref<128xi32, #tpu.memory_space<vmem>>) target_semaphore(%run_scoped3A : memref<!tpu.dma_semaphore, #tpu.memory_space<semaphore_mem>>)
      %dma_wait3A_2732 = tpu.memref_slice %arg2[%mul3A_2] : memref<4096xi32, #tpu.memory_space<hbm>> -> memref<128xi32, #tpu.memory_space<hbm>>
      %dma_wait3A_2733 = tpu.memref_slice %arg2[%mul3A_2] : memref<4096xi32, #tpu.memory_space<hbm>> -> memref<128xi32, #tpu.memory_space<hbm>>
      tpu.wait_dma2 semaphore(%run_scoped3A : memref<!tpu.dma_semaphore, #tpu.memory_space<semaphore_mem>>) src(%dma_wait3A_2733 : memref<128xi32, #tpu.memory_space<hbm>>) dst(%arg5 : memref<128xi32, #tpu.memory_space<vmem>>)
      tpu.yield
    }) : () -> ()
    %dma_start3A = arith.constant 0 : i32
    %dma_start3A_3 = arith.constant 0 : i32
    %dma_start3A_4 = arith.constant 0 : i32
    %dma_start3A_5 = tpu.memref_slice %arg6[%dma_start3A_3, %dma_start3A_4] : memref<50x128xf32, #tpu.memory_space<vmem>> -> memref<1x128xf32, #tpu.memory_space<vmem>>
    %dma_start3A_6 = tpu.memref_squeeze %dma_start3A_5 : memref<1x128xf32, #tpu.memory_space<vmem>> -> memref<128xf32, #tpu.memory_space<vmem>>
    %dma_start3A_7 = arith.constant 0 : i32
    %dma_start3A_8 = tpu.memref_slice %arg3[%dma_start3A, %dma_start3A_7] : memref<50x100000xf32, #tpu.memory_space<hbm>> -> memref<1x100000xf32, #tpu.memory_space<hbm>>
    %dma_start3A_9 = tpu.memref_squeeze %dma_start3A_8 : memref<1x100000xf32, #tpu.memory_space<hbm>> -> memref<100000xf32, #tpu.memory_space<hbm>>
    %dma_start3A_10 = arith.constant 0 : i32
    %dma_start3A_11 = tpu.memref_slice %dma_start3A_9[%dma_start3A_10] : memref<100000xf32, #tpu.memory_space<hbm>> -> memref<100000xf32, #tpu.memory_space<hbm>>
    tpu.enqueue_indirect_dma source(%dma_start3A_11 : memref<100000xf32, #tpu.memory_space<hbm>>) target(%dma_start3A_6 : memref<128xf32, #tpu.memory_space<vmem>>) offsets(%arg5 : memref<128xi32, #tpu.memory_space<vmem>>) semaphore(%arg8 : memref<!tpu.dma_semaphore, #tpu.memory_space<semaphore_mem>>)
    %dma_start3A_12 = arith.constant 1 : i32
    %dma_start3A_13 = arith.constant 1 : i32
    %dma_start3A_14 = arith.constant 0 : i32
    %dma_start3A_15 = tpu.memref_slice %arg6[%dma_start3A_13, %dma_start3A_14] : memref<50x128xf32, #tpu.memory_space<vmem>> -> memref<1x128xf32, #tpu.memory_space<vmem>>
    %dma_start3A_16 = tpu.memref_squeeze %dma_start3A_15 : memref<1x128xf32, #tpu.memory_space<vmem>> -> memref<128xf32, #tpu.memory_space<vmem>>
    %dma_start3A_17 = arith.constant 0 : i32
    %dma_start3A_18 = tpu.memref_slice %arg3[%dma_start3A_12, %dma_start3A_17] : memref<50x100000xf32, #tpu.memory_space<hbm>> -> memref<1x100000xf32, #tpu.memory_space<hbm>>
    %dma_start3A_19 = tpu.memref_squeeze %dma_start3A_18 : memref<1x100000xf32, #tpu.memory_space<hbm>> -> memref<100000xf32, #tpu.memory_space<hbm>>
    %dma_start3A_20 = arith.constant 0 : i32
    %dma_start3A_21 = tpu.memref_slice %dma_start3A_19[%dma_start3A_20] : memref<100000xf32, #tpu.memory_space<hbm>> -> memref<100000xf32, #tpu.memory_space<hbm>>
    tpu.enqueue_indirect_dma source(%dma_start3A_21 : memref<100000xf32, #tpu.memory_space<hbm>>) target(%dma_start3A_16 : memref<128xf32, #tpu.memory_space<vmem>>) offsets(%arg5 : memref<128xi32, #tpu.memory_space<vmem>>) semaphore(%arg8 : memref<!tpu.dma_semaphore, #tpu.memory_space<semaphore_mem>>)
    %dma_start3A_22 = arith.constant 2 : i32
    %dma_start3A_23 = arith.constant 2 : i32
    %dma_start3A_24 = arith.constant 0 : i32
    %dma_start3A_25 = tpu.memref_slice %arg6[%dma_start3A_23, %dma_start3A_24] : memref<50x128xf32, #tpu.memory_space<vmem>> -> memref<1x128xf32, #tpu.memory_space<vmem>>
    %dma_start3A_26 = tpu.memref_squeeze %dma_start3A_25 : memref<1x128xf32, #tpu.memory_space<vmem>> -> memref<128xf32, #tpu.memory_space<vmem>>
    %dma_start3A_27 = arith.constant 0 : i32
    %dma_start3A_28 = tpu.memref_slice %arg3[%dma_start3A_22, %dma_start3A_27] : memref<50x100000xf32, #tpu.memory_space<hbm>> -> memref<1x100000xf32, #tpu.memory_space<hbm>>
    %dma_start3A_29 = tpu.memref_squeeze %dma_start3A_28 : memref<1x100000xf32, #tpu.memory_space<hbm>> -> memref<100000xf32, #tpu.memory_space<hbm>>
    %dma_start3A_30 = arith.constant 0 : i32
    %dma_start3A_31 = tpu.memref_slice %dma_start3A_29[%dma_start3A_30] : memref<100000xf32, #tpu.memory_space<hbm>> -> memref<100000xf32, #tpu.memory_space<hbm>>
    tpu.enqueue_indirect_dma source(%dma_start3A_31 : memref<100000xf32, #tpu.memory_space<hbm>>) target(%dma_start3A_26 : memref<128xf32, #tpu.memory_space<vmem>>) offsets(%arg5 : memref<128xi32, #tpu.memory_space<vmem>>) semaphore(%arg8 : memref<!tpu.dma_semaphore, #tpu.memory_space<semaphore_mem>>)
    %dma_start3A_32 = arith.constant 3 : i32
    %dma_start3A_33 = arith.constant 3 : i32
    %dma_start3A_34 = arith.constant 0 : i32
    %dma_start3A_35 = tpu.memref_slice %arg6[%dma_start3A_33, %dma_start3A_34] : memref<50x128xf32, #tpu.memory_space<vmem>> -> memref<1x128xf32, #tpu.memory_space<vmem>>
    %dma_start3A_36 = tpu.memref_squeeze %dma_start3A_35 : memref<1x128xf32, #tpu.memory_space<vmem>> -> memref<128xf32, #tpu.memory_space<vmem>>
    %dma_start3A_37 = arith.constant 0 : i32
    %dma_start3A_38 = tpu.memref_slice %arg3[%dma_start3A_32, %dma_start3A_37] : memref<50x100000xf32, #tpu.memory_space<hbm>> -> memref<1x100000xf32, #tpu.memory_space<hbm>>
    %dma_start3A_39 = tpu.memref_squeeze %dma_start3A_38 : memref<1x100000xf32, #tpu.memory_space<hbm>> -> memref<100000xf32, #tpu.memory_space<hbm>>
    %dma_start3A_40 = arith.constant 0 : i32
    %dma_start3A_41 = tpu.memref_slice %dma_start3A_39[%dma_start3A_40] : memref<100000xf32, #tpu.memory_space<hbm>> -> memref<100000xf32, #tpu.memory_space<hbm>>
    tpu.enqueue_indirect_dma source(%dma_start3A_41 : memref<100000xf32, #tpu.memory_space<hbm>>) target(%dma_start3A_36 : memref<128xf32, #tpu.memory_space<vmem>>) offsets(%arg5 : memref<128xi32, #tpu.memory_space<vmem>>) semaphore(%arg8 : memref<!tpu.dma_semaphore, #tpu.memory_space<semaphore_mem>>)
    %dma_start3A_42 = arith.constant 4 : i32
    %dma_start3A_43 = arith.constant 4 : i32
    %dma_start3A_44 = arith.constant 0 : i32
    %dma_start3A_45 = tpu.memref_slice %arg6[%dma_start3A_43, %dma_start3A_44] : memref<50x128xf32, #tpu.memory_space<vmem>> -> memref<1x128xf32, #tpu.memory_space<vmem>>
    %dma_start3A_46 = tpu.memref_squeeze %dma_start3A_45 : memref<1x128xf32, #tpu.memory_space<vmem>> -> memref<128xf32, #tpu.memory_space<vmem>>
    %dma_start3A_47 = arith.constant 0 : i32
    %dma_start3A_48 = tpu.memref_slice %arg3[%dma_start3A_42, %dma_start3A_47] : memref<50x100000xf32, #tpu.memory_space<hbm>> -> memref<1x100000xf32, #tpu.memory_space<hbm>>
    %dma_start3A_49 = tpu.memref_squeeze %dma_start3A_48 : memref<1x100000xf32, #tpu.memory_space<hbm>> -> memref<100000xf32, #tpu.memory_space<hbm>>
    %dma_start3A_50 = arith.constant 0 : i32
    %dma_start3A_51 = tpu.memref_slice %dma_start3A_49[%dma_start3A_50] : memref<100000xf32, #tpu.memory_space<hbm>> -> memref<100000xf32, #tpu.memory_space<hbm>>
    tpu.enqueue_indirect_dma source(%dma_start3A_51 : memref<100000xf32, #tpu.memory_space<hbm>>) target(%dma_start3A_46 : memref<128xf32, #tpu.memory_space<vmem>>) offsets(%arg5 : memref<128xi32, #tpu.memory_space<vmem>>) semaphore(%arg8 : memref<!tpu.dma_semaphore, #tpu.memory_space<semaphore_mem>>)
    %dma_start3A_52 = arith.constant 5 : i32
    %dma_start3A_53 = arith.constant 5 : i32
    %dma_start3A_54 = arith.constant 0 : i32
    %dma_start3A_55 = tpu.memref_slice %arg6[%dma_start3A_53, %dma_start3A_54] : memref<50x128xf32, #tpu.memory_space<vmem>> -> memref<1x128xf32, #tpu.memory_space<vmem>>
    %dma_start3A_56 = tpu.memref_squeeze %dma_start3A_55 : memref<1x128xf32, #tpu.memory_space<vmem>> -> memref<128xf32, #tpu.memory_space<vmem>>
    %dma_start3A_57 = arith.constant 0 : i32
    %dma_start3A_58 = tpu.memref_slice %arg3[%dma_start3A_52, %dma_start3A_57] : memref<50x100000xf32, #tpu.memory_space<hbm>> -> memref<1x100000xf32, #tpu.memory_space<hbm>>
    %dma_start3A_59 = tpu.memref_squeeze %dma_start3A_58 : memref<1x100000xf32, #tpu.memory_space<hbm>> -> memref<100000xf32, #tpu.memory_space<hbm>>
    %dma_start3A_60 = arith.constant 0 : i32
    %dma_start3A_61 = tpu.memref_slice %dma_start3A_59[%dma_start3A_60] : memref<100000xf32, #tpu.memory_space<hbm>> -> memref<100000xf32, #tpu.memory_space<hbm>>
    tpu.enqueue_indirect_dma source(%dma_start3A_61 : memref<100000xf32, #tpu.memory_space<hbm>>) target(%dma_start3A_56 : memref<128xf32, #tpu.memory_space<vmem>>) offsets(%arg5 : memref<128xi32, #tpu.memory_space<vmem>>) semaphore(%arg8 : memref<!tpu.dma_semaphore, #tpu.memory_space<semaphore_mem>>)
    %dma_start3A_62 = arith.constant 6 : i32
    %dma_start3A_63 = arith.constant 6 : i32
    %dma_start3A_64 = arith.constant 0 : i32
    %dma_start3A_65 = tpu.memref_slice %arg6[%dma_start3A_63, %dma_start3A_64] : memref<50x128xf32, #tpu.memory_space<vmem>> -> memref<1x128xf32, #tpu.memory_space<vmem>>
    %dma_start3A_66 = tpu.memref_squeeze %dma_start3A_65 : memref<1x128xf32, #tpu.memory_space<vmem>> -> memref<128xf32, #tpu.memory_space<vmem>>
    %dma_start3A_67 = arith.constant 0 : i32
    %dma_start3A_68 = tpu.memref_slice %arg3[%dma_start3A_62, %dma_start3A_67] : memref<50x100000xf32, #tpu.memory_space<hbm>> -> memref<1x100000xf32, #tpu.memory_space<hbm>>
    %dma_start3A_69 = tpu.memref_squeeze %dma_start3A_68 : memref<1x100000xf32, #tpu.memory_space<hbm>> -> memref<100000xf32, #tpu.memory_space<hbm>>
    %dma_start3A_70 = arith.constant 0 : i32
    %dma_start3A_71 = tpu.memref_slice %dma_start3A_69[%dma_start3A_70] : memref<100000xf32, #tpu.memory_space<hbm>> -> memref<100000xf32, #tpu.memory_space<hbm>>
    tpu.enqueue_indirect_dma source(%dma_start3A_71 : memref<100000xf32, #tpu.memory_space<hbm>>) target(%dma_start3A_66 : memref<128xf32, #tpu.memory_space<vmem>>) offsets(%arg5 : memref<128xi32, #tpu.memory_space<vmem>>) semaphore(%arg8 : memref<!tpu.dma_semaphore, #tpu.memory_space<semaphore_mem>>)
    %dma_start3A_72 = arith.constant 7 : i32
    %dma_start3A_73 = arith.constant 7 : i32
    %dma_start3A_74 = arith.constant 0 : i32
    %dma_start3A_75 = tpu.memref_slice %arg6[%dma_start3A_73, %dma_start3A_74] : memref<50x128xf32, #tpu.memory_space<vmem>> -> memref<1x128xf32, #tpu.memory_space<vmem>>
    %dma_start3A_76 = tpu.memref_squeeze %dma_start3A_75 : memref<1x128xf32, #tpu.memory_space<vmem>> -> memref<128xf32, #tpu.memory_space<vmem>>
    %dma_start3A_77 = arith.constant 0 : i32
    %dma_start3A_78 = tpu.memref_slice %arg3[%dma_start3A_72, %dma_start3A_77] : memref<50x100000xf32, #tpu.memory_space<hbm>> -> memref<1x100000xf32, #tpu.memory_space<hbm>>
    %dma_start3A_79 = tpu.memref_squeeze %dma_start3A_78 : memref<1x100000xf32, #tpu.memory_space<hbm>> -> memref<100000xf32, #tpu.memory_space<hbm>>
    %dma_start3A_80 = arith.constant 0 : i32
    %dma_start3A_81 = tpu.memref_slice %dma_start3A_79[%dma_start3A_80] : memref<100000xf32, #tpu.memory_space<hbm>> -> memref<100000xf32, #tpu.memory_space<hbm>>
    tpu.enqueue_indirect_dma source(%dma_start3A_81 : memref<100000xf32, #tpu.memory_space<hbm>>) target(%dma_start3A_76 : memref<128xf32, #tpu.memory_space<vmem>>) offsets(%arg5 : memref<128xi32, #tpu.memory_space<vmem>>) semaphore(%arg8 : memref<!tpu.dma_semaphore, #tpu.memory_space<semaphore_mem>>)
    %dma_start3A_82 = arith.constant 8 : i32
    %dma_start3A_83 = arith.constant 8 : i32
    %dma_start3A_84 = arith.constant 0 : i32
    %dma_start3A_85 = tpu.memref_slice %arg6[%dma_start3A_83, %dma_start3A_84] : memref<50x128xf32, #tpu.memory_space<vmem>> -> memref<1x128xf32, #tpu.memory_space<vmem>>
    %dma_start3A_86 = tpu.memref_squeeze %dma_start3A_85 : memref<1x128xf32, #tpu.memory_space<vmem>> -> memref<128xf32, #tpu.memory_space<vmem>>
    %dma_start3A_87 = arith.constant 0 : i32
    %dma_start3A_88 = tpu.memref_slice %arg3[%dma_start3A_82, %dma_start3A_87] : memref<50x100000xf32, #tpu.memory_space<hbm>> -> memref<1x100000xf32, #tpu.memory_space<hbm>>
    %dma_start3A_89 = tpu.memref_squeeze %dma_start3A_88 : memref<1x100000xf32, #tpu.memory_space<hbm>> -> memref<100000xf32, #tpu.memory_space<hbm>>
    %dma_start3A_90 = arith.constant 0 : i32
    %dma_start3A_91 = tpu.memref_slice %dma_start3A_89[%dma_start3A_90] : memref<100000xf32, #tpu.memory_space<hbm>> -> memref<100000xf32, #tpu.memory_space<hbm>>
    tpu.enqueue_indirect_dma source(%dma_start3A_91 : memref<100000xf32, #tpu.memory_space<hbm>>) target(%dma_start3A_86 : memref<128xf32, #tpu.memory_space<vmem>>) offsets(%arg5 : memref<128xi32, #tpu.memory_space<vmem>>) semaphore(%arg8 : memref<!tpu.dma_semaphore, #tpu.memory_space<semaphore_mem>>)
    %dma_start3A_92 = arith.constant 9 : i32
    %dma_start3A_93 = arith.constant 9 : i32
    %dma_start3A_94 = arith.constant 0 : i32
    %dma_start3A_95 = tpu.memref_slice %arg6[%dma_start3A_93, %dma_start3A_94] : memref<50x128xf32, #tpu.memory_space<vmem>> -> memref<1x128xf32, #tpu.memory_space<vmem>>
    %dma_start3A_96 = tpu.memref_squeeze %dma_start3A_95 : memref<1x128xf32, #tpu.memory_space<vmem>> -> memref<128xf32, #tpu.memory_space<vmem>>
    %dma_start3A_97 = arith.constant 0 : i32
    %dma_start3A_98 = tpu.memref_slice %arg3[%dma_start3A_92, %dma_start3A_97] : memref<50x100000xf32, #tpu.memory_space<hbm>> -> memref<1x100000xf32, #tpu.memory_space<hbm>>
    %dma_start3A_99 = tpu.memref_squeeze %dma_start3A_98 : memref<1x100000xf32, #tpu.memory_space<hbm>> -> memref<100000xf32, #tpu.memory_space<hbm>>
    %dma_start3A_100 = arith.constant 0 : i32
    %dma_start3A_101 = tpu.memref_slice %dma_start3A_99[%dma_start3A_100] : memref<100000xf32, #tpu.memory_space<hbm>> -> memref<100000xf32, #tpu.memory_space<hbm>>
    tpu.enqueue_indirect_dma source(%dma_start3A_101 : memref<100000xf32, #tpu.memory_space<hbm>>) target(%dma_start3A_96 : memref<128xf32, #tpu.memory_space<vmem>>) offsets(%arg5 : memref<128xi32, #tpu.memory_space<vmem>>) semaphore(%arg8 : memref<!tpu.dma_semaphore, #tpu.memory_space<semaphore_mem>>)
    %dma_start3A_102 = arith.constant 10 : i32
    %dma_start3A_103 = arith.constant 10 : i32
    %dma_start3A_104 = arith.constant 0 : i32
    %dma_start3A_105 = tpu.memref_slice %arg6[%dma_start3A_103, %dma_start3A_104] : memref<50x128xf32, #tpu.memory_space<vmem>> -> memref<1x128xf32, #tpu.memory_space<vmem>>
    %dma_start3A_106 = tpu.memref_squeeze %dma_start3A_105 : memref<1x128xf32, #tpu.memory_space<vmem>> -> memref<128xf32, #tpu.memory_space<vmem>>
    %dma_start3A_107 = arith.constant 0 : i32
    %dma_start3A_108 = tpu.memref_slice %arg3[%dma_start3A_102, %dma_start3A_107] : memref<50x100000xf32, #tpu.memory_space<hbm>> -> memref<1x100000xf32, #tpu.memory_space<hbm>>
    %dma_start3A_109 = tpu.memref_squeeze %dma_start3A_108 : memref<1x100000xf32, #tpu.memory_space<hbm>> -> memref<100000xf32, #tpu.memory_space<hbm>>
    %dma_start3A_110 = arith.constant 0 : i32
    %dma_start3A_111 = tpu.memref_slice %dma_start3A_109[%dma_start3A_110] : memref<100000xf32, #tpu.memory_space<hbm>> -> memref<100000xf32, #tpu.memory_space<hbm>>
    tpu.enqueue_indirect_dma source(%dma_start3A_111 : memref<100000xf32, #tpu.memory_space<hbm>>) target(%dma_start3A_106 : memref<128xf32, #tpu.memory_space<vmem>>) offsets(%arg5 : memref<128xi32, #tpu.memory_space<vmem>>) semaphore(%arg8 : memref<!tpu.dma_semaphore, #tpu.memory_space<semaphore_mem>>)
    %dma_start3A_112 = arith.constant 11 : i32
    %dma_start3A_113 = arith.constant 11 : i32
    %dma_start3A_114 = arith.constant 0 : i32
    %dma_start3A_115 = tpu.memref_slice %arg6[%dma_start3A_113, %dma_start3A_114] : memref<50x128xf32, #tpu.memory_space<vmem>> -> memref<1x128xf32, #tpu.memory_space<vmem>>
    %dma_start3A_116 = tpu.memref_squeeze %dma_start3A_115 : memref<1x128xf32, #tpu.memory_space<vmem>> -> memref<128xf32, #tpu.memory_space<vmem>>
    %dma_start3A_117 = arith.constant 0 : i32
    %dma_start3A_118 = tpu.memref_slice %arg3[%dma_start3A_112, %dma_start3A_117] : memref<50x100000xf32, #tpu.memory_space<hbm>> -> memref<1x100000xf32, #tpu.memory_space<hbm>>
    %dma_start3A_119 = tpu.memref_squeeze %dma_start3A_118 : memref<1x100000xf32, #tpu.memory_space<hbm>> -> memref<100000xf32, #tpu.memory_space<hbm>>
    %dma_start3A_120 = arith.constant 0 : i32
    %dma_start3A_121 = tpu.memref_slice %dma_start3A_119[%dma_start3A_120] : memref<100000xf32, #tpu.memory_space<hbm>> -> memref<100000xf32, #tpu.memory_space<hbm>>
    tpu.enqueue_indirect_dma source(%dma_start3A_121 : memref<100000xf32, #tpu.memory_space<hbm>>) target(%dma_start3A_116 : memref<128xf32, #tpu.memory_space<vmem>>) offsets(%arg5 : memref<128xi32, #tpu.memory_space<vmem>>) semaphore(%arg8 : memref<!tpu.dma_semaphore, #tpu.memory_space<semaphore_mem>>)
    %dma_start3A_122 = arith.constant 12 : i32
    %dma_start3A_123 = arith.constant 12 : i32
    %dma_start3A_124 = arith.constant 0 : i32
    %dma_start3A_125 = tpu.memref_slice %arg6[%dma_start3A_123, %dma_start3A_124] : memref<50x128xf32, #tpu.memory_space<vmem>> -> memref<1x128xf32, #tpu.memory_space<vmem>>
    %dma_start3A_126 = tpu.memref_squeeze %dma_start3A_125 : memref<1x128xf32, #tpu.memory_space<vmem>> -> memref<128xf32, #tpu.memory_space<vmem>>
    %dma_start3A_127 = arith.constant 0 : i32
    %dma_start3A_128 = tpu.memref_slice %arg3[%dma_start3A_122, %dma_start3A_127] : memref<50x100000xf32, #tpu.memory_space<hbm>> -> memref<1x100000xf32, #tpu.memory_space<hbm>>
    %dma_start3A_129 = tpu.memref_squeeze %dma_start3A_128 : memref<1x100000xf32, #tpu.memory_space<hbm>> -> memref<100000xf32, #tpu.memory_space<hbm>>
    %dma_start3A_130 = arith.constant 0 : i32
    %dma_start3A_131 = tpu.memref_slice %dma_start3A_129[%dma_start3A_130] : memref<100000xf32, #tpu.memory_space<hbm>> -> memref<100000xf32, #tpu.memory_space<hbm>>
    tpu.enqueue_indirect_dma source(%dma_start3A_131 : memref<100000xf32, #tpu.memory_space<hbm>>) target(%dma_start3A_126 : memref<128xf32, #tpu.memory_space<vmem>>) offsets(%arg5 : memref<128xi32, #tpu.memory_space<vmem>>) semaphore(%arg8 : memref<!tpu.dma_semaphore, #tpu.memory_space<semaphore_mem>>)
    %dma_start3A_132 = arith.constant 13 : i32
    %dma_start3A_133 = arith.constant 13 : i32
    %dma_start3A_134 = arith.constant 0 : i32
    %dma_start3A_135 = tpu.memref_slice %arg6[%dma_start3A_133, %dma_start3A_134] : memref<50x128xf32, #tpu.memory_space<vmem>> -> memref<1x128xf32, #tpu.memory_space<vmem>>
    %dma_start3A_136 = tpu.memref_squeeze %dma_start3A_135 : memref<1x128xf32, #tpu.memory_space<vmem>> -> memref<128xf32, #tpu.memory_space<vmem>>
    %dma_start3A_137 = arith.constant 0 : i32
    %dma_start3A_138 = tpu.memref_slice %arg3[%dma_start3A_132, %dma_start3A_137] : memref<50x100000xf32, #tpu.memory_space<hbm>> -> memref<1x100000xf32, #tpu.memory_space<hbm>>
    %dma_start3A_139 = tpu.memref_squeeze %dma_start3A_138 : memref<1x100000xf32, #tpu.memory_space<hbm>> -> memref<100000xf32, #tpu.memory_space<hbm>>
    %dma_start3A_140 = arith.constant 0 : i32
    %dma_start3A_141 = tpu.memref_slice %dma_start3A_139[%dma_start3A_140] : memref<100000xf32, #tpu.memory_space<hbm>> -> memref<100000xf32, #tpu.memory_space<hbm>>
    tpu.enqueue_indirect_dma source(%dma_start3A_141 : memref<100000xf32, #tpu.memory_space<hbm>>) target(%dma_start3A_136 : memref<128xf32, #tpu.memory_space<vmem>>) offsets(%arg5 : memref<128xi32, #tpu.memory_space<vmem>>) semaphore(%arg8 : memref<!tpu.dma_semaphore, #tpu.memory_space<semaphore_mem>>)
    %dma_start3A_142 = arith.constant 14 : i32
    %dma_start3A_143 = arith.constant 14 : i32
    %dma_start3A_144 = arith.constant 0 : i32
    %dma_start3A_145 = tpu.memref_slice %arg6[%dma_start3A_143, %dma_start3A_144] : memref<50x128xf32, #tpu.memory_space<vmem>> -> memref<1x128xf32, #tpu.memory_space<vmem>>
    %dma_start3A_146 = tpu.memref_squeeze %dma_start3A_145 : memref<1x128xf32, #tpu.memory_space<vmem>> -> memref<128xf32, #tpu.memory_space<vmem>>
    %dma_start3A_147 = arith.constant 0 : i32
    %dma_start3A_148 = tpu.memref_slice %arg3[%dma_start3A_142, %dma_start3A_147] : memref<50x100000xf32, #tpu.memory_space<hbm>> -> memref<1x100000xf32, #tpu.memory_space<hbm>>
    %dma_start3A_149 = tpu.memref_squeeze %dma_start3A_148 : memref<1x100000xf32, #tpu.memory_space<hbm>> -> memref<100000xf32, #tpu.memory_space<hbm>>
    %dma_start3A_150 = arith.constant 0 : i32
    %dma_start3A_151 = tpu.memref_slice %dma_start3A_149[%dma_start3A_150] : memref<100000xf32, #tpu.memory_space<hbm>> -> memref<100000xf32, #tpu.memory_space<hbm>>
    tpu.enqueue_indirect_dma source(%dma_start3A_151 : memref<100000xf32, #tpu.memory_space<hbm>>) target(%dma_start3A_146 : memref<128xf32, #tpu.memory_space<vmem>>) offsets(%arg5 : memref<128xi32, #tpu.memory_space<vmem>>) semaphore(%arg8 : memref<!tpu.dma_semaphore, #tpu.memory_space<semaphore_mem>>)
    %dma_start3A_152 = arith.constant 15 : i32
    %dma_start3A_153 = arith.constant 15 : i32
    %dma_start3A_154 = arith.constant 0 : i32
    %dma_start3A_155 = tpu.memref_slice %arg6[%dma_start3A_153, %dma_start3A_154] : memref<50x128xf32, #tpu.memory_space<vmem>> -> memref<1x128xf32, #tpu.memory_space<vmem>>
    %dma_start3A_156 = tpu.memref_squeeze %dma_start3A_155 : memref<1x128xf32, #tpu.memory_space<vmem>> -> memref<128xf32, #tpu.memory_space<vmem>>
    %dma_start3A_157 = arith.constant 0 : i32
    %dma_start3A_158 = tpu.memref_slice %arg3[%dma_start3A_152, %dma_start3A_157] : memref<50x100000xf32, #tpu.memory_space<hbm>> -> memref<1x100000xf32, #tpu.memory_space<hbm>>
    %dma_start3A_159 = tpu.memref_squeeze %dma_start3A_158 : memref<1x100000xf32, #tpu.memory_space<hbm>> -> memref<100000xf32, #tpu.memory_space<hbm>>
    %dma_start3A_160 = arith.constant 0 : i32
    %dma_start3A_161 = tpu.memref_slice %dma_start3A_159[%dma_start3A_160] : memref<100000xf32, #tpu.memory_space<hbm>> -> memref<100000xf32, #tpu.memory_space<hbm>>
    tpu.enqueue_indirect_dma source(%dma_start3A_161 : memref<100000xf32, #tpu.memory_space<hbm>>) target(%dma_start3A_156 : memref<128xf32, #tpu.memory_space<vmem>>) offsets(%arg5 : memref<128xi32, #tpu.memory_space<vmem>>) semaphore(%arg8 : memref<!tpu.dma_semaphore, #tpu.memory_space<semaphore_mem>>)
    %dma_start3A_162 = arith.constant 16 : i32
    %dma_start3A_163 = arith.constant 16 : i32
    %dma_start3A_164 = arith.constant 0 : i32
    %dma_start3A_165 = tpu.memref_slice %arg6[%dma_start3A_163, %dma_start3A_164] : memref<50x128xf32, #tpu.memory_space<vmem>> -> memref<1x128xf32, #tpu.memory_space<vmem>>
    %dma_start3A_166 = tpu.memref_squeeze %dma_start3A_165 : memref<1x128xf32, #tpu.memory_space<vmem>> -> memref<128xf32, #tpu.memory_space<vmem>>
    %dma_start3A_167 = arith.constant 0 : i32
    %dma_start3A_168 = tpu.memref_slice %arg3[%dma_start3A_162, %dma_start3A_167] : memref<50x100000xf32, #tpu.memory_space<hbm>> -> memref<1x100000xf32, #tpu.memory_space<hbm>>
    %dma_start3A_169 = tpu.memref_squeeze %dma_start3A_168 : memref<1x100000xf32, #tpu.memory_space<hbm>> -> memref<100000xf32, #tpu.memory_space<hbm>>
    %dma_start3A_170 = arith.constant 0 : i32
    %dma_start3A_171 = tpu.memref_slice %dma_start3A_169[%dma_start3A_170] : memref<100000xf32, #tpu.memory_space<hbm>> -> memref<100000xf32, #tpu.memory_space<hbm>>
    tpu.enqueue_indirect_dma source(%dma_start3A_171 : memref<100000xf32, #tpu.memory_space<hbm>>) target(%dma_start3A_166 : memref<128xf32, #tpu.memory_space<vmem>>) offsets(%arg5 : memref<128xi32, #tpu.memory_space<vmem>>) semaphore(%arg8 : memref<!tpu.dma_semaphore, #tpu.memory_space<semaphore_mem>>)
    %dma_start3A_172 = arith.constant 17 : i32
    %dma_start3A_173 = arith.constant 17 : i32
    %dma_start3A_174 = arith.constant 0 : i32
    %dma_start3A_175 = tpu.memref_slice %arg6[%dma_start3A_173, %dma_start3A_174] : memref<50x128xf32, #tpu.memory_space<vmem>> -> memref<1x128xf32, #tpu.memory_space<vmem>>
    %dma_start3A_176 = tpu.memref_squeeze %dma_start3A_175 : memref<1x128xf32, #tpu.memory_space<vmem>> -> memref<128xf32, #tpu.memory_space<vmem>>
    %dma_start3A_177 = arith.constant 0 : i32
    %dma_start3A_178 = tpu.memref_slice %arg3[%dma_start3A_172, %dma_start3A_177] : memref<50x100000xf32, #tpu.memory_space<hbm>> -> memref<1x100000xf32, #tpu.memory_space<hbm>>
    %dma_start3A_179 = tpu.memref_squeeze %dma_start3A_178 : memref<1x100000xf32, #tpu.memory_space<hbm>> -> memref<100000xf32, #tpu.memory_space<hbm>>
    %dma_start3A_180 = arith.constant 0 : i32
    %dma_start3A_181 = tpu.memref_slice %dma_start3A_179[%dma_start3A_180] : memref<100000xf32, #tpu.memory_space<hbm>> -> memref<100000xf32, #tpu.memory_space<hbm>>
    tpu.enqueue_indirect_dma source(%dma_start3A_181 : memref<100000xf32, #tpu.memory_space<hbm>>) target(%dma_start3A_176 : memref<128xf32, #tpu.memory_space<vmem>>) offsets(%arg5 : memref<128xi32, #tpu.memory_space<vmem>>) semaphore(%arg8 : memref<!tpu.dma_semaphore, #tpu.memory_space<semaphore_mem>>)
    %dma_start3A_182 = arith.constant 18 : i32
    %dma_start3A_183 = arith.constant 18 : i32
    %dma_start3A_184 = arith.constant 0 : i32
    %dma_start3A_185 = tpu.memref_slice %arg6[%dma_start3A_183, %dma_start3A_184] : memref<50x128xf32, #tpu.memory_space<vmem>> -> memref<1x128xf32, #tpu.memory_space<vmem>>
    %dma_start3A_186 = tpu.memref_squeeze %dma_start3A_185 : memref<1x128xf32, #tpu.memory_space<vmem>> -> memref<128xf32, #tpu.memory_space<vmem>>
    %dma_start3A_187 = arith.constant 0 : i32
    %dma_start3A_188 = tpu.memref_slice %arg3[%dma_start3A_182, %dma_start3A_187] : memref<50x100000xf32, #tpu.memory_space<hbm>> -> memref<1x100000xf32, #tpu.memory_space<hbm>>
    %dma_start3A_189 = tpu.memref_squeeze %dma_start3A_188 : memref<1x100000xf32, #tpu.memory_space<hbm>> -> memref<100000xf32, #tpu.memory_space<hbm>>
    %dma_start3A_190 = arith.constant 0 : i32
    %dma_start3A_191 = tpu.memref_slice %dma_start3A_189[%dma_start3A_190] : memref<100000xf32, #tpu.memory_space<hbm>> -> memref<100000xf32, #tpu.memory_space<hbm>>
    tpu.enqueue_indirect_dma source(%dma_start3A_191 : memref<100000xf32, #tpu.memory_space<hbm>>) target(%dma_start3A_186 : memref<128xf32, #tpu.memory_space<vmem>>) offsets(%arg5 : memref<128xi32, #tpu.memory_space<vmem>>) semaphore(%arg8 : memref<!tpu.dma_semaphore, #tpu.memory_space<semaphore_mem>>)
    %dma_start3A_192 = arith.constant 19 : i32
    %dma_start3A_193 = arith.constant 19 : i32
    %dma_start3A_194 = arith.constant 0 : i32
    %dma_start3A_195 = tpu.memref_slice %arg6[%dma_start3A_193, %dma_start3A_194] : memref<50x128xf32, #tpu.memory_space<vmem>> -> memref<1x128xf32, #tpu.memory_space<vmem>>
    %dma_start3A_196 = tpu.memref_squeeze %dma_start3A_195 : memref<1x128xf32, #tpu.memory_space<vmem>> -> memref<128xf32, #tpu.memory_space<vmem>>
    %dma_start3A_197 = arith.constant 0 : i32
    %dma_start3A_198 = tpu.memref_slice %arg3[%dma_start3A_192, %dma_start3A_197] : memref<50x100000xf32, #tpu.memory_space<hbm>> -> memref<1x100000xf32, #tpu.memory_space<hbm>>
    %dma_start3A_199 = tpu.memref_squeeze %dma_start3A_198 : memref<1x100000xf32, #tpu.memory_space<hbm>> -> memref<100000xf32, #tpu.memory_space<hbm>>
    %dma_start3A_200 = arith.constant 0 : i32
    %dma_start3A_201 = tpu.memref_slice %dma_start3A_199[%dma_start3A_200] : memref<100000xf32, #tpu.memory_space<hbm>> -> memref<100000xf32, #tpu.memory_space<hbm>>
    tpu.enqueue_indirect_dma source(%dma_start3A_201 : memref<100000xf32, #tpu.memory_space<hbm>>) target(%dma_start3A_196 : memref<128xf32, #tpu.memory_space<vmem>>) offsets(%arg5 : memref<128xi32, #tpu.memory_space<vmem>>) semaphore(%arg8 : memref<!tpu.dma_semaphore, #tpu.memory_space<semaphore_mem>>)
    %dma_start3A_202 = arith.constant 20 : i32
    %dma_start3A_203 = arith.constant 20 : i32
    %dma_start3A_204 = arith.constant 0 : i32
    %dma_start3A_205 = tpu.memref_slice %arg6[%dma_start3A_203, %dma_start3A_204] : memref<50x128xf32, #tpu.memory_space<vmem>> -> memref<1x128xf32, #tpu.memory_space<vmem>>
    %dma_start3A_206 = tpu.memref_squeeze %dma_start3A_205 : memref<1x128xf32, #tpu.memory_space<vmem>> -> memref<128xf32, #tpu.memory_space<vmem>>
    %dma_start3A_207 = arith.constant 0 : i32
    %dma_start3A_208 = tpu.memref_slice %arg3[%dma_start3A_202, %dma_start3A_207] : memref<50x100000xf32, #tpu.memory_space<hbm>> -> memref<1x100000xf32, #tpu.memory_space<hbm>>
    %dma_start3A_209 = tpu.memref_squeeze %dma_start3A_208 : memref<1x100000xf32, #tpu.memory_space<hbm>> -> memref<100000xf32, #tpu.memory_space<hbm>>
    %dma_start3A_210 = arith.constant 0 : i32
    %dma_start3A_211 = tpu.memref_slice %dma_start3A_209[%dma_start3A_210] : memref<100000xf32, #tpu.memory_space<hbm>> -> memref<100000xf32, #tpu.memory_space<hbm>>
    tpu.enqueue_indirect_dma source(%dma_start3A_211 : memref<100000xf32, #tpu.memory_space<hbm>>) target(%dma_start3A_206 : memref<128xf32, #tpu.memory_space<vmem>>) offsets(%arg5 : memref<128xi32, #tpu.memory_space<vmem>>) semaphore(%arg8 : memref<!tpu.dma_semaphore, #tpu.memory_space<semaphore_mem>>)
    %dma_start3A_212 = arith.constant 21 : i32
    %dma_start3A_213 = arith.constant 21 : i32
    %dma_start3A_214 = arith.constant 0 : i32
    %dma_start3A_215 = tpu.memref_slice %arg6[%dma_start3A_213, %dma_start3A_214] : memref<50x128xf32, #tpu.memory_space<vmem>> -> memref<1x128xf32, #tpu.memory_space<vmem>>
    %dma_start3A_216 = tpu.memref_squeeze %dma_start3A_215 : memref<1x128xf32, #tpu.memory_space<vmem>> -> memref<128xf32, #tpu.memory_space<vmem>>
    %dma_start3A_217 = arith.constant 0 : i32
    %dma_start3A_218 = tpu.memref_slice %arg3[%dma_start3A_212, %dma_start3A_217] : memref<50x100000xf32, #tpu.memory_space<hbm>> -> memref<1x100000xf32, #tpu.memory_space<hbm>>
    %dma_start3A_219 = tpu.memref_squeeze %dma_start3A_218 : memref<1x100000xf32, #tpu.memory_space<hbm>> -> memref<100000xf32, #tpu.memory_space<hbm>>
    %dma_start3A_220 = arith.constant 0 : i32
    %dma_start3A_221 = tpu.memref_slice %dma_start3A_219[%dma_start3A_220] : memref<100000xf32, #tpu.memory_space<hbm>> -> memref<100000xf32, #tpu.memory_space<hbm>>
    tpu.enqueue_indirect_dma source(%dma_start3A_221 : memref<100000xf32, #tpu.memory_space<hbm>>) target(%dma_start3A_216 : memref<128xf32, #tpu.memory_space<vmem>>) offsets(%arg5 : memref<128xi32, #tpu.memory_space<vmem>>) semaphore(%arg8 : memref<!tpu.dma_semaphore, #tpu.memory_space<semaphore_mem>>)
    %dma_start3A_222 = arith.constant 22 : i32
    %dma_start3A_223 = arith.constant 22 : i32
    %dma_start3A_224 = arith.constant 0 : i32
    %dma_start3A_225 = tpu.memref_slice %arg6[%dma_start3A_223, %dma_start3A_224] : memref<50x128xf32, #tpu.memory_space<vmem>> -> memref<1x128xf32, #tpu.memory_space<vmem>>
    %dma_start3A_226 = tpu.memref_squeeze %dma_start3A_225 : memref<1x128xf32, #tpu.memory_space<vmem>> -> memref<128xf32, #tpu.memory_space<vmem>>
    %dma_start3A_227 = arith.constant 0 : i32
    %dma_start3A_228 = tpu.memref_slice %arg3[%dma_start3A_222, %dma_start3A_227] : memref<50x100000xf32, #tpu.memory_space<hbm>> -> memref<1x100000xf32, #tpu.memory_space<hbm>>
    %dma_start3A_229 = tpu.memref_squeeze %dma_start3A_228 : memref<1x100000xf32, #tpu.memory_space<hbm>> -> memref<100000xf32, #tpu.memory_space<hbm>>
    %dma_start3A_230 = arith.constant 0 : i32
    %dma_start3A_231 = tpu.memref_slice %dma_start3A_229[%dma_start3A_230] : memref<100000xf32, #tpu.memory_space<hbm>> -> memref<100000xf32, #tpu.memory_space<hbm>>
    tpu.enqueue_indirect_dma source(%dma_start3A_231 : memref<100000xf32, #tpu.memory_space<hbm>>) target(%dma_start3A_226 : memref<128xf32, #tpu.memory_space<vmem>>) offsets(%arg5 : memref<128xi32, #tpu.memory_space<vmem>>) semaphore(%arg8 : memref<!tpu.dma_semaphore, #tpu.memory_space<semaphore_mem>>)
    %dma_start3A_232 = arith.constant 23 : i32
    %dma_start3A_233 = arith.constant 23 : i32
    %dma_start3A_234 = arith.constant 0 : i32
    %dma_start3A_235 = tpu.memref_slice %arg6[%dma_start3A_233, %dma_start3A_234] : memref<50x128xf32, #tpu.memory_space<vmem>> -> memref<1x128xf32, #tpu.memory_space<vmem>>
    %dma_start3A_236 = tpu.memref_squeeze %dma_start3A_235 : memref<1x128xf32, #tpu.memory_space<vmem>> -> memref<128xf32, #tpu.memory_space<vmem>>
    %dma_start3A_237 = arith.constant 0 : i32
    %dma_start3A_238 = tpu.memref_slice %arg3[%dma_start3A_232, %dma_start3A_237] : memref<50x100000xf32, #tpu.memory_space<hbm>> -> memref<1x100000xf32, #tpu.memory_space<hbm>>
    %dma_start3A_239 = tpu.memref_squeeze %dma_start3A_238 : memref<1x100000xf32, #tpu.memory_space<hbm>> -> memref<100000xf32, #tpu.memory_space<hbm>>
    %dma_start3A_240 = arith.constant 0 : i32
    %dma_start3A_241 = tpu.memref_slice %dma_start3A_239[%dma_start3A_240] : memref<100000xf32, #tpu.memory_space<hbm>> -> memref<100000xf32, #tpu.memory_space<hbm>>
    tpu.enqueue_indirect_dma source(%dma_start3A_241 : memref<100000xf32, #tpu.memory_space<hbm>>) target(%dma_start3A_236 : memref<128xf32, #tpu.memory_space<vmem>>) offsets(%arg5 : memref<128xi32, #tpu.memory_space<vmem>>) semaphore(%arg8 : memref<!tpu.dma_semaphore, #tpu.memory_space<semaphore_mem>>)
    %dma_start3A_242 = arith.constant 24 : i32
    %dma_start3A_243 = arith.constant 24 : i32
    %dma_start3A_244 = arith.constant 0 : i32
    %dma_start3A_245 = tpu.memref_slice %arg6[%dma_start3A_243, %dma_start3A_244] : memref<50x128xf32, #tpu.memory_space<vmem>> -> memref<1x128xf32, #tpu.memory_space<vmem>>
    %dma_start3A_246 = tpu.memref_squeeze %dma_start3A_245 : memref<1x128xf32, #tpu.memory_space<vmem>> -> memref<128xf32, #tpu.memory_space<vmem>>
    %dma_start3A_247 = arith.constant 0 : i32
    %dma_start3A_248 = tpu.memref_slice %arg3[%dma_start3A_242, %dma_start3A_247] : memref<50x100000xf32, #tpu.memory_space<hbm>> -> memref<1x100000xf32, #tpu.memory_space<hbm>>
    %dma_start3A_249 = tpu.memref_squeeze %dma_start3A_248 : memref<1x100000xf32, #tpu.memory_space<hbm>> -> memref<100000xf32, #tpu.memory_space<hbm>>
    %dma_start3A_250 = arith.constant 0 : i32
    %dma_start3A_251 = tpu.memref_slice %dma_start3A_249[%dma_start3A_250] : memref<100000xf32, #tpu.memory_space<hbm>> -> memref<100000xf32, #tpu.memory_space<hbm>>
    tpu.enqueue_indirect_dma source(%dma_start3A_251 : memref<100000xf32, #tpu.memory_space<hbm>>) target(%dma_start3A_246 : memref<128xf32, #tpu.memory_space<vmem>>) offsets(%arg5 : memref<128xi32, #tpu.memory_space<vmem>>) semaphore(%arg8 : memref<!tpu.dma_semaphore, #tpu.memory_space<semaphore_mem>>)
    %dma_start3A_252 = arith.constant 25 : i32
    %dma_start3A_253 = arith.constant 25 : i32
    %dma_start3A_254 = arith.constant 0 : i32
    %dma_start3A_255 = tpu.memref_slice %arg6[%dma_start3A_253, %dma_start3A_254] : memref<50x128xf32, #tpu.memory_space<vmem>> -> memref<1x128xf32, #tpu.memory_space<vmem>>
    %dma_start3A_256 = tpu.memref_squeeze %dma_start3A_255 : memref<1x128xf32, #tpu.memory_space<vmem>> -> memref<128xf32, #tpu.memory_space<vmem>>
    %dma_start3A_257 = arith.constant 0 : i32
    %dma_start3A_258 = tpu.memref_slice %arg3[%dma_start3A_252, %dma_start3A_257] : memref<50x100000xf32, #tpu.memory_space<hbm>> -> memref<1x100000xf32, #tpu.memory_space<hbm>>
    %dma_start3A_259 = tpu.memref_squeeze %dma_start3A_258 : memref<1x100000xf32, #tpu.memory_space<hbm>> -> memref<100000xf32, #tpu.memory_space<hbm>>
    %dma_start3A_260 = arith.constant 0 : i32
    %dma_start3A_261 = tpu.memref_slice %dma_start3A_259[%dma_start3A_260] : memref<100000xf32, #tpu.memory_space<hbm>> -> memref<100000xf32, #tpu.memory_space<hbm>>
    tpu.enqueue_indirect_dma source(%dma_start3A_261 : memref<100000xf32, #tpu.memory_space<hbm>>) target(%dma_start3A_256 : memref<128xf32, #tpu.memory_space<vmem>>) offsets(%arg5 : memref<128xi32, #tpu.memory_space<vmem>>) semaphore(%arg8 : memref<!tpu.dma_semaphore, #tpu.memory_space<semaphore_mem>>)
    %dma_start3A_262 = arith.constant 26 : i32
    %dma_start3A_263 = arith.constant 26 : i32
    %dma_start3A_264 = arith.constant 0 : i32
    %dma_start3A_265 = tpu.memref_slice %arg6[%dma_start3A_263, %dma_start3A_264] : memref<50x128xf32, #tpu.memory_space<vmem>> -> memref<1x128xf32, #tpu.memory_space<vmem>>
    %dma_start3A_266 = tpu.memref_squeeze %dma_start3A_265 : memref<1x128xf32, #tpu.memory_space<vmem>> -> memref<128xf32, #tpu.memory_space<vmem>>
    %dma_start3A_267 = arith.constant 0 : i32
    %dma_start3A_268 = tpu.memref_slice %arg3[%dma_start3A_262, %dma_start3A_267] : memref<50x100000xf32, #tpu.memory_space<hbm>> -> memref<1x100000xf32, #tpu.memory_space<hbm>>
    %dma_start3A_269 = tpu.memref_squeeze %dma_start3A_268 : memref<1x100000xf32, #tpu.memory_space<hbm>> -> memref<100000xf32, #tpu.memory_space<hbm>>
    %dma_start3A_270 = arith.constant 0 : i32
    %dma_start3A_271 = tpu.memref_slice %dma_start3A_269[%dma_start3A_270] : memref<100000xf32, #tpu.memory_space<hbm>> -> memref<100000xf32, #tpu.memory_space<hbm>>
    tpu.enqueue_indirect_dma source(%dma_start3A_271 : memref<100000xf32, #tpu.memory_space<hbm>>) target(%dma_start3A_266 : memref<128xf32, #tpu.memory_space<vmem>>) offsets(%arg5 : memref<128xi32, #tpu.memory_space<vmem>>) semaphore(%arg8 : memref<!tpu.dma_semaphore, #tpu.memory_space<semaphore_mem>>)
    %dma_start3A_272 = arith.constant 27 : i32
    %dma_start3A_273 = arith.constant 27 : i32
    %dma_start3A_274 = arith.constant 0 : i32
    %dma_start3A_275 = tpu.memref_slice %arg6[%dma_start3A_273, %dma_start3A_274] : memref<50x128xf32, #tpu.memory_space<vmem>> -> memref<1x128xf32, #tpu.memory_space<vmem>>
    %dma_start3A_276 = tpu.memref_squeeze %dma_start3A_275 : memref<1x128xf32, #tpu.memory_space<vmem>> -> memref<128xf32, #tpu.memory_space<vmem>>
    %dma_start3A_277 = arith.constant 0 : i32
    %dma_start3A_278 = tpu.memref_slice %arg3[%dma_start3A_272, %dma_start3A_277] : memref<50x100000xf32, #tpu.memory_space<hbm>> -> memref<1x100000xf32, #tpu.memory_space<hbm>>
    %dma_start3A_279 = tpu.memref_squeeze %dma_start3A_278 : memref<1x100000xf32, #tpu.memory_space<hbm>> -> memref<100000xf32, #tpu.memory_space<hbm>>
    %dma_start3A_280 = arith.constant 0 : i32
    %dma_start3A_281 = tpu.memref_slice %dma_start3A_279[%dma_start3A_280] : memref<100000xf32, #tpu.memory_space<hbm>> -> memref<100000xf32, #tpu.memory_space<hbm>>
    tpu.enqueue_indirect_dma source(%dma_start3A_281 : memref<100000xf32, #tpu.memory_space<hbm>>) target(%dma_start3A_276 : memref<128xf32, #tpu.memory_space<vmem>>) offsets(%arg5 : memref<128xi32, #tpu.memory_space<vmem>>) semaphore(%arg8 : memref<!tpu.dma_semaphore, #tpu.memory_space<semaphore_mem>>)
    %dma_start3A_282 = arith.constant 28 : i32
    %dma_start3A_283 = arith.constant 28 : i32
    %dma_start3A_284 = arith.constant 0 : i32
    %dma_start3A_285 = tpu.memref_slice %arg6[%dma_start3A_283, %dma_start3A_284] : memref<50x128xf32, #tpu.memory_space<vmem>> -> memref<1x128xf32, #tpu.memory_space<vmem>>
    %dma_start3A_286 = tpu.memref_squeeze %dma_start3A_285 : memref<1x128xf32, #tpu.memory_space<vmem>> -> memref<128xf32, #tpu.memory_space<vmem>>
    %dma_start3A_287 = arith.constant 0 : i32
    %dma_start3A_288 = tpu.memref_slice %arg3[%dma_start3A_282, %dma_start3A_287] : memref<50x100000xf32, #tpu.memory_space<hbm>> -> memref<1x100000xf32, #tpu.memory_space<hbm>>
    %dma_start3A_289 = tpu.memref_squeeze %dma_start3A_288 : memref<1x100000xf32, #tpu.memory_space<hbm>> -> memref<100000xf32, #tpu.memory_space<hbm>>
    %dma_start3A_290 = arith.constant 0 : i32
    %dma_start3A_291 = tpu.memref_slice %dma_start3A_289[%dma_start3A_290] : memref<100000xf32, #tpu.memory_space<hbm>> -> memref<100000xf32, #tpu.memory_space<hbm>>
    tpu.enqueue_indirect_dma source(%dma_start3A_291 : memref<100000xf32, #tpu.memory_space<hbm>>) target(%dma_start3A_286 : memref<128xf32, #tpu.memory_space<vmem>>) offsets(%arg5 : memref<128xi32, #tpu.memory_space<vmem>>) semaphore(%arg8 : memref<!tpu.dma_semaphore, #tpu.memory_space<semaphore_mem>>)
    %dma_start3A_292 = arith.constant 29 : i32
    %dma_start3A_293 = arith.constant 29 : i32
    %dma_start3A_294 = arith.constant 0 : i32
    %dma_start3A_295 = tpu.memref_slice %arg6[%dma_start3A_293, %dma_start3A_294] : memref<50x128xf32, #tpu.memory_space<vmem>> -> memref<1x128xf32, #tpu.memory_space<vmem>>
    %dma_start3A_296 = tpu.memref_squeeze %dma_start3A_295 : memref<1x128xf32, #tpu.memory_space<vmem>> -> memref<128xf32, #tpu.memory_space<vmem>>
    %dma_start3A_297 = arith.constant 0 : i32
    %dma_start3A_298 = tpu.memref_slice %arg3[%dma_start3A_292, %dma_start3A_297] : memref<50x100000xf32, #tpu.memory_space<hbm>> -> memref<1x100000xf32, #tpu.memory_space<hbm>>
    %dma_start3A_299 = tpu.memref_squeeze %dma_start3A_298 : memref<1x100000xf32, #tpu.memory_space<hbm>> -> memref<100000xf32, #tpu.memory_space<hbm>>
    %dma_start3A_300 = arith.constant 0 : i32
    %dma_start3A_301 = tpu.memref_slice %dma_start3A_299[%dma_start3A_300] : memref<100000xf32, #tpu.memory_space<hbm>> -> memref<100000xf32, #tpu.memory_space<hbm>>
    tpu.enqueue_indirect_dma source(%dma_start3A_301 : memref<100000xf32, #tpu.memory_space<hbm>>) target(%dma_start3A_296 : memref<128xf32, #tpu.memory_space<vmem>>) offsets(%arg5 : memref<128xi32, #tpu.memory_space<vmem>>) semaphore(%arg8 : memref<!tpu.dma_semaphore, #tpu.memory_space<semaphore_mem>>)
    %dma_start3A_302 = arith.constant 30 : i32
    %dma_start3A_303 = arith.constant 30 : i32
    %dma_start3A_304 = arith.constant 0 : i32
    %dma_start3A_305 = tpu.memref_slice %arg6[%dma_start3A_303, %dma_start3A_304] : memref<50x128xf32, #tpu.memory_space<vmem>> -> memref<1x128xf32, #tpu.memory_space<vmem>>
    %dma_start3A_306 = tpu.memref_squeeze %dma_start3A_305 : memref<1x128xf32, #tpu.memory_space<vmem>> -> memref<128xf32, #tpu.memory_space<vmem>>
    %dma_start3A_307 = arith.constant 0 : i32
    %dma_start3A_308 = tpu.memref_slice %arg3[%dma_start3A_302, %dma_start3A_307] : memref<50x100000xf32, #tpu.memory_space<hbm>> -> memref<1x100000xf32, #tpu.memory_space<hbm>>
    %dma_start3A_309 = tpu.memref_squeeze %dma_start3A_308 : memref<1x100000xf32, #tpu.memory_space<hbm>> -> memref<100000xf32, #tpu.memory_space<hbm>>
    %dma_start3A_310 = arith.constant 0 : i32
    %dma_start3A_311 = tpu.memref_slice %dma_start3A_309[%dma_start3A_310] : memref<100000xf32, #tpu.memory_space<hbm>> -> memref<100000xf32, #tpu.memory_space<hbm>>
    tpu.enqueue_indirect_dma source(%dma_start3A_311 : memref<100000xf32, #tpu.memory_space<hbm>>) target(%dma_start3A_306 : memref<128xf32, #tpu.memory_space<vmem>>) offsets(%arg5 : memref<128xi32, #tpu.memory_space<vmem>>) semaphore(%arg8 : memref<!tpu.dma_semaphore, #tpu.memory_space<semaphore_mem>>)
    %dma_start3A_312 = arith.constant 31 : i32
    %dma_start3A_313 = arith.constant 31 : i32
    %dma_start3A_314 = arith.constant 0 : i32
    %dma_start3A_315 = tpu.memref_slice %arg6[%dma_start3A_313, %dma_start3A_314] : memref<50x128xf32, #tpu.memory_space<vmem>> -> memref<1x128xf32, #tpu.memory_space<vmem>>
    %dma_start3A_316 = tpu.memref_squeeze %dma_start3A_315 : memref<1x128xf32, #tpu.memory_space<vmem>> -> memref<128xf32, #tpu.memory_space<vmem>>
    %dma_start3A_317 = arith.constant 0 : i32
    %dma_start3A_318 = tpu.memref_slice %arg3[%dma_start3A_312, %dma_start3A_317] : memref<50x100000xf32, #tpu.memory_space<hbm>> -> memref<1x100000xf32, #tpu.memory_space<hbm>>
    %dma_start3A_319 = tpu.memref_squeeze %dma_start3A_318 : memref<1x100000xf32, #tpu.memory_space<hbm>> -> memref<100000xf32, #tpu.memory_space<hbm>>
    %dma_start3A_320 = arith.constant 0 : i32
    %dma_start3A_321 = tpu.memref_slice %dma_start3A_319[%dma_start3A_320] : memref<100000xf32, #tpu.memory_space<hbm>> -> memref<100000xf32, #tpu.memory_space<hbm>>
    tpu.enqueue_indirect_dma source(%dma_start3A_321 : memref<100000xf32, #tpu.memory_space<hbm>>) target(%dma_start3A_316 : memref<128xf32, #tpu.memory_space<vmem>>) offsets(%arg5 : memref<128xi32, #tpu.memory_space<vmem>>) semaphore(%arg8 : memref<!tpu.dma_semaphore, #tpu.memory_space<semaphore_mem>>)
    %dma_start3A_322 = arith.constant 32 : i32
    %dma_start3A_323 = arith.constant 32 : i32
    %dma_start3A_324 = arith.constant 0 : i32
    %dma_start3A_325 = tpu.memref_slice %arg6[%dma_start3A_323, %dma_start3A_324] : memref<50x128xf32, #tpu.memory_space<vmem>> -> memref<1x128xf32, #tpu.memory_space<vmem>>
    %dma_start3A_326 = tpu.memref_squeeze %dma_start3A_325 : memref<1x128xf32, #tpu.memory_space<vmem>> -> memref<128xf32, #tpu.memory_space<vmem>>
    %dma_start3A_327 = arith.constant 0 : i32
    %dma_start3A_328 = tpu.memref_slice %arg3[%dma_start3A_322, %dma_start3A_327] : memref<50x100000xf32, #tpu.memory_space<hbm>> -> memref<1x100000xf32, #tpu.memory_space<hbm>>
    %dma_start3A_329 = tpu.memref_squeeze %dma_start3A_328 : memref<1x100000xf32, #tpu.memory_space<hbm>> -> memref<100000xf32, #tpu.memory_space<hbm>>
    %dma_start3A_330 = arith.constant 0 : i32
    %dma_start3A_331 = tpu.memref_slice %dma_start3A_329[%dma_start3A_330] : memref<100000xf32, #tpu.memory_space<hbm>> -> memref<100000xf32, #tpu.memory_space<hbm>>
    tpu.enqueue_indirect_dma source(%dma_start3A_331 : memref<100000xf32, #tpu.memory_space<hbm>>) target(%dma_start3A_326 : memref<128xf32, #tpu.memory_space<vmem>>) offsets(%arg5 : memref<128xi32, #tpu.memory_space<vmem>>) semaphore(%arg8 : memref<!tpu.dma_semaphore, #tpu.memory_space<semaphore_mem>>)
    %dma_start3A_332 = arith.constant 33 : i32
    %dma_start3A_333 = arith.constant 33 : i32
    %dma_start3A_334 = arith.constant 0 : i32
    %dma_start3A_335 = tpu.memref_slice %arg6[%dma_start3A_333, %dma_start3A_334] : memref<50x128xf32, #tpu.memory_space<vmem>> -> memref<1x128xf32, #tpu.memory_space<vmem>>
    %dma_start3A_336 = tpu.memref_squeeze %dma_start3A_335 : memref<1x128xf32, #tpu.memory_space<vmem>> -> memref<128xf32, #tpu.memory_space<vmem>>
    %dma_start3A_337 = arith.constant 0 : i32
    %dma_start3A_338 = tpu.memref_slice %arg3[%dma_start3A_332, %dma_start3A_337] : memref<50x100000xf32, #tpu.memory_space<hbm>> -> memref<1x100000xf32, #tpu.memory_space<hbm>>
    %dma_start3A_339 = tpu.memref_squeeze %dma_start3A_338 : memref<1x100000xf32, #tpu.memory_space<hbm>> -> memref<100000xf32, #tpu.memory_space<hbm>>
    %dma_start3A_340 = arith.constant 0 : i32
    %dma_start3A_341 = tpu.memref_slice %dma_start3A_339[%dma_start3A_340] : memref<100000xf32, #tpu.memory_space<hbm>> -> memref<100000xf32, #tpu.memory_space<hbm>>
    tpu.enqueue_indirect_dma source(%dma_start3A_341 : memref<100000xf32, #tpu.memory_space<hbm>>) target(%dma_start3A_336 : memref<128xf32, #tpu.memory_space<vmem>>) offsets(%arg5 : memref<128xi32, #tpu.memory_space<vmem>>) semaphore(%arg8 : memref<!tpu.dma_semaphore, #tpu.memory_space<semaphore_mem>>)
    %dma_start3A_342 = arith.constant 34 : i32
    %dma_start3A_343 = arith.constant 34 : i32
    %dma_start3A_344 = arith.constant 0 : i32
    %dma_start3A_345 = tpu.memref_slice %arg6[%dma_start3A_343, %dma_start3A_344] : memref<50x128xf32, #tpu.memory_space<vmem>> -> memref<1x128xf32, #tpu.memory_space<vmem>>
    %dma_start3A_346 = tpu.memref_squeeze %dma_start3A_345 : memref<1x128xf32, #tpu.memory_space<vmem>> -> memref<128xf32, #tpu.memory_space<vmem>>
    %dma_start3A_347 = arith.constant 0 : i32
    %dma_start3A_348 = tpu.memref_slice %arg3[%dma_start3A_342, %dma_start3A_347] : memref<50x100000xf32, #tpu.memory_space<hbm>> -> memref<1x100000xf32, #tpu.memory_space<hbm>>
    %dma_start3A_349 = tpu.memref_squeeze %dma_start3A_348 : memref<1x100000xf32, #tpu.memory_space<hbm>> -> memref<100000xf32, #tpu.memory_space<hbm>>
    %dma_start3A_350 = arith.constant 0 : i32
    %dma_start3A_351 = tpu.memref_slice %dma_start3A_349[%dma_start3A_350] : memref<100000xf32, #tpu.memory_space<hbm>> -> memref<100000xf32, #tpu.memory_space<hbm>>
    tpu.enqueue_indirect_dma source(%dma_start3A_351 : memref<100000xf32, #tpu.memory_space<hbm>>) target(%dma_start3A_346 : memref<128xf32, #tpu.memory_space<vmem>>) offsets(%arg5 : memref<128xi32, #tpu.memory_space<vmem>>) semaphore(%arg8 : memref<!tpu.dma_semaphore, #tpu.memory_space<semaphore_mem>>)
    %dma_start3A_352 = arith.constant 35 : i32
    %dma_start3A_353 = arith.constant 35 : i32
    %dma_start3A_354 = arith.constant 0 : i32
    %dma_start3A_355 = tpu.memref_slice %arg6[%dma_start3A_353, %dma_start3A_354] : memref<50x128xf32, #tpu.memory_space<vmem>> -> memref<1x128xf32, #tpu.memory_space<vmem>>
    %dma_start3A_356 = tpu.memref_squeeze %dma_start3A_355 : memref<1x128xf32, #tpu.memory_space<vmem>> -> memref<128xf32, #tpu.memory_space<vmem>>
    %dma_start3A_357 = arith.constant 0 : i32
    %dma_start3A_358 = tpu.memref_slice %arg3[%dma_start3A_352, %dma_start3A_357] : memref<50x100000xf32, #tpu.memory_space<hbm>> -> memref<1x100000xf32, #tpu.memory_space<hbm>>
    %dma_start3A_359 = tpu.memref_squeeze %dma_start3A_358 : memref<1x100000xf32, #tpu.memory_space<hbm>> -> memref<100000xf32, #tpu.memory_space<hbm>>
    %dma_start3A_360 = arith.constant 0 : i32
    %dma_start3A_361 = tpu.memref_slice %dma_start3A_359[%dma_start3A_360] : memref<100000xf32, #tpu.memory_space<hbm>> -> memref<100000xf32, #tpu.memory_space<hbm>>
    tpu.enqueue_indirect_dma source(%dma_start3A_361 : memref<100000xf32, #tpu.memory_space<hbm>>) target(%dma_start3A_356 : memref<128xf32, #tpu.memory_space<vmem>>) offsets(%arg5 : memref<128xi32, #tpu.memory_space<vmem>>) semaphore(%arg8 : memref<!tpu.dma_semaphore, #tpu.memory_space<semaphore_mem>>)
    %dma_start3A_362 = arith.constant 36 : i32
    %dma_start3A_363 = arith.constant 36 : i32
    %dma_start3A_364 = arith.constant 0 : i32
    %dma_start3A_365 = tpu.memref_slice %arg6[%dma_start3A_363, %dma_start3A_364] : memref<50x128xf32, #tpu.memory_space<vmem>> -> memref<1x128xf32, #tpu.memory_space<vmem>>
    %dma_start3A_366 = tpu.memref_squeeze %dma_start3A_365 : memref<1x128xf32, #tpu.memory_space<vmem>> -> memref<128xf32, #tpu.memory_space<vmem>>
    %dma_start3A_367 = arith.constant 0 : i32
    %dma_start3A_368 = tpu.memref_slice %arg3[%dma_start3A_362, %dma_start3A_367] : memref<50x100000xf32, #tpu.memory_space<hbm>> -> memref<1x100000xf32, #tpu.memory_space<hbm>>
    %dma_start3A_369 = tpu.memref_squeeze %dma_start3A_368 : memref<1x100000xf32, #tpu.memory_space<hbm>> -> memref<100000xf32, #tpu.memory_space<hbm>>
    %dma_start3A_370 = arith.constant 0 : i32
    %dma_start3A_371 = tpu.memref_slice %dma_start3A_369[%dma_start3A_370] : memref<100000xf32, #tpu.memory_space<hbm>> -> memref<100000xf32, #tpu.memory_space<hbm>>
    tpu.enqueue_indirect_dma source(%dma_start3A_371 : memref<100000xf32, #tpu.memory_space<hbm>>) target(%dma_start3A_366 : memref<128xf32, #tpu.memory_space<vmem>>) offsets(%arg5 : memref<128xi32, #tpu.memory_space<vmem>>) semaphore(%arg8 : memref<!tpu.dma_semaphore, #tpu.memory_space<semaphore_mem>>)
    %dma_start3A_372 = arith.constant 37 : i32
    %dma_start3A_373 = arith.constant 37 : i32
    %dma_start3A_374 = arith.constant 0 : i32
    %dma_start3A_375 = tpu.memref_slice %arg6[%dma_start3A_373, %dma_start3A_374] : memref<50x128xf32, #tpu.memory_space<vmem>> -> memref<1x128xf32, #tpu.memory_space<vmem>>
    %dma_start3A_376 = tpu.memref_squeeze %dma_start3A_375 : memref<1x128xf32, #tpu.memory_space<vmem>> -> memref<128xf32, #tpu.memory_space<vmem>>
    %dma_start3A_377 = arith.constant 0 : i32
    %dma_start3A_378 = tpu.memref_slice %arg3[%dma_start3A_372, %dma_start3A_377] : memref<50x100000xf32, #tpu.memory_space<hbm>> -> memref<1x100000xf32, #tpu.memory_space<hbm>>
    %dma_start3A_379 = tpu.memref_squeeze %dma_start3A_378 : memref<1x100000xf32, #tpu.memory_space<hbm>> -> memref<100000xf32, #tpu.memory_space<hbm>>
    %dma_start3A_380 = arith.constant 0 : i32
    %dma_start3A_381 = tpu.memref_slice %dma_start3A_379[%dma_start3A_380] : memref<100000xf32, #tpu.memory_space<hbm>> -> memref<100000xf32, #tpu.memory_space<hbm>>
    tpu.enqueue_indirect_dma source(%dma_start3A_381 : memref<100000xf32, #tpu.memory_space<hbm>>) target(%dma_start3A_376 : memref<128xf32, #tpu.memory_space<vmem>>) offsets(%arg5 : memref<128xi32, #tpu.memory_space<vmem>>) semaphore(%arg8 : memref<!tpu.dma_semaphore, #tpu.memory_space<semaphore_mem>>)
    %dma_start3A_382 = arith.constant 38 : i32
    %dma_start3A_383 = arith.constant 38 : i32
    %dma_start3A_384 = arith.constant 0 : i32
    %dma_start3A_385 = tpu.memref_slice %arg6[%dma_start3A_383, %dma_start3A_384] : memref<50x128xf32, #tpu.memory_space<vmem>> -> memref<1x128xf32, #tpu.memory_space<vmem>>
    %dma_start3A_386 = tpu.memref_squeeze %dma_start3A_385 : memref<1x128xf32, #tpu.memory_space<vmem>> -> memref<128xf32, #tpu.memory_space<vmem>>
    %dma_start3A_387 = arith.constant 0 : i32
    %dma_start3A_388 = tpu.memref_slice %arg3[%dma_start3A_382, %dma_start3A_387] : memref<50x100000xf32, #tpu.memory_space<hbm>> -> memref<1x100000xf32, #tpu.memory_space<hbm>>
    %dma_start3A_389 = tpu.memref_squeeze %dma_start3A_388 : memref<1x100000xf32, #tpu.memory_space<hbm>> -> memref<100000xf32, #tpu.memory_space<hbm>>
    %dma_start3A_390 = arith.constant 0 : i32
    %dma_start3A_391 = tpu.memref_slice %dma_start3A_389[%dma_start3A_390] : memref<100000xf32, #tpu.memory_space<hbm>> -> memref<100000xf32, #tpu.memory_space<hbm>>
    tpu.enqueue_indirect_dma source(%dma_start3A_391 : memref<100000xf32, #tpu.memory_space<hbm>>) target(%dma_start3A_386 : memref<128xf32, #tpu.memory_space<vmem>>) offsets(%arg5 : memref<128xi32, #tpu.memory_space<vmem>>) semaphore(%arg8 : memref<!tpu.dma_semaphore, #tpu.memory_space<semaphore_mem>>)
    %dma_start3A_392 = arith.constant 39 : i32
    %dma_start3A_393 = arith.constant 39 : i32
    %dma_start3A_394 = arith.constant 0 : i32
    %dma_start3A_395 = tpu.memref_slice %arg6[%dma_start3A_393, %dma_start3A_394] : memref<50x128xf32, #tpu.memory_space<vmem>> -> memref<1x128xf32, #tpu.memory_space<vmem>>
    %dma_start3A_396 = tpu.memref_squeeze %dma_start3A_395 : memref<1x128xf32, #tpu.memory_space<vmem>> -> memref<128xf32, #tpu.memory_space<vmem>>
    %dma_start3A_397 = arith.constant 0 : i32
    %dma_start3A_398 = tpu.memref_slice %arg3[%dma_start3A_392, %dma_start3A_397] : memref<50x100000xf32, #tpu.memory_space<hbm>> -> memref<1x100000xf32, #tpu.memory_space<hbm>>
    %dma_start3A_399 = tpu.memref_squeeze %dma_start3A_398 : memref<1x100000xf32, #tpu.memory_space<hbm>> -> memref<100000xf32, #tpu.memory_space<hbm>>
    %dma_start3A_400 = arith.constant 0 : i32
    %dma_start3A_401 = tpu.memref_slice %dma_start3A_399[%dma_start3A_400] : memref<100000xf32, #tpu.memory_space<hbm>> -> memref<100000xf32, #tpu.memory_space<hbm>>
    tpu.enqueue_indirect_dma source(%dma_start3A_401 : memref<100000xf32, #tpu.memory_space<hbm>>) target(%dma_start3A_396 : memref<128xf32, #tpu.memory_space<vmem>>) offsets(%arg5 : memref<128xi32, #tpu.memory_space<vmem>>) semaphore(%arg8 : memref<!tpu.dma_semaphore, #tpu.memory_space<semaphore_mem>>)
    %dma_start3A_402 = arith.constant 40 : i32
    %dma_start3A_403 = arith.constant 40 : i32
    %dma_start3A_404 = arith.constant 0 : i32
    %dma_start3A_405 = tpu.memref_slice %arg6[%dma_start3A_403, %dma_start3A_404] : memref<50x128xf32, #tpu.memory_space<vmem>> -> memref<1x128xf32, #tpu.memory_space<vmem>>
    %dma_start3A_406 = tpu.memref_squeeze %dma_start3A_405 : memref<1x128xf32, #tpu.memory_space<vmem>> -> memref<128xf32, #tpu.memory_space<vmem>>
    %dma_start3A_407 = arith.constant 0 : i32
    %dma_start3A_408 = tpu.memref_slice %arg3[%dma_start3A_402, %dma_start3A_407] : memref<50x100000xf32, #tpu.memory_space<hbm>> -> memref<1x100000xf32, #tpu.memory_space<hbm>>
    %dma_start3A_409 = tpu.memref_squeeze %dma_start3A_408 : memref<1x100000xf32, #tpu.memory_space<hbm>> -> memref<100000xf32, #tpu.memory_space<hbm>>
    %dma_start3A_410 = arith.constant 0 : i32
    %dma_start3A_411 = tpu.memref_slice %dma_start3A_409[%dma_start3A_410] : memref<100000xf32, #tpu.memory_space<hbm>> -> memref<100000xf32, #tpu.memory_space<hbm>>
    tpu.enqueue_indirect_dma source(%dma_start3A_411 : memref<100000xf32, #tpu.memory_space<hbm>>) target(%dma_start3A_406 : memref<128xf32, #tpu.memory_space<vmem>>) offsets(%arg5 : memref<128xi32, #tpu.memory_space<vmem>>) semaphore(%arg8 : memref<!tpu.dma_semaphore, #tpu.memory_space<semaphore_mem>>)
    %dma_start3A_412 = arith.constant 41 : i32
    %dma_start3A_413 = arith.constant 41 : i32
    %dma_start3A_414 = arith.constant 0 : i32
    %dma_start3A_415 = tpu.memref_slice %arg6[%dma_start3A_413, %dma_start3A_414] : memref<50x128xf32, #tpu.memory_space<vmem>> -> memref<1x128xf32, #tpu.memory_space<vmem>>
    %dma_start3A_416 = tpu.memref_squeeze %dma_start3A_415 : memref<1x128xf32, #tpu.memory_space<vmem>> -> memref<128xf32, #tpu.memory_space<vmem>>
    %dma_start3A_417 = arith.constant 0 : i32
    %dma_start3A_418 = tpu.memref_slice %arg3[%dma_start3A_412, %dma_start3A_417] : memref<50x100000xf32, #tpu.memory_space<hbm>> -> memref<1x100000xf32, #tpu.memory_space<hbm>>
    %dma_start3A_419 = tpu.memref_squeeze %dma_start3A_418 : memref<1x100000xf32, #tpu.memory_space<hbm>> -> memref<100000xf32, #tpu.memory_space<hbm>>
    %dma_start3A_420 = arith.constant 0 : i32
    %dma_start3A_421 = tpu.memref_slice %dma_start3A_419[%dma_start3A_420] : memref<100000xf32, #tpu.memory_space<hbm>> -> memref<100000xf32, #tpu.memory_space<hbm>>
    tpu.enqueue_indirect_dma source(%dma_start3A_421 : memref<100000xf32, #tpu.memory_space<hbm>>) target(%dma_start3A_416 : memref<128xf32, #tpu.memory_space<vmem>>) offsets(%arg5 : memref<128xi32, #tpu.memory_space<vmem>>) semaphore(%arg8 : memref<!tpu.dma_semaphore, #tpu.memory_space<semaphore_mem>>)
    %dma_start3A_422 = arith.constant 42 : i32
    %dma_start3A_423 = arith.constant 42 : i32
    %dma_start3A_424 = arith.constant 0 : i32
    %dma_start3A_425 = tpu.memref_slice %arg6[%dma_start3A_423, %dma_start3A_424] : memref<50x128xf32, #tpu.memory_space<vmem>> -> memref<1x128xf32, #tpu.memory_space<vmem>>
    %dma_start3A_426 = tpu.memref_squeeze %dma_start3A_425 : memref<1x128xf32, #tpu.memory_space<vmem>> -> memref<128xf32, #tpu.memory_space<vmem>>
    %dma_start3A_427 = arith.constant 0 : i32
    %dma_start3A_428 = tpu.memref_slice %arg3[%dma_start3A_422, %dma_start3A_427] : memref<50x100000xf32, #tpu.memory_space<hbm>> -> memref<1x100000xf32, #tpu.memory_space<hbm>>
    %dma_start3A_429 = tpu.memref_squeeze %dma_start3A_428 : memref<1x100000xf32, #tpu.memory_space<hbm>> -> memref<100000xf32, #tpu.memory_space<hbm>>
    %dma_start3A_430 = arith.constant 0 : i32
    %dma_start3A_431 = tpu.memref_slice %dma_start3A_429[%dma_start3A_430] : memref<100000xf32, #tpu.memory_space<hbm>> -> memref<100000xf32, #tpu.memory_space<hbm>>
    tpu.enqueue_indirect_dma source(%dma_start3A_431 : memref<100000xf32, #tpu.memory_space<hbm>>) target(%dma_start3A_426 : memref<128xf32, #tpu.memory_space<vmem>>) offsets(%arg5 : memref<128xi32, #tpu.memory_space<vmem>>) semaphore(%arg8 : memref<!tpu.dma_semaphore, #tpu.memory_space<semaphore_mem>>)
    %dma_start3A_432 = arith.constant 43 : i32
    %dma_start3A_433 = arith.constant 43 : i32
    %dma_start3A_434 = arith.constant 0 : i32
    %dma_start3A_435 = tpu.memref_slice %arg6[%dma_start3A_433, %dma_start3A_434] : memref<50x128xf32, #tpu.memory_space<vmem>> -> memref<1x128xf32, #tpu.memory_space<vmem>>
    %dma_start3A_436 = tpu.memref_squeeze %dma_start3A_435 : memref<1x128xf32, #tpu.memory_space<vmem>> -> memref<128xf32, #tpu.memory_space<vmem>>
    %dma_start3A_437 = arith.constant 0 : i32
    %dma_start3A_438 = tpu.memref_slice %arg3[%dma_start3A_432, %dma_start3A_437] : memref<50x100000xf32, #tpu.memory_space<hbm>> -> memref<1x100000xf32, #tpu.memory_space<hbm>>
    %dma_start3A_439 = tpu.memref_squeeze %dma_start3A_438 : memref<1x100000xf32, #tpu.memory_space<hbm>> -> memref<100000xf32, #tpu.memory_space<hbm>>
    %dma_start3A_440 = arith.constant 0 : i32
    %dma_start3A_441 = tpu.memref_slice %dma_start3A_439[%dma_start3A_440] : memref<100000xf32, #tpu.memory_space<hbm>> -> memref<100000xf32, #tpu.memory_space<hbm>>
    tpu.enqueue_indirect_dma source(%dma_start3A_441 : memref<100000xf32, #tpu.memory_space<hbm>>) target(%dma_start3A_436 : memref<128xf32, #tpu.memory_space<vmem>>) offsets(%arg5 : memref<128xi32, #tpu.memory_space<vmem>>) semaphore(%arg8 : memref<!tpu.dma_semaphore, #tpu.memory_space<semaphore_mem>>)
    %dma_start3A_442 = arith.constant 44 : i32
    %dma_start3A_443 = arith.constant 44 : i32
    %dma_start3A_444 = arith.constant 0 : i32
    %dma_start3A_445 = tpu.memref_slice %arg6[%dma_start3A_443, %dma_start3A_444] : memref<50x128xf32, #tpu.memory_space<vmem>> -> memref<1x128xf32, #tpu.memory_space<vmem>>
    %dma_start3A_446 = tpu.memref_squeeze %dma_start3A_445 : memref<1x128xf32, #tpu.memory_space<vmem>> -> memref<128xf32, #tpu.memory_space<vmem>>
    %dma_start3A_447 = arith.constant 0 : i32
    %dma_start3A_448 = tpu.memref_slice %arg3[%dma_start3A_442, %dma_start3A_447] : memref<50x100000xf32, #tpu.memory_space<hbm>> -> memref<1x100000xf32, #tpu.memory_space<hbm>>
    %dma_start3A_449 = tpu.memref_squeeze %dma_start3A_448 : memref<1x100000xf32, #tpu.memory_space<hbm>> -> memref<100000xf32, #tpu.memory_space<hbm>>
    %dma_start3A_450 = arith.constant 0 : i32
    %dma_start3A_451 = tpu.memref_slice %dma_start3A_449[%dma_start3A_450] : memref<100000xf32, #tpu.memory_space<hbm>> -> memref<100000xf32, #tpu.memory_space<hbm>>
    tpu.enqueue_indirect_dma source(%dma_start3A_451 : memref<100000xf32, #tpu.memory_space<hbm>>) target(%dma_start3A_446 : memref<128xf32, #tpu.memory_space<vmem>>) offsets(%arg5 : memref<128xi32, #tpu.memory_space<vmem>>) semaphore(%arg8 : memref<!tpu.dma_semaphore, #tpu.memory_space<semaphore_mem>>)
    %dma_start3A_452 = arith.constant 45 : i32
    %dma_start3A_453 = arith.constant 45 : i32
    %dma_start3A_454 = arith.constant 0 : i32
    %dma_start3A_455 = tpu.memref_slice %arg6[%dma_start3A_453, %dma_start3A_454] : memref<50x128xf32, #tpu.memory_space<vmem>> -> memref<1x128xf32, #tpu.memory_space<vmem>>
    %dma_start3A_456 = tpu.memref_squeeze %dma_start3A_455 : memref<1x128xf32, #tpu.memory_space<vmem>> -> memref<128xf32, #tpu.memory_space<vmem>>
    %dma_start3A_457 = arith.constant 0 : i32
    %dma_start3A_458 = tpu.memref_slice %arg3[%dma_start3A_452, %dma_start3A_457] : memref<50x100000xf32, #tpu.memory_space<hbm>> -> memref<1x100000xf32, #tpu.memory_space<hbm>>
    %dma_start3A_459 = tpu.memref_squeeze %dma_start3A_458 : memref<1x100000xf32, #tpu.memory_space<hbm>> -> memref<100000xf32, #tpu.memory_space<hbm>>
    %dma_start3A_460 = arith.constant 0 : i32
    %dma_start3A_461 = tpu.memref_slice %dma_start3A_459[%dma_start3A_460] : memref<100000xf32, #tpu.memory_space<hbm>> -> memref<100000xf32, #tpu.memory_space<hbm>>
    tpu.enqueue_indirect_dma source(%dma_start3A_461 : memref<100000xf32, #tpu.memory_space<hbm>>) target(%dma_start3A_456 : memref<128xf32, #tpu.memory_space<vmem>>) offsets(%arg5 : memref<128xi32, #tpu.memory_space<vmem>>) semaphore(%arg8 : memref<!tpu.dma_semaphore, #tpu.memory_space<semaphore_mem>>)
    %dma_start3A_462 = arith.constant 46 : i32
    %dma_start3A_463 = arith.constant 46 : i32
    %dma_start3A_464 = arith.constant 0 : i32
    %dma_start3A_465 = tpu.memref_slice %arg6[%dma_start3A_463, %dma_start3A_464] : memref<50x128xf32, #tpu.memory_space<vmem>> -> memref<1x128xf32, #tpu.memory_space<vmem>>
    %dma_start3A_466 = tpu.memref_squeeze %dma_start3A_465 : memref<1x128xf32, #tpu.memory_space<vmem>> -> memref<128xf32, #tpu.memory_space<vmem>>
    %dma_start3A_467 = arith.constant 0 : i32
    %dma_start3A_468 = tpu.memref_slice %arg3[%dma_start3A_462, %dma_start3A_467] : memref<50x100000xf32, #tpu.memory_space<hbm>> -> memref<1x100000xf32, #tpu.memory_space<hbm>>
    %dma_start3A_469 = tpu.memref_squeeze %dma_start3A_468 : memref<1x100000xf32, #tpu.memory_space<hbm>> -> memref<100000xf32, #tpu.memory_space<hbm>>
    %dma_start3A_470 = arith.constant 0 : i32
    %dma_start3A_471 = tpu.memref_slice %dma_start3A_469[%dma_start3A_470] : memref<100000xf32, #tpu.memory_space<hbm>> -> memref<100000xf32, #tpu.memory_space<hbm>>
    tpu.enqueue_indirect_dma source(%dma_start3A_471 : memref<100000xf32, #tpu.memory_space<hbm>>) target(%dma_start3A_466 : memref<128xf32, #tpu.memory_space<vmem>>) offsets(%arg5 : memref<128xi32, #tpu.memory_space<vmem>>) semaphore(%arg8 : memref<!tpu.dma_semaphore, #tpu.memory_space<semaphore_mem>>)
    %dma_start3A_472 = arith.constant 47 : i32
    %dma_start3A_473 = arith.constant 47 : i32
    %dma_start3A_474 = arith.constant 0 : i32
    %dma_start3A_475 = tpu.memref_slice %arg6[%dma_start3A_473, %dma_start3A_474] : memref<50x128xf32, #tpu.memory_space<vmem>> -> memref<1x128xf32, #tpu.memory_space<vmem>>
    %dma_start3A_476 = tpu.memref_squeeze %dma_start3A_475 : memref<1x128xf32, #tpu.memory_space<vmem>> -> memref<128xf32, #tpu.memory_space<vmem>>
    %dma_start3A_477 = arith.constant 0 : i32
    %dma_start3A_478 = tpu.memref_slice %arg3[%dma_start3A_472, %dma_start3A_477] : memref<50x100000xf32, #tpu.memory_space<hbm>> -> memref<1x100000xf32, #tpu.memory_space<hbm>>
    %dma_start3A_479 = tpu.memref_squeeze %dma_start3A_478 : memref<1x100000xf32, #tpu.memory_space<hbm>> -> memref<100000xf32, #tpu.memory_space<hbm>>
    %dma_start3A_480 = arith.constant 0 : i32
    %dma_start3A_481 = tpu.memref_slice %dma_start3A_479[%dma_start3A_480] : memref<100000xf32, #tpu.memory_space<hbm>> -> memref<100000xf32, #tpu.memory_space<hbm>>
    tpu.enqueue_indirect_dma source(%dma_start3A_481 : memref<100000xf32, #tpu.memory_space<hbm>>) target(%dma_start3A_476 : memref<128xf32, #tpu.memory_space<vmem>>) offsets(%arg5 : memref<128xi32, #tpu.memory_space<vmem>>) semaphore(%arg8 : memref<!tpu.dma_semaphore, #tpu.memory_space<semaphore_mem>>)
    %dma_start3A_482 = arith.constant 48 : i32
    %dma_start3A_483 = arith.constant 48 : i32
    %dma_start3A_484 = arith.constant 0 : i32
    %dma_start3A_485 = tpu.memref_slice %arg6[%dma_start3A_483, %dma_start3A_484] : memref<50x128xf32, #tpu.memory_space<vmem>> -> memref<1x128xf32, #tpu.memory_space<vmem>>
    %dma_start3A_486 = tpu.memref_squeeze %dma_start3A_485 : memref<1x128xf32, #tpu.memory_space<vmem>> -> memref<128xf32, #tpu.memory_space<vmem>>
    %dma_start3A_487 = arith.constant 0 : i32
    %dma_start3A_488 = tpu.memref_slice %arg3[%dma_start3A_482, %dma_start3A_487] : memref<50x100000xf32, #tpu.memory_space<hbm>> -> memref<1x100000xf32, #tpu.memory_space<hbm>>
    %dma_start3A_489 = tpu.memref_squeeze %dma_start3A_488 : memref<1x100000xf32, #tpu.memory_space<hbm>> -> memref<100000xf32, #tpu.memory_space<hbm>>
    %dma_start3A_490 = arith.constant 0 : i32
    %dma_start3A_491 = tpu.memref_slice %dma_start3A_489[%dma_start3A_490] : memref<100000xf32, #tpu.memory_space<hbm>> -> memref<100000xf32, #tpu.memory_space<hbm>>
    tpu.enqueue_indirect_dma source(%dma_start3A_491 : memref<100000xf32, #tpu.memory_space<hbm>>) target(%dma_start3A_486 : memref<128xf32, #tpu.memory_space<vmem>>) offsets(%arg5 : memref<128xi32, #tpu.memory_space<vmem>>) semaphore(%arg8 : memref<!tpu.dma_semaphore, #tpu.memory_space<semaphore_mem>>)
    %dma_start3A_492 = arith.constant 49 : i32
    %dma_start3A_493 = arith.constant 49 : i32
    %dma_start3A_494 = arith.constant 0 : i32
    %dma_start3A_495 = tpu.memref_slice %arg6[%dma_start3A_493, %dma_start3A_494] : memref<50x128xf32, #tpu.memory_space<vmem>> -> memref<1x128xf32, #tpu.memory_space<vmem>>
    %dma_start3A_496 = tpu.memref_squeeze %dma_start3A_495 : memref<1x128xf32, #tpu.memory_space<vmem>> -> memref<128xf32, #tpu.memory_space<vmem>>
    %dma_start3A_497 = arith.constant 0 : i32
    %dma_start3A_498 = tpu.memref_slice %arg3[%dma_start3A_492, %dma_start3A_497] : memref<50x100000xf32, #tpu.memory_space<hbm>> -> memref<1x100000xf32, #tpu.memory_space<hbm>>
    %dma_start3A_499 = tpu.memref_squeeze %dma_start3A_498 : memref<1x100000xf32, #tpu.memory_space<hbm>> -> memref<100000xf32, #tpu.memory_space<hbm>>
    %dma_start3A_500 = arith.constant 0 : i32
    %dma_start3A_501 = tpu.memref_slice %dma_start3A_499[%dma_start3A_500] : memref<100000xf32, #tpu.memory_space<hbm>> -> memref<100000xf32, #tpu.memory_space<hbm>>
    tpu.enqueue_indirect_dma source(%dma_start3A_501 : memref<100000xf32, #tpu.memory_space<hbm>>) target(%dma_start3A_496 : memref<128xf32, #tpu.memory_space<vmem>>) offsets(%arg5 : memref<128xi32, #tpu.memory_space<vmem>>) semaphore(%arg8 : memref<!tpu.dma_semaphore, #tpu.memory_space<semaphore_mem>>)
    %iota3A = tpu.iota {dimensions = array<i32: 0>} : vector<16xi32>
    %add3A_502 = arith.constant 0 : i32
    %add3A_503 = vector.broadcast %add3A_502 : i32 to vector<16xi32>
    %add3A_504 = arith.addi %add3A_503, %iota3A : vector<16xi32>
    %iota3A_505 = tpu.iota {dimensions = array<i32: 0>} : vector<16xi32>
    %add3A_506 = arith.constant 16 : i32
    %add3A_507 = vector.broadcast %add3A_506 : i32 to vector<16xi32>
    %add3A_508 = arith.addi %add3A_507, %iota3A_505 : vector<16xi32>
    %iota3A_509 = tpu.iota {dimensions = array<i32: 0>} : vector<16xi32>
    %add3A_510 = arith.constant 32 : i32
    %add3A_511 = vector.broadcast %add3A_510 : i32 to vector<16xi32>
    %add3A_512 = arith.addi %add3A_511, %iota3A_509 : vector<16xi32>
    %iota3A_513 = tpu.iota {dimensions = array<i32: 0>} : vector<16xi32>
    %add3A_514 = arith.constant 48 : i32
    %add3A_515 = vector.broadcast %add3A_514 : i32 to vector<16xi32>
    %add3A_516 = arith.addi %add3A_515, %iota3A_513 : vector<16xi32>
    %iota3A_517 = tpu.iota {dimensions = array<i32: 0>} : vector<16xi32>
    %add3A_518 = arith.constant 64 : i32
    %add3A_519 = vector.broadcast %add3A_518 : i32 to vector<16xi32>
    %add3A_520 = arith.addi %add3A_519, %iota3A_517 : vector<16xi32>
    %iota3A_521 = tpu.iota {dimensions = array<i32: 0>} : vector<16xi32>
    %add3A_522 = arith.constant 80 : i32
    %add3A_523 = vector.broadcast %add3A_522 : i32 to vector<16xi32>
    %add3A_524 = arith.addi %add3A_523, %iota3A_521 : vector<16xi32>
    %iota3A_525 = tpu.iota {dimensions = array<i32: 0>} : vector<16xi32>
    %add3A_526 = arith.constant 96 : i32
    %add3A_527 = vector.broadcast %add3A_526 : i32 to vector<16xi32>
    %add3A_528 = arith.addi %add3A_527, %iota3A_525 : vector<16xi32>
    %iota3A_529 = tpu.iota {dimensions = array<i32: 0>} : vector<16xi32>
    %add3A_530 = arith.constant 112 : i32
    %add3A_531 = vector.broadcast %add3A_530 : i32 to vector<16xi32>
    %add3A_532 = arith.addi %add3A_531, %iota3A_529 : vector<16xi32>
    %dma_wait3A = arith.constant 0 : i32
    %dma_wait3A_533 = arith.constant 0 : i32
    %dma_wait3A_534 = arith.constant 0 : i32
    %dma_wait3A_535 = tpu.memref_slice %arg6[%dma_wait3A_533, %dma_wait3A_534] : memref<50x128xf32, #tpu.memory_space<vmem>> -> memref<1x128xf32, #tpu.memory_space<vmem>>
    %dma_wait3A_536 = tpu.memref_squeeze %dma_wait3A_535 : memref<1x128xf32, #tpu.memory_space<vmem>> -> memref<128xf32, #tpu.memory_space<vmem>>
    %dma_wait3A_537 = arith.constant 0 : i32
    %dma_wait3A_538 = tpu.memref_slice %arg3[%dma_wait3A, %dma_wait3A_537] : memref<50x100000xf32, #tpu.memory_space<hbm>> -> memref<1x100000xf32, #tpu.memory_space<hbm>>
    %dma_wait3A_539 = tpu.memref_squeeze %dma_wait3A_538 : memref<1x100000xf32, #tpu.memory_space<hbm>> -> memref<100000xf32, #tpu.memory_space<hbm>>
    %dma_wait3A_540 = arith.constant 0 : i32
    %dma_wait3A_541 = tpu.memref_slice %dma_wait3A_539[%dma_wait3A_540] : memref<100000xf32, #tpu.memory_space<hbm>> -> memref<100000xf32, #tpu.memory_space<hbm>>
    tpu.wait_indirect_dma semaphore(%arg8 : memref<!tpu.dma_semaphore, #tpu.memory_space<semaphore_mem>>) src(%dma_wait3A_541 : memref<100000xf32, #tpu.memory_space<hbm>>) dst(%dma_wait3A_536 : memref<128xf32, #tpu.memory_space<vmem>>)
    %broadcast_in_dim3A = arith.constant 0 : i32
    %broadcast_in_dim3A_542 = vector.broadcast %broadcast_in_dim3A : i32 to vector<16xi32>
    %get3A = arith.constant 0 : i32
    %get3A_543 = arith.index_cast %get3A : i32 to index
    %get3A_544 = arith.constant 0 : index
    %get3A_545 = tpu.vector_load %arg6[%get3A_543, %get3A_544] {strides = array<i32>} : memref<50x128xf32, #tpu.memory_space<vmem>>, vector<16xf32>,
    tpu.vector_store_idx %arg7[%add3A_504, %broadcast_in_dim3A_542], %get3A_545 : memref<128x56xf32, #tpu.memory_space<vmem>>[vector<16xi32>, vector<16xi32>], vector<16xf32>,
    %get3A_546 = arith.constant 0 : i32
    %get3A_547 = arith.index_cast %get3A_546 : i32 to index
    %get3A_548 = arith.constant 16 : index
    %get3A_549 = tpu.vector_load %arg6[%get3A_547, %get3A_548] {strides = array<i32>} : memref<50x128xf32, #tpu.memory_space<vmem>>, vector<16xf32>,
    tpu.vector_store_idx %arg7[%add3A_508, %broadcast_in_dim3A_542], %get3A_549 : memref<128x56xf32, #tpu.memory_space<vmem>>[vector<16xi32>, vector<16xi32>], vector<16xf32>,
    %get3A_550 = arith.constant 0 : i32
    %get3A_551 = arith.index_cast %get3A_550 : i32 to index
    %get3A_552 = arith.constant 32 : index
    %get3A_553 = tpu.vector_load %arg6[%get3A_551, %get3A_552] {strides = array<i32>} : memref<50x128xf32, #tpu.memory_space<vmem>>, vector<16xf32>,
    tpu.vector_store_idx %arg7[%add3A_512, %broadcast_in_dim3A_542], %get3A_553 : memref<128x56xf32, #tpu.memory_space<vmem>>[vector<16xi32>, vector<16xi32>], vector<16xf32>,
    %get3A_554 = arith.constant 0 : i32
    %get3A_555 = arith.index_cast %get3A_554 : i32 to index
    %get3A_556 = arith.constant 48 : index
    %get3A_557 = tpu.vector_load %arg6[%get3A_555, %get3A_556] {strides = array<i32>} : memref<50x128xf32, #tpu.memory_space<vmem>>, vector<16xf32>,
    tpu.vector_store_idx %arg7[%add3A_516, %broadcast_in_dim3A_542], %get3A_557 : memref<128x56xf32, #tpu.memory_space<vmem>>[vector<16xi32>, vector<16xi32>], vector<16xf32>,
    %get3A_558 = arith.constant 0 : i32
    %get3A_559 = arith.index_cast %get3A_558 : i32 to index
    %get3A_560 = arith.constant 64 : index
    %get3A_561 = tpu.vector_load %arg6[%get3A_559, %get3A_560] {strides = array<i32>} : memref<50x128xf32, #tpu.memory_space<vmem>>, vector<16xf32>,
    tpu.vector_store_idx %arg7[%add3A_520, %broadcast_in_dim3A_542], %get3A_561 : memref<128x56xf32, #tpu.memory_space<vmem>>[vector<16xi32>, vector<16xi32>], vector<16xf32>,
    %get3A_562 = arith.constant 0 : i32
    %get3A_563 = arith.index_cast %get3A_562 : i32 to index
    %get3A_564 = arith.constant 80 : index
    %get3A_565 = tpu.vector_load %arg6[%get3A_563, %get3A_564] {strides = array<i32>} : memref<50x128xf32, #tpu.memory_space<vmem>>, vector<16xf32>,
    tpu.vector_store_idx %arg7[%add3A_524, %broadcast_in_dim3A_542], %get3A_565 : memref<128x56xf32, #tpu.memory_space<vmem>>[vector<16xi32>, vector<16xi32>], vector<16xf32>,
    %get3A_566 = arith.constant 0 : i32
    %get3A_567 = arith.index_cast %get3A_566 : i32 to index
    %get3A_568 = arith.constant 96 : index
    %get3A_569 = tpu.vector_load %arg6[%get3A_567, %get3A_568] {strides = array<i32>} : memref<50x128xf32, #tpu.memory_space<vmem>>, vector<16xf32>,
    tpu.vector_store_idx %arg7[%add3A_528, %broadcast_in_dim3A_542], %get3A_569 : memref<128x56xf32, #tpu.memory_space<vmem>>[vector<16xi32>, vector<16xi32>], vector<16xf32>,
    %get3A_570 = arith.constant 0 : i32
    %get3A_571 = arith.index_cast %get3A_570 : i32 to index
    %get3A_572 = arith.constant 112 : index
    %get3A_573 = tpu.vector_load %arg6[%get3A_571, %get3A_572] {strides = array<i32>} : memref<50x128xf32, #tpu.memory_space<vmem>>, vector<16xf32>,
    tpu.vector_store_idx %arg7[%add3A_532, %broadcast_in_dim3A_542], %get3A_573 : memref<128x56xf32, #tpu.memory_space<vmem>>[vector<16xi32>, vector<16xi32>], vector<16xf32>,
    %dma_wait3A_574 = arith.constant 1 : i32
    %dma_wait3A_575 = arith.constant 1 : i32
    %dma_wait3A_576 = arith.constant 0 : i32
    %dma_wait3A_577 = tpu.memref_slice %arg6[%dma_wait3A_575, %dma_wait3A_576] : memref<50x128xf32, #tpu.memory_space<vmem>> -> memref<1x128xf32, #tpu.memory_space<vmem>>
    %dma_wait3A_578 = tpu.memref_squeeze %dma_wait3A_577 : memref<1x128xf32, #tpu.memory_space<vmem>> -> memref<128xf32, #tpu.memory_space<vmem>>
    %dma_wait3A_579 = arith.constant 0 : i32
    %dma_wait3A_580 = tpu.memref_slice %arg3[%dma_wait3A_574, %dma_wait3A_579] : memref<50x100000xf32, #tpu.memory_space<hbm>> -> memref<1x100000xf32, #tpu.memory_space<hbm>>
    %dma_wait3A_581 = tpu.memref_squeeze %dma_wait3A_580 : memref<1x100000xf32, #tpu.memory_space<hbm>> -> memref<100000xf32, #tpu.memory_space<hbm>>
    %dma_wait3A_582 = arith.constant 0 : i32
    %dma_wait3A_583 = tpu.memref_slice %dma_wait3A_581[%dma_wait3A_582] : memref<100000xf32, #tpu.memory_space<hbm>> -> memref<100000xf32, #tpu.memory_space<hbm>>
    tpu.wait_indirect_dma semaphore(%arg8 : memref<!tpu.dma_semaphore, #tpu.memory_space<semaphore_mem>>) src(%dma_wait3A_583 : memref<100000xf32, #tpu.memory_space<hbm>>) dst(%dma_wait3A_578 : memref<128xf32, #tpu.memory_space<vmem>>)
    %broadcast_in_dim3A_584 = arith.constant 1 : i32
    %broadcast_in_dim3A_585 = vector.broadcast %broadcast_in_dim3A_584 : i32 to vector<16xi32>
    %get3A_586 = arith.constant 1 : i32
    %get3A_587 = arith.index_cast %get3A_586 : i32 to index
    %get3A_588 = arith.constant 0 : index
    %get3A_589 = tpu.vector_load %arg6[%get3A_587, %get3A_588] {strides = array<i32>} : memref<50x128xf32, #tpu.memory_space<vmem>>, vector<16xf32>,
    tpu.vector_store_idx %arg7[%add3A_504, %broadcast_in_dim3A_585], %get3A_589 : memref<128x56xf32, #tpu.memory_space<vmem>>[vector<16xi32>, vector<16xi32>], vector<16xf32>,
    %get3A_590 = arith.constant 1 : i32
    %get3A_591 = arith.index_cast %get3A_590 : i32 to index
    %get3A_592 = arith.constant 16 : index
    %get3A_593 = tpu.vector_load %arg6[%get3A_591, %get3A_592] {strides = array<i32>} : memref<50x128xf32, #tpu.memory_space<vmem>>, vector<16xf32>,
    tpu.vector_store_idx %arg7[%add3A_508, %broadcast_in_dim3A_585], %get3A_593 : memref<128x56xf32, #tpu.memory_space<vmem>>[vector<16xi32>, vector<16xi32>], vector<16xf32>,
    %get3A_594 = arith.constant 1 : i32
    %get3A_595 = arith.index_cast %get3A_594 : i32 to index
    %get3A_596 = arith.constant 32 : index
    %get3A_597 = tpu.vector_load %arg6[%get3A_595, %get3A_596] {strides = array<i32>} : memref<50x128xf32, #tpu.memory_space<vmem>>, vector<16xf32>,
    tpu.vector_store_idx %arg7[%add3A_512, %broadcast_in_dim3A_585], %get3A_597 : memref<128x56xf32, #tpu.memory_space<vmem>>[vector<16xi32>, vector<16xi32>], vector<16xf32>,
    %get3A_598 = arith.constant 1 : i32
    %get3A_599 = arith.index_cast %get3A_598 : i32 to index
    %get3A_600 = arith.constant 48 : index
    %get3A_601 = tpu.vector_load %arg6[%get3A_599, %get3A_600] {strides = array<i32>} : memref<50x128xf32, #tpu.memory_space<vmem>>, vector<16xf32>,
    tpu.vector_store_idx %arg7[%add3A_516, %broadcast_in_dim3A_585], %get3A_601 : memref<128x56xf32, #tpu.memory_space<vmem>>[vector<16xi32>, vector<16xi32>], vector<16xf32>,
    %get3A_602 = arith.constant 1 : i32
    %get3A_603 = arith.index_cast %get3A_602 : i32 to index
    %get3A_604 = arith.constant 64 : index
    %get3A_605 = tpu.vector_load %arg6[%get3A_603, %get3A_604] {strides = array<i32>} : memref<50x128xf32, #tpu.memory_space<vmem>>, vector<16xf32>,
    tpu.vector_store_idx %arg7[%add3A_520, %broadcast_in_dim3A_585], %get3A_605 : memref<128x56xf32, #tpu.memory_space<vmem>>[vector<16xi32>, vector<16xi32>], vector<16xf32>,
    %get3A_606 = arith.constant 1 : i32
    %get3A_607 = arith.index_cast %get3A_606 : i32 to index
    %get3A_608 = arith.constant 80 : index
    %get3A_609 = tpu.vector_load %arg6[%get3A_607, %get3A_608] {strides = array<i32>} : memref<50x128xf32, #tpu.memory_space<vmem>>, vector<16xf32>,
    tpu.vector_store_idx %arg7[%add3A_524, %broadcast_in_dim3A_585], %get3A_609 : memref<128x56xf32, #tpu.memory_space<vmem>>[vector<16xi32>, vector<16xi32>], vector<16xf32>,
    %get3A_610 = arith.constant 1 : i32
    %get3A_611 = arith.index_cast %get3A_610 : i32 to index
    %get3A_612 = arith.constant 96 : index
    %get3A_613 = tpu.vector_load %arg6[%get3A_611, %get3A_612] {strides = array<i32>} : memref<50x128xf32, #tpu.memory_space<vmem>>, vector<16xf32>,
    tpu.vector_store_idx %arg7[%add3A_528, %broadcast_in_dim3A_585], %get3A_613 : memref<128x56xf32, #tpu.memory_space<vmem>>[vector<16xi32>, vector<16xi32>], vector<16xf32>,
    %get3A_614 = arith.constant 1 : i32
    %get3A_615 = arith.index_cast %get3A_614 : i32 to index
    %get3A_616 = arith.constant 112 : index
    %get3A_617 = tpu.vector_load %arg6[%get3A_615, %get3A_616] {strides = array<i32>} : memref<50x128xf32, #tpu.memory_space<vmem>>, vector<16xf32>,
    tpu.vector_store_idx %arg7[%add3A_532, %broadcast_in_dim3A_585], %get3A_617 : memref<128x56xf32, #tpu.memory_space<vmem>>[vector<16xi32>, vector<16xi32>], vector<16xf32>,
    %dma_wait3A_618 = arith.constant 2 : i32
    %dma_wait3A_619 = arith.constant 2 : i32
    %dma_wait3A_620 = arith.constant 0 : i32
    %dma_wait3A_621 = tpu.memref_slice %arg6[%dma_wait3A_619, %dma_wait3A_620] : memref<50x128xf32, #tpu.memory_space<vmem>> -> memref<1x128xf32, #tpu.memory_space<vmem>>
    %dma_wait3A_622 = tpu.memref_squeeze %dma_wait3A_621 : memref<1x128xf32, #tpu.memory_space<vmem>> -> memref<128xf32, #tpu.memory_space<vmem>>
    %dma_wait3A_623 = arith.constant 0 : i32
    %dma_wait3A_624 = tpu.memref_slice %arg3[%dma_wait3A_618, %dma_wait3A_623] : memref<50x100000xf32, #tpu.memory_space<hbm>> -> memref<1x100000xf32, #tpu.memory_space<hbm>>
    %dma_wait3A_625 = tpu.memref_squeeze %dma_wait3A_624 : memref<1x100000xf32, #tpu.memory_space<hbm>> -> memref<100000xf32, #tpu.memory_space<hbm>>
    %dma_wait3A_626 = arith.constant 0 : i32
    %dma_wait3A_627 = tpu.memref_slice %dma_wait3A_625[%dma_wait3A_626] : memref<100000xf32, #tpu.memory_space<hbm>> -> memref<100000xf32, #tpu.memory_space<hbm>>
    tpu.wait_indirect_dma semaphore(%arg8 : memref<!tpu.dma_semaphore, #tpu.memory_space<semaphore_mem>>) src(%dma_wait3A_627 : memref<100000xf32, #tpu.memory_space<hbm>>) dst(%dma_wait3A_622 : memref<128xf32, #tpu.memory_space<vmem>>)
    %broadcast_in_dim3A_628 = arith.constant 2 : i32
    %broadcast_in_dim3A_629 = vector.broadcast %broadcast_in_dim3A_628 : i32 to vector<16xi32>
    %get3A_630 = arith.constant 2 : i32
    %get3A_631 = arith.index_cast %get3A_630 : i32 to index
    %get3A_632 = arith.constant 0 : index
    %get3A_633 = tpu.vector_load %arg6[%get3A_631, %get3A_632] {strides = array<i32>} : memref<50x128xf32, #tpu.memory_space<vmem>>, vector<16xf32>,
    tpu.vector_store_idx %arg7[%add3A_504, %broadcast_in_dim3A_629], %get3A_633 : memref<128x56xf32, #tpu.memory_space<vmem>>[vector<16xi32>, vector<16xi32>], vector<16xf32>,
    %get3A_634 = arith.constant 2 : i32
    %get3A_635 = arith.index_cast %get3A_634 : i32 to index
    %get3A_636 = arith.constant 16 : index
    %get3A_637 = tpu.vector_load %arg6[%get3A_635, %get3A_636] {strides = array<i32>} : memref<50x128xf32, #tpu.memory_space<vmem>>, vector<16xf32>,
    tpu.vector_store_idx %arg7[%add3A_508, %broadcast_in_dim3A_629], %get3A_637 : memref<128x56xf32, #tpu.memory_space<vmem>>[vector<16xi32>, vector<16xi32>], vector<16xf32>,
    %get3A_638 = arith.constant 2 : i32
    %get3A_639 = arith.index_cast %get3A_638 : i32 to index
    %get3A_640 = arith.constant 32 : index
    %get3A_641 = tpu.vector_load %arg6[%get3A_639, %get3A_640] {strides = array<i32>} : memref<50x128xf32, #tpu.memory_space<vmem>>, vector<16xf32>,
    tpu.vector_store_idx %arg7[%add3A_512, %broadcast_in_dim3A_629], %get3A_641 : memref<128x56xf32, #tpu.memory_space<vmem>>[vector<16xi32>, vector<16xi32>], vector<16xf32>,
    %get3A_642 = arith.constant 2 : i32
    %get3A_643 = arith.index_cast %get3A_642 : i32 to index
    %get3A_644 = arith.constant 48 : index
    %get3A_645 = tpu.vector_load %arg6[%get3A_643, %get3A_644] {strides = array<i32>} : memref<50x128xf32, #tpu.memory_space<vmem>>, vector<16xf32>,
    tpu.vector_store_idx %arg7[%add3A_516, %broadcast_in_dim3A_629], %get3A_645 : memref<128x56xf32, #tpu.memory_space<vmem>>[vector<16xi32>, vector<16xi32>], vector<16xf32>,
    %get3A_646 = arith.constant 2 : i32
    %get3A_647 = arith.index_cast %get3A_646 : i32 to index
    %get3A_648 = arith.constant 64 : index
    %get3A_649 = tpu.vector_load %arg6[%get3A_647, %get3A_648] {strides = array<i32>} : memref<50x128xf32, #tpu.memory_space<vmem>>, vector<16xf32>,
    tpu.vector_store_idx %arg7[%add3A_520, %broadcast_in_dim3A_629], %get3A_649 : memref<128x56xf32, #tpu.memory_space<vmem>>[vector<16xi32>, vector<16xi32>], vector<16xf32>,
    %get3A_650 = arith.constant 2 : i32
    %get3A_651 = arith.index_cast %get3A_650 : i32 to index
    %get3A_652 = arith.constant 80 : index
    %get3A_653 = tpu.vector_load %arg6[%get3A_651, %get3A_652] {strides = array<i32>} : memref<50x128xf32, #tpu.memory_space<vmem>>, vector<16xf32>,
    tpu.vector_store_idx %arg7[%add3A_524, %broadcast_in_dim3A_629], %get3A_653 : memref<128x56xf32, #tpu.memory_space<vmem>>[vector<16xi32>, vector<16xi32>], vector<16xf32>,
    %get3A_654 = arith.constant 2 : i32
    %get3A_655 = arith.index_cast %get3A_654 : i32 to index
    %get3A_656 = arith.constant 96 : index
    %get3A_657 = tpu.vector_load %arg6[%get3A_655, %get3A_656] {strides = array<i32>} : memref<50x128xf32, #tpu.memory_space<vmem>>, vector<16xf32>,
    tpu.vector_store_idx %arg7[%add3A_528, %broadcast_in_dim3A_629], %get3A_657 : memref<128x56xf32, #tpu.memory_space<vmem>>[vector<16xi32>, vector<16xi32>], vector<16xf32>,
    %get3A_658 = arith.constant 2 : i32
    %get3A_659 = arith.index_cast %get3A_658 : i32 to index
    %get3A_660 = arith.constant 112 : index
    %get3A_661 = tpu.vector_load %arg6[%get3A_659, %get3A_660] {strides = array<i32>} : memref<50x128xf32, #tpu.memory_space<vmem>>, vector<16xf32>,
    tpu.vector_store_idx %arg7[%add3A_532, %broadcast_in_dim3A_629], %get3A_661 : memref<128x56xf32, #tpu.memory_space<vmem>>[vector<16xi32>, vector<16xi32>], vector<16xf32>,
    %dma_wait3A_662 = arith.constant 3 : i32
    %dma_wait3A_663 = arith.constant 3 : i32
    %dma_wait3A_664 = arith.constant 0 : i32
    %dma_wait3A_665 = tpu.memref_slice %arg6[%dma_wait3A_663, %dma_wait3A_664] : memref<50x128xf32, #tpu.memory_space<vmem>> -> memref<1x128xf32, #tpu.memory_space<vmem>>
    %dma_wait3A_666 = tpu.memref_squeeze %dma_wait3A_665 : memref<1x128xf32, #tpu.memory_space<vmem>> -> memref<128xf32, #tpu.memory_space<vmem>>
    %dma_wait3A_667 = arith.constant 0 : i32
    %dma_wait3A_668 = tpu.memref_slice %arg3[%dma_wait3A_662, %dma_wait3A_667] : memref<50x100000xf32, #tpu.memory_space<hbm>> -> memref<1x100000xf32, #tpu.memory_space<hbm>>
    %dma_wait3A_669 = tpu.memref_squeeze %dma_wait3A_668 : memref<1x100000xf32, #tpu.memory_space<hbm>> -> memref<100000xf32, #tpu.memory_space<hbm>>
    %dma_wait3A_670 = arith.constant 0 : i32
    %dma_wait3A_671 = tpu.memref_slice %dma_wait3A_669[%dma_wait3A_670] : memref<100000xf32, #tpu.memory_space<hbm>> -> memref<100000xf32, #tpu.memory_space<hbm>>
    tpu.wait_indirect_dma semaphore(%arg8 : memref<!tpu.dma_semaphore, #tpu.memory_space<semaphore_mem>>) src(%dma_wait3A_671 : memref<100000xf32, #tpu.memory_space<hbm>>) dst(%dma_wait3A_666 : memref<128xf32, #tpu.memory_space<vmem>>)
    %broadcast_in_dim3A_672 = arith.constant 3 : i32
    %broadcast_in_dim3A_673 = vector.broadcast %broadcast_in_dim3A_672 : i32 to vector<16xi32>
    %get3A_674 = arith.constant 3 : i32
    %get3A_675 = arith.index_cast %get3A_674 : i32 to index
    %get3A_676 = arith.constant 0 : index
    %get3A_677 = tpu.vector_load %arg6[%get3A_675, %get3A_676] {strides = array<i32>} : memref<50x128xf32, #tpu.memory_space<vmem>>, vector<16xf32>,
    tpu.vector_store_idx %arg7[%add3A_504, %broadcast_in_dim3A_673], %get3A_677 : memref<128x56xf32, #tpu.memory_space<vmem>>[vector<16xi32>, vector<16xi32>], vector<16xf32>,
    %get3A_678 = arith.constant 3 : i32
    %get3A_679 = arith.index_cast %get3A_678 : i32 to index
    %get3A_680 = arith.constant 16 : index
    %get3A_681 = tpu.vector_load %arg6[%get3A_679, %get3A_680] {strides = array<i32>} : memref<50x128xf32, #tpu.memory_space<vmem>>, vector<16xf32>,
    tpu.vector_store_idx %arg7[%add3A_508, %broadcast_in_dim3A_673], %get3A_681 : memref<128x56xf32, #tpu.memory_space<vmem>>[vector<16xi32>, vector<16xi32>], vector<16xf32>,
    %get3A_682 = arith.constant 3 : i32
    %get3A_683 = arith.index_cast %get3A_682 : i32 to index
    %get3A_684 = arith.constant 32 : index
    %get3A_685 = tpu.vector_load %arg6[%get3A_683, %get3A_684] {strides = array<i32>} : memref<50x128xf32, #tpu.memory_space<vmem>>, vector<16xf32>,
    tpu.vector_store_idx %arg7[%add3A_512, %broadcast_in_dim3A_673], %get3A_685 : memref<128x56xf32, #tpu.memory_space<vmem>>[vector<16xi32>, vector<16xi32>], vector<16xf32>,
    %get3A_686 = arith.constant 3 : i32
    %get3A_687 = arith.index_cast %get3A_686 : i32 to index
    %get3A_688 = arith.constant 48 : index
    %get3A_689 = tpu.vector_load %arg6[%get3A_687, %get3A_688] {strides = array<i32>} : memref<50x128xf32, #tpu.memory_space<vmem>>, vector<16xf32>,
    tpu.vector_store_idx %arg7[%add3A_516, %broadcast_in_dim3A_673], %get3A_689 : memref<128x56xf32, #tpu.memory_space<vmem>>[vector<16xi32>, vector<16xi32>], vector<16xf32>,
    %get3A_690 = arith.constant 3 : i32
    %get3A_691 = arith.index_cast %get3A_690 : i32 to index
    %get3A_692 = arith.constant 64 : index
    %get3A_693 = tpu.vector_load %arg6[%get3A_691, %get3A_692] {strides = array<i32>} : memref<50x128xf32, #tpu.memory_space<vmem>>, vector<16xf32>,
    tpu.vector_store_idx %arg7[%add3A_520, %broadcast_in_dim3A_673], %get3A_693 : memref<128x56xf32, #tpu.memory_space<vmem>>[vector<16xi32>, vector<16xi32>], vector<16xf32>,
    %get3A_694 = arith.constant 3 : i32
    %get3A_695 = arith.index_cast %get3A_694 : i32 to index
    %get3A_696 = arith.constant 80 : index
    %get3A_697 = tpu.vector_load %arg6[%get3A_695, %get3A_696] {strides = array<i32>} : memref<50x128xf32, #tpu.memory_space<vmem>>, vector<16xf32>,
    tpu.vector_store_idx %arg7[%add3A_524, %broadcast_in_dim3A_673], %get3A_697 : memref<128x56xf32, #tpu.memory_space<vmem>>[vector<16xi32>, vector<16xi32>], vector<16xf32>,
    %get3A_698 = arith.constant 3 : i32
    %get3A_699 = arith.index_cast %get3A_698 : i32 to index
    %get3A_700 = arith.constant 96 : index
    %get3A_701 = tpu.vector_load %arg6[%get3A_699, %get3A_700] {strides = array<i32>} : memref<50x128xf32, #tpu.memory_space<vmem>>, vector<16xf32>,
    tpu.vector_store_idx %arg7[%add3A_528, %broadcast_in_dim3A_673], %get3A_701 : memref<128x56xf32, #tpu.memory_space<vmem>>[vector<16xi32>, vector<16xi32>], vector<16xf32>,
    %get3A_702 = arith.constant 3 : i32
    %get3A_703 = arith.index_cast %get3A_702 : i32 to index
    %get3A_704 = arith.constant 112 : index
    %get3A_705 = tpu.vector_load %arg6[%get3A_703, %get3A_704] {strides = array<i32>} : memref<50x128xf32, #tpu.memory_space<vmem>>, vector<16xf32>,
    tpu.vector_store_idx %arg7[%add3A_532, %broadcast_in_dim3A_673], %get3A_705 : memref<128x56xf32, #tpu.memory_space<vmem>>[vector<16xi32>, vector<16xi32>], vector<16xf32>,
    %dma_wait3A_706 = arith.constant 4 : i32
    %dma_wait3A_707 = arith.constant 4 : i32
    %dma_wait3A_708 = arith.constant 0 : i32
    %dma_wait3A_709 = tpu.memref_slice %arg6[%dma_wait3A_707, %dma_wait3A_708] : memref<50x128xf32, #tpu.memory_space<vmem>> -> memref<1x128xf32, #tpu.memory_space<vmem>>
    %dma_wait3A_710 = tpu.memref_squeeze %dma_wait3A_709 : memref<1x128xf32, #tpu.memory_space<vmem>> -> memref<128xf32, #tpu.memory_space<vmem>>
    %dma_wait3A_711 = arith.constant 0 : i32
    %dma_wait3A_712 = tpu.memref_slice %arg3[%dma_wait3A_706, %dma_wait3A_711] : memref<50x100000xf32, #tpu.memory_space<hbm>> -> memref<1x100000xf32, #tpu.memory_space<hbm>>
    %dma_wait3A_713 = tpu.memref_squeeze %dma_wait3A_712 : memref<1x100000xf32, #tpu.memory_space<hbm>> -> memref<100000xf32, #tpu.memory_space<hbm>>
    %dma_wait3A_714 = arith.constant 0 : i32
    %dma_wait3A_715 = tpu.memref_slice %dma_wait3A_713[%dma_wait3A_714] : memref<100000xf32, #tpu.memory_space<hbm>> -> memref<100000xf32, #tpu.memory_space<hbm>>
    tpu.wait_indirect_dma semaphore(%arg8 : memref<!tpu.dma_semaphore, #tpu.memory_space<semaphore_mem>>) src(%dma_wait3A_715 : memref<100000xf32, #tpu.memory_space<hbm>>) dst(%dma_wait3A_710 : memref<128xf32, #tpu.memory_space<vmem>>)
    %broadcast_in_dim3A_716 = arith.constant 4 : i32
    %broadcast_in_dim3A_717 = vector.broadcast %broadcast_in_dim3A_716 : i32 to vector<16xi32>
    %get3A_718 = arith.constant 4 : i32
    %get3A_719 = arith.index_cast %get3A_718 : i32 to index
    %get3A_720 = arith.constant 0 : index
    %get3A_721 = tpu.vector_load %arg6[%get3A_719, %get3A_720] {strides = array<i32>} : memref<50x128xf32, #tpu.memory_space<vmem>>, vector<16xf32>,
    tpu.vector_store_idx %arg7[%add3A_504, %broadcast_in_dim3A_717], %get3A_721 : memref<128x56xf32, #tpu.memory_space<vmem>>[vector<16xi32>, vector<16xi32>], vector<16xf32>,
    %get3A_722 = arith.constant 4 : i32
    %get3A_723 = arith.index_cast %get3A_722 : i32 to index
    %get3A_724 = arith.constant 16 : index
    %get3A_725 = tpu.vector_load %arg6[%get3A_723, %get3A_724] {strides = array<i32>} : memref<50x128xf32, #tpu.memory_space<vmem>>, vector<16xf32>,
    tpu.vector_store_idx %arg7[%add3A_508, %broadcast_in_dim3A_717], %get3A_725 : memref<128x56xf32, #tpu.memory_space<vmem>>[vector<16xi32>, vector<16xi32>], vector<16xf32>,
    %get3A_726 = arith.constant 4 : i32
    %get3A_727 = arith.index_cast %get3A_726 : i32 to index
    %get3A_728 = arith.constant 32 : index
    %get3A_729 = tpu.vector_load %arg6[%get3A_727, %get3A_728] {strides = array<i32>} : memref<50x128xf32, #tpu.memory_space<vmem>>, vector<16xf32>,
    tpu.vector_store_idx %arg7[%add3A_512, %broadcast_in_dim3A_717], %get3A_729 : memref<128x56xf32, #tpu.memory_space<vmem>>[vector<16xi32>, vector<16xi32>], vector<16xf32>,
    %get3A_730 = arith.constant 4 : i32
    %get3A_731 = arith.index_cast %get3A_730 : i32 to index
    %get3A_732 = arith.constant 48 : index
    %get3A_733 = tpu.vector_load %arg6[%get3A_731, %get3A_732] {strides = array<i32>} : memref<50x128xf32, #tpu.memory_space<vmem>>, vector<16xf32>,
    tpu.vector_store_idx %arg7[%add3A_516, %broadcast_in_dim3A_717], %get3A_733 : memref<128x56xf32, #tpu.memory_space<vmem>>[vector<16xi32>, vector<16xi32>], vector<16xf32>,
    %get3A_734 = arith.constant 4 : i32
    %get3A_735 = arith.index_cast %get3A_734 : i32 to index
    %get3A_736 = arith.constant 64 : index
    %get3A_737 = tpu.vector_load %arg6[%get3A_735, %get3A_736] {strides = array<i32>} : memref<50x128xf32, #tpu.memory_space<vmem>>, vector<16xf32>,
    tpu.vector_store_idx %arg7[%add3A_520, %broadcast_in_dim3A_717], %get3A_737 : memref<128x56xf32, #tpu.memory_space<vmem>>[vector<16xi32>, vector<16xi32>], vector<16xf32>,
    %get3A_738 = arith.constant 4 : i32
    %get3A_739 = arith.index_cast %get3A_738 : i32 to index
    %get3A_740 = arith.constant 80 : index
    %get3A_741 = tpu.vector_load %arg6[%get3A_739, %get3A_740] {strides = array<i32>} : memref<50x128xf32, #tpu.memory_space<vmem>>, vector<16xf32>,
    tpu.vector_store_idx %arg7[%add3A_524, %broadcast_in_dim3A_717], %get3A_741 : memref<128x56xf32, #tpu.memory_space<vmem>>[vector<16xi32>, vector<16xi32>], vector<16xf32>,
    %get3A_742 = arith.constant 4 : i32
    %get3A_743 = arith.index_cast %get3A_742 : i32 to index
    %get3A_744 = arith.constant 96 : index
    %get3A_745 = tpu.vector_load %arg6[%get3A_743, %get3A_744] {strides = array<i32>} : memref<50x128xf32, #tpu.memory_space<vmem>>, vector<16xf32>,
    tpu.vector_store_idx %arg7[%add3A_528, %broadcast_in_dim3A_717], %get3A_745 : memref<128x56xf32, #tpu.memory_space<vmem>>[vector<16xi32>, vector<16xi32>], vector<16xf32>,
    %get3A_746 = arith.constant 4 : i32
    %get3A_747 = arith.index_cast %get3A_746 : i32 to index
    %get3A_748 = arith.constant 112 : index
    %get3A_749 = tpu.vector_load %arg6[%get3A_747, %get3A_748] {strides = array<i32>} : memref<50x128xf32, #tpu.memory_space<vmem>>, vector<16xf32>,
    tpu.vector_store_idx %arg7[%add3A_532, %broadcast_in_dim3A_717], %get3A_749 : memref<128x56xf32, #tpu.memory_space<vmem>>[vector<16xi32>, vector<16xi32>], vector<16xf32>,
    %dma_wait3A_750 = arith.constant 5 : i32
    %dma_wait3A_751 = arith.constant 5 : i32
    %dma_wait3A_752 = arith.constant 0 : i32
    %dma_wait3A_753 = tpu.memref_slice %arg6[%dma_wait3A_751, %dma_wait3A_752] : memref<50x128xf32, #tpu.memory_space<vmem>> -> memref<1x128xf32, #tpu.memory_space<vmem>>
    %dma_wait3A_754 = tpu.memref_squeeze %dma_wait3A_753 : memref<1x128xf32, #tpu.memory_space<vmem>> -> memref<128xf32, #tpu.memory_space<vmem>>
    %dma_wait3A_755 = arith.constant 0 : i32
    %dma_wait3A_756 = tpu.memref_slice %arg3[%dma_wait3A_750, %dma_wait3A_755] : memref<50x100000xf32, #tpu.memory_space<hbm>> -> memref<1x100000xf32, #tpu.memory_space<hbm>>
    %dma_wait3A_757 = tpu.memref_squeeze %dma_wait3A_756 : memref<1x100000xf32, #tpu.memory_space<hbm>> -> memref<100000xf32, #tpu.memory_space<hbm>>
    %dma_wait3A_758 = arith.constant 0 : i32
    %dma_wait3A_759 = tpu.memref_slice %dma_wait3A_757[%dma_wait3A_758] : memref<100000xf32, #tpu.memory_space<hbm>> -> memref<100000xf32, #tpu.memory_space<hbm>>
    tpu.wait_indirect_dma semaphore(%arg8 : memref<!tpu.dma_semaphore, #tpu.memory_space<semaphore_mem>>) src(%dma_wait3A_759 : memref<100000xf32, #tpu.memory_space<hbm>>) dst(%dma_wait3A_754 : memref<128xf32, #tpu.memory_space<vmem>>)
    %broadcast_in_dim3A_760 = arith.constant 5 : i32
    %broadcast_in_dim3A_761 = vector.broadcast %broadcast_in_dim3A_760 : i32 to vector<16xi32>
    %get3A_762 = arith.constant 5 : i32
    %get3A_763 = arith.index_cast %get3A_762 : i32 to index
    %get3A_764 = arith.constant 0 : index
    %get3A_765 = tpu.vector_load %arg6[%get3A_763, %get3A_764] {strides = array<i32>} : memref<50x128xf32, #tpu.memory_space<vmem>>, vector<16xf32>,
    tpu.vector_store_idx %arg7[%add3A_504, %broadcast_in_dim3A_761], %get3A_765 : memref<128x56xf32, #tpu.memory_space<vmem>>[vector<16xi32>, vector<16xi32>], vector<16xf32>,
    %get3A_766 = arith.constant 5 : i32
    %get3A_767 = arith.index_cast %get3A_766 : i32 to index
    %get3A_768 = arith.constant 16 : index
    %get3A_769 = tpu.vector_load %arg6[%get3A_767, %get3A_768] {strides = array<i32>} : memref<50x128xf32, #tpu.memory_space<vmem>>, vector<16xf32>,
    tpu.vector_store_idx %arg7[%add3A_508, %broadcast_in_dim3A_761], %get3A_769 : memref<128x56xf32, #tpu.memory_space<vmem>>[vector<16xi32>, vector<16xi32>], vector<16xf32>,
    %get3A_770 = arith.constant 5 : i32
    %get3A_771 = arith.index_cast %get3A_770 : i32 to index
    %get3A_772 = arith.constant 32 : index
    %get3A_773 = tpu.vector_load %arg6[%get3A_771, %get3A_772] {strides = array<i32>} : memref<50x128xf32, #tpu.memory_space<vmem>>, vector<16xf32>,
    tpu.vector_store_idx %arg7[%add3A_512, %broadcast_in_dim3A_761], %get3A_773 : memref<128x56xf32, #tpu.memory_space<vmem>>[vector<16xi32>, vector<16xi32>], vector<16xf32>,
    %get3A_774 = arith.constant 5 : i32
    %get3A_775 = arith.index_cast %get3A_774 : i32 to index
    %get3A_776 = arith.constant 48 : index
    %get3A_777 = tpu.vector_load %arg6[%get3A_775, %get3A_776] {strides = array<i32>} : memref<50x128xf32, #tpu.memory_space<vmem>>, vector<16xf32>,
    tpu.vector_store_idx %arg7[%add3A_516, %broadcast_in_dim3A_761], %get3A_777 : memref<128x56xf32, #tpu.memory_space<vmem>>[vector<16xi32>, vector<16xi32>], vector<16xf32>,
    %get3A_778 = arith.constant 5 : i32
    %get3A_779 = arith.index_cast %get3A_778 : i32 to index
    %get3A_780 = arith.constant 64 : index
    %get3A_781 = tpu.vector_load %arg6[%get3A_779, %get3A_780] {strides = array<i32>} : memref<50x128xf32, #tpu.memory_space<vmem>>, vector<16xf32>,
    tpu.vector_store_idx %arg7[%add3A_520, %broadcast_in_dim3A_761], %get3A_781 : memref<128x56xf32, #tpu.memory_space<vmem>>[vector<16xi32>, vector<16xi32>], vector<16xf32>,
    %get3A_782 = arith.constant 5 : i32
    %get3A_783 = arith.index_cast %get3A_782 : i32 to index
    %get3A_784 = arith.constant 80 : index
    %get3A_785 = tpu.vector_load %arg6[%get3A_783, %get3A_784] {strides = array<i32>} : memref<50x128xf32, #tpu.memory_space<vmem>>, vector<16xf32>,
    tpu.vector_store_idx %arg7[%add3A_524, %broadcast_in_dim3A_761], %get3A_785 : memref<128x56xf32, #tpu.memory_space<vmem>>[vector<16xi32>, vector<16xi32>], vector<16xf32>,
    %get3A_786 = arith.constant 5 : i32
    %get3A_787 = arith.index_cast %get3A_786 : i32 to index
    %get3A_788 = arith.constant 96 : index
    %get3A_789 = tpu.vector_load %arg6[%get3A_787, %get3A_788] {strides = array<i32>} : memref<50x128xf32, #tpu.memory_space<vmem>>, vector<16xf32>,
    tpu.vector_store_idx %arg7[%add3A_528, %broadcast_in_dim3A_761], %get3A_789 : memref<128x56xf32, #tpu.memory_space<vmem>>[vector<16xi32>, vector<16xi32>], vector<16xf32>,
    %get3A_790 = arith.constant 5 : i32
    %get3A_791 = arith.index_cast %get3A_790 : i32 to index
    %get3A_792 = arith.constant 112 : index
    %get3A_793 = tpu.vector_load %arg6[%get3A_791, %get3A_792] {strides = array<i32>} : memref<50x128xf32, #tpu.memory_space<vmem>>, vector<16xf32>,
    tpu.vector_store_idx %arg7[%add3A_532, %broadcast_in_dim3A_761], %get3A_793 : memref<128x56xf32, #tpu.memory_space<vmem>>[vector<16xi32>, vector<16xi32>], vector<16xf32>,
    %dma_wait3A_794 = arith.constant 6 : i32
    %dma_wait3A_795 = arith.constant 6 : i32
    %dma_wait3A_796 = arith.constant 0 : i32
    %dma_wait3A_797 = tpu.memref_slice %arg6[%dma_wait3A_795, %dma_wait3A_796] : memref<50x128xf32, #tpu.memory_space<vmem>> -> memref<1x128xf32, #tpu.memory_space<vmem>>
    %dma_wait3A_798 = tpu.memref_squeeze %dma_wait3A_797 : memref<1x128xf32, #tpu.memory_space<vmem>> -> memref<128xf32, #tpu.memory_space<vmem>>
    %dma_wait3A_799 = arith.constant 0 : i32
    %dma_wait3A_800 = tpu.memref_slice %arg3[%dma_wait3A_794, %dma_wait3A_799] : memref<50x100000xf32, #tpu.memory_space<hbm>> -> memref<1x100000xf32, #tpu.memory_space<hbm>>
    %dma_wait3A_801 = tpu.memref_squeeze %dma_wait3A_800 : memref<1x100000xf32, #tpu.memory_space<hbm>> -> memref<100000xf32, #tpu.memory_space<hbm>>
    %dma_wait3A_802 = arith.constant 0 : i32
    %dma_wait3A_803 = tpu.memref_slice %dma_wait3A_801[%dma_wait3A_802] : memref<100000xf32, #tpu.memory_space<hbm>> -> memref<100000xf32, #tpu.memory_space<hbm>>
    tpu.wait_indirect_dma semaphore(%arg8 : memref<!tpu.dma_semaphore, #tpu.memory_space<semaphore_mem>>) src(%dma_wait3A_803 : memref<100000xf32, #tpu.memory_space<hbm>>) dst(%dma_wait3A_798 : memref<128xf32, #tpu.memory_space<vmem>>)
    %broadcast_in_dim3A_804 = arith.constant 6 : i32
    %broadcast_in_dim3A_805 = vector.broadcast %broadcast_in_dim3A_804 : i32 to vector<16xi32>
    %get3A_806 = arith.constant 6 : i32
    %get3A_807 = arith.index_cast %get3A_806 : i32 to index
    %get3A_808 = arith.constant 0 : index
    %get3A_809 = tpu.vector_load %arg6[%get3A_807, %get3A_808] {strides = array<i32>} : memref<50x128xf32, #tpu.memory_space<vmem>>, vector<16xf32>,
    tpu.vector_store_idx %arg7[%add3A_504, %broadcast_in_dim3A_805], %get3A_809 : memref<128x56xf32, #tpu.memory_space<vmem>>[vector<16xi32>, vector<16xi32>], vector<16xf32>,
    %get3A_810 = arith.constant 6 : i32
    %get3A_811 = arith.index_cast %get3A_810 : i32 to index
    %get3A_812 = arith.constant 16 : index
    %get3A_813 = tpu.vector_load %arg6[%get3A_811, %get3A_812] {strides = array<i32>} : memref<50x128xf32, #tpu.memory_space<vmem>>, vector<16xf32>,
    tpu.vector_store_idx %arg7[%add3A_508, %broadcast_in_dim3A_805], %get3A_813 : memref<128x56xf32, #tpu.memory_space<vmem>>[vector<16xi32>, vector<16xi32>], vector<16xf32>,
    %get3A_814 = arith.constant 6 : i32
    %get3A_815 = arith.index_cast %get3A_814 : i32 to index
    %get3A_816 = arith.constant 32 : index
    %get3A_817 = tpu.vector_load %arg6[%get3A_815, %get3A_816] {strides = array<i32>} : memref<50x128xf32, #tpu.memory_space<vmem>>, vector<16xf32>,
    tpu.vector_store_idx %arg7[%add3A_512, %broadcast_in_dim3A_805], %get3A_817 : memref<128x56xf32, #tpu.memory_space<vmem>>[vector<16xi32>, vector<16xi32>], vector<16xf32>,
    %get3A_818 = arith.constant 6 : i32
    %get3A_819 = arith.index_cast %get3A_818 : i32 to index
    %get3A_820 = arith.constant 48 : index
    %get3A_821 = tpu.vector_load %arg6[%get3A_819, %get3A_820] {strides = array<i32>} : memref<50x128xf32, #tpu.memory_space<vmem>>, vector<16xf32>,
    tpu.vector_store_idx %arg7[%add3A_516, %broadcast_in_dim3A_805], %get3A_821 : memref<128x56xf32, #tpu.memory_space<vmem>>[vector<16xi32>, vector<16xi32>], vector<16xf32>,
    %get3A_822 = arith.constant 6 : i32
    %get3A_823 = arith.index_cast %get3A_822 : i32 to index
    %get3A_824 = arith.constant 64 : index
    %get3A_825 = tpu.vector_load %arg6[%get3A_823, %get3A_824] {strides = array<i32>} : memref<50x128xf32, #tpu.memory_space<vmem>>, vector<16xf32>,
    tpu.vector_store_idx %arg7[%add3A_520, %broadcast_in_dim3A_805], %get3A_825 : memref<128x56xf32, #tpu.memory_space<vmem>>[vector<16xi32>, vector<16xi32>], vector<16xf32>,
    %get3A_826 = arith.constant 6 : i32
    %get3A_827 = arith.index_cast %get3A_826 : i32 to index
    %get3A_828 = arith.constant 80 : index
    %get3A_829 = tpu.vector_load %arg6[%get3A_827, %get3A_828] {strides = array<i32>} : memref<50x128xf32, #tpu.memory_space<vmem>>, vector<16xf32>,
    tpu.vector_store_idx %arg7[%add3A_524, %broadcast_in_dim3A_805], %get3A_829 : memref<128x56xf32, #tpu.memory_space<vmem>>[vector<16xi32>, vector<16xi32>], vector<16xf32>,
    %get3A_830 = arith.constant 6 : i32
    %get3A_831 = arith.index_cast %get3A_830 : i32 to index
    %get3A_832 = arith.constant 96 : index
    %get3A_833 = tpu.vector_load %arg6[%get3A_831, %get3A_832] {strides = array<i32>} : memref<50x128xf32, #tpu.memory_space<vmem>>, vector<16xf32>,
    tpu.vector_store_idx %arg7[%add3A_528, %broadcast_in_dim3A_805], %get3A_833 : memref<128x56xf32, #tpu.memory_space<vmem>>[vector<16xi32>, vector<16xi32>], vector<16xf32>,
    %get3A_834 = arith.constant 6 : i32
    %get3A_835 = arith.index_cast %get3A_834 : i32 to index
    %get3A_836 = arith.constant 112 : index
    %get3A_837 = tpu.vector_load %arg6[%get3A_835, %get3A_836] {strides = array<i32>} : memref<50x128xf32, #tpu.memory_space<vmem>>, vector<16xf32>,
    tpu.vector_store_idx %arg7[%add3A_532, %broadcast_in_dim3A_805], %get3A_837 : memref<128x56xf32, #tpu.memory_space<vmem>>[vector<16xi32>, vector<16xi32>], vector<16xf32>,
    %dma_wait3A_838 = arith.constant 7 : i32
    %dma_wait3A_839 = arith.constant 7 : i32
    %dma_wait3A_840 = arith.constant 0 : i32
    %dma_wait3A_841 = tpu.memref_slice %arg6[%dma_wait3A_839, %dma_wait3A_840] : memref<50x128xf32, #tpu.memory_space<vmem>> -> memref<1x128xf32, #tpu.memory_space<vmem>>
    %dma_wait3A_842 = tpu.memref_squeeze %dma_wait3A_841 : memref<1x128xf32, #tpu.memory_space<vmem>> -> memref<128xf32, #tpu.memory_space<vmem>>
    %dma_wait3A_843 = arith.constant 0 : i32
    %dma_wait3A_844 = tpu.memref_slice %arg3[%dma_wait3A_838, %dma_wait3A_843] : memref<50x100000xf32, #tpu.memory_space<hbm>> -> memref<1x100000xf32, #tpu.memory_space<hbm>>
    %dma_wait3A_845 = tpu.memref_squeeze %dma_wait3A_844 : memref<1x100000xf32, #tpu.memory_space<hbm>> -> memref<100000xf32, #tpu.memory_space<hbm>>
    %dma_wait3A_846 = arith.constant 0 : i32
    %dma_wait3A_847 = tpu.memref_slice %dma_wait3A_845[%dma_wait3A_846] : memref<100000xf32, #tpu.memory_space<hbm>> -> memref<100000xf32, #tpu.memory_space<hbm>>
    tpu.wait_indirect_dma semaphore(%arg8 : memref<!tpu.dma_semaphore, #tpu.memory_space<semaphore_mem>>) src(%dma_wait3A_847 : memref<100000xf32, #tpu.memory_space<hbm>>) dst(%dma_wait3A_842 : memref<128xf32, #tpu.memory_space<vmem>>)
    %broadcast_in_dim3A_848 = arith.constant 7 : i32
    %broadcast_in_dim3A_849 = vector.broadcast %broadcast_in_dim3A_848 : i32 to vector<16xi32>
    %get3A_850 = arith.constant 7 : i32
    %get3A_851 = arith.index_cast %get3A_850 : i32 to index
    %get3A_852 = arith.constant 0 : index
    %get3A_853 = tpu.vector_load %arg6[%get3A_851, %get3A_852] {strides = array<i32>} : memref<50x128xf32, #tpu.memory_space<vmem>>, vector<16xf32>,
    tpu.vector_store_idx %arg7[%add3A_504, %broadcast_in_dim3A_849], %get3A_853 : memref<128x56xf32, #tpu.memory_space<vmem>>[vector<16xi32>, vector<16xi32>], vector<16xf32>,
    %get3A_854 = arith.constant 7 : i32
    %get3A_855 = arith.index_cast %get3A_854 : i32 to index
    %get3A_856 = arith.constant 16 : index
    %get3A_857 = tpu.vector_load %arg6[%get3A_855, %get3A_856] {strides = array<i32>} : memref<50x128xf32, #tpu.memory_space<vmem>>, vector<16xf32>,
    tpu.vector_store_idx %arg7[%add3A_508, %broadcast_in_dim3A_849], %get3A_857 : memref<128x56xf32, #tpu.memory_space<vmem>>[vector<16xi32>, vector<16xi32>], vector<16xf32>,
    %get3A_858 = arith.constant 7 : i32
    %get3A_859 = arith.index_cast %get3A_858 : i32 to index
    %get3A_860 = arith.constant 32 : index
    %get3A_861 = tpu.vector_load %arg6[%get3A_859, %get3A_860] {strides = array<i32>} : memref<50x128xf32, #tpu.memory_space<vmem>>, vector<16xf32>,
    tpu.vector_store_idx %arg7[%add3A_512, %broadcast_in_dim3A_849], %get3A_861 : memref<128x56xf32, #tpu.memory_space<vmem>>[vector<16xi32>, vector<16xi32>], vector<16xf32>,
    %get3A_862 = arith.constant 7 : i32
    %get3A_863 = arith.index_cast %get3A_862 : i32 to index
    %get3A_864 = arith.constant 48 : index
    %get3A_865 = tpu.vector_load %arg6[%get3A_863, %get3A_864] {strides = array<i32>} : memref<50x128xf32, #tpu.memory_space<vmem>>, vector<16xf32>,
    tpu.vector_store_idx %arg7[%add3A_516, %broadcast_in_dim3A_849], %get3A_865 : memref<128x56xf32, #tpu.memory_space<vmem>>[vector<16xi32>, vector<16xi32>], vector<16xf32>,
    %get3A_866 = arith.constant 7 : i32
    %get3A_867 = arith.index_cast %get3A_866 : i32 to index
    %get3A_868 = arith.constant 64 : index
    %get3A_869 = tpu.vector_load %arg6[%get3A_867, %get3A_868] {strides = array<i32>} : memref<50x128xf32, #tpu.memory_space<vmem>>, vector<16xf32>,
    tpu.vector_store_idx %arg7[%add3A_520, %broadcast_in_dim3A_849], %get3A_869 : memref<128x56xf32, #tpu.memory_space<vmem>>[vector<16xi32>, vector<16xi32>], vector<16xf32>,
    %get3A_870 = arith.constant 7 : i32
    %get3A_871 = arith.index_cast %get3A_870 : i32 to index
    %get3A_872 = arith.constant 80 : index
    %get3A_873 = tpu.vector_load %arg6[%get3A_871, %get3A_872] {strides = array<i32>} : memref<50x128xf32, #tpu.memory_space<vmem>>, vector<16xf32>,
    tpu.vector_store_idx %arg7[%add3A_524, %broadcast_in_dim3A_849], %get3A_873 : memref<128x56xf32, #tpu.memory_space<vmem>>[vector<16xi32>, vector<16xi32>], vector<16xf32>,
    %get3A_874 = arith.constant 7 : i32
    %get3A_875 = arith.index_cast %get3A_874 : i32 to index
    %get3A_876 = arith.constant 96 : index
    %get3A_877 = tpu.vector_load %arg6[%get3A_875, %get3A_876] {strides = array<i32>} : memref<50x128xf32, #tpu.memory_space<vmem>>, vector<16xf32>,
    tpu.vector_store_idx %arg7[%add3A_528, %broadcast_in_dim3A_849], %get3A_877 : memref<128x56xf32, #tpu.memory_space<vmem>>[vector<16xi32>, vector<16xi32>], vector<16xf32>,
    %get3A_878 = arith.constant 7 : i32
    %get3A_879 = arith.index_cast %get3A_878 : i32 to index
    %get3A_880 = arith.constant 112 : index
    %get3A_881 = tpu.vector_load %arg6[%get3A_879, %get3A_880] {strides = array<i32>} : memref<50x128xf32, #tpu.memory_space<vmem>>, vector<16xf32>,
    tpu.vector_store_idx %arg7[%add3A_532, %broadcast_in_dim3A_849], %get3A_881 : memref<128x56xf32, #tpu.memory_space<vmem>>[vector<16xi32>, vector<16xi32>], vector<16xf32>,
    %dma_wait3A_882 = arith.constant 8 : i32
    %dma_wait3A_883 = arith.constant 8 : i32
    %dma_wait3A_884 = arith.constant 0 : i32
    %dma_wait3A_885 = tpu.memref_slice %arg6[%dma_wait3A_883, %dma_wait3A_884] : memref<50x128xf32, #tpu.memory_space<vmem>> -> memref<1x128xf32, #tpu.memory_space<vmem>>
    %dma_wait3A_886 = tpu.memref_squeeze %dma_wait3A_885 : memref<1x128xf32, #tpu.memory_space<vmem>> -> memref<128xf32, #tpu.memory_space<vmem>>
    %dma_wait3A_887 = arith.constant 0 : i32
    %dma_wait3A_888 = tpu.memref_slice %arg3[%dma_wait3A_882, %dma_wait3A_887] : memref<50x100000xf32, #tpu.memory_space<hbm>> -> memref<1x100000xf32, #tpu.memory_space<hbm>>
    %dma_wait3A_889 = tpu.memref_squeeze %dma_wait3A_888 : memref<1x100000xf32, #tpu.memory_space<hbm>> -> memref<100000xf32, #tpu.memory_space<hbm>>
    %dma_wait3A_890 = arith.constant 0 : i32
    %dma_wait3A_891 = tpu.memref_slice %dma_wait3A_889[%dma_wait3A_890] : memref<100000xf32, #tpu.memory_space<hbm>> -> memref<100000xf32, #tpu.memory_space<hbm>>
    tpu.wait_indirect_dma semaphore(%arg8 : memref<!tpu.dma_semaphore, #tpu.memory_space<semaphore_mem>>) src(%dma_wait3A_891 : memref<100000xf32, #tpu.memory_space<hbm>>) dst(%dma_wait3A_886 : memref<128xf32, #tpu.memory_space<vmem>>)
    %broadcast_in_dim3A_892 = arith.constant 8 : i32
    %broadcast_in_dim3A_893 = vector.broadcast %broadcast_in_dim3A_892 : i32 to vector<16xi32>
    %get3A_894 = arith.constant 8 : i32
    %get3A_895 = arith.index_cast %get3A_894 : i32 to index
    %get3A_896 = arith.constant 0 : index
    %get3A_897 = tpu.vector_load %arg6[%get3A_895, %get3A_896] {strides = array<i32>} : memref<50x128xf32, #tpu.memory_space<vmem>>, vector<16xf32>,
    tpu.vector_store_idx %arg7[%add3A_504, %broadcast_in_dim3A_893], %get3A_897 : memref<128x56xf32, #tpu.memory_space<vmem>>[vector<16xi32>, vector<16xi32>], vector<16xf32>,
    %get3A_898 = arith.constant 8 : i32
    %get3A_899 = arith.index_cast %get3A_898 : i32 to index
    %get3A_900 = arith.constant 16 : index
    %get3A_901 = tpu.vector_load %arg6[%get3A_899, %get3A_900] {strides = array<i32>} : memref<50x128xf32, #tpu.memory_space<vmem>>, vector<16xf32>,
    tpu.vector_store_idx %arg7[%add3A_508, %broadcast_in_dim3A_893], %get3A_901 : memref<128x56xf32, #tpu.memory_space<vmem>>[vector<16xi32>, vector<16xi32>], vector<16xf32>,
    %get3A_902 = arith.constant 8 : i32
    %get3A_903 = arith.index_cast %get3A_902 : i32 to index
    %get3A_904 = arith.constant 32 : index
    %get3A_905 = tpu.vector_load %arg6[%get3A_903, %get3A_904] {strides = array<i32>} : memref<50x128xf32, #tpu.memory_space<vmem>>, vector<16xf32>,
    tpu.vector_store_idx %arg7[%add3A_512, %broadcast_in_dim3A_893], %get3A_905 : memref<128x56xf32, #tpu.memory_space<vmem>>[vector<16xi32>, vector<16xi32>], vector<16xf32>,
    %get3A_906 = arith.constant 8 : i32
    %get3A_907 = arith.index_cast %get3A_906 : i32 to index
    %get3A_908 = arith.constant 48 : index
    %get3A_909 = tpu.vector_load %arg6[%get3A_907, %get3A_908] {strides = array<i32>} : memref<50x128xf32, #tpu.memory_space<vmem>>, vector<16xf32>,
    tpu.vector_store_idx %arg7[%add3A_516, %broadcast_in_dim3A_893], %get3A_909 : memref<128x56xf32, #tpu.memory_space<vmem>>[vector<16xi32>, vector<16xi32>], vector<16xf32>,
    %get3A_910 = arith.constant 8 : i32
    %get3A_911 = arith.index_cast %get3A_910 : i32 to index
    %get3A_912 = arith.constant 64 : index
    %get3A_913 = tpu.vector_load %arg6[%get3A_911, %get3A_912] {strides = array<i32>} : memref<50x128xf32, #tpu.memory_space<vmem>>, vector<16xf32>,
    tpu.vector_store_idx %arg7[%add3A_520, %broadcast_in_dim3A_893], %get3A_913 : memref<128x56xf32, #tpu.memory_space<vmem>>[vector<16xi32>, vector<16xi32>], vector<16xf32>,
    %get3A_914 = arith.constant 8 : i32
    %get3A_915 = arith.index_cast %get3A_914 : i32 to index
    %get3A_916 = arith.constant 80 : index
    %get3A_917 = tpu.vector_load %arg6[%get3A_915, %get3A_916] {strides = array<i32>} : memref<50x128xf32, #tpu.memory_space<vmem>>, vector<16xf32>,
    tpu.vector_store_idx %arg7[%add3A_524, %broadcast_in_dim3A_893], %get3A_917 : memref<128x56xf32, #tpu.memory_space<vmem>>[vector<16xi32>, vector<16xi32>], vector<16xf32>,
    %get3A_918 = arith.constant 8 : i32
    %get3A_919 = arith.index_cast %get3A_918 : i32 to index
    %get3A_920 = arith.constant 96 : index
    %get3A_921 = tpu.vector_load %arg6[%get3A_919, %get3A_920] {strides = array<i32>} : memref<50x128xf32, #tpu.memory_space<vmem>>, vector<16xf32>,
    tpu.vector_store_idx %arg7[%add3A_528, %broadcast_in_dim3A_893], %get3A_921 : memref<128x56xf32, #tpu.memory_space<vmem>>[vector<16xi32>, vector<16xi32>], vector<16xf32>,
    %get3A_922 = arith.constant 8 : i32
    %get3A_923 = arith.index_cast %get3A_922 : i32 to index
    %get3A_924 = arith.constant 112 : index
    %get3A_925 = tpu.vector_load %arg6[%get3A_923, %get3A_924] {strides = array<i32>} : memref<50x128xf32, #tpu.memory_space<vmem>>, vector<16xf32>,
    tpu.vector_store_idx %arg7[%add3A_532, %broadcast_in_dim3A_893], %get3A_925 : memref<128x56xf32, #tpu.memory_space<vmem>>[vector<16xi32>, vector<16xi32>], vector<16xf32>,
    %dma_wait3A_926 = arith.constant 9 : i32
    %dma_wait3A_927 = arith.constant 9 : i32
    %dma_wait3A_928 = arith.constant 0 : i32
    %dma_wait3A_929 = tpu.memref_slice %arg6[%dma_wait3A_927, %dma_wait3A_928] : memref<50x128xf32, #tpu.memory_space<vmem>> -> memref<1x128xf32, #tpu.memory_space<vmem>>
    %dma_wait3A_930 = tpu.memref_squeeze %dma_wait3A_929 : memref<1x128xf32, #tpu.memory_space<vmem>> -> memref<128xf32, #tpu.memory_space<vmem>>
    %dma_wait3A_931 = arith.constant 0 : i32
    %dma_wait3A_932 = tpu.memref_slice %arg3[%dma_wait3A_926, %dma_wait3A_931] : memref<50x100000xf32, #tpu.memory_space<hbm>> -> memref<1x100000xf32, #tpu.memory_space<hbm>>
    %dma_wait3A_933 = tpu.memref_squeeze %dma_wait3A_932 : memref<1x100000xf32, #tpu.memory_space<hbm>> -> memref<100000xf32, #tpu.memory_space<hbm>>
    %dma_wait3A_934 = arith.constant 0 : i32
    %dma_wait3A_935 = tpu.memref_slice %dma_wait3A_933[%dma_wait3A_934] : memref<100000xf32, #tpu.memory_space<hbm>> -> memref<100000xf32, #tpu.memory_space<hbm>>
    tpu.wait_indirect_dma semaphore(%arg8 : memref<!tpu.dma_semaphore, #tpu.memory_space<semaphore_mem>>) src(%dma_wait3A_935 : memref<100000xf32, #tpu.memory_space<hbm>>) dst(%dma_wait3A_930 : memref<128xf32, #tpu.memory_space<vmem>>)
    %broadcast_in_dim3A_936 = arith.constant 9 : i32
    %broadcast_in_dim3A_937 = vector.broadcast %broadcast_in_dim3A_936 : i32 to vector<16xi32>
    %get3A_938 = arith.constant 9 : i32
    %get3A_939 = arith.index_cast %get3A_938 : i32 to index
    %get3A_940 = arith.constant 0 : index
    %get3A_941 = tpu.vector_load %arg6[%get3A_939, %get3A_940] {strides = array<i32>} : memref<50x128xf32, #tpu.memory_space<vmem>>, vector<16xf32>,
    tpu.vector_store_idx %arg7[%add3A_504, %broadcast_in_dim3A_937], %get3A_941 : memref<128x56xf32, #tpu.memory_space<vmem>>[vector<16xi32>, vector<16xi32>], vector<16xf32>,
    %get3A_942 = arith.constant 9 : i32
    %get3A_943 = arith.index_cast %get3A_942 : i32 to index
    %get3A_944 = arith.constant 16 : index
    %get3A_945 = tpu.vector_load %arg6[%get3A_943, %get3A_944] {strides = array<i32>} : memref<50x128xf32, #tpu.memory_space<vmem>>, vector<16xf32>,
    tpu.vector_store_idx %arg7[%add3A_508, %broadcast_in_dim3A_937], %get3A_945 : memref<128x56xf32, #tpu.memory_space<vmem>>[vector<16xi32>, vector<16xi32>], vector<16xf32>,
    %get3A_946 = arith.constant 9 : i32
    %get3A_947 = arith.index_cast %get3A_946 : i32 to index
    %get3A_948 = arith.constant 32 : index
    %get3A_949 = tpu.vector_load %arg6[%get3A_947, %get3A_948] {strides = array<i32>} : memref<50x128xf32, #tpu.memory_space<vmem>>, vector<16xf32>,
    tpu.vector_store_idx %arg7[%add3A_512, %broadcast_in_dim3A_937], %get3A_949 : memref<128x56xf32, #tpu.memory_space<vmem>>[vector<16xi32>, vector<16xi32>], vector<16xf32>,
    %get3A_950 = arith.constant 9 : i32
    %get3A_951 = arith.index_cast %get3A_950 : i32 to index
    %get3A_952 = arith.constant 48 : index
    %get3A_953 = tpu.vector_load %arg6[%get3A_951, %get3A_952] {strides = array<i32>} : memref<50x128xf32, #tpu.memory_space<vmem>>, vector<16xf32>,
    tpu.vector_store_idx %arg7[%add3A_516, %broadcast_in_dim3A_937], %get3A_953 : memref<128x56xf32, #tpu.memory_space<vmem>>[vector<16xi32>, vector<16xi32>], vector<16xf32>,
    %get3A_954 = arith.constant 9 : i32
    %get3A_955 = arith.index_cast %get3A_954 : i32 to index
    %get3A_956 = arith.constant 64 : index
    %get3A_957 = tpu.vector_load %arg6[%get3A_955, %get3A_956] {strides = array<i32>} : memref<50x128xf32, #tpu.memory_space<vmem>>, vector<16xf32>,
    tpu.vector_store_idx %arg7[%add3A_520, %broadcast_in_dim3A_937], %get3A_957 : memref<128x56xf32, #tpu.memory_space<vmem>>[vector<16xi32>, vector<16xi32>], vector<16xf32>,
    %get3A_958 = arith.constant 9 : i32
    %get3A_959 = arith.index_cast %get3A_958 : i32 to index
    %get3A_960 = arith.constant 80 : index
    %get3A_961 = tpu.vector_load %arg6[%get3A_959, %get3A_960] {strides = array<i32>} : memref<50x128xf32, #tpu.memory_space<vmem>>, vector<16xf32>,
    tpu.vector_store_idx %arg7[%add3A_524, %broadcast_in_dim3A_937], %get3A_961 : memref<128x56xf32, #tpu.memory_space<vmem>>[vector<16xi32>, vector<16xi32>], vector<16xf32>,
    %get3A_962 = arith.constant 9 : i32
    %get3A_963 = arith.index_cast %get3A_962 : i32 to index
    %get3A_964 = arith.constant 96 : index
    %get3A_965 = tpu.vector_load %arg6[%get3A_963, %get3A_964] {strides = array<i32>} : memref<50x128xf32, #tpu.memory_space<vmem>>, vector<16xf32>,
    tpu.vector_store_idx %arg7[%add3A_528, %broadcast_in_dim3A_937], %get3A_965 : memref<128x56xf32, #tpu.memory_space<vmem>>[vector<16xi32>, vector<16xi32>], vector<16xf32>,
    %get3A_966 = arith.constant 9 : i32
    %get3A_967 = arith.index_cast %get3A_966 : i32 to index
    %get3A_968 = arith.constant 112 : index
    %get3A_969 = tpu.vector_load %arg6[%get3A_967, %get3A_968] {strides = array<i32>} : memref<50x128xf32, #tpu.memory_space<vmem>>, vector<16xf32>,
    tpu.vector_store_idx %arg7[%add3A_532, %broadcast_in_dim3A_937], %get3A_969 : memref<128x56xf32, #tpu.memory_space<vmem>>[vector<16xi32>, vector<16xi32>], vector<16xf32>,
    %dma_wait3A_970 = arith.constant 10 : i32
    %dma_wait3A_971 = arith.constant 10 : i32
    %dma_wait3A_972 = arith.constant 0 : i32
    %dma_wait3A_973 = tpu.memref_slice %arg6[%dma_wait3A_971, %dma_wait3A_972] : memref<50x128xf32, #tpu.memory_space<vmem>> -> memref<1x128xf32, #tpu.memory_space<vmem>>
    %dma_wait3A_974 = tpu.memref_squeeze %dma_wait3A_973 : memref<1x128xf32, #tpu.memory_space<vmem>> -> memref<128xf32, #tpu.memory_space<vmem>>
    %dma_wait3A_975 = arith.constant 0 : i32
    %dma_wait3A_976 = tpu.memref_slice %arg3[%dma_wait3A_970, %dma_wait3A_975] : memref<50x100000xf32, #tpu.memory_space<hbm>> -> memref<1x100000xf32, #tpu.memory_space<hbm>>
    %dma_wait3A_977 = tpu.memref_squeeze %dma_wait3A_976 : memref<1x100000xf32, #tpu.memory_space<hbm>> -> memref<100000xf32, #tpu.memory_space<hbm>>
    %dma_wait3A_978 = arith.constant 0 : i32
    %dma_wait3A_979 = tpu.memref_slice %dma_wait3A_977[%dma_wait3A_978] : memref<100000xf32, #tpu.memory_space<hbm>> -> memref<100000xf32, #tpu.memory_space<hbm>>
    tpu.wait_indirect_dma semaphore(%arg8 : memref<!tpu.dma_semaphore, #tpu.memory_space<semaphore_mem>>) src(%dma_wait3A_979 : memref<100000xf32, #tpu.memory_space<hbm>>) dst(%dma_wait3A_974 : memref<128xf32, #tpu.memory_space<vmem>>)
    %broadcast_in_dim3A_980 = arith.constant 10 : i32
    %broadcast_in_dim3A_981 = vector.broadcast %broadcast_in_dim3A_980 : i32 to vector<16xi32>
    %get3A_982 = arith.constant 10 : i32
    %get3A_983 = arith.index_cast %get3A_982 : i32 to index
    %get3A_984 = arith.constant 0 : index
    %get3A_985 = tpu.vector_load %arg6[%get3A_983, %get3A_984] {strides = array<i32>} : memref<50x128xf32, #tpu.memory_space<vmem>>, vector<16xf32>,
    tpu.vector_store_idx %arg7[%add3A_504, %broadcast_in_dim3A_981], %get3A_985 : memref<128x56xf32, #tpu.memory_space<vmem>>[vector<16xi32>, vector<16xi32>], vector<16xf32>,
    %get3A_986 = arith.constant 10 : i32
    %get3A_987 = arith.index_cast %get3A_986 : i32 to index
    %get3A_988 = arith.constant 16 : index
    %get3A_989 = tpu.vector_load %arg6[%get3A_987, %get3A_988] {strides = array<i32>} : memref<50x128xf32, #tpu.memory_space<vmem>>, vector<16xf32>,
    tpu.vector_store_idx %arg7[%add3A_508, %broadcast_in_dim3A_981], %get3A_989 : memref<128x56xf32, #tpu.memory_space<vmem>>[vector<16xi32>, vector<16xi32>], vector<16xf32>,
    %get3A_990 = arith.constant 10 : i32
    %get3A_991 = arith.index_cast %get3A_990 : i32 to index
    %get3A_992 = arith.constant 32 : index
    %get3A_993 = tpu.vector_load %arg6[%get3A_991, %get3A_992] {strides = array<i32>} : memref<50x128xf32, #tpu.memory_space<vmem>>, vector<16xf32>,
    tpu.vector_store_idx %arg7[%add3A_512, %broadcast_in_dim3A_981], %get3A_993 : memref<128x56xf32, #tpu.memory_space<vmem>>[vector<16xi32>, vector<16xi32>], vector<16xf32>,
    %get3A_994 = arith.constant 10 : i32
    %get3A_995 = arith.index_cast %get3A_994 : i32 to index
    %get3A_996 = arith.constant 48 : index
    %get3A_997 = tpu.vector_load %arg6[%get3A_995, %get3A_996] {strides = array<i32>} : memref<50x128xf32, #tpu.memory_space<vmem>>, vector<16xf32>,
    tpu.vector_store_idx %arg7[%add3A_516, %broadcast_in_dim3A_981], %get3A_997 : memref<128x56xf32, #tpu.memory_space<vmem>>[vector<16xi32>, vector<16xi32>], vector<16xf32>,
    %get3A_998 = arith.constant 10 : i32
    %get3A_999 = arith.index_cast %get3A_998 : i32 to index
    %get3A_1000 = arith.constant 64 : index
    %get3A_1001 = tpu.vector_load %arg6[%get3A_999, %get3A_1000] {strides = array<i32>} : memref<50x128xf32, #tpu.memory_space<vmem>>, vector<16xf32>,
    tpu.vector_store_idx %arg7[%add3A_520, %broadcast_in_dim3A_981], %get3A_1001 : memref<128x56xf32, #tpu.memory_space<vmem>>[vector<16xi32>, vector<16xi32>], vector<16xf32>,
    %get3A_1002 = arith.constant 10 : i32
    %get3A_1003 = arith.index_cast %get3A_1002 : i32 to index
    %get3A_1004 = arith.constant 80 : index
    %get3A_1005 = tpu.vector_load %arg6[%get3A_1003, %get3A_1004] {strides = array<i32>} : memref<50x128xf32, #tpu.memory_space<vmem>>, vector<16xf32>,
    tpu.vector_store_idx %arg7[%add3A_524, %broadcast_in_dim3A_981], %get3A_1005 : memref<128x56xf32, #tpu.memory_space<vmem>>[vector<16xi32>, vector<16xi32>], vector<16xf32>,
    %get3A_1006 = arith.constant 10 : i32
    %get3A_1007 = arith.index_cast %get3A_1006 : i32 to index
    %get3A_1008 = arith.constant 96 : index
    %get3A_1009 = tpu.vector_load %arg6[%get3A_1007, %get3A_1008] {strides = array<i32>} : memref<50x128xf32, #tpu.memory_space<vmem>>, vector<16xf32>,
    tpu.vector_store_idx %arg7[%add3A_528, %broadcast_in_dim3A_981], %get3A_1009 : memref<128x56xf32, #tpu.memory_space<vmem>>[vector<16xi32>, vector<16xi32>], vector<16xf32>,
    %get3A_1010 = arith.constant 10 : i32
    %get3A_1011 = arith.index_cast %get3A_1010 : i32 to index
    %get3A_1012 = arith.constant 112 : index
    %get3A_1013 = tpu.vector_load %arg6[%get3A_1011, %get3A_1012] {strides = array<i32>} : memref<50x128xf32, #tpu.memory_space<vmem>>, vector<16xf32>,
    tpu.vector_store_idx %arg7[%add3A_532, %broadcast_in_dim3A_981], %get3A_1013 : memref<128x56xf32, #tpu.memory_space<vmem>>[vector<16xi32>, vector<16xi32>], vector<16xf32>,
    %dma_wait3A_1014 = arith.constant 11 : i32
    %dma_wait3A_1015 = arith.constant 11 : i32
    %dma_wait3A_1016 = arith.constant 0 : i32
    %dma_wait3A_1017 = tpu.memref_slice %arg6[%dma_wait3A_1015, %dma_wait3A_1016] : memref<50x128xf32, #tpu.memory_space<vmem>> -> memref<1x128xf32, #tpu.memory_space<vmem>>
    %dma_wait3A_1018 = tpu.memref_squeeze %dma_wait3A_1017 : memref<1x128xf32, #tpu.memory_space<vmem>> -> memref<128xf32, #tpu.memory_space<vmem>>
    %dma_wait3A_1019 = arith.constant 0 : i32
    %dma_wait3A_1020 = tpu.memref_slice %arg3[%dma_wait3A_1014, %dma_wait3A_1019] : memref<50x100000xf32, #tpu.memory_space<hbm>> -> memref<1x100000xf32, #tpu.memory_space<hbm>>
    %dma_wait3A_1021 = tpu.memref_squeeze %dma_wait3A_1020 : memref<1x100000xf32, #tpu.memory_space<hbm>> -> memref<100000xf32, #tpu.memory_space<hbm>>
    %dma_wait3A_1022 = arith.constant 0 : i32
    %dma_wait3A_1023 = tpu.memref_slice %dma_wait3A_1021[%dma_wait3A_1022] : memref<100000xf32, #tpu.memory_space<hbm>> -> memref<100000xf32, #tpu.memory_space<hbm>>
    tpu.wait_indirect_dma semaphore(%arg8 : memref<!tpu.dma_semaphore, #tpu.memory_space<semaphore_mem>>) src(%dma_wait3A_1023 : memref<100000xf32, #tpu.memory_space<hbm>>) dst(%dma_wait3A_1018 : memref<128xf32, #tpu.memory_space<vmem>>)
    %broadcast_in_dim3A_1024 = arith.constant 11 : i32
    %broadcast_in_dim3A_1025 = vector.broadcast %broadcast_in_dim3A_1024 : i32 to vector<16xi32>
    %get3A_1026 = arith.constant 11 : i32
    %get3A_1027 = arith.index_cast %get3A_1026 : i32 to index
    %get3A_1028 = arith.constant 0 : index
    %get3A_1029 = tpu.vector_load %arg6[%get3A_1027, %get3A_1028] {strides = array<i32>} : memref<50x128xf32, #tpu.memory_space<vmem>>, vector<16xf32>,
    tpu.vector_store_idx %arg7[%add3A_504, %broadcast_in_dim3A_1025], %get3A_1029 : memref<128x56xf32, #tpu.memory_space<vmem>>[vector<16xi32>, vector<16xi32>], vector<16xf32>,
    %get3A_1030 = arith.constant 11 : i32
    %get3A_1031 = arith.index_cast %get3A_1030 : i32 to index
    %get3A_1032 = arith.constant 16 : index
    %get3A_1033 = tpu.vector_load %arg6[%get3A_1031, %get3A_1032] {strides = array<i32>} : memref<50x128xf32, #tpu.memory_space<vmem>>, vector<16xf32>,
    tpu.vector_store_idx %arg7[%add3A_508, %broadcast_in_dim3A_1025], %get3A_1033 : memref<128x56xf32, #tpu.memory_space<vmem>>[vector<16xi32>, vector<16xi32>], vector<16xf32>,
    %get3A_1034 = arith.constant 11 : i32
    %get3A_1035 = arith.index_cast %get3A_1034 : i32 to index
    %get3A_1036 = arith.constant 32 : index
    %get3A_1037 = tpu.vector_load %arg6[%get3A_1035, %get3A_1036] {strides = array<i32>} : memref<50x128xf32, #tpu.memory_space<vmem>>, vector<16xf32>,
    tpu.vector_store_idx %arg7[%add3A_512, %broadcast_in_dim3A_1025], %get3A_1037 : memref<128x56xf32, #tpu.memory_space<vmem>>[vector<16xi32>, vector<16xi32>], vector<16xf32>,
    %get3A_1038 = arith.constant 11 : i32
    %get3A_1039 = arith.index_cast %get3A_1038 : i32 to index
    %get3A_1040 = arith.constant 48 : index
    %get3A_1041 = tpu.vector_load %arg6[%get3A_1039, %get3A_1040] {strides = array<i32>} : memref<50x128xf32, #tpu.memory_space<vmem>>, vector<16xf32>,
    tpu.vector_store_idx %arg7[%add3A_516, %broadcast_in_dim3A_1025], %get3A_1041 : memref<128x56xf32, #tpu.memory_space<vmem>>[vector<16xi32>, vector<16xi32>], vector<16xf32>,
    %get3A_1042 = arith.constant 11 : i32
    %get3A_1043 = arith.index_cast %get3A_1042 : i32 to index
    %get3A_1044 = arith.constant 64 : index
    %get3A_1045 = tpu.vector_load %arg6[%get3A_1043, %get3A_1044] {strides = array<i32>} : memref<50x128xf32, #tpu.memory_space<vmem>>, vector<16xf32>,
    tpu.vector_store_idx %arg7[%add3A_520, %broadcast_in_dim3A_1025], %get3A_1045 : memref<128x56xf32, #tpu.memory_space<vmem>>[vector<16xi32>, vector<16xi32>], vector<16xf32>,
    %get3A_1046 = arith.constant 11 : i32
    %get3A_1047 = arith.index_cast %get3A_1046 : i32 to index
    %get3A_1048 = arith.constant 80 : index
    %get3A_1049 = tpu.vector_load %arg6[%get3A_1047, %get3A_1048] {strides = array<i32>} : memref<50x128xf32, #tpu.memory_space<vmem>>, vector<16xf32>,
    tpu.vector_store_idx %arg7[%add3A_524, %broadcast_in_dim3A_1025], %get3A_1049 : memref<128x56xf32, #tpu.memory_space<vmem>>[vector<16xi32>, vector<16xi32>], vector<16xf32>,
    %get3A_1050 = arith.constant 11 : i32
    %get3A_1051 = arith.index_cast %get3A_1050 : i32 to index
    %get3A_1052 = arith.constant 96 : index
    %get3A_1053 = tpu.vector_load %arg6[%get3A_1051, %get3A_1052] {strides = array<i32>} : memref<50x128xf32, #tpu.memory_space<vmem>>, vector<16xf32>,
    tpu.vector_store_idx %arg7[%add3A_528, %broadcast_in_dim3A_1025], %get3A_1053 : memref<128x56xf32, #tpu.memory_space<vmem>>[vector<16xi32>, vector<16xi32>], vector<16xf32>,
    %get3A_1054 = arith.constant 11 : i32
    %get3A_1055 = arith.index_cast %get3A_1054 : i32 to index
    %get3A_1056 = arith.constant 112 : index
    %get3A_1057 = tpu.vector_load %arg6[%get3A_1055, %get3A_1056] {strides = array<i32>} : memref<50x128xf32, #tpu.memory_space<vmem>>, vector<16xf32>,
    tpu.vector_store_idx %arg7[%add3A_532, %broadcast_in_dim3A_1025], %get3A_1057 : memref<128x56xf32, #tpu.memory_space<vmem>>[vector<16xi32>, vector<16xi32>], vector<16xf32>,
    %dma_wait3A_1058 = arith.constant 12 : i32
    %dma_wait3A_1059 = arith.constant 12 : i32
    %dma_wait3A_1060 = arith.constant 0 : i32
    %dma_wait3A_1061 = tpu.memref_slice %arg6[%dma_wait3A_1059, %dma_wait3A_1060] : memref<50x128xf32, #tpu.memory_space<vmem>> -> memref<1x128xf32, #tpu.memory_space<vmem>>
    %dma_wait3A_1062 = tpu.memref_squeeze %dma_wait3A_1061 : memref<1x128xf32, #tpu.memory_space<vmem>> -> memref<128xf32, #tpu.memory_space<vmem>>
    %dma_wait3A_1063 = arith.constant 0 : i32
    %dma_wait3A_1064 = tpu.memref_slice %arg3[%dma_wait3A_1058, %dma_wait3A_1063] : memref<50x100000xf32, #tpu.memory_space<hbm>> -> memref<1x100000xf32, #tpu.memory_space<hbm>>
    %dma_wait3A_1065 = tpu.memref_squeeze %dma_wait3A_1064 : memref<1x100000xf32, #tpu.memory_space<hbm>> -> memref<100000xf32, #tpu.memory_space<hbm>>
    %dma_wait3A_1066 = arith.constant 0 : i32
    %dma_wait3A_1067 = tpu.memref_slice %dma_wait3A_1065[%dma_wait3A_1066] : memref<100000xf32, #tpu.memory_space<hbm>> -> memref<100000xf32, #tpu.memory_space<hbm>>
    tpu.wait_indirect_dma semaphore(%arg8 : memref<!tpu.dma_semaphore, #tpu.memory_space<semaphore_mem>>) src(%dma_wait3A_1067 : memref<100000xf32, #tpu.memory_space<hbm>>) dst(%dma_wait3A_1062 : memref<128xf32, #tpu.memory_space<vmem>>)
    %broadcast_in_dim3A_1068 = arith.constant 12 : i32
    %broadcast_in_dim3A_1069 = vector.broadcast %broadcast_in_dim3A_1068 : i32 to vector<16xi32>
    %get3A_1070 = arith.constant 12 : i32
    %get3A_1071 = arith.index_cast %get3A_1070 : i32 to index
    %get3A_1072 = arith.constant 0 : index
    %get3A_1073 = tpu.vector_load %arg6[%get3A_1071, %get3A_1072] {strides = array<i32>} : memref<50x128xf32, #tpu.memory_space<vmem>>, vector<16xf32>,
    tpu.vector_store_idx %arg7[%add3A_504, %broadcast_in_dim3A_1069], %get3A_1073 : memref<128x56xf32, #tpu.memory_space<vmem>>[vector<16xi32>, vector<16xi32>], vector<16xf32>,
    %get3A_1074 = arith.constant 12 : i32
    %get3A_1075 = arith.index_cast %get3A_1074 : i32 to index
    %get3A_1076 = arith.constant 16 : index
    %get3A_1077 = tpu.vector_load %arg6[%get3A_1075, %get3A_1076] {strides = array<i32>} : memref<50x128xf32, #tpu.memory_space<vmem>>, vector<16xf32>,
    tpu.vector_store_idx %arg7[%add3A_508, %broadcast_in_dim3A_1069], %get3A_1077 : memref<128x56xf32, #tpu.memory_space<vmem>>[vector<16xi32>, vector<16xi32>], vector<16xf32>,
    %get3A_1078 = arith.constant 12 : i32
    %get3A_1079 = arith.index_cast %get3A_1078 : i32 to index
    %get3A_1080 = arith.constant 32 : index
    %get3A_1081 = tpu.vector_load %arg6[%get3A_1079, %get3A_1080] {strides = array<i32>} : memref<50x128xf32, #tpu.memory_space<vmem>>, vector<16xf32>,
    tpu.vector_store_idx %arg7[%add3A_512, %broadcast_in_dim3A_1069], %get3A_1081 : memref<128x56xf32, #tpu.memory_space<vmem>>[vector<16xi32>, vector<16xi32>], vector<16xf32>,
    %get3A_1082 = arith.constant 12 : i32
    %get3A_1083 = arith.index_cast %get3A_1082 : i32 to index
    %get3A_1084 = arith.constant 48 : index
    %get3A_1085 = tpu.vector_load %arg6[%get3A_1083, %get3A_1084] {strides = array<i32>} : memref<50x128xf32, #tpu.memory_space<vmem>>, vector<16xf32>,
    tpu.vector_store_idx %arg7[%add3A_516, %broadcast_in_dim3A_1069], %get3A_1085 : memref<128x56xf32, #tpu.memory_space<vmem>>[vector<16xi32>, vector<16xi32>], vector<16xf32>,
    %get3A_1086 = arith.constant 12 : i32
    %get3A_1087 = arith.index_cast %get3A_1086 : i32 to index
    %get3A_1088 = arith.constant 64 : index
    %get3A_1089 = tpu.vector_load %arg6[%get3A_1087, %get3A_1088] {strides = array<i32>} : memref<50x128xf32, #tpu.memory_space<vmem>>, vector<16xf32>,
    tpu.vector_store_idx %arg7[%add3A_520, %broadcast_in_dim3A_1069], %get3A_1089 : memref<128x56xf32, #tpu.memory_space<vmem>>[vector<16xi32>, vector<16xi32>], vector<16xf32>,
    %get3A_1090 = arith.constant 12 : i32
    %get3A_1091 = arith.index_cast %get3A_1090 : i32 to index
    %get3A_1092 = arith.constant 80 : index
    %get3A_1093 = tpu.vector_load %arg6[%get3A_1091, %get3A_1092] {strides = array<i32>} : memref<50x128xf32, #tpu.memory_space<vmem>>, vector<16xf32>,
    tpu.vector_store_idx %arg7[%add3A_524, %broadcast_in_dim3A_1069], %get3A_1093 : memref<128x56xf32, #tpu.memory_space<vmem>>[vector<16xi32>, vector<16xi32>], vector<16xf32>,
    %get3A_1094 = arith.constant 12 : i32
    %get3A_1095 = arith.index_cast %get3A_1094 : i32 to index
    %get3A_1096 = arith.constant 96 : index
    %get3A_1097 = tpu.vector_load %arg6[%get3A_1095, %get3A_1096] {strides = array<i32>} : memref<50x128xf32, #tpu.memory_space<vmem>>, vector<16xf32>,
    tpu.vector_store_idx %arg7[%add3A_528, %broadcast_in_dim3A_1069], %get3A_1097 : memref<128x56xf32, #tpu.memory_space<vmem>>[vector<16xi32>, vector<16xi32>], vector<16xf32>,
    %get3A_1098 = arith.constant 12 : i32
    %get3A_1099 = arith.index_cast %get3A_1098 : i32 to index
    %get3A_1100 = arith.constant 112 : index
    %get3A_1101 = tpu.vector_load %arg6[%get3A_1099, %get3A_1100] {strides = array<i32>} : memref<50x128xf32, #tpu.memory_space<vmem>>, vector<16xf32>,
    tpu.vector_store_idx %arg7[%add3A_532, %broadcast_in_dim3A_1069], %get3A_1101 : memref<128x56xf32, #tpu.memory_space<vmem>>[vector<16xi32>, vector<16xi32>], vector<16xf32>,
    %dma_wait3A_1102 = arith.constant 13 : i32
    %dma_wait3A_1103 = arith.constant 13 : i32
    %dma_wait3A_1104 = arith.constant 0 : i32
    %dma_wait3A_1105 = tpu.memref_slice %arg6[%dma_wait3A_1103, %dma_wait3A_1104] : memref<50x128xf32, #tpu.memory_space<vmem>> -> memref<1x128xf32, #tpu.memory_space<vmem>>
    %dma_wait3A_1106 = tpu.memref_squeeze %dma_wait3A_1105 : memref<1x128xf32, #tpu.memory_space<vmem>> -> memref<128xf32, #tpu.memory_space<vmem>>
    %dma_wait3A_1107 = arith.constant 0 : i32
    %dma_wait3A_1108 = tpu.memref_slice %arg3[%dma_wait3A_1102, %dma_wait3A_1107] : memref<50x100000xf32, #tpu.memory_space<hbm>> -> memref<1x100000xf32, #tpu.memory_space<hbm>>
    %dma_wait3A_1109 = tpu.memref_squeeze %dma_wait3A_1108 : memref<1x100000xf32, #tpu.memory_space<hbm>> -> memref<100000xf32, #tpu.memory_space<hbm>>
    %dma_wait3A_1110 = arith.constant 0 : i32
    %dma_wait3A_1111 = tpu.memref_slice %dma_wait3A_1109[%dma_wait3A_1110] : memref<100000xf32, #tpu.memory_space<hbm>> -> memref<100000xf32, #tpu.memory_space<hbm>>
    tpu.wait_indirect_dma semaphore(%arg8 : memref<!tpu.dma_semaphore, #tpu.memory_space<semaphore_mem>>) src(%dma_wait3A_1111 : memref<100000xf32, #tpu.memory_space<hbm>>) dst(%dma_wait3A_1106 : memref<128xf32, #tpu.memory_space<vmem>>)
    %broadcast_in_dim3A_1112 = arith.constant 13 : i32
    %broadcast_in_dim3A_1113 = vector.broadcast %broadcast_in_dim3A_1112 : i32 to vector<16xi32>
    %get3A_1114 = arith.constant 13 : i32
    %get3A_1115 = arith.index_cast %get3A_1114 : i32 to index
    %get3A_1116 = arith.constant 0 : index
    %get3A_1117 = tpu.vector_load %arg6[%get3A_1115, %get3A_1116] {strides = array<i32>} : memref<50x128xf32, #tpu.memory_space<vmem>>, vector<16xf32>,
    tpu.vector_store_idx %arg7[%add3A_504, %broadcast_in_dim3A_1113], %get3A_1117 : memref<128x56xf32, #tpu.memory_space<vmem>>[vector<16xi32>, vector<16xi32>], vector<16xf32>,
    %get3A_1118 = arith.constant 13 : i32
    %get3A_1119 = arith.index_cast %get3A_1118 : i32 to index
    %get3A_1120 = arith.constant 16 : index
    %get3A_1121 = tpu.vector_load %arg6[%get3A_1119, %get3A_1120] {strides = array<i32>} : memref<50x128xf32, #tpu.memory_space<vmem>>, vector<16xf32>,
    tpu.vector_store_idx %arg7[%add3A_508, %broadcast_in_dim3A_1113], %get3A_1121 : memref<128x56xf32, #tpu.memory_space<vmem>>[vector<16xi32>, vector<16xi32>], vector<16xf32>,
    %get3A_1122 = arith.constant 13 : i32
    %get3A_1123 = arith.index_cast %get3A_1122 : i32 to index
    %get3A_1124 = arith.constant 32 : index
    %get3A_1125 = tpu.vector_load %arg6[%get3A_1123, %get3A_1124] {strides = array<i32>} : memref<50x128xf32, #tpu.memory_space<vmem>>, vector<16xf32>,
    tpu.vector_store_idx %arg7[%add3A_512, %broadcast_in_dim3A_1113], %get3A_1125 : memref<128x56xf32, #tpu.memory_space<vmem>>[vector<16xi32>, vector<16xi32>], vector<16xf32>,
    %get3A_1126 = arith.constant 13 : i32
    %get3A_1127 = arith.index_cast %get3A_1126 : i32 to index
    %get3A_1128 = arith.constant 48 : index
    %get3A_1129 = tpu.vector_load %arg6[%get3A_1127, %get3A_1128] {strides = array<i32>} : memref<50x128xf32, #tpu.memory_space<vmem>>, vector<16xf32>,
    tpu.vector_store_idx %arg7[%add3A_516, %broadcast_in_dim3A_1113], %get3A_1129 : memref<128x56xf32, #tpu.memory_space<vmem>>[vector<16xi32>, vector<16xi32>], vector<16xf32>,
    %get3A_1130 = arith.constant 13 : i32
    %get3A_1131 = arith.index_cast %get3A_1130 : i32 to index
    %get3A_1132 = arith.constant 64 : index
    %get3A_1133 = tpu.vector_load %arg6[%get3A_1131, %get3A_1132] {strides = array<i32>} : memref<50x128xf32, #tpu.memory_space<vmem>>, vector<16xf32>,
    tpu.vector_store_idx %arg7[%add3A_520, %broadcast_in_dim3A_1113], %get3A_1133 : memref<128x56xf32, #tpu.memory_space<vmem>>[vector<16xi32>, vector<16xi32>], vector<16xf32>,
    %get3A_1134 = arith.constant 13 : i32
    %get3A_1135 = arith.index_cast %get3A_1134 : i32 to index
    %get3A_1136 = arith.constant 80 : index
    %get3A_1137 = tpu.vector_load %arg6[%get3A_1135, %get3A_1136] {strides = array<i32>} : memref<50x128xf32, #tpu.memory_space<vmem>>, vector<16xf32>,
    tpu.vector_store_idx %arg7[%add3A_524, %broadcast_in_dim3A_1113], %get3A_1137 : memref<128x56xf32, #tpu.memory_space<vmem>>[vector<16xi32>, vector<16xi32>], vector<16xf32>,
    %get3A_1138 = arith.constant 13 : i32
    %get3A_1139 = arith.index_cast %get3A_1138 : i32 to index
    %get3A_1140 = arith.constant 96 : index
    %get3A_1141 = tpu.vector_load %arg6[%get3A_1139, %get3A_1140] {strides = array<i32>} : memref<50x128xf32, #tpu.memory_space<vmem>>, vector<16xf32>,
    tpu.vector_store_idx %arg7[%add3A_528, %broadcast_in_dim3A_1113], %get3A_1141 : memref<128x56xf32, #tpu.memory_space<vmem>>[vector<16xi32>, vector<16xi32>], vector<16xf32>,
    %get3A_1142 = arith.constant 13 : i32
    %get3A_1143 = arith.index_cast %get3A_1142 : i32 to index
    %get3A_1144 = arith.constant 112 : index
    %get3A_1145 = tpu.vector_load %arg6[%get3A_1143, %get3A_1144] {strides = array<i32>} : memref<50x128xf32, #tpu.memory_space<vmem>>, vector<16xf32>,
    tpu.vector_store_idx %arg7[%add3A_532, %broadcast_in_dim3A_1113], %get3A_1145 : memref<128x56xf32, #tpu.memory_space<vmem>>[vector<16xi32>, vector<16xi32>], vector<16xf32>,
    %dma_wait3A_1146 = arith.constant 14 : i32
    %dma_wait3A_1147 = arith.constant 14 : i32
    %dma_wait3A_1148 = arith.constant 0 : i32
    %dma_wait3A_1149 = tpu.memref_slice %arg6[%dma_wait3A_1147, %dma_wait3A_1148] : memref<50x128xf32, #tpu.memory_space<vmem>> -> memref<1x128xf32, #tpu.memory_space<vmem>>
    %dma_wait3A_1150 = tpu.memref_squeeze %dma_wait3A_1149 : memref<1x128xf32, #tpu.memory_space<vmem>> -> memref<128xf32, #tpu.memory_space<vmem>>
    %dma_wait3A_1151 = arith.constant 0 : i32
    %dma_wait3A_1152 = tpu.memref_slice %arg3[%dma_wait3A_1146, %dma_wait3A_1151] : memref<50x100000xf32, #tpu.memory_space<hbm>> -> memref<1x100000xf32, #tpu.memory_space<hbm>>
    %dma_wait3A_1153 = tpu.memref_squeeze %dma_wait3A_1152 : memref<1x100000xf32, #tpu.memory_space<hbm>> -> memref<100000xf32, #tpu.memory_space<hbm>>
    %dma_wait3A_1154 = arith.constant 0 : i32
    %dma_wait3A_1155 = tpu.memref_slice %dma_wait3A_1153[%dma_wait3A_1154] : memref<100000xf32, #tpu.memory_space<hbm>> -> memref<100000xf32, #tpu.memory_space<hbm>>
    tpu.wait_indirect_dma semaphore(%arg8 : memref<!tpu.dma_semaphore, #tpu.memory_space<semaphore_mem>>) src(%dma_wait3A_1155 : memref<100000xf32, #tpu.memory_space<hbm>>) dst(%dma_wait3A_1150 : memref<128xf32, #tpu.memory_space<vmem>>)
    %broadcast_in_dim3A_1156 = arith.constant 14 : i32
    %broadcast_in_dim3A_1157 = vector.broadcast %broadcast_in_dim3A_1156 : i32 to vector<16xi32>
    %get3A_1158 = arith.constant 14 : i32
    %get3A_1159 = arith.index_cast %get3A_1158 : i32 to index
    %get3A_1160 = arith.constant 0 : index
    %get3A_1161 = tpu.vector_load %arg6[%get3A_1159, %get3A_1160] {strides = array<i32>} : memref<50x128xf32, #tpu.memory_space<vmem>>, vector<16xf32>,
    tpu.vector_store_idx %arg7[%add3A_504, %broadcast_in_dim3A_1157], %get3A_1161 : memref<128x56xf32, #tpu.memory_space<vmem>>[vector<16xi32>, vector<16xi32>], vector<16xf32>,
    %get3A_1162 = arith.constant 14 : i32
    %get3A_1163 = arith.index_cast %get3A_1162 : i32 to index
    %get3A_1164 = arith.constant 16 : index
    %get3A_1165 = tpu.vector_load %arg6[%get3A_1163, %get3A_1164] {strides = array<i32>} : memref<50x128xf32, #tpu.memory_space<vmem>>, vector<16xf32>,
    tpu.vector_store_idx %arg7[%add3A_508, %broadcast_in_dim3A_1157], %get3A_1165 : memref<128x56xf32, #tpu.memory_space<vmem>>[vector<16xi32>, vector<16xi32>], vector<16xf32>,
    %get3A_1166 = arith.constant 14 : i32
    %get3A_1167 = arith.index_cast %get3A_1166 : i32 to index
    %get3A_1168 = arith.constant 32 : index
    %get3A_1169 = tpu.vector_load %arg6[%get3A_1167, %get3A_1168] {strides = array<i32>} : memref<50x128xf32, #tpu.memory_space<vmem>>, vector<16xf32>,
    tpu.vector_store_idx %arg7[%add3A_512, %broadcast_in_dim3A_1157], %get3A_1169 : memref<128x56xf32, #tpu.memory_space<vmem>>[vector<16xi32>, vector<16xi32>], vector<16xf32>,
    %get3A_1170 = arith.constant 14 : i32
    %get3A_1171 = arith.index_cast %get3A_1170 : i32 to index
    %get3A_1172 = arith.constant 48 : index
    %get3A_1173 = tpu.vector_load %arg6[%get3A_1171, %get3A_1172] {strides = array<i32>} : memref<50x128xf32, #tpu.memory_space<vmem>>, vector<16xf32>,
    tpu.vector_store_idx %arg7[%add3A_516, %broadcast_in_dim3A_1157], %get3A_1173 : memref<128x56xf32, #tpu.memory_space<vmem>>[vector<16xi32>, vector<16xi32>], vector<16xf32>,
    %get3A_1174 = arith.constant 14 : i32
    %get3A_1175 = arith.index_cast %get3A_1174 : i32 to index
    %get3A_1176 = arith.constant 64 : index
    %get3A_1177 = tpu.vector_load %arg6[%get3A_1175, %get3A_1176] {strides = array<i32>} : memref<50x128xf32, #tpu.memory_space<vmem>>, vector<16xf32>,
    tpu.vector_store_idx %arg7[%add3A_520, %broadcast_in_dim3A_1157], %get3A_1177 : memref<128x56xf32, #tpu.memory_space<vmem>>[vector<16xi32>, vector<16xi32>], vector<16xf32>,
    %get3A_1178 = arith.constant 14 : i32
    %get3A_1179 = arith.index_cast %get3A_1178 : i32 to index
    %get3A_1180 = arith.constant 80 : index
    %get3A_1181 = tpu.vector_load %arg6[%get3A_1179, %get3A_1180] {strides = array<i32>} : memref<50x128xf32, #tpu.memory_space<vmem>>, vector<16xf32>,
    tpu.vector_store_idx %arg7[%add3A_524, %broadcast_in_dim3A_1157], %get3A_1181 : memref<128x56xf32, #tpu.memory_space<vmem>>[vector<16xi32>, vector<16xi32>], vector<16xf32>,
    %get3A_1182 = arith.constant 14 : i32
    %get3A_1183 = arith.index_cast %get3A_1182 : i32 to index
    %get3A_1184 = arith.constant 96 : index
    %get3A_1185 = tpu.vector_load %arg6[%get3A_1183, %get3A_1184] {strides = array<i32>} : memref<50x128xf32, #tpu.memory_space<vmem>>, vector<16xf32>,
    tpu.vector_store_idx %arg7[%add3A_528, %broadcast_in_dim3A_1157], %get3A_1185 : memref<128x56xf32, #tpu.memory_space<vmem>>[vector<16xi32>, vector<16xi32>], vector<16xf32>,
    %get3A_1186 = arith.constant 14 : i32
    %get3A_1187 = arith.index_cast %get3A_1186 : i32 to index
    %get3A_1188 = arith.constant 112 : index
    %get3A_1189 = tpu.vector_load %arg6[%get3A_1187, %get3A_1188] {strides = array<i32>} : memref<50x128xf32, #tpu.memory_space<vmem>>, vector<16xf32>,
    tpu.vector_store_idx %arg7[%add3A_532, %broadcast_in_dim3A_1157], %get3A_1189 : memref<128x56xf32, #tpu.memory_space<vmem>>[vector<16xi32>, vector<16xi32>], vector<16xf32>,
    %dma_wait3A_1190 = arith.constant 15 : i32
    %dma_wait3A_1191 = arith.constant 15 : i32
    %dma_wait3A_1192 = arith.constant 0 : i32
    %dma_wait3A_1193 = tpu.memref_slice %arg6[%dma_wait3A_1191, %dma_wait3A_1192] : memref<50x128xf32, #tpu.memory_space<vmem>> -> memref<1x128xf32, #tpu.memory_space<vmem>>
    %dma_wait3A_1194 = tpu.memref_squeeze %dma_wait3A_1193 : memref<1x128xf32, #tpu.memory_space<vmem>> -> memref<128xf32, #tpu.memory_space<vmem>>
    %dma_wait3A_1195 = arith.constant 0 : i32
    %dma_wait3A_1196 = tpu.memref_slice %arg3[%dma_wait3A_1190, %dma_wait3A_1195] : memref<50x100000xf32, #tpu.memory_space<hbm>> -> memref<1x100000xf32, #tpu.memory_space<hbm>>
    %dma_wait3A_1197 = tpu.memref_squeeze %dma_wait3A_1196 : memref<1x100000xf32, #tpu.memory_space<hbm>> -> memref<100000xf32, #tpu.memory_space<hbm>>
    %dma_wait3A_1198 = arith.constant 0 : i32
    %dma_wait3A_1199 = tpu.memref_slice %dma_wait3A_1197[%dma_wait3A_1198] : memref<100000xf32, #tpu.memory_space<hbm>> -> memref<100000xf32, #tpu.memory_space<hbm>>
    tpu.wait_indirect_dma semaphore(%arg8 : memref<!tpu.dma_semaphore, #tpu.memory_space<semaphore_mem>>) src(%dma_wait3A_1199 : memref<100000xf32, #tpu.memory_space<hbm>>) dst(%dma_wait3A_1194 : memref<128xf32, #tpu.memory_space<vmem>>)
    %broadcast_in_dim3A_1200 = arith.constant 15 : i32
    %broadcast_in_dim3A_1201 = vector.broadcast %broadcast_in_dim3A_1200 : i32 to vector<16xi32>
    %get3A_1202 = arith.constant 15 : i32
    %get3A_1203 = arith.index_cast %get3A_1202 : i32 to index
    %get3A_1204 = arith.constant 0 : index
    %get3A_1205 = tpu.vector_load %arg6[%get3A_1203, %get3A_1204] {strides = array<i32>} : memref<50x128xf32, #tpu.memory_space<vmem>>, vector<16xf32>,
    tpu.vector_store_idx %arg7[%add3A_504, %broadcast_in_dim3A_1201], %get3A_1205 : memref<128x56xf32, #tpu.memory_space<vmem>>[vector<16xi32>, vector<16xi32>], vector<16xf32>,
    %get3A_1206 = arith.constant 15 : i32
    %get3A_1207 = arith.index_cast %get3A_1206 : i32 to index
    %get3A_1208 = arith.constant 16 : index
    %get3A_1209 = tpu.vector_load %arg6[%get3A_1207, %get3A_1208] {strides = array<i32>} : memref<50x128xf32, #tpu.memory_space<vmem>>, vector<16xf32>,
    tpu.vector_store_idx %arg7[%add3A_508, %broadcast_in_dim3A_1201], %get3A_1209 : memref<128x56xf32, #tpu.memory_space<vmem>>[vector<16xi32>, vector<16xi32>], vector<16xf32>,
    %get3A_1210 = arith.constant 15 : i32
    %get3A_1211 = arith.index_cast %get3A_1210 : i32 to index
    %get3A_1212 = arith.constant 32 : index
    %get3A_1213 = tpu.vector_load %arg6[%get3A_1211, %get3A_1212] {strides = array<i32>} : memref<50x128xf32, #tpu.memory_space<vmem>>, vector<16xf32>,
    tpu.vector_store_idx %arg7[%add3A_512, %broadcast_in_dim3A_1201], %get3A_1213 : memref<128x56xf32, #tpu.memory_space<vmem>>[vector<16xi32>, vector<16xi32>], vector<16xf32>,
    %get3A_1214 = arith.constant 15 : i32
    %get3A_1215 = arith.index_cast %get3A_1214 : i32 to index
    %get3A_1216 = arith.constant 48 : index
    %get3A_1217 = tpu.vector_load %arg6[%get3A_1215, %get3A_1216] {strides = array<i32>} : memref<50x128xf32, #tpu.memory_space<vmem>>, vector<16xf32>,
    tpu.vector_store_idx %arg7[%add3A_516, %broadcast_in_dim3A_1201], %get3A_1217 : memref<128x56xf32, #tpu.memory_space<vmem>>[vector<16xi32>, vector<16xi32>], vector<16xf32>,
    %get3A_1218 = arith.constant 15 : i32
    %get3A_1219 = arith.index_cast %get3A_1218 : i32 to index
    %get3A_1220 = arith.constant 64 : index
    %get3A_1221 = tpu.vector_load %arg6[%get3A_1219, %get3A_1220] {strides = array<i32>} : memref<50x128xf32, #tpu.memory_space<vmem>>, vector<16xf32>,
    tpu.vector_store_idx %arg7[%add3A_520, %broadcast_in_dim3A_1201], %get3A_1221 : memref<128x56xf32, #tpu.memory_space<vmem>>[vector<16xi32>, vector<16xi32>], vector<16xf32>,
    %get3A_1222 = arith.constant 15 : i32
    %get3A_1223 = arith.index_cast %get3A_1222 : i32 to index
    %get3A_1224 = arith.constant 80 : index
    %get3A_1225 = tpu.vector_load %arg6[%get3A_1223, %get3A_1224] {strides = array<i32>} : memref<50x128xf32, #tpu.memory_space<vmem>>, vector<16xf32>,
    tpu.vector_store_idx %arg7[%add3A_524, %broadcast_in_dim3A_1201], %get3A_1225 : memref<128x56xf32, #tpu.memory_space<vmem>>[vector<16xi32>, vector<16xi32>], vector<16xf32>,
    %get3A_1226 = arith.constant 15 : i32
    %get3A_1227 = arith.index_cast %get3A_1226 : i32 to index
    %get3A_1228 = arith.constant 96 : index
    %get3A_1229 = tpu.vector_load %arg6[%get3A_1227, %get3A_1228] {strides = array<i32>} : memref<50x128xf32, #tpu.memory_space<vmem>>, vector<16xf32>,
    tpu.vector_store_idx %arg7[%add3A_528, %broadcast_in_dim3A_1201], %get3A_1229 : memref<128x56xf32, #tpu.memory_space<vmem>>[vector<16xi32>, vector<16xi32>], vector<16xf32>,
    %get3A_1230 = arith.constant 15 : i32
    %get3A_1231 = arith.index_cast %get3A_1230 : i32 to index
    %get3A_1232 = arith.constant 112 : index
    %get3A_1233 = tpu.vector_load %arg6[%get3A_1231, %get3A_1232] {strides = array<i32>} : memref<50x128xf32, #tpu.memory_space<vmem>>, vector<16xf32>,
    tpu.vector_store_idx %arg7[%add3A_532, %broadcast_in_dim3A_1201], %get3A_1233 : memref<128x56xf32, #tpu.memory_space<vmem>>[vector<16xi32>, vector<16xi32>], vector<16xf32>,
    %dma_wait3A_1234 = arith.constant 16 : i32
    %dma_wait3A_1235 = arith.constant 16 : i32
    %dma_wait3A_1236 = arith.constant 0 : i32
    %dma_wait3A_1237 = tpu.memref_slice %arg6[%dma_wait3A_1235, %dma_wait3A_1236] : memref<50x128xf32, #tpu.memory_space<vmem>> -> memref<1x128xf32, #tpu.memory_space<vmem>>
    %dma_wait3A_1238 = tpu.memref_squeeze %dma_wait3A_1237 : memref<1x128xf32, #tpu.memory_space<vmem>> -> memref<128xf32, #tpu.memory_space<vmem>>
    %dma_wait3A_1239 = arith.constant 0 : i32
    %dma_wait3A_1240 = tpu.memref_slice %arg3[%dma_wait3A_1234, %dma_wait3A_1239] : memref<50x100000xf32, #tpu.memory_space<hbm>> -> memref<1x100000xf32, #tpu.memory_space<hbm>>
    %dma_wait3A_1241 = tpu.memref_squeeze %dma_wait3A_1240 : memref<1x100000xf32, #tpu.memory_space<hbm>> -> memref<100000xf32, #tpu.memory_space<hbm>>
    %dma_wait3A_1242 = arith.constant 0 : i32
    %dma_wait3A_1243 = tpu.memref_slice %dma_wait3A_1241[%dma_wait3A_1242] : memref<100000xf32, #tpu.memory_space<hbm>> -> memref<100000xf32, #tpu.memory_space<hbm>>
    tpu.wait_indirect_dma semaphore(%arg8 : memref<!tpu.dma_semaphore, #tpu.memory_space<semaphore_mem>>) src(%dma_wait3A_1243 : memref<100000xf32, #tpu.memory_space<hbm>>) dst(%dma_wait3A_1238 : memref<128xf32, #tpu.memory_space<vmem>>)
    %broadcast_in_dim3A_1244 = arith.constant 16 : i32
    %broadcast_in_dim3A_1245 = vector.broadcast %broadcast_in_dim3A_1244 : i32 to vector<16xi32>
    %get3A_1246 = arith.constant 16 : i32
    %get3A_1247 = arith.index_cast %get3A_1246 : i32 to index
    %get3A_1248 = arith.constant 0 : index
    %get3A_1249 = tpu.vector_load %arg6[%get3A_1247, %get3A_1248] {strides = array<i32>} : memref<50x128xf32, #tpu.memory_space<vmem>>, vector<16xf32>,
    tpu.vector_store_idx %arg7[%add3A_504, %broadcast_in_dim3A_1245], %get3A_1249 : memref<128x56xf32, #tpu.memory_space<vmem>>[vector<16xi32>, vector<16xi32>], vector<16xf32>,
    %get3A_1250 = arith.constant 16 : i32
    %get3A_1251 = arith.index_cast %get3A_1250 : i32 to index
    %get3A_1252 = arith.constant 16 : index
    %get3A_1253 = tpu.vector_load %arg6[%get3A_1251, %get3A_1252] {strides = array<i32>} : memref<50x128xf32, #tpu.memory_space<vmem>>, vector<16xf32>,
    tpu.vector_store_idx %arg7[%add3A_508, %broadcast_in_dim3A_1245], %get3A_1253 : memref<128x56xf32, #tpu.memory_space<vmem>>[vector<16xi32>, vector<16xi32>], vector<16xf32>,
    %get3A_1254 = arith.constant 16 : i32
    %get3A_1255 = arith.index_cast %get3A_1254 : i32 to index
    %get3A_1256 = arith.constant 32 : index
    %get3A_1257 = tpu.vector_load %arg6[%get3A_1255, %get3A_1256] {strides = array<i32>} : memref<50x128xf32, #tpu.memory_space<vmem>>, vector<16xf32>,
    tpu.vector_store_idx %arg7[%add3A_512, %broadcast_in_dim3A_1245], %get3A_1257 : memref<128x56xf32, #tpu.memory_space<vmem>>[vector<16xi32>, vector<16xi32>], vector<16xf32>,
    %get3A_1258 = arith.constant 16 : i32
    %get3A_1259 = arith.index_cast %get3A_1258 : i32 to index
    %get3A_1260 = arith.constant 48 : index
    %get3A_1261 = tpu.vector_load %arg6[%get3A_1259, %get3A_1260] {strides = array<i32>} : memref<50x128xf32, #tpu.memory_space<vmem>>, vector<16xf32>,
    tpu.vector_store_idx %arg7[%add3A_516, %broadcast_in_dim3A_1245], %get3A_1261 : memref<128x56xf32, #tpu.memory_space<vmem>>[vector<16xi32>, vector<16xi32>], vector<16xf32>,
    %get3A_1262 = arith.constant 16 : i32
    %get3A_1263 = arith.index_cast %get3A_1262 : i32 to index
    %get3A_1264 = arith.constant 64 : index
    %get3A_1265 = tpu.vector_load %arg6[%get3A_1263, %get3A_1264] {strides = array<i32>} : memref<50x128xf32, #tpu.memory_space<vmem>>, vector<16xf32>,
    tpu.vector_store_idx %arg7[%add3A_520, %broadcast_in_dim3A_1245], %get3A_1265 : memref<128x56xf32, #tpu.memory_space<vmem>>[vector<16xi32>, vector<16xi32>], vector<16xf32>,
    %get3A_1266 = arith.constant 16 : i32
    %get3A_1267 = arith.index_cast %get3A_1266 : i32 to index
    %get3A_1268 = arith.constant 80 : index
    %get3A_1269 = tpu.vector_load %arg6[%get3A_1267, %get3A_1268] {strides = array<i32>} : memref<50x128xf32, #tpu.memory_space<vmem>>, vector<16xf32>,
    tpu.vector_store_idx %arg7[%add3A_524, %broadcast_in_dim3A_1245], %get3A_1269 : memref<128x56xf32, #tpu.memory_space<vmem>>[vector<16xi32>, vector<16xi32>], vector<16xf32>,
    %get3A_1270 = arith.constant 16 : i32
    %get3A_1271 = arith.index_cast %get3A_1270 : i32 to index
    %get3A_1272 = arith.constant 96 : index
    %get3A_1273 = tpu.vector_load %arg6[%get3A_1271, %get3A_1272] {strides = array<i32>} : memref<50x128xf32, #tpu.memory_space<vmem>>, vector<16xf32>,
    tpu.vector_store_idx %arg7[%add3A_528, %broadcast_in_dim3A_1245], %get3A_1273 : memref<128x56xf32, #tpu.memory_space<vmem>>[vector<16xi32>, vector<16xi32>], vector<16xf32>,
    %get3A_1274 = arith.constant 16 : i32
    %get3A_1275 = arith.index_cast %get3A_1274 : i32 to index
    %get3A_1276 = arith.constant 112 : index
    %get3A_1277 = tpu.vector_load %arg6[%get3A_1275, %get3A_1276] {strides = array<i32>} : memref<50x128xf32, #tpu.memory_space<vmem>>, vector<16xf32>,
    tpu.vector_store_idx %arg7[%add3A_532, %broadcast_in_dim3A_1245], %get3A_1277 : memref<128x56xf32, #tpu.memory_space<vmem>>[vector<16xi32>, vector<16xi32>], vector<16xf32>,
    %dma_wait3A_1278 = arith.constant 17 : i32
    %dma_wait3A_1279 = arith.constant 17 : i32
    %dma_wait3A_1280 = arith.constant 0 : i32
    %dma_wait3A_1281 = tpu.memref_slice %arg6[%dma_wait3A_1279, %dma_wait3A_1280] : memref<50x128xf32, #tpu.memory_space<vmem>> -> memref<1x128xf32, #tpu.memory_space<vmem>>
    %dma_wait3A_1282 = tpu.memref_squeeze %dma_wait3A_1281 : memref<1x128xf32, #tpu.memory_space<vmem>> -> memref<128xf32, #tpu.memory_space<vmem>>
    %dma_wait3A_1283 = arith.constant 0 : i32
    %dma_wait3A_1284 = tpu.memref_slice %arg3[%dma_wait3A_1278, %dma_wait3A_1283] : memref<50x100000xf32, #tpu.memory_space<hbm>> -> memref<1x100000xf32, #tpu.memory_space<hbm>>
    %dma_wait3A_1285 = tpu.memref_squeeze %dma_wait3A_1284 : memref<1x100000xf32, #tpu.memory_space<hbm>> -> memref<100000xf32, #tpu.memory_space<hbm>>
    %dma_wait3A_1286 = arith.constant 0 : i32
    %dma_wait3A_1287 = tpu.memref_slice %dma_wait3A_1285[%dma_wait3A_1286] : memref<100000xf32, #tpu.memory_space<hbm>> -> memref<100000xf32, #tpu.memory_space<hbm>>
    tpu.wait_indirect_dma semaphore(%arg8 : memref<!tpu.dma_semaphore, #tpu.memory_space<semaphore_mem>>) src(%dma_wait3A_1287 : memref<100000xf32, #tpu.memory_space<hbm>>) dst(%dma_wait3A_1282 : memref<128xf32, #tpu.memory_space<vmem>>)
    %broadcast_in_dim3A_1288 = arith.constant 17 : i32
    %broadcast_in_dim3A_1289 = vector.broadcast %broadcast_in_dim3A_1288 : i32 to vector<16xi32>
    %get3A_1290 = arith.constant 17 : i32
    %get3A_1291 = arith.index_cast %get3A_1290 : i32 to index
    %get3A_1292 = arith.constant 0 : index
    %get3A_1293 = tpu.vector_load %arg6[%get3A_1291, %get3A_1292] {strides = array<i32>} : memref<50x128xf32, #tpu.memory_space<vmem>>, vector<16xf32>,
    tpu.vector_store_idx %arg7[%add3A_504, %broadcast_in_dim3A_1289], %get3A_1293 : memref<128x56xf32, #tpu.memory_space<vmem>>[vector<16xi32>, vector<16xi32>], vector<16xf32>,
    %get3A_1294 = arith.constant 17 : i32
    %get3A_1295 = arith.index_cast %get3A_1294 : i32 to index
    %get3A_1296 = arith.constant 16 : index
    %get3A_1297 = tpu.vector_load %arg6[%get3A_1295, %get3A_1296] {strides = array<i32>} : memref<50x128xf32, #tpu.memory_space<vmem>>, vector<16xf32>,
    tpu.vector_store_idx %arg7[%add3A_508, %broadcast_in_dim3A_1289], %get3A_1297 : memref<128x56xf32, #tpu.memory_space<vmem>>[vector<16xi32>, vector<16xi32>], vector<16xf32>,
    %get3A_1298 = arith.constant 17 : i32
    %get3A_1299 = arith.index_cast %get3A_1298 : i32 to index
    %get3A_1300 = arith.constant 32 : index
    %get3A_1301 = tpu.vector_load %arg6[%get3A_1299, %get3A_1300] {strides = array<i32>} : memref<50x128xf32, #tpu.memory_space<vmem>>, vector<16xf32>,
    tpu.vector_store_idx %arg7[%add3A_512, %broadcast_in_dim3A_1289], %get3A_1301 : memref<128x56xf32, #tpu.memory_space<vmem>>[vector<16xi32>, vector<16xi32>], vector<16xf32>,
    %get3A_1302 = arith.constant 17 : i32
    %get3A_1303 = arith.index_cast %get3A_1302 : i32 to index
    %get3A_1304 = arith.constant 48 : index
    %get3A_1305 = tpu.vector_load %arg6[%get3A_1303, %get3A_1304] {strides = array<i32>} : memref<50x128xf32, #tpu.memory_space<vmem>>, vector<16xf32>,
    tpu.vector_store_idx %arg7[%add3A_516, %broadcast_in_dim3A_1289], %get3A_1305 : memref<128x56xf32, #tpu.memory_space<vmem>>[vector<16xi32>, vector<16xi32>], vector<16xf32>,
    %get3A_1306 = arith.constant 17 : i32
    %get3A_1307 = arith.index_cast %get3A_1306 : i32 to index
    %get3A_1308 = arith.constant 64 : index
    %get3A_1309 = tpu.vector_load %arg6[%get3A_1307, %get3A_1308] {strides = array<i32>} : memref<50x128xf32, #tpu.memory_space<vmem>>, vector<16xf32>,
    tpu.vector_store_idx %arg7[%add3A_520, %broadcast_in_dim3A_1289], %get3A_1309 : memref<128x56xf32, #tpu.memory_space<vmem>>[vector<16xi32>, vector<16xi32>], vector<16xf32>,
    %get3A_1310 = arith.constant 17 : i32
    %get3A_1311 = arith.index_cast %get3A_1310 : i32 to index
    %get3A_1312 = arith.constant 80 : index
    %get3A_1313 = tpu.vector_load %arg6[%get3A_1311, %get3A_1312] {strides = array<i32>} : memref<50x128xf32, #tpu.memory_space<vmem>>, vector<16xf32>,
    tpu.vector_store_idx %arg7[%add3A_524, %broadcast_in_dim3A_1289], %get3A_1313 : memref<128x56xf32, #tpu.memory_space<vmem>>[vector<16xi32>, vector<16xi32>], vector<16xf32>,
    %get3A_1314 = arith.constant 17 : i32
    %get3A_1315 = arith.index_cast %get3A_1314 : i32 to index
    %get3A_1316 = arith.constant 96 : index
    %get3A_1317 = tpu.vector_load %arg6[%get3A_1315, %get3A_1316] {strides = array<i32>} : memref<50x128xf32, #tpu.memory_space<vmem>>, vector<16xf32>,
    tpu.vector_store_idx %arg7[%add3A_528, %broadcast_in_dim3A_1289], %get3A_1317 : memref<128x56xf32, #tpu.memory_space<vmem>>[vector<16xi32>, vector<16xi32>], vector<16xf32>,
    %get3A_1318 = arith.constant 17 : i32
    %get3A_1319 = arith.index_cast %get3A_1318 : i32 to index
    %get3A_1320 = arith.constant 112 : index
    %get3A_1321 = tpu.vector_load %arg6[%get3A_1319, %get3A_1320] {strides = array<i32>} : memref<50x128xf32, #tpu.memory_space<vmem>>, vector<16xf32>,
    tpu.vector_store_idx %arg7[%add3A_532, %broadcast_in_dim3A_1289], %get3A_1321 : memref<128x56xf32, #tpu.memory_space<vmem>>[vector<16xi32>, vector<16xi32>], vector<16xf32>,
    %dma_wait3A_1322 = arith.constant 18 : i32
    %dma_wait3A_1323 = arith.constant 18 : i32
    %dma_wait3A_1324 = arith.constant 0 : i32
    %dma_wait3A_1325 = tpu.memref_slice %arg6[%dma_wait3A_1323, %dma_wait3A_1324] : memref<50x128xf32, #tpu.memory_space<vmem>> -> memref<1x128xf32, #tpu.memory_space<vmem>>
    %dma_wait3A_1326 = tpu.memref_squeeze %dma_wait3A_1325 : memref<1x128xf32, #tpu.memory_space<vmem>> -> memref<128xf32, #tpu.memory_space<vmem>>
    %dma_wait3A_1327 = arith.constant 0 : i32
    %dma_wait3A_1328 = tpu.memref_slice %arg3[%dma_wait3A_1322, %dma_wait3A_1327] : memref<50x100000xf32, #tpu.memory_space<hbm>> -> memref<1x100000xf32, #tpu.memory_space<hbm>>
    %dma_wait3A_1329 = tpu.memref_squeeze %dma_wait3A_1328 : memref<1x100000xf32, #tpu.memory_space<hbm>> -> memref<100000xf32, #tpu.memory_space<hbm>>
    %dma_wait3A_1330 = arith.constant 0 : i32
    %dma_wait3A_1331 = tpu.memref_slice %dma_wait3A_1329[%dma_wait3A_1330] : memref<100000xf32, #tpu.memory_space<hbm>> -> memref<100000xf32, #tpu.memory_space<hbm>>
    tpu.wait_indirect_dma semaphore(%arg8 : memref<!tpu.dma_semaphore, #tpu.memory_space<semaphore_mem>>) src(%dma_wait3A_1331 : memref<100000xf32, #tpu.memory_space<hbm>>) dst(%dma_wait3A_1326 : memref<128xf32, #tpu.memory_space<vmem>>)
    %broadcast_in_dim3A_1332 = arith.constant 18 : i32
    %broadcast_in_dim3A_1333 = vector.broadcast %broadcast_in_dim3A_1332 : i32 to vector<16xi32>
    %get3A_1334 = arith.constant 18 : i32
    %get3A_1335 = arith.index_cast %get3A_1334 : i32 to index
    %get3A_1336 = arith.constant 0 : index
    %get3A_1337 = tpu.vector_load %arg6[%get3A_1335, %get3A_1336] {strides = array<i32>} : memref<50x128xf32, #tpu.memory_space<vmem>>, vector<16xf32>,
    tpu.vector_store_idx %arg7[%add3A_504, %broadcast_in_dim3A_1333], %get3A_1337 : memref<128x56xf32, #tpu.memory_space<vmem>>[vector<16xi32>, vector<16xi32>], vector<16xf32>,
    %get3A_1338 = arith.constant 18 : i32
    %get3A_1339 = arith.index_cast %get3A_1338 : i32 to index
    %get3A_1340 = arith.constant 16 : index
    %get3A_1341 = tpu.vector_load %arg6[%get3A_1339, %get3A_1340] {strides = array<i32>} : memref<50x128xf32, #tpu.memory_space<vmem>>, vector<16xf32>,
    tpu.vector_store_idx %arg7[%add3A_508, %broadcast_in_dim3A_1333], %get3A_1341 : memref<128x56xf32, #tpu.memory_space<vmem>>[vector<16xi32>, vector<16xi32>], vector<16xf32>,
    %get3A_1342 = arith.constant 18 : i32
    %get3A_1343 = arith.index_cast %get3A_1342 : i32 to index
    %get3A_1344 = arith.constant 32 : index
    %get3A_1345 = tpu.vector_load %arg6[%get3A_1343, %get3A_1344] {strides = array<i32>} : memref<50x128xf32, #tpu.memory_space<vmem>>, vector<16xf32>,
    tpu.vector_store_idx %arg7[%add3A_512, %broadcast_in_dim3A_1333], %get3A_1345 : memref<128x56xf32, #tpu.memory_space<vmem>>[vector<16xi32>, vector<16xi32>], vector<16xf32>,
    %get3A_1346 = arith.constant 18 : i32
    %get3A_1347 = arith.index_cast %get3A_1346 : i32 to index
    %get3A_1348 = arith.constant 48 : index
    %get3A_1349 = tpu.vector_load %arg6[%get3A_1347, %get3A_1348] {strides = array<i32>} : memref<50x128xf32, #tpu.memory_space<vmem>>, vector<16xf32>,
    tpu.vector_store_idx %arg7[%add3A_516, %broadcast_in_dim3A_1333], %get3A_1349 : memref<128x56xf32, #tpu.memory_space<vmem>>[vector<16xi32>, vector<16xi32>], vector<16xf32>,
    %get3A_1350 = arith.constant 18 : i32
    %get3A_1351 = arith.index_cast %get3A_1350 : i32 to index
    %get3A_1352 = arith.constant 64 : index
    %get3A_1353 = tpu.vector_load %arg6[%get3A_1351, %get3A_1352] {strides = array<i32>} : memref<50x128xf32, #tpu.memory_space<vmem>>, vector<16xf32>,
    tpu.vector_store_idx %arg7[%add3A_520, %broadcast_in_dim3A_1333], %get3A_1353 : memref<128x56xf32, #tpu.memory_space<vmem>>[vector<16xi32>, vector<16xi32>], vector<16xf32>,
    %get3A_1354 = arith.constant 18 : i32
    %get3A_1355 = arith.index_cast %get3A_1354 : i32 to index
    %get3A_1356 = arith.constant 80 : index
    %get3A_1357 = tpu.vector_load %arg6[%get3A_1355, %get3A_1356] {strides = array<i32>} : memref<50x128xf32, #tpu.memory_space<vmem>>, vector<16xf32>,
    tpu.vector_store_idx %arg7[%add3A_524, %broadcast_in_dim3A_1333], %get3A_1357 : memref<128x56xf32, #tpu.memory_space<vmem>>[vector<16xi32>, vector<16xi32>], vector<16xf32>,
    %get3A_1358 = arith.constant 18 : i32
    %get3A_1359 = arith.index_cast %get3A_1358 : i32 to index
    %get3A_1360 = arith.constant 96 : index
    %get3A_1361 = tpu.vector_load %arg6[%get3A_1359, %get3A_1360] {strides = array<i32>} : memref<50x128xf32, #tpu.memory_space<vmem>>, vector<16xf32>,
    tpu.vector_store_idx %arg7[%add3A_528, %broadcast_in_dim3A_1333], %get3A_1361 : memref<128x56xf32, #tpu.memory_space<vmem>>[vector<16xi32>, vector<16xi32>], vector<16xf32>,
    %get3A_1362 = arith.constant 18 : i32
    %get3A_1363 = arith.index_cast %get3A_1362 : i32 to index
    %get3A_1364 = arith.constant 112 : index
    %get3A_1365 = tpu.vector_load %arg6[%get3A_1363, %get3A_1364] {strides = array<i32>} : memref<50x128xf32, #tpu.memory_space<vmem>>, vector<16xf32>,
    tpu.vector_store_idx %arg7[%add3A_532, %broadcast_in_dim3A_1333], %get3A_1365 : memref<128x56xf32, #tpu.memory_space<vmem>>[vector<16xi32>, vector<16xi32>], vector<16xf32>,
    %dma_wait3A_1366 = arith.constant 19 : i32
    %dma_wait3A_1367 = arith.constant 19 : i32
    %dma_wait3A_1368 = arith.constant 0 : i32
    %dma_wait3A_1369 = tpu.memref_slice %arg6[%dma_wait3A_1367, %dma_wait3A_1368] : memref<50x128xf32, #tpu.memory_space<vmem>> -> memref<1x128xf32, #tpu.memory_space<vmem>>
    %dma_wait3A_1370 = tpu.memref_squeeze %dma_wait3A_1369 : memref<1x128xf32, #tpu.memory_space<vmem>> -> memref<128xf32, #tpu.memory_space<vmem>>
    %dma_wait3A_1371 = arith.constant 0 : i32
    %dma_wait3A_1372 = tpu.memref_slice %arg3[%dma_wait3A_1366, %dma_wait3A_1371] : memref<50x100000xf32, #tpu.memory_space<hbm>> -> memref<1x100000xf32, #tpu.memory_space<hbm>>
    %dma_wait3A_1373 = tpu.memref_squeeze %dma_wait3A_1372 : memref<1x100000xf32, #tpu.memory_space<hbm>> -> memref<100000xf32, #tpu.memory_space<hbm>>
    %dma_wait3A_1374 = arith.constant 0 : i32
    %dma_wait3A_1375 = tpu.memref_slice %dma_wait3A_1373[%dma_wait3A_1374] : memref<100000xf32, #tpu.memory_space<hbm>> -> memref<100000xf32, #tpu.memory_space<hbm>>
    tpu.wait_indirect_dma semaphore(%arg8 : memref<!tpu.dma_semaphore, #tpu.memory_space<semaphore_mem>>) src(%dma_wait3A_1375 : memref<100000xf32, #tpu.memory_space<hbm>>) dst(%dma_wait3A_1370 : memref<128xf32, #tpu.memory_space<vmem>>)
    %broadcast_in_dim3A_1376 = arith.constant 19 : i32
    %broadcast_in_dim3A_1377 = vector.broadcast %broadcast_in_dim3A_1376 : i32 to vector<16xi32>
    %get3A_1378 = arith.constant 19 : i32
    %get3A_1379 = arith.index_cast %get3A_1378 : i32 to index
    %get3A_1380 = arith.constant 0 : index
    %get3A_1381 = tpu.vector_load %arg6[%get3A_1379, %get3A_1380] {strides = array<i32>} : memref<50x128xf32, #tpu.memory_space<vmem>>, vector<16xf32>,
    tpu.vector_store_idx %arg7[%add3A_504, %broadcast_in_dim3A_1377], %get3A_1381 : memref<128x56xf32, #tpu.memory_space<vmem>>[vector<16xi32>, vector<16xi32>], vector<16xf32>,
    %get3A_1382 = arith.constant 19 : i32
    %get3A_1383 = arith.index_cast %get3A_1382 : i32 to index
    %get3A_1384 = arith.constant 16 : index
    %get3A_1385 = tpu.vector_load %arg6[%get3A_1383, %get3A_1384] {strides = array<i32>} : memref<50x128xf32, #tpu.memory_space<vmem>>, vector<16xf32>,
    tpu.vector_store_idx %arg7[%add3A_508, %broadcast_in_dim3A_1377], %get3A_1385 : memref<128x56xf32, #tpu.memory_space<vmem>>[vector<16xi32>, vector<16xi32>], vector<16xf32>,
    %get3A_1386 = arith.constant 19 : i32
    %get3A_1387 = arith.index_cast %get3A_1386 : i32 to index
    %get3A_1388 = arith.constant 32 : index
    %get3A_1389 = tpu.vector_load %arg6[%get3A_1387, %get3A_1388] {strides = array<i32>} : memref<50x128xf32, #tpu.memory_space<vmem>>, vector<16xf32>,
    tpu.vector_store_idx %arg7[%add3A_512, %broadcast_in_dim3A_1377], %get3A_1389 : memref<128x56xf32, #tpu.memory_space<vmem>>[vector<16xi32>, vector<16xi32>], vector<16xf32>,
    %get3A_1390 = arith.constant 19 : i32
    %get3A_1391 = arith.index_cast %get3A_1390 : i32 to index
    %get3A_1392 = arith.constant 48 : index
    %get3A_1393 = tpu.vector_load %arg6[%get3A_1391, %get3A_1392] {strides = array<i32>} : memref<50x128xf32, #tpu.memory_space<vmem>>, vector<16xf32>,
    tpu.vector_store_idx %arg7[%add3A_516, %broadcast_in_dim3A_1377], %get3A_1393 : memref<128x56xf32, #tpu.memory_space<vmem>>[vector<16xi32>, vector<16xi32>], vector<16xf32>,
    %get3A_1394 = arith.constant 19 : i32
    %get3A_1395 = arith.index_cast %get3A_1394 : i32 to index
    %get3A_1396 = arith.constant 64 : index
    %get3A_1397 = tpu.vector_load %arg6[%get3A_1395, %get3A_1396] {strides = array<i32>} : memref<50x128xf32, #tpu.memory_space<vmem>>, vector<16xf32>,
    tpu.vector_store_idx %arg7[%add3A_520, %broadcast_in_dim3A_1377], %get3A_1397 : memref<128x56xf32, #tpu.memory_space<vmem>>[vector<16xi32>, vector<16xi32>], vector<16xf32>,
    %get3A_1398 = arith.constant 19 : i32
    %get3A_1399 = arith.index_cast %get3A_1398 : i32 to index
    %get3A_1400 = arith.constant 80 : index
    %get3A_1401 = tpu.vector_load %arg6[%get3A_1399, %get3A_1400] {strides = array<i32>} : memref<50x128xf32, #tpu.memory_space<vmem>>, vector<16xf32>,
    tpu.vector_store_idx %arg7[%add3A_524, %broadcast_in_dim3A_1377], %get3A_1401 : memref<128x56xf32, #tpu.memory_space<vmem>>[vector<16xi32>, vector<16xi32>], vector<16xf32>,
    %get3A_1402 = arith.constant 19 : i32
    %get3A_1403 = arith.index_cast %get3A_1402 : i32 to index
    %get3A_1404 = arith.constant 96 : index
    %get3A_1405 = tpu.vector_load %arg6[%get3A_1403, %get3A_1404] {strides = array<i32>} : memref<50x128xf32, #tpu.memory_space<vmem>>, vector<16xf32>,
    tpu.vector_store_idx %arg7[%add3A_528, %broadcast_in_dim3A_1377], %get3A_1405 : memref<128x56xf32, #tpu.memory_space<vmem>>[vector<16xi32>, vector<16xi32>], vector<16xf32>,
    %get3A_1406 = arith.constant 19 : i32
    %get3A_1407 = arith.index_cast %get3A_1406 : i32 to index
    %get3A_1408 = arith.constant 112 : index
    %get3A_1409 = tpu.vector_load %arg6[%get3A_1407, %get3A_1408] {strides = array<i32>} : memref<50x128xf32, #tpu.memory_space<vmem>>, vector<16xf32>,
    tpu.vector_store_idx %arg7[%add3A_532, %broadcast_in_dim3A_1377], %get3A_1409 : memref<128x56xf32, #tpu.memory_space<vmem>>[vector<16xi32>, vector<16xi32>], vector<16xf32>,
    %dma_wait3A_1410 = arith.constant 20 : i32
    %dma_wait3A_1411 = arith.constant 20 : i32
    %dma_wait3A_1412 = arith.constant 0 : i32
    %dma_wait3A_1413 = tpu.memref_slice %arg6[%dma_wait3A_1411, %dma_wait3A_1412] : memref<50x128xf32, #tpu.memory_space<vmem>> -> memref<1x128xf32, #tpu.memory_space<vmem>>
    %dma_wait3A_1414 = tpu.memref_squeeze %dma_wait3A_1413 : memref<1x128xf32, #tpu.memory_space<vmem>> -> memref<128xf32, #tpu.memory_space<vmem>>
    %dma_wait3A_1415 = arith.constant 0 : i32
    %dma_wait3A_1416 = tpu.memref_slice %arg3[%dma_wait3A_1410, %dma_wait3A_1415] : memref<50x100000xf32, #tpu.memory_space<hbm>> -> memref<1x100000xf32, #tpu.memory_space<hbm>>
    %dma_wait3A_1417 = tpu.memref_squeeze %dma_wait3A_1416 : memref<1x100000xf32, #tpu.memory_space<hbm>> -> memref<100000xf32, #tpu.memory_space<hbm>>
    %dma_wait3A_1418 = arith.constant 0 : i32
    %dma_wait3A_1419 = tpu.memref_slice %dma_wait3A_1417[%dma_wait3A_1418] : memref<100000xf32, #tpu.memory_space<hbm>> -> memref<100000xf32, #tpu.memory_space<hbm>>
    tpu.wait_indirect_dma semaphore(%arg8 : memref<!tpu.dma_semaphore, #tpu.memory_space<semaphore_mem>>) src(%dma_wait3A_1419 : memref<100000xf32, #tpu.memory_space<hbm>>) dst(%dma_wait3A_1414 : memref<128xf32, #tpu.memory_space<vmem>>)
    %broadcast_in_dim3A_1420 = arith.constant 20 : i32
    %broadcast_in_dim3A_1421 = vector.broadcast %broadcast_in_dim3A_1420 : i32 to vector<16xi32>
    %get3A_1422 = arith.constant 20 : i32
    %get3A_1423 = arith.index_cast %get3A_1422 : i32 to index
    %get3A_1424 = arith.constant 0 : index
    %get3A_1425 = tpu.vector_load %arg6[%get3A_1423, %get3A_1424] {strides = array<i32>} : memref<50x128xf32, #tpu.memory_space<vmem>>, vector<16xf32>,
    tpu.vector_store_idx %arg7[%add3A_504, %broadcast_in_dim3A_1421], %get3A_1425 : memref<128x56xf32, #tpu.memory_space<vmem>>[vector<16xi32>, vector<16xi32>], vector<16xf32>,
    %get3A_1426 = arith.constant 20 : i32
    %get3A_1427 = arith.index_cast %get3A_1426 : i32 to index
    %get3A_1428 = arith.constant 16 : index
    %get3A_1429 = tpu.vector_load %arg6[%get3A_1427, %get3A_1428] {strides = array<i32>} : memref<50x128xf32, #tpu.memory_space<vmem>>, vector<16xf32>,
    tpu.vector_store_idx %arg7[%add3A_508, %broadcast_in_dim3A_1421], %get3A_1429 : memref<128x56xf32, #tpu.memory_space<vmem>>[vector<16xi32>, vector<16xi32>], vector<16xf32>,
    %get3A_1430 = arith.constant 20 : i32
    %get3A_1431 = arith.index_cast %get3A_1430 : i32 to index
    %get3A_1432 = arith.constant 32 : index
    %get3A_1433 = tpu.vector_load %arg6[%get3A_1431, %get3A_1432] {strides = array<i32>} : memref<50x128xf32, #tpu.memory_space<vmem>>, vector<16xf32>,
    tpu.vector_store_idx %arg7[%add3A_512, %broadcast_in_dim3A_1421], %get3A_1433 : memref<128x56xf32, #tpu.memory_space<vmem>>[vector<16xi32>, vector<16xi32>], vector<16xf32>,
    %get3A_1434 = arith.constant 20 : i32
    %get3A_1435 = arith.index_cast %get3A_1434 : i32 to index
    %get3A_1436 = arith.constant 48 : index
    %get3A_1437 = tpu.vector_load %arg6[%get3A_1435, %get3A_1436] {strides = array<i32>} : memref<50x128xf32, #tpu.memory_space<vmem>>, vector<16xf32>,
    tpu.vector_store_idx %arg7[%add3A_516, %broadcast_in_dim3A_1421], %get3A_1437 : memref<128x56xf32, #tpu.memory_space<vmem>>[vector<16xi32>, vector<16xi32>], vector<16xf32>,
    %get3A_1438 = arith.constant 20 : i32
    %get3A_1439 = arith.index_cast %get3A_1438 : i32 to index
    %get3A_1440 = arith.constant 64 : index
    %get3A_1441 = tpu.vector_load %arg6[%get3A_1439, %get3A_1440] {strides = array<i32>} : memref<50x128xf32, #tpu.memory_space<vmem>>, vector<16xf32>,
    tpu.vector_store_idx %arg7[%add3A_520, %broadcast_in_dim3A_1421], %get3A_1441 : memref<128x56xf32, #tpu.memory_space<vmem>>[vector<16xi32>, vector<16xi32>], vector<16xf32>,
    %get3A_1442 = arith.constant 20 : i32
    %get3A_1443 = arith.index_cast %get3A_1442 : i32 to index
    %get3A_1444 = arith.constant 80 : index
    %get3A_1445 = tpu.vector_load %arg6[%get3A_1443, %get3A_1444] {strides = array<i32>} : memref<50x128xf32, #tpu.memory_space<vmem>>, vector<16xf32>,
    tpu.vector_store_idx %arg7[%add3A_524, %broadcast_in_dim3A_1421], %get3A_1445 : memref<128x56xf32, #tpu.memory_space<vmem>>[vector<16xi32>, vector<16xi32>], vector<16xf32>,
    %get3A_1446 = arith.constant 20 : i32
    %get3A_1447 = arith.index_cast %get3A_1446 : i32 to index
    %get3A_1448 = arith.constant 96 : index
    %get3A_1449 = tpu.vector_load %arg6[%get3A_1447, %get3A_1448] {strides = array<i32>} : memref<50x128xf32, #tpu.memory_space<vmem>>, vector<16xf32>,
    tpu.vector_store_idx %arg7[%add3A_528, %broadcast_in_dim3A_1421], %get3A_1449 : memref<128x56xf32, #tpu.memory_space<vmem>>[vector<16xi32>, vector<16xi32>], vector<16xf32>,
    %get3A_1450 = arith.constant 20 : i32
    %get3A_1451 = arith.index_cast %get3A_1450 : i32 to index
    %get3A_1452 = arith.constant 112 : index
    %get3A_1453 = tpu.vector_load %arg6[%get3A_1451, %get3A_1452] {strides = array<i32>} : memref<50x128xf32, #tpu.memory_space<vmem>>, vector<16xf32>,
    tpu.vector_store_idx %arg7[%add3A_532, %broadcast_in_dim3A_1421], %get3A_1453 : memref<128x56xf32, #tpu.memory_space<vmem>>[vector<16xi32>, vector<16xi32>], vector<16xf32>,
    %dma_wait3A_1454 = arith.constant 21 : i32
    %dma_wait3A_1455 = arith.constant 21 : i32
    %dma_wait3A_1456 = arith.constant 0 : i32
    %dma_wait3A_1457 = tpu.memref_slice %arg6[%dma_wait3A_1455, %dma_wait3A_1456] : memref<50x128xf32, #tpu.memory_space<vmem>> -> memref<1x128xf32, #tpu.memory_space<vmem>>
    %dma_wait3A_1458 = tpu.memref_squeeze %dma_wait3A_1457 : memref<1x128xf32, #tpu.memory_space<vmem>> -> memref<128xf32, #tpu.memory_space<vmem>>
    %dma_wait3A_1459 = arith.constant 0 : i32
    %dma_wait3A_1460 = tpu.memref_slice %arg3[%dma_wait3A_1454, %dma_wait3A_1459] : memref<50x100000xf32, #tpu.memory_space<hbm>> -> memref<1x100000xf32, #tpu.memory_space<hbm>>
    %dma_wait3A_1461 = tpu.memref_squeeze %dma_wait3A_1460 : memref<1x100000xf32, #tpu.memory_space<hbm>> -> memref<100000xf32, #tpu.memory_space<hbm>>
    %dma_wait3A_1462 = arith.constant 0 : i32
    %dma_wait3A_1463 = tpu.memref_slice %dma_wait3A_1461[%dma_wait3A_1462] : memref<100000xf32, #tpu.memory_space<hbm>> -> memref<100000xf32, #tpu.memory_space<hbm>>
    tpu.wait_indirect_dma semaphore(%arg8 : memref<!tpu.dma_semaphore, #tpu.memory_space<semaphore_mem>>) src(%dma_wait3A_1463 : memref<100000xf32, #tpu.memory_space<hbm>>) dst(%dma_wait3A_1458 : memref<128xf32, #tpu.memory_space<vmem>>)
    %broadcast_in_dim3A_1464 = arith.constant 21 : i32
    %broadcast_in_dim3A_1465 = vector.broadcast %broadcast_in_dim3A_1464 : i32 to vector<16xi32>
    %get3A_1466 = arith.constant 21 : i32
    %get3A_1467 = arith.index_cast %get3A_1466 : i32 to index
    %get3A_1468 = arith.constant 0 : index
    %get3A_1469 = tpu.vector_load %arg6[%get3A_1467, %get3A_1468] {strides = array<i32>} : memref<50x128xf32, #tpu.memory_space<vmem>>, vector<16xf32>,
    tpu.vector_store_idx %arg7[%add3A_504, %broadcast_in_dim3A_1465], %get3A_1469 : memref<128x56xf32, #tpu.memory_space<vmem>>[vector<16xi32>, vector<16xi32>], vector<16xf32>,
    %get3A_1470 = arith.constant 21 : i32
    %get3A_1471 = arith.index_cast %get3A_1470 : i32 to index
    %get3A_1472 = arith.constant 16 : index
    %get3A_1473 = tpu.vector_load %arg6[%get3A_1471, %get3A_1472] {strides = array<i32>} : memref<50x128xf32, #tpu.memory_space<vmem>>, vector<16xf32>,
    tpu.vector_store_idx %arg7[%add3A_508, %broadcast_in_dim3A_1465], %get3A_1473 : memref<128x56xf32, #tpu.memory_space<vmem>>[vector<16xi32>, vector<16xi32>], vector<16xf32>,
    %get3A_1474 = arith.constant 21 : i32
    %get3A_1475 = arith.index_cast %get3A_1474 : i32 to index
    %get3A_1476 = arith.constant 32 : index
    %get3A_1477 = tpu.vector_load %arg6[%get3A_1475, %get3A_1476] {strides = array<i32>} : memref<50x128xf32, #tpu.memory_space<vmem>>, vector<16xf32>,
    tpu.vector_store_idx %arg7[%add3A_512, %broadcast_in_dim3A_1465], %get3A_1477 : memref<128x56xf32, #tpu.memory_space<vmem>>[vector<16xi32>, vector<16xi32>], vector<16xf32>,
    %get3A_1478 = arith.constant 21 : i32
    %get3A_1479 = arith.index_cast %get3A_1478 : i32 to index
    %get3A_1480 = arith.constant 48 : index
    %get3A_1481 = tpu.vector_load %arg6[%get3A_1479, %get3A_1480] {strides = array<i32>} : memref<50x128xf32, #tpu.memory_space<vmem>>, vector<16xf32>,
    tpu.vector_store_idx %arg7[%add3A_516, %broadcast_in_dim3A_1465], %get3A_1481 : memref<128x56xf32, #tpu.memory_space<vmem>>[vector<16xi32>, vector<16xi32>], vector<16xf32>,
    %get3A_1482 = arith.constant 21 : i32
    %get3A_1483 = arith.index_cast %get3A_1482 : i32 to index
    %get3A_1484 = arith.constant 64 : index
    %get3A_1485 = tpu.vector_load %arg6[%get3A_1483, %get3A_1484] {strides = array<i32>} : memref<50x128xf32, #tpu.memory_space<vmem>>, vector<16xf32>,
    tpu.vector_store_idx %arg7[%add3A_520, %broadcast_in_dim3A_1465], %get3A_1485 : memref<128x56xf32, #tpu.memory_space<vmem>>[vector<16xi32>, vector<16xi32>], vector<16xf32>,
    %get3A_1486 = arith.constant 21 : i32
    %get3A_1487 = arith.index_cast %get3A_1486 : i32 to index
    %get3A_1488 = arith.constant 80 : index
    %get3A_1489 = tpu.vector_load %arg6[%get3A_1487, %get3A_1488] {strides = array<i32>} : memref<50x128xf32, #tpu.memory_space<vmem>>, vector<16xf32>,
    tpu.vector_store_idx %arg7[%add3A_524, %broadcast_in_dim3A_1465], %get3A_1489 : memref<128x56xf32, #tpu.memory_space<vmem>>[vector<16xi32>, vector<16xi32>], vector<16xf32>,
    %get3A_1490 = arith.constant 21 : i32
    %get3A_1491 = arith.index_cast %get3A_1490 : i32 to index
    %get3A_1492 = arith.constant 96 : index
    %get3A_1493 = tpu.vector_load %arg6[%get3A_1491, %get3A_1492] {strides = array<i32>} : memref<50x128xf32, #tpu.memory_space<vmem>>, vector<16xf32>,
    tpu.vector_store_idx %arg7[%add3A_528, %broadcast_in_dim3A_1465], %get3A_1493 : memref<128x56xf32, #tpu.memory_space<vmem>>[vector<16xi32>, vector<16xi32>], vector<16xf32>,
    %get3A_1494 = arith.constant 21 : i32
    %get3A_1495 = arith.index_cast %get3A_1494 : i32 to index
    %get3A_1496 = arith.constant 112 : index
    %get3A_1497 = tpu.vector_load %arg6[%get3A_1495, %get3A_1496] {strides = array<i32>} : memref<50x128xf32, #tpu.memory_space<vmem>>, vector<16xf32>,
    tpu.vector_store_idx %arg7[%add3A_532, %broadcast_in_dim3A_1465], %get3A_1497 : memref<128x56xf32, #tpu.memory_space<vmem>>[vector<16xi32>, vector<16xi32>], vector<16xf32>,
    %dma_wait3A_1498 = arith.constant 22 : i32
    %dma_wait3A_1499 = arith.constant 22 : i32
    %dma_wait3A_1500 = arith.constant 0 : i32
    %dma_wait3A_1501 = tpu.memref_slice %arg6[%dma_wait3A_1499, %dma_wait3A_1500] : memref<50x128xf32, #tpu.memory_space<vmem>> -> memref<1x128xf32, #tpu.memory_space<vmem>>
    %dma_wait3A_1502 = tpu.memref_squeeze %dma_wait3A_1501 : memref<1x128xf32, #tpu.memory_space<vmem>> -> memref<128xf32, #tpu.memory_space<vmem>>
    %dma_wait3A_1503 = arith.constant 0 : i32
    %dma_wait3A_1504 = tpu.memref_slice %arg3[%dma_wait3A_1498, %dma_wait3A_1503] : memref<50x100000xf32, #tpu.memory_space<hbm>> -> memref<1x100000xf32, #tpu.memory_space<hbm>>
    %dma_wait3A_1505 = tpu.memref_squeeze %dma_wait3A_1504 : memref<1x100000xf32, #tpu.memory_space<hbm>> -> memref<100000xf32, #tpu.memory_space<hbm>>
    %dma_wait3A_1506 = arith.constant 0 : i32
    %dma_wait3A_1507 = tpu.memref_slice %dma_wait3A_1505[%dma_wait3A_1506] : memref<100000xf32, #tpu.memory_space<hbm>> -> memref<100000xf32, #tpu.memory_space<hbm>>
    tpu.wait_indirect_dma semaphore(%arg8 : memref<!tpu.dma_semaphore, #tpu.memory_space<semaphore_mem>>) src(%dma_wait3A_1507 : memref<100000xf32, #tpu.memory_space<hbm>>) dst(%dma_wait3A_1502 : memref<128xf32, #tpu.memory_space<vmem>>)
    %broadcast_in_dim3A_1508 = arith.constant 22 : i32
    %broadcast_in_dim3A_1509 = vector.broadcast %broadcast_in_dim3A_1508 : i32 to vector<16xi32>
    %get3A_1510 = arith.constant 22 : i32
    %get3A_1511 = arith.index_cast %get3A_1510 : i32 to index
    %get3A_1512 = arith.constant 0 : index
    %get3A_1513 = tpu.vector_load %arg6[%get3A_1511, %get3A_1512] {strides = array<i32>} : memref<50x128xf32, #tpu.memory_space<vmem>>, vector<16xf32>,
    tpu.vector_store_idx %arg7[%add3A_504, %broadcast_in_dim3A_1509], %get3A_1513 : memref<128x56xf32, #tpu.memory_space<vmem>>[vector<16xi32>, vector<16xi32>], vector<16xf32>,
    %get3A_1514 = arith.constant 22 : i32
    %get3A_1515 = arith.index_cast %get3A_1514 : i32 to index
    %get3A_1516 = arith.constant 16 : index
    %get3A_1517 = tpu.vector_load %arg6[%get3A_1515, %get3A_1516] {strides = array<i32>} : memref<50x128xf32, #tpu.memory_space<vmem>>, vector<16xf32>,
    tpu.vector_store_idx %arg7[%add3A_508, %broadcast_in_dim3A_1509], %get3A_1517 : memref<128x56xf32, #tpu.memory_space<vmem>>[vector<16xi32>, vector<16xi32>], vector<16xf32>,
    %get3A_1518 = arith.constant 22 : i32
    %get3A_1519 = arith.index_cast %get3A_1518 : i32 to index
    %get3A_1520 = arith.constant 32 : index
    %get3A_1521 = tpu.vector_load %arg6[%get3A_1519, %get3A_1520] {strides = array<i32>} : memref<50x128xf32, #tpu.memory_space<vmem>>, vector<16xf32>,
    tpu.vector_store_idx %arg7[%add3A_512, %broadcast_in_dim3A_1509], %get3A_1521 : memref<128x56xf32, #tpu.memory_space<vmem>>[vector<16xi32>, vector<16xi32>], vector<16xf32>,
    %get3A_1522 = arith.constant 22 : i32
    %get3A_1523 = arith.index_cast %get3A_1522 : i32 to index
    %get3A_1524 = arith.constant 48 : index
    %get3A_1525 = tpu.vector_load %arg6[%get3A_1523, %get3A_1524] {strides = array<i32>} : memref<50x128xf32, #tpu.memory_space<vmem>>, vector<16xf32>,
    tpu.vector_store_idx %arg7[%add3A_516, %broadcast_in_dim3A_1509], %get3A_1525 : memref<128x56xf32, #tpu.memory_space<vmem>>[vector<16xi32>, vector<16xi32>], vector<16xf32>,
    %get3A_1526 = arith.constant 22 : i32
    %get3A_1527 = arith.index_cast %get3A_1526 : i32 to index
    %get3A_1528 = arith.constant 64 : index
    %get3A_1529 = tpu.vector_load %arg6[%get3A_1527, %get3A_1528] {strides = array<i32>} : memref<50x128xf32, #tpu.memory_space<vmem>>, vector<16xf32>,
    tpu.vector_store_idx %arg7[%add3A_520, %broadcast_in_dim3A_1509], %get3A_1529 : memref<128x56xf32, #tpu.memory_space<vmem>>[vector<16xi32>, vector<16xi32>], vector<16xf32>,
    %get3A_1530 = arith.constant 22 : i32
    %get3A_1531 = arith.index_cast %get3A_1530 : i32 to index
    %get3A_1532 = arith.constant 80 : index
    %get3A_1533 = tpu.vector_load %arg6[%get3A_1531, %get3A_1532] {strides = array<i32>} : memref<50x128xf32, #tpu.memory_space<vmem>>, vector<16xf32>,
    tpu.vector_store_idx %arg7[%add3A_524, %broadcast_in_dim3A_1509], %get3A_1533 : memref<128x56xf32, #tpu.memory_space<vmem>>[vector<16xi32>, vector<16xi32>], vector<16xf32>,
    %get3A_1534 = arith.constant 22 : i32
    %get3A_1535 = arith.index_cast %get3A_1534 : i32 to index
    %get3A_1536 = arith.constant 96 : index
    %get3A_1537 = tpu.vector_load %arg6[%get3A_1535, %get3A_1536] {strides = array<i32>} : memref<50x128xf32, #tpu.memory_space<vmem>>, vector<16xf32>,
    tpu.vector_store_idx %arg7[%add3A_528, %broadcast_in_dim3A_1509], %get3A_1537 : memref<128x56xf32, #tpu.memory_space<vmem>>[vector<16xi32>, vector<16xi32>], vector<16xf32>,
    %get3A_1538 = arith.constant 22 : i32
    %get3A_1539 = arith.index_cast %get3A_1538 : i32 to index
    %get3A_1540 = arith.constant 112 : index
    %get3A_1541 = tpu.vector_load %arg6[%get3A_1539, %get3A_1540] {strides = array<i32>} : memref<50x128xf32, #tpu.memory_space<vmem>>, vector<16xf32>,
    tpu.vector_store_idx %arg7[%add3A_532, %broadcast_in_dim3A_1509], %get3A_1541 : memref<128x56xf32, #tpu.memory_space<vmem>>[vector<16xi32>, vector<16xi32>], vector<16xf32>,
    %dma_wait3A_1542 = arith.constant 23 : i32
    %dma_wait3A_1543 = arith.constant 23 : i32
    %dma_wait3A_1544 = arith.constant 0 : i32
    %dma_wait3A_1545 = tpu.memref_slice %arg6[%dma_wait3A_1543, %dma_wait3A_1544] : memref<50x128xf32, #tpu.memory_space<vmem>> -> memref<1x128xf32, #tpu.memory_space<vmem>>
    %dma_wait3A_1546 = tpu.memref_squeeze %dma_wait3A_1545 : memref<1x128xf32, #tpu.memory_space<vmem>> -> memref<128xf32, #tpu.memory_space<vmem>>
    %dma_wait3A_1547 = arith.constant 0 : i32
    %dma_wait3A_1548 = tpu.memref_slice %arg3[%dma_wait3A_1542, %dma_wait3A_1547] : memref<50x100000xf32, #tpu.memory_space<hbm>> -> memref<1x100000xf32, #tpu.memory_space<hbm>>
    %dma_wait3A_1549 = tpu.memref_squeeze %dma_wait3A_1548 : memref<1x100000xf32, #tpu.memory_space<hbm>> -> memref<100000xf32, #tpu.memory_space<hbm>>
    %dma_wait3A_1550 = arith.constant 0 : i32
    %dma_wait3A_1551 = tpu.memref_slice %dma_wait3A_1549[%dma_wait3A_1550] : memref<100000xf32, #tpu.memory_space<hbm>> -> memref<100000xf32, #tpu.memory_space<hbm>>
    tpu.wait_indirect_dma semaphore(%arg8 : memref<!tpu.dma_semaphore, #tpu.memory_space<semaphore_mem>>) src(%dma_wait3A_1551 : memref<100000xf32, #tpu.memory_space<hbm>>) dst(%dma_wait3A_1546 : memref<128xf32, #tpu.memory_space<vmem>>)
    %broadcast_in_dim3A_1552 = arith.constant 23 : i32
    %broadcast_in_dim3A_1553 = vector.broadcast %broadcast_in_dim3A_1552 : i32 to vector<16xi32>
    %get3A_1554 = arith.constant 23 : i32
    %get3A_1555 = arith.index_cast %get3A_1554 : i32 to index
    %get3A_1556 = arith.constant 0 : index
    %get3A_1557 = tpu.vector_load %arg6[%get3A_1555, %get3A_1556] {strides = array<i32>} : memref<50x128xf32, #tpu.memory_space<vmem>>, vector<16xf32>,
    tpu.vector_store_idx %arg7[%add3A_504, %broadcast_in_dim3A_1553], %get3A_1557 : memref<128x56xf32, #tpu.memory_space<vmem>>[vector<16xi32>, vector<16xi32>], vector<16xf32>,
    %get3A_1558 = arith.constant 23 : i32
    %get3A_1559 = arith.index_cast %get3A_1558 : i32 to index
    %get3A_1560 = arith.constant 16 : index
    %get3A_1561 = tpu.vector_load %arg6[%get3A_1559, %get3A_1560] {strides = array<i32>} : memref<50x128xf32, #tpu.memory_space<vmem>>, vector<16xf32>,
    tpu.vector_store_idx %arg7[%add3A_508, %broadcast_in_dim3A_1553], %get3A_1561 : memref<128x56xf32, #tpu.memory_space<vmem>>[vector<16xi32>, vector<16xi32>], vector<16xf32>,
    %get3A_1562 = arith.constant 23 : i32
    %get3A_1563 = arith.index_cast %get3A_1562 : i32 to index
    %get3A_1564 = arith.constant 32 : index
    %get3A_1565 = tpu.vector_load %arg6[%get3A_1563, %get3A_1564] {strides = array<i32>} : memref<50x128xf32, #tpu.memory_space<vmem>>, vector<16xf32>,
    tpu.vector_store_idx %arg7[%add3A_512, %broadcast_in_dim3A_1553], %get3A_1565 : memref<128x56xf32, #tpu.memory_space<vmem>>[vector<16xi32>, vector<16xi32>], vector<16xf32>,
    %get3A_1566 = arith.constant 23 : i32
    %get3A_1567 = arith.index_cast %get3A_1566 : i32 to index
    %get3A_1568 = arith.constant 48 : index
    %get3A_1569 = tpu.vector_load %arg6[%get3A_1567, %get3A_1568] {strides = array<i32>} : memref<50x128xf32, #tpu.memory_space<vmem>>, vector<16xf32>,
    tpu.vector_store_idx %arg7[%add3A_516, %broadcast_in_dim3A_1553], %get3A_1569 : memref<128x56xf32, #tpu.memory_space<vmem>>[vector<16xi32>, vector<16xi32>], vector<16xf32>,
    %get3A_1570 = arith.constant 23 : i32
    %get3A_1571 = arith.index_cast %get3A_1570 : i32 to index
    %get3A_1572 = arith.constant 64 : index
    %get3A_1573 = tpu.vector_load %arg6[%get3A_1571, %get3A_1572] {strides = array<i32>} : memref<50x128xf32, #tpu.memory_space<vmem>>, vector<16xf32>,
    tpu.vector_store_idx %arg7[%add3A_520, %broadcast_in_dim3A_1553], %get3A_1573 : memref<128x56xf32, #tpu.memory_space<vmem>>[vector<16xi32>, vector<16xi32>], vector<16xf32>,
    %get3A_1574 = arith.constant 23 : i32
    %get3A_1575 = arith.index_cast %get3A_1574 : i32 to index
    %get3A_1576 = arith.constant 80 : index
    %get3A_1577 = tpu.vector_load %arg6[%get3A_1575, %get3A_1576] {strides = array<i32>} : memref<50x128xf32, #tpu.memory_space<vmem>>, vector<16xf32>,
    tpu.vector_store_idx %arg7[%add3A_524, %broadcast_in_dim3A_1553], %get3A_1577 : memref<128x56xf32, #tpu.memory_space<vmem>>[vector<16xi32>, vector<16xi32>], vector<16xf32>,
    %get3A_1578 = arith.constant 23 : i32
    %get3A_1579 = arith.index_cast %get3A_1578 : i32 to index
    %get3A_1580 = arith.constant 96 : index
    %get3A_1581 = tpu.vector_load %arg6[%get3A_1579, %get3A_1580] {strides = array<i32>} : memref<50x128xf32, #tpu.memory_space<vmem>>, vector<16xf32>,
    tpu.vector_store_idx %arg7[%add3A_528, %broadcast_in_dim3A_1553], %get3A_1581 : memref<128x56xf32, #tpu.memory_space<vmem>>[vector<16xi32>, vector<16xi32>], vector<16xf32>,
    %get3A_1582 = arith.constant 23 : i32
    %get3A_1583 = arith.index_cast %get3A_1582 : i32 to index
    %get3A_1584 = arith.constant 112 : index
    %get3A_1585 = tpu.vector_load %arg6[%get3A_1583, %get3A_1584] {strides = array<i32>} : memref<50x128xf32, #tpu.memory_space<vmem>>, vector<16xf32>,
    tpu.vector_store_idx %arg7[%add3A_532, %broadcast_in_dim3A_1553], %get3A_1585 : memref<128x56xf32, #tpu.memory_space<vmem>>[vector<16xi32>, vector<16xi32>], vector<16xf32>,
    %dma_wait3A_1586 = arith.constant 24 : i32
    %dma_wait3A_1587 = arith.constant 24 : i32
    %dma_wait3A_1588 = arith.constant 0 : i32
    %dma_wait3A_1589 = tpu.memref_slice %arg6[%dma_wait3A_1587, %dma_wait3A_1588] : memref<50x128xf32, #tpu.memory_space<vmem>> -> memref<1x128xf32, #tpu.memory_space<vmem>>
    %dma_wait3A_1590 = tpu.memref_squeeze %dma_wait3A_1589 : memref<1x128xf32, #tpu.memory_space<vmem>> -> memref<128xf32, #tpu.memory_space<vmem>>
    %dma_wait3A_1591 = arith.constant 0 : i32
    %dma_wait3A_1592 = tpu.memref_slice %arg3[%dma_wait3A_1586, %dma_wait3A_1591] : memref<50x100000xf32, #tpu.memory_space<hbm>> -> memref<1x100000xf32, #tpu.memory_space<hbm>>
    %dma_wait3A_1593 = tpu.memref_squeeze %dma_wait3A_1592 : memref<1x100000xf32, #tpu.memory_space<hbm>> -> memref<100000xf32, #tpu.memory_space<hbm>>
    %dma_wait3A_1594 = arith.constant 0 : i32
    %dma_wait3A_1595 = tpu.memref_slice %dma_wait3A_1593[%dma_wait3A_1594] : memref<100000xf32, #tpu.memory_space<hbm>> -> memref<100000xf32, #tpu.memory_space<hbm>>
    tpu.wait_indirect_dma semaphore(%arg8 : memref<!tpu.dma_semaphore, #tpu.memory_space<semaphore_mem>>) src(%dma_wait3A_1595 : memref<100000xf32, #tpu.memory_space<hbm>>) dst(%dma_wait3A_1590 : memref<128xf32, #tpu.memory_space<vmem>>)
    %broadcast_in_dim3A_1596 = arith.constant 24 : i32
    %broadcast_in_dim3A_1597 = vector.broadcast %broadcast_in_dim3A_1596 : i32 to vector<16xi32>
    %get3A_1598 = arith.constant 24 : i32
    %get3A_1599 = arith.index_cast %get3A_1598 : i32 to index
    %get3A_1600 = arith.constant 0 : index
    %get3A_1601 = tpu.vector_load %arg6[%get3A_1599, %get3A_1600] {strides = array<i32>} : memref<50x128xf32, #tpu.memory_space<vmem>>, vector<16xf32>,
    tpu.vector_store_idx %arg7[%add3A_504, %broadcast_in_dim3A_1597], %get3A_1601 : memref<128x56xf32, #tpu.memory_space<vmem>>[vector<16xi32>, vector<16xi32>], vector<16xf32>,
    %get3A_1602 = arith.constant 24 : i32
    %get3A_1603 = arith.index_cast %get3A_1602 : i32 to index
    %get3A_1604 = arith.constant 16 : index
    %get3A_1605 = tpu.vector_load %arg6[%get3A_1603, %get3A_1604] {strides = array<i32>} : memref<50x128xf32, #tpu.memory_space<vmem>>, vector<16xf32>,
    tpu.vector_store_idx %arg7[%add3A_508, %broadcast_in_dim3A_1597], %get3A_1605 : memref<128x56xf32, #tpu.memory_space<vmem>>[vector<16xi32>, vector<16xi32>], vector<16xf32>,
    %get3A_1606 = arith.constant 24 : i32
    %get3A_1607 = arith.index_cast %get3A_1606 : i32 to index
    %get3A_1608 = arith.constant 32 : index
    %get3A_1609 = tpu.vector_load %arg6[%get3A_1607, %get3A_1608] {strides = array<i32>} : memref<50x128xf32, #tpu.memory_space<vmem>>, vector<16xf32>,
    tpu.vector_store_idx %arg7[%add3A_512, %broadcast_in_dim3A_1597], %get3A_1609 : memref<128x56xf32, #tpu.memory_space<vmem>>[vector<16xi32>, vector<16xi32>], vector<16xf32>,
    %get3A_1610 = arith.constant 24 : i32
    %get3A_1611 = arith.index_cast %get3A_1610 : i32 to index
    %get3A_1612 = arith.constant 48 : index
    %get3A_1613 = tpu.vector_load %arg6[%get3A_1611, %get3A_1612] {strides = array<i32>} : memref<50x128xf32, #tpu.memory_space<vmem>>, vector<16xf32>,
    tpu.vector_store_idx %arg7[%add3A_516, %broadcast_in_dim3A_1597], %get3A_1613 : memref<128x56xf32, #tpu.memory_space<vmem>>[vector<16xi32>, vector<16xi32>], vector<16xf32>,
    %get3A_1614 = arith.constant 24 : i32
    %get3A_1615 = arith.index_cast %get3A_1614 : i32 to index
    %get3A_1616 = arith.constant 64 : index
    %get3A_1617 = tpu.vector_load %arg6[%get3A_1615, %get3A_1616] {strides = array<i32>} : memref<50x128xf32, #tpu.memory_space<vmem>>, vector<16xf32>,
    tpu.vector_store_idx %arg7[%add3A_520, %broadcast_in_dim3A_1597], %get3A_1617 : memref<128x56xf32, #tpu.memory_space<vmem>>[vector<16xi32>, vector<16xi32>], vector<16xf32>,
    %get3A_1618 = arith.constant 24 : i32
    %get3A_1619 = arith.index_cast %get3A_1618 : i32 to index
    %get3A_1620 = arith.constant 80 : index
    %get3A_1621 = tpu.vector_load %arg6[%get3A_1619, %get3A_1620] {strides = array<i32>} : memref<50x128xf32, #tpu.memory_space<vmem>>, vector<16xf32>,
    tpu.vector_store_idx %arg7[%add3A_524, %broadcast_in_dim3A_1597], %get3A_1621 : memref<128x56xf32, #tpu.memory_space<vmem>>[vector<16xi32>, vector<16xi32>], vector<16xf32>,
    %get3A_1622 = arith.constant 24 : i32
    %get3A_1623 = arith.index_cast %get3A_1622 : i32 to index
    %get3A_1624 = arith.constant 96 : index
    %get3A_1625 = tpu.vector_load %arg6[%get3A_1623, %get3A_1624] {strides = array<i32>} : memref<50x128xf32, #tpu.memory_space<vmem>>, vector<16xf32>,
    tpu.vector_store_idx %arg7[%add3A_528, %broadcast_in_dim3A_1597], %get3A_1625 : memref<128x56xf32, #tpu.memory_space<vmem>>[vector<16xi32>, vector<16xi32>], vector<16xf32>,
    %get3A_1626 = arith.constant 24 : i32
    %get3A_1627 = arith.index_cast %get3A_1626 : i32 to index
    %get3A_1628 = arith.constant 112 : index
    %get3A_1629 = tpu.vector_load %arg6[%get3A_1627, %get3A_1628] {strides = array<i32>} : memref<50x128xf32, #tpu.memory_space<vmem>>, vector<16xf32>,
    tpu.vector_store_idx %arg7[%add3A_532, %broadcast_in_dim3A_1597], %get3A_1629 : memref<128x56xf32, #tpu.memory_space<vmem>>[vector<16xi32>, vector<16xi32>], vector<16xf32>,
    %dma_wait3A_1630 = arith.constant 25 : i32
    %dma_wait3A_1631 = arith.constant 25 : i32
    %dma_wait3A_1632 = arith.constant 0 : i32
    %dma_wait3A_1633 = tpu.memref_slice %arg6[%dma_wait3A_1631, %dma_wait3A_1632] : memref<50x128xf32, #tpu.memory_space<vmem>> -> memref<1x128xf32, #tpu.memory_space<vmem>>
    %dma_wait3A_1634 = tpu.memref_squeeze %dma_wait3A_1633 : memref<1x128xf32, #tpu.memory_space<vmem>> -> memref<128xf32, #tpu.memory_space<vmem>>
    %dma_wait3A_1635 = arith.constant 0 : i32
    %dma_wait3A_1636 = tpu.memref_slice %arg3[%dma_wait3A_1630, %dma_wait3A_1635] : memref<50x100000xf32, #tpu.memory_space<hbm>> -> memref<1x100000xf32, #tpu.memory_space<hbm>>
    %dma_wait3A_1637 = tpu.memref_squeeze %dma_wait3A_1636 : memref<1x100000xf32, #tpu.memory_space<hbm>> -> memref<100000xf32, #tpu.memory_space<hbm>>
    %dma_wait3A_1638 = arith.constant 0 : i32
    %dma_wait3A_1639 = tpu.memref_slice %dma_wait3A_1637[%dma_wait3A_1638] : memref<100000xf32, #tpu.memory_space<hbm>> -> memref<100000xf32, #tpu.memory_space<hbm>>
    tpu.wait_indirect_dma semaphore(%arg8 : memref<!tpu.dma_semaphore, #tpu.memory_space<semaphore_mem>>) src(%dma_wait3A_1639 : memref<100000xf32, #tpu.memory_space<hbm>>) dst(%dma_wait3A_1634 : memref<128xf32, #tpu.memory_space<vmem>>)
    %broadcast_in_dim3A_1640 = arith.constant 25 : i32
    %broadcast_in_dim3A_1641 = vector.broadcast %broadcast_in_dim3A_1640 : i32 to vector<16xi32>
    %get3A_1642 = arith.constant 25 : i32
    %get3A_1643 = arith.index_cast %get3A_1642 : i32 to index
    %get3A_1644 = arith.constant 0 : index
    %get3A_1645 = tpu.vector_load %arg6[%get3A_1643, %get3A_1644] {strides = array<i32>} : memref<50x128xf32, #tpu.memory_space<vmem>>, vector<16xf32>,
    tpu.vector_store_idx %arg7[%add3A_504, %broadcast_in_dim3A_1641], %get3A_1645 : memref<128x56xf32, #tpu.memory_space<vmem>>[vector<16xi32>, vector<16xi32>], vector<16xf32>,
    %get3A_1646 = arith.constant 25 : i32
    %get3A_1647 = arith.index_cast %get3A_1646 : i32 to index
    %get3A_1648 = arith.constant 16 : index
    %get3A_1649 = tpu.vector_load %arg6[%get3A_1647, %get3A_1648] {strides = array<i32>} : memref<50x128xf32, #tpu.memory_space<vmem>>, vector<16xf32>,
    tpu.vector_store_idx %arg7[%add3A_508, %broadcast_in_dim3A_1641], %get3A_1649 : memref<128x56xf32, #tpu.memory_space<vmem>>[vector<16xi32>, vector<16xi32>], vector<16xf32>,
    %get3A_1650 = arith.constant 25 : i32
    %get3A_1651 = arith.index_cast %get3A_1650 : i32 to index
    %get3A_1652 = arith.constant 32 : index
    %get3A_1653 = tpu.vector_load %arg6[%get3A_1651, %get3A_1652] {strides = array<i32>} : memref<50x128xf32, #tpu.memory_space<vmem>>, vector<16xf32>,
    tpu.vector_store_idx %arg7[%add3A_512, %broadcast_in_dim3A_1641], %get3A_1653 : memref<128x56xf32, #tpu.memory_space<vmem>>[vector<16xi32>, vector<16xi32>], vector<16xf32>,
    %get3A_1654 = arith.constant 25 : i32
    %get3A_1655 = arith.index_cast %get3A_1654 : i32 to index
    %get3A_1656 = arith.constant 48 : index
    %get3A_1657 = tpu.vector_load %arg6[%get3A_1655, %get3A_1656] {strides = array<i32>} : memref<50x128xf32, #tpu.memory_space<vmem>>, vector<16xf32>,
    tpu.vector_store_idx %arg7[%add3A_516, %broadcast_in_dim3A_1641], %get3A_1657 : memref<128x56xf32, #tpu.memory_space<vmem>>[vector<16xi32>, vector<16xi32>], vector<16xf32>,
    %get3A_1658 = arith.constant 25 : i32
    %get3A_1659 = arith.index_cast %get3A_1658 : i32 to index
    %get3A_1660 = arith.constant 64 : index
    %get3A_1661 = tpu.vector_load %arg6[%get3A_1659, %get3A_1660] {strides = array<i32>} : memref<50x128xf32, #tpu.memory_space<vmem>>, vector<16xf32>,
    tpu.vector_store_idx %arg7[%add3A_520, %broadcast_in_dim3A_1641], %get3A_1661 : memref<128x56xf32, #tpu.memory_space<vmem>>[vector<16xi32>, vector<16xi32>], vector<16xf32>,
    %get3A_1662 = arith.constant 25 : i32
    %get3A_1663 = arith.index_cast %get3A_1662 : i32 to index
    %get3A_1664 = arith.constant 80 : index
    %get3A_1665 = tpu.vector_load %arg6[%get3A_1663, %get3A_1664] {strides = array<i32>} : memref<50x128xf32, #tpu.memory_space<vmem>>, vector<16xf32>,
    tpu.vector_store_idx %arg7[%add3A_524, %broadcast_in_dim3A_1641], %get3A_1665 : memref<128x56xf32, #tpu.memory_space<vmem>>[vector<16xi32>, vector<16xi32>], vector<16xf32>,
    %get3A_1666 = arith.constant 25 : i32
    %get3A_1667 = arith.index_cast %get3A_1666 : i32 to index
    %get3A_1668 = arith.constant 96 : index
    %get3A_1669 = tpu.vector_load %arg6[%get3A_1667, %get3A_1668] {strides = array<i32>} : memref<50x128xf32, #tpu.memory_space<vmem>>, vector<16xf32>,
    tpu.vector_store_idx %arg7[%add3A_528, %broadcast_in_dim3A_1641], %get3A_1669 : memref<128x56xf32, #tpu.memory_space<vmem>>[vector<16xi32>, vector<16xi32>], vector<16xf32>,
    %get3A_1670 = arith.constant 25 : i32
    %get3A_1671 = arith.index_cast %get3A_1670 : i32 to index
    %get3A_1672 = arith.constant 112 : index
    %get3A_1673 = tpu.vector_load %arg6[%get3A_1671, %get3A_1672] {strides = array<i32>} : memref<50x128xf32, #tpu.memory_space<vmem>>, vector<16xf32>,
    tpu.vector_store_idx %arg7[%add3A_532, %broadcast_in_dim3A_1641], %get3A_1673 : memref<128x56xf32, #tpu.memory_space<vmem>>[vector<16xi32>, vector<16xi32>], vector<16xf32>,
    %dma_wait3A_1674 = arith.constant 26 : i32
    %dma_wait3A_1675 = arith.constant 26 : i32
    %dma_wait3A_1676 = arith.constant 0 : i32
    %dma_wait3A_1677 = tpu.memref_slice %arg6[%dma_wait3A_1675, %dma_wait3A_1676] : memref<50x128xf32, #tpu.memory_space<vmem>> -> memref<1x128xf32, #tpu.memory_space<vmem>>
    %dma_wait3A_1678 = tpu.memref_squeeze %dma_wait3A_1677 : memref<1x128xf32, #tpu.memory_space<vmem>> -> memref<128xf32, #tpu.memory_space<vmem>>
    %dma_wait3A_1679 = arith.constant 0 : i32
    %dma_wait3A_1680 = tpu.memref_slice %arg3[%dma_wait3A_1674, %dma_wait3A_1679] : memref<50x100000xf32, #tpu.memory_space<hbm>> -> memref<1x100000xf32, #tpu.memory_space<hbm>>
    %dma_wait3A_1681 = tpu.memref_squeeze %dma_wait3A_1680 : memref<1x100000xf32, #tpu.memory_space<hbm>> -> memref<100000xf32, #tpu.memory_space<hbm>>
    %dma_wait3A_1682 = arith.constant 0 : i32
    %dma_wait3A_1683 = tpu.memref_slice %dma_wait3A_1681[%dma_wait3A_1682] : memref<100000xf32, #tpu.memory_space<hbm>> -> memref<100000xf32, #tpu.memory_space<hbm>>
    tpu.wait_indirect_dma semaphore(%arg8 : memref<!tpu.dma_semaphore, #tpu.memory_space<semaphore_mem>>) src(%dma_wait3A_1683 : memref<100000xf32, #tpu.memory_space<hbm>>) dst(%dma_wait3A_1678 : memref<128xf32, #tpu.memory_space<vmem>>)
    %broadcast_in_dim3A_1684 = arith.constant 26 : i32
    %broadcast_in_dim3A_1685 = vector.broadcast %broadcast_in_dim3A_1684 : i32 to vector<16xi32>
    %get3A_1686 = arith.constant 26 : i32
    %get3A_1687 = arith.index_cast %get3A_1686 : i32 to index
    %get3A_1688 = arith.constant 0 : index
    %get3A_1689 = tpu.vector_load %arg6[%get3A_1687, %get3A_1688] {strides = array<i32>} : memref<50x128xf32, #tpu.memory_space<vmem>>, vector<16xf32>,
    tpu.vector_store_idx %arg7[%add3A_504, %broadcast_in_dim3A_1685], %get3A_1689 : memref<128x56xf32, #tpu.memory_space<vmem>>[vector<16xi32>, vector<16xi32>], vector<16xf32>,
    %get3A_1690 = arith.constant 26 : i32
    %get3A_1691 = arith.index_cast %get3A_1690 : i32 to index
    %get3A_1692 = arith.constant 16 : index
    %get3A_1693 = tpu.vector_load %arg6[%get3A_1691, %get3A_1692] {strides = array<i32>} : memref<50x128xf32, #tpu.memory_space<vmem>>, vector<16xf32>,
    tpu.vector_store_idx %arg7[%add3A_508, %broadcast_in_dim3A_1685], %get3A_1693 : memref<128x56xf32, #tpu.memory_space<vmem>>[vector<16xi32>, vector<16xi32>], vector<16xf32>,
    %get3A_1694 = arith.constant 26 : i32
    %get3A_1695 = arith.index_cast %get3A_1694 : i32 to index
    %get3A_1696 = arith.constant 32 : index
    %get3A_1697 = tpu.vector_load %arg6[%get3A_1695, %get3A_1696] {strides = array<i32>} : memref<50x128xf32, #tpu.memory_space<vmem>>, vector<16xf32>,
    tpu.vector_store_idx %arg7[%add3A_512, %broadcast_in_dim3A_1685], %get3A_1697 : memref<128x56xf32, #tpu.memory_space<vmem>>[vector<16xi32>, vector<16xi32>], vector<16xf32>,
    %get3A_1698 = arith.constant 26 : i32
    %get3A_1699 = arith.index_cast %get3A_1698 : i32 to index
    %get3A_1700 = arith.constant 48 : index
    %get3A_1701 = tpu.vector_load %arg6[%get3A_1699, %get3A_1700] {strides = array<i32>} : memref<50x128xf32, #tpu.memory_space<vmem>>, vector<16xf32>,
    tpu.vector_store_idx %arg7[%add3A_516, %broadcast_in_dim3A_1685], %get3A_1701 : memref<128x56xf32, #tpu.memory_space<vmem>>[vector<16xi32>, vector<16xi32>], vector<16xf32>,
    %get3A_1702 = arith.constant 26 : i32
    %get3A_1703 = arith.index_cast %get3A_1702 : i32 to index
    %get3A_1704 = arith.constant 64 : index
    %get3A_1705 = tpu.vector_load %arg6[%get3A_1703, %get3A_1704] {strides = array<i32>} : memref<50x128xf32, #tpu.memory_space<vmem>>, vector<16xf32>,
    tpu.vector_store_idx %arg7[%add3A_520, %broadcast_in_dim3A_1685], %get3A_1705 : memref<128x56xf32, #tpu.memory_space<vmem>>[vector<16xi32>, vector<16xi32>], vector<16xf32>,
    %get3A_1706 = arith.constant 26 : i32
    %get3A_1707 = arith.index_cast %get3A_1706 : i32 to index
    %get3A_1708 = arith.constant 80 : index
    %get3A_1709 = tpu.vector_load %arg6[%get3A_1707, %get3A_1708] {strides = array<i32>} : memref<50x128xf32, #tpu.memory_space<vmem>>, vector<16xf32>,
    tpu.vector_store_idx %arg7[%add3A_524, %broadcast_in_dim3A_1685], %get3A_1709 : memref<128x56xf32, #tpu.memory_space<vmem>>[vector<16xi32>, vector<16xi32>], vector<16xf32>,
    %get3A_1710 = arith.constant 26 : i32
    %get3A_1711 = arith.index_cast %get3A_1710 : i32 to index
    %get3A_1712 = arith.constant 96 : index
    %get3A_1713 = tpu.vector_load %arg6[%get3A_1711, %get3A_1712] {strides = array<i32>} : memref<50x128xf32, #tpu.memory_space<vmem>>, vector<16xf32>,
    tpu.vector_store_idx %arg7[%add3A_528, %broadcast_in_dim3A_1685], %get3A_1713 : memref<128x56xf32, #tpu.memory_space<vmem>>[vector<16xi32>, vector<16xi32>], vector<16xf32>,
    %get3A_1714 = arith.constant 26 : i32
    %get3A_1715 = arith.index_cast %get3A_1714 : i32 to index
    %get3A_1716 = arith.constant 112 : index
    %get3A_1717 = tpu.vector_load %arg6[%get3A_1715, %get3A_1716] {strides = array<i32>} : memref<50x128xf32, #tpu.memory_space<vmem>>, vector<16xf32>,
    tpu.vector_store_idx %arg7[%add3A_532, %broadcast_in_dim3A_1685], %get3A_1717 : memref<128x56xf32, #tpu.memory_space<vmem>>[vector<16xi32>, vector<16xi32>], vector<16xf32>,
    %dma_wait3A_1718 = arith.constant 27 : i32
    %dma_wait3A_1719 = arith.constant 27 : i32
    %dma_wait3A_1720 = arith.constant 0 : i32
    %dma_wait3A_1721 = tpu.memref_slice %arg6[%dma_wait3A_1719, %dma_wait3A_1720] : memref<50x128xf32, #tpu.memory_space<vmem>> -> memref<1x128xf32, #tpu.memory_space<vmem>>
    %dma_wait3A_1722 = tpu.memref_squeeze %dma_wait3A_1721 : memref<1x128xf32, #tpu.memory_space<vmem>> -> memref<128xf32, #tpu.memory_space<vmem>>
    %dma_wait3A_1723 = arith.constant 0 : i32
    %dma_wait3A_1724 = tpu.memref_slice %arg3[%dma_wait3A_1718, %dma_wait3A_1723] : memref<50x100000xf32, #tpu.memory_space<hbm>> -> memref<1x100000xf32, #tpu.memory_space<hbm>>
    %dma_wait3A_1725 = tpu.memref_squeeze %dma_wait3A_1724 : memref<1x100000xf32, #tpu.memory_space<hbm>> -> memref<100000xf32, #tpu.memory_space<hbm>>
    %dma_wait3A_1726 = arith.constant 0 : i32
    %dma_wait3A_1727 = tpu.memref_slice %dma_wait3A_1725[%dma_wait3A_1726] : memref<100000xf32, #tpu.memory_space<hbm>> -> memref<100000xf32, #tpu.memory_space<hbm>>
    tpu.wait_indirect_dma semaphore(%arg8 : memref<!tpu.dma_semaphore, #tpu.memory_space<semaphore_mem>>) src(%dma_wait3A_1727 : memref<100000xf32, #tpu.memory_space<hbm>>) dst(%dma_wait3A_1722 : memref<128xf32, #tpu.memory_space<vmem>>)
    %broadcast_in_dim3A_1728 = arith.constant 27 : i32
    %broadcast_in_dim3A_1729 = vector.broadcast %broadcast_in_dim3A_1728 : i32 to vector<16xi32>
    %get3A_1730 = arith.constant 27 : i32
    %get3A_1731 = arith.index_cast %get3A_1730 : i32 to index
    %get3A_1732 = arith.constant 0 : index
    %get3A_1733 = tpu.vector_load %arg6[%get3A_1731, %get3A_1732] {strides = array<i32>} : memref<50x128xf32, #tpu.memory_space<vmem>>, vector<16xf32>,
    tpu.vector_store_idx %arg7[%add3A_504, %broadcast_in_dim3A_1729], %get3A_1733 : memref<128x56xf32, #tpu.memory_space<vmem>>[vector<16xi32>, vector<16xi32>], vector<16xf32>,
    %get3A_1734 = arith.constant 27 : i32
    %get3A_1735 = arith.index_cast %get3A_1734 : i32 to index
    %get3A_1736 = arith.constant 16 : index
    %get3A_1737 = tpu.vector_load %arg6[%get3A_1735, %get3A_1736] {strides = array<i32>} : memref<50x128xf32, #tpu.memory_space<vmem>>, vector<16xf32>,
    tpu.vector_store_idx %arg7[%add3A_508, %broadcast_in_dim3A_1729], %get3A_1737 : memref<128x56xf32, #tpu.memory_space<vmem>>[vector<16xi32>, vector<16xi32>], vector<16xf32>,
    %get3A_1738 = arith.constant 27 : i32
    %get3A_1739 = arith.index_cast %get3A_1738 : i32 to index
    %get3A_1740 = arith.constant 32 : index
    %get3A_1741 = tpu.vector_load %arg6[%get3A_1739, %get3A_1740] {strides = array<i32>} : memref<50x128xf32, #tpu.memory_space<vmem>>, vector<16xf32>,
    tpu.vector_store_idx %arg7[%add3A_512, %broadcast_in_dim3A_1729], %get3A_1741 : memref<128x56xf32, #tpu.memory_space<vmem>>[vector<16xi32>, vector<16xi32>], vector<16xf32>,
    %get3A_1742 = arith.constant 27 : i32
    %get3A_1743 = arith.index_cast %get3A_1742 : i32 to index
    %get3A_1744 = arith.constant 48 : index
    %get3A_1745 = tpu.vector_load %arg6[%get3A_1743, %get3A_1744] {strides = array<i32>} : memref<50x128xf32, #tpu.memory_space<vmem>>, vector<16xf32>,
    tpu.vector_store_idx %arg7[%add3A_516, %broadcast_in_dim3A_1729], %get3A_1745 : memref<128x56xf32, #tpu.memory_space<vmem>>[vector<16xi32>, vector<16xi32>], vector<16xf32>,
    %get3A_1746 = arith.constant 27 : i32
    %get3A_1747 = arith.index_cast %get3A_1746 : i32 to index
    %get3A_1748 = arith.constant 64 : index
    %get3A_1749 = tpu.vector_load %arg6[%get3A_1747, %get3A_1748] {strides = array<i32>} : memref<50x128xf32, #tpu.memory_space<vmem>>, vector<16xf32>,
    tpu.vector_store_idx %arg7[%add3A_520, %broadcast_in_dim3A_1729], %get3A_1749 : memref<128x56xf32, #tpu.memory_space<vmem>>[vector<16xi32>, vector<16xi32>], vector<16xf32>,
    %get3A_1750 = arith.constant 27 : i32
    %get3A_1751 = arith.index_cast %get3A_1750 : i32 to index
    %get3A_1752 = arith.constant 80 : index
    %get3A_1753 = tpu.vector_load %arg6[%get3A_1751, %get3A_1752] {strides = array<i32>} : memref<50x128xf32, #tpu.memory_space<vmem>>, vector<16xf32>,
    tpu.vector_store_idx %arg7[%add3A_524, %broadcast_in_dim3A_1729], %get3A_1753 : memref<128x56xf32, #tpu.memory_space<vmem>>[vector<16xi32>, vector<16xi32>], vector<16xf32>,
    %get3A_1754 = arith.constant 27 : i32
    %get3A_1755 = arith.index_cast %get3A_1754 : i32 to index
    %get3A_1756 = arith.constant 96 : index
    %get3A_1757 = tpu.vector_load %arg6[%get3A_1755, %get3A_1756] {strides = array<i32>} : memref<50x128xf32, #tpu.memory_space<vmem>>, vector<16xf32>,
    tpu.vector_store_idx %arg7[%add3A_528, %broadcast_in_dim3A_1729], %get3A_1757 : memref<128x56xf32, #tpu.memory_space<vmem>>[vector<16xi32>, vector<16xi32>], vector<16xf32>,
    %get3A_1758 = arith.constant 27 : i32
    %get3A_1759 = arith.index_cast %get3A_1758 : i32 to index
    %get3A_1760 = arith.constant 112 : index
    %get3A_1761 = tpu.vector_load %arg6[%get3A_1759, %get3A_1760] {strides = array<i32>} : memref<50x128xf32, #tpu.memory_space<vmem>>, vector<16xf32>,
    tpu.vector_store_idx %arg7[%add3A_532, %broadcast_in_dim3A_1729], %get3A_1761 : memref<128x56xf32, #tpu.memory_space<vmem>>[vector<16xi32>, vector<16xi32>], vector<16xf32>,
    %dma_wait3A_1762 = arith.constant 28 : i32
    %dma_wait3A_1763 = arith.constant 28 : i32
    %dma_wait3A_1764 = arith.constant 0 : i32
    %dma_wait3A_1765 = tpu.memref_slice %arg6[%dma_wait3A_1763, %dma_wait3A_1764] : memref<50x128xf32, #tpu.memory_space<vmem>> -> memref<1x128xf32, #tpu.memory_space<vmem>>
    %dma_wait3A_1766 = tpu.memref_squeeze %dma_wait3A_1765 : memref<1x128xf32, #tpu.memory_space<vmem>> -> memref<128xf32, #tpu.memory_space<vmem>>
    %dma_wait3A_1767 = arith.constant 0 : i32
    %dma_wait3A_1768 = tpu.memref_slice %arg3[%dma_wait3A_1762, %dma_wait3A_1767] : memref<50x100000xf32, #tpu.memory_space<hbm>> -> memref<1x100000xf32, #tpu.memory_space<hbm>>
    %dma_wait3A_1769 = tpu.memref_squeeze %dma_wait3A_1768 : memref<1x100000xf32, #tpu.memory_space<hbm>> -> memref<100000xf32, #tpu.memory_space<hbm>>
    %dma_wait3A_1770 = arith.constant 0 : i32
    %dma_wait3A_1771 = tpu.memref_slice %dma_wait3A_1769[%dma_wait3A_1770] : memref<100000xf32, #tpu.memory_space<hbm>> -> memref<100000xf32, #tpu.memory_space<hbm>>
    tpu.wait_indirect_dma semaphore(%arg8 : memref<!tpu.dma_semaphore, #tpu.memory_space<semaphore_mem>>) src(%dma_wait3A_1771 : memref<100000xf32, #tpu.memory_space<hbm>>) dst(%dma_wait3A_1766 : memref<128xf32, #tpu.memory_space<vmem>>)
    %broadcast_in_dim3A_1772 = arith.constant 28 : i32
    %broadcast_in_dim3A_1773 = vector.broadcast %broadcast_in_dim3A_1772 : i32 to vector<16xi32>
    %get3A_1774 = arith.constant 28 : i32
    %get3A_1775 = arith.index_cast %get3A_1774 : i32 to index
    %get3A_1776 = arith.constant 0 : index
    %get3A_1777 = tpu.vector_load %arg6[%get3A_1775, %get3A_1776] {strides = array<i32>} : memref<50x128xf32, #tpu.memory_space<vmem>>, vector<16xf32>,
    tpu.vector_store_idx %arg7[%add3A_504, %broadcast_in_dim3A_1773], %get3A_1777 : memref<128x56xf32, #tpu.memory_space<vmem>>[vector<16xi32>, vector<16xi32>], vector<16xf32>,
    %get3A_1778 = arith.constant 28 : i32
    %get3A_1779 = arith.index_cast %get3A_1778 : i32 to index
    %get3A_1780 = arith.constant 16 : index
    %get3A_1781 = tpu.vector_load %arg6[%get3A_1779, %get3A_1780] {strides = array<i32>} : memref<50x128xf32, #tpu.memory_space<vmem>>, vector<16xf32>,
    tpu.vector_store_idx %arg7[%add3A_508, %broadcast_in_dim3A_1773], %get3A_1781 : memref<128x56xf32, #tpu.memory_space<vmem>>[vector<16xi32>, vector<16xi32>], vector<16xf32>,
    %get3A_1782 = arith.constant 28 : i32
    %get3A_1783 = arith.index_cast %get3A_1782 : i32 to index
    %get3A_1784 = arith.constant 32 : index
    %get3A_1785 = tpu.vector_load %arg6[%get3A_1783, %get3A_1784] {strides = array<i32>} : memref<50x128xf32, #tpu.memory_space<vmem>>, vector<16xf32>,
    tpu.vector_store_idx %arg7[%add3A_512, %broadcast_in_dim3A_1773], %get3A_1785 : memref<128x56xf32, #tpu.memory_space<vmem>>[vector<16xi32>, vector<16xi32>], vector<16xf32>,
    %get3A_1786 = arith.constant 28 : i32
    %get3A_1787 = arith.index_cast %get3A_1786 : i32 to index
    %get3A_1788 = arith.constant 48 : index
    %get3A_1789 = tpu.vector_load %arg6[%get3A_1787, %get3A_1788] {strides = array<i32>} : memref<50x128xf32, #tpu.memory_space<vmem>>, vector<16xf32>,
    tpu.vector_store_idx %arg7[%add3A_516, %broadcast_in_dim3A_1773], %get3A_1789 : memref<128x56xf32, #tpu.memory_space<vmem>>[vector<16xi32>, vector<16xi32>], vector<16xf32>,
    %get3A_1790 = arith.constant 28 : i32
    %get3A_1791 = arith.index_cast %get3A_1790 : i32 to index
    %get3A_1792 = arith.constant 64 : index
    %get3A_1793 = tpu.vector_load %arg6[%get3A_1791, %get3A_1792] {strides = array<i32>} : memref<50x128xf32, #tpu.memory_space<vmem>>, vector<16xf32>,
    tpu.vector_store_idx %arg7[%add3A_520, %broadcast_in_dim3A_1773], %get3A_1793 : memref<128x56xf32, #tpu.memory_space<vmem>>[vector<16xi32>, vector<16xi32>], vector<16xf32>,
    %get3A_1794 = arith.constant 28 : i32
    %get3A_1795 = arith.index_cast %get3A_1794 : i32 to index
    %get3A_1796 = arith.constant 80 : index
    %get3A_1797 = tpu.vector_load %arg6[%get3A_1795, %get3A_1796] {strides = array<i32>} : memref<50x128xf32, #tpu.memory_space<vmem>>, vector<16xf32>,
    tpu.vector_store_idx %arg7[%add3A_524, %broadcast_in_dim3A_1773], %get3A_1797 : memref<128x56xf32, #tpu.memory_space<vmem>>[vector<16xi32>, vector<16xi32>], vector<16xf32>,
    %get3A_1798 = arith.constant 28 : i32
    %get3A_1799 = arith.index_cast %get3A_1798 : i32 to index
    %get3A_1800 = arith.constant 96 : index
    %get3A_1801 = tpu.vector_load %arg6[%get3A_1799, %get3A_1800] {strides = array<i32>} : memref<50x128xf32, #tpu.memory_space<vmem>>, vector<16xf32>,
    tpu.vector_store_idx %arg7[%add3A_528, %broadcast_in_dim3A_1773], %get3A_1801 : memref<128x56xf32, #tpu.memory_space<vmem>>[vector<16xi32>, vector<16xi32>], vector<16xf32>,
    %get3A_1802 = arith.constant 28 : i32
    %get3A_1803 = arith.index_cast %get3A_1802 : i32 to index
    %get3A_1804 = arith.constant 112 : index
    %get3A_1805 = tpu.vector_load %arg6[%get3A_1803, %get3A_1804] {strides = array<i32>} : memref<50x128xf32, #tpu.memory_space<vmem>>, vector<16xf32>,
    tpu.vector_store_idx %arg7[%add3A_532, %broadcast_in_dim3A_1773], %get3A_1805 : memref<128x56xf32, #tpu.memory_space<vmem>>[vector<16xi32>, vector<16xi32>], vector<16xf32>,
    %dma_wait3A_1806 = arith.constant 29 : i32
    %dma_wait3A_1807 = arith.constant 29 : i32
    %dma_wait3A_1808 = arith.constant 0 : i32
    %dma_wait3A_1809 = tpu.memref_slice %arg6[%dma_wait3A_1807, %dma_wait3A_1808] : memref<50x128xf32, #tpu.memory_space<vmem>> -> memref<1x128xf32, #tpu.memory_space<vmem>>
    %dma_wait3A_1810 = tpu.memref_squeeze %dma_wait3A_1809 : memref<1x128xf32, #tpu.memory_space<vmem>> -> memref<128xf32, #tpu.memory_space<vmem>>
    %dma_wait3A_1811 = arith.constant 0 : i32
    %dma_wait3A_1812 = tpu.memref_slice %arg3[%dma_wait3A_1806, %dma_wait3A_1811] : memref<50x100000xf32, #tpu.memory_space<hbm>> -> memref<1x100000xf32, #tpu.memory_space<hbm>>
    %dma_wait3A_1813 = tpu.memref_squeeze %dma_wait3A_1812 : memref<1x100000xf32, #tpu.memory_space<hbm>> -> memref<100000xf32, #tpu.memory_space<hbm>>
    %dma_wait3A_1814 = arith.constant 0 : i32
    %dma_wait3A_1815 = tpu.memref_slice %dma_wait3A_1813[%dma_wait3A_1814] : memref<100000xf32, #tpu.memory_space<hbm>> -> memref<100000xf32, #tpu.memory_space<hbm>>
    tpu.wait_indirect_dma semaphore(%arg8 : memref<!tpu.dma_semaphore, #tpu.memory_space<semaphore_mem>>) src(%dma_wait3A_1815 : memref<100000xf32, #tpu.memory_space<hbm>>) dst(%dma_wait3A_1810 : memref<128xf32, #tpu.memory_space<vmem>>)
    %broadcast_in_dim3A_1816 = arith.constant 29 : i32
    %broadcast_in_dim3A_1817 = vector.broadcast %broadcast_in_dim3A_1816 : i32 to vector<16xi32>
    %get3A_1818 = arith.constant 29 : i32
    %get3A_1819 = arith.index_cast %get3A_1818 : i32 to index
    %get3A_1820 = arith.constant 0 : index
    %get3A_1821 = tpu.vector_load %arg6[%get3A_1819, %get3A_1820] {strides = array<i32>} : memref<50x128xf32, #tpu.memory_space<vmem>>, vector<16xf32>,
    tpu.vector_store_idx %arg7[%add3A_504, %broadcast_in_dim3A_1817], %get3A_1821 : memref<128x56xf32, #tpu.memory_space<vmem>>[vector<16xi32>, vector<16xi32>], vector<16xf32>,
    %get3A_1822 = arith.constant 29 : i32
    %get3A_1823 = arith.index_cast %get3A_1822 : i32 to index
    %get3A_1824 = arith.constant 16 : index
    %get3A_1825 = tpu.vector_load %arg6[%get3A_1823, %get3A_1824] {strides = array<i32>} : memref<50x128xf32, #tpu.memory_space<vmem>>, vector<16xf32>,
    tpu.vector_store_idx %arg7[%add3A_508, %broadcast_in_dim3A_1817], %get3A_1825 : memref<128x56xf32, #tpu.memory_space<vmem>>[vector<16xi32>, vector<16xi32>], vector<16xf32>,
    %get3A_1826 = arith.constant 29 : i32
    %get3A_1827 = arith.index_cast %get3A_1826 : i32 to index
    %get3A_1828 = arith.constant 32 : index
    %get3A_1829 = tpu.vector_load %arg6[%get3A_1827, %get3A_1828] {strides = array<i32>} : memref<50x128xf32, #tpu.memory_space<vmem>>, vector<16xf32>,
    tpu.vector_store_idx %arg7[%add3A_512, %broadcast_in_dim3A_1817], %get3A_1829 : memref<128x56xf32, #tpu.memory_space<vmem>>[vector<16xi32>, vector<16xi32>], vector<16xf32>,
    %get3A_1830 = arith.constant 29 : i32
    %get3A_1831 = arith.index_cast %get3A_1830 : i32 to index
    %get3A_1832 = arith.constant 48 : index
    %get3A_1833 = tpu.vector_load %arg6[%get3A_1831, %get3A_1832] {strides = array<i32>} : memref<50x128xf32, #tpu.memory_space<vmem>>, vector<16xf32>,
    tpu.vector_store_idx %arg7[%add3A_516, %broadcast_in_dim3A_1817], %get3A_1833 : memref<128x56xf32, #tpu.memory_space<vmem>>[vector<16xi32>, vector<16xi32>], vector<16xf32>,
    %get3A_1834 = arith.constant 29 : i32
    %get3A_1835 = arith.index_cast %get3A_1834 : i32 to index
    %get3A_1836 = arith.constant 64 : index
    %get3A_1837 = tpu.vector_load %arg6[%get3A_1835, %get3A_1836] {strides = array<i32>} : memref<50x128xf32, #tpu.memory_space<vmem>>, vector<16xf32>,
    tpu.vector_store_idx %arg7[%add3A_520, %broadcast_in_dim3A_1817], %get3A_1837 : memref<128x56xf32, #tpu.memory_space<vmem>>[vector<16xi32>, vector<16xi32>], vector<16xf32>,
    %get3A_1838 = arith.constant 29 : i32
    %get3A_1839 = arith.index_cast %get3A_1838 : i32 to index
    %get3A_1840 = arith.constant 80 : index
    %get3A_1841 = tpu.vector_load %arg6[%get3A_1839, %get3A_1840] {strides = array<i32>} : memref<50x128xf32, #tpu.memory_space<vmem>>, vector<16xf32>,
    tpu.vector_store_idx %arg7[%add3A_524, %broadcast_in_dim3A_1817], %get3A_1841 : memref<128x56xf32, #tpu.memory_space<vmem>>[vector<16xi32>, vector<16xi32>], vector<16xf32>,
    %get3A_1842 = arith.constant 29 : i32
    %get3A_1843 = arith.index_cast %get3A_1842 : i32 to index
    %get3A_1844 = arith.constant 96 : index
    %get3A_1845 = tpu.vector_load %arg6[%get3A_1843, %get3A_1844] {strides = array<i32>} : memref<50x128xf32, #tpu.memory_space<vmem>>, vector<16xf32>,
    tpu.vector_store_idx %arg7[%add3A_528, %broadcast_in_dim3A_1817], %get3A_1845 : memref<128x56xf32, #tpu.memory_space<vmem>>[vector<16xi32>, vector<16xi32>], vector<16xf32>,
    %get3A_1846 = arith.constant 29 : i32
    %get3A_1847 = arith.index_cast %get3A_1846 : i32 to index
    %get3A_1848 = arith.constant 112 : index
    %get3A_1849 = tpu.vector_load %arg6[%get3A_1847, %get3A_1848] {strides = array<i32>} : memref<50x128xf32, #tpu.memory_space<vmem>>, vector<16xf32>,
    tpu.vector_store_idx %arg7[%add3A_532, %broadcast_in_dim3A_1817], %get3A_1849 : memref<128x56xf32, #tpu.memory_space<vmem>>[vector<16xi32>, vector<16xi32>], vector<16xf32>,
    %dma_wait3A_1850 = arith.constant 30 : i32
    %dma_wait3A_1851 = arith.constant 30 : i32
    %dma_wait3A_1852 = arith.constant 0 : i32
    %dma_wait3A_1853 = tpu.memref_slice %arg6[%dma_wait3A_1851, %dma_wait3A_1852] : memref<50x128xf32, #tpu.memory_space<vmem>> -> memref<1x128xf32, #tpu.memory_space<vmem>>
    %dma_wait3A_1854 = tpu.memref_squeeze %dma_wait3A_1853 : memref<1x128xf32, #tpu.memory_space<vmem>> -> memref<128xf32, #tpu.memory_space<vmem>>
    %dma_wait3A_1855 = arith.constant 0 : i32
    %dma_wait3A_1856 = tpu.memref_slice %arg3[%dma_wait3A_1850, %dma_wait3A_1855] : memref<50x100000xf32, #tpu.memory_space<hbm>> -> memref<1x100000xf32, #tpu.memory_space<hbm>>
    %dma_wait3A_1857 = tpu.memref_squeeze %dma_wait3A_1856 : memref<1x100000xf32, #tpu.memory_space<hbm>> -> memref<100000xf32, #tpu.memory_space<hbm>>
    %dma_wait3A_1858 = arith.constant 0 : i32
    %dma_wait3A_1859 = tpu.memref_slice %dma_wait3A_1857[%dma_wait3A_1858] : memref<100000xf32, #tpu.memory_space<hbm>> -> memref<100000xf32, #tpu.memory_space<hbm>>
    tpu.wait_indirect_dma semaphore(%arg8 : memref<!tpu.dma_semaphore, #tpu.memory_space<semaphore_mem>>) src(%dma_wait3A_1859 : memref<100000xf32, #tpu.memory_space<hbm>>) dst(%dma_wait3A_1854 : memref<128xf32, #tpu.memory_space<vmem>>)
    %broadcast_in_dim3A_1860 = arith.constant 30 : i32
    %broadcast_in_dim3A_1861 = vector.broadcast %broadcast_in_dim3A_1860 : i32 to vector<16xi32>
    %get3A_1862 = arith.constant 30 : i32
    %get3A_1863 = arith.index_cast %get3A_1862 : i32 to index
    %get3A_1864 = arith.constant 0 : index
    %get3A_1865 = tpu.vector_load %arg6[%get3A_1863, %get3A_1864] {strides = array<i32>} : memref<50x128xf32, #tpu.memory_space<vmem>>, vector<16xf32>,
    tpu.vector_store_idx %arg7[%add3A_504, %broadcast_in_dim3A_1861], %get3A_1865 : memref<128x56xf32, #tpu.memory_space<vmem>>[vector<16xi32>, vector<16xi32>], vector<16xf32>,
    %get3A_1866 = arith.constant 30 : i32
    %get3A_1867 = arith.index_cast %get3A_1866 : i32 to index
    %get3A_1868 = arith.constant 16 : index
    %get3A_1869 = tpu.vector_load %arg6[%get3A_1867, %get3A_1868] {strides = array<i32>} : memref<50x128xf32, #tpu.memory_space<vmem>>, vector<16xf32>,
    tpu.vector_store_idx %arg7[%add3A_508, %broadcast_in_dim3A_1861], %get3A_1869 : memref<128x56xf32, #tpu.memory_space<vmem>>[vector<16xi32>, vector<16xi32>], vector<16xf32>,
    %get3A_1870 = arith.constant 30 : i32
    %get3A_1871 = arith.index_cast %get3A_1870 : i32 to index
    %get3A_1872 = arith.constant 32 : index
    %get3A_1873 = tpu.vector_load %arg6[%get3A_1871, %get3A_1872] {strides = array<i32>} : memref<50x128xf32, #tpu.memory_space<vmem>>, vector<16xf32>,
    tpu.vector_store_idx %arg7[%add3A_512, %broadcast_in_dim3A_1861], %get3A_1873 : memref<128x56xf32, #tpu.memory_space<vmem>>[vector<16xi32>, vector<16xi32>], vector<16xf32>,
    %get3A_1874 = arith.constant 30 : i32
    %get3A_1875 = arith.index_cast %get3A_1874 : i32 to index
    %get3A_1876 = arith.constant 48 : index
    %get3A_1877 = tpu.vector_load %arg6[%get3A_1875, %get3A_1876] {strides = array<i32>} : memref<50x128xf32, #tpu.memory_space<vmem>>, vector<16xf32>,
    tpu.vector_store_idx %arg7[%add3A_516, %broadcast_in_dim3A_1861], %get3A_1877 : memref<128x56xf32, #tpu.memory_space<vmem>>[vector<16xi32>, vector<16xi32>], vector<16xf32>,
    %get3A_1878 = arith.constant 30 : i32
    %get3A_1879 = arith.index_cast %get3A_1878 : i32 to index
    %get3A_1880 = arith.constant 64 : index
    %get3A_1881 = tpu.vector_load %arg6[%get3A_1879, %get3A_1880] {strides = array<i32>} : memref<50x128xf32, #tpu.memory_space<vmem>>, vector<16xf32>,
    tpu.vector_store_idx %arg7[%add3A_520, %broadcast_in_dim3A_1861], %get3A_1881 : memref<128x56xf32, #tpu.memory_space<vmem>>[vector<16xi32>, vector<16xi32>], vector<16xf32>,
    %get3A_1882 = arith.constant 30 : i32
    %get3A_1883 = arith.index_cast %get3A_1882 : i32 to index
    %get3A_1884 = arith.constant 80 : index
    %get3A_1885 = tpu.vector_load %arg6[%get3A_1883, %get3A_1884] {strides = array<i32>} : memref<50x128xf32, #tpu.memory_space<vmem>>, vector<16xf32>,
    tpu.vector_store_idx %arg7[%add3A_524, %broadcast_in_dim3A_1861], %get3A_1885 : memref<128x56xf32, #tpu.memory_space<vmem>>[vector<16xi32>, vector<16xi32>], vector<16xf32>,
    %get3A_1886 = arith.constant 30 : i32
    %get3A_1887 = arith.index_cast %get3A_1886 : i32 to index
    %get3A_1888 = arith.constant 96 : index
    %get3A_1889 = tpu.vector_load %arg6[%get3A_1887, %get3A_1888] {strides = array<i32>} : memref<50x128xf32, #tpu.memory_space<vmem>>, vector<16xf32>,
    tpu.vector_store_idx %arg7[%add3A_528, %broadcast_in_dim3A_1861], %get3A_1889 : memref<128x56xf32, #tpu.memory_space<vmem>>[vector<16xi32>, vector<16xi32>], vector<16xf32>,
    %get3A_1890 = arith.constant 30 : i32
    %get3A_1891 = arith.index_cast %get3A_1890 : i32 to index
    %get3A_1892 = arith.constant 112 : index
    %get3A_1893 = tpu.vector_load %arg6[%get3A_1891, %get3A_1892] {strides = array<i32>} : memref<50x128xf32, #tpu.memory_space<vmem>>, vector<16xf32>,
    tpu.vector_store_idx %arg7[%add3A_532, %broadcast_in_dim3A_1861], %get3A_1893 : memref<128x56xf32, #tpu.memory_space<vmem>>[vector<16xi32>, vector<16xi32>], vector<16xf32>,
    %dma_wait3A_1894 = arith.constant 31 : i32
    %dma_wait3A_1895 = arith.constant 31 : i32
    %dma_wait3A_1896 = arith.constant 0 : i32
    %dma_wait3A_1897 = tpu.memref_slice %arg6[%dma_wait3A_1895, %dma_wait3A_1896] : memref<50x128xf32, #tpu.memory_space<vmem>> -> memref<1x128xf32, #tpu.memory_space<vmem>>
    %dma_wait3A_1898 = tpu.memref_squeeze %dma_wait3A_1897 : memref<1x128xf32, #tpu.memory_space<vmem>> -> memref<128xf32, #tpu.memory_space<vmem>>
    %dma_wait3A_1899 = arith.constant 0 : i32
    %dma_wait3A_1900 = tpu.memref_slice %arg3[%dma_wait3A_1894, %dma_wait3A_1899] : memref<50x100000xf32, #tpu.memory_space<hbm>> -> memref<1x100000xf32, #tpu.memory_space<hbm>>
    %dma_wait3A_1901 = tpu.memref_squeeze %dma_wait3A_1900 : memref<1x100000xf32, #tpu.memory_space<hbm>> -> memref<100000xf32, #tpu.memory_space<hbm>>
    %dma_wait3A_1902 = arith.constant 0 : i32
    %dma_wait3A_1903 = tpu.memref_slice %dma_wait3A_1901[%dma_wait3A_1902] : memref<100000xf32, #tpu.memory_space<hbm>> -> memref<100000xf32, #tpu.memory_space<hbm>>
    tpu.wait_indirect_dma semaphore(%arg8 : memref<!tpu.dma_semaphore, #tpu.memory_space<semaphore_mem>>) src(%dma_wait3A_1903 : memref<100000xf32, #tpu.memory_space<hbm>>) dst(%dma_wait3A_1898 : memref<128xf32, #tpu.memory_space<vmem>>)
    %broadcast_in_dim3A_1904 = arith.constant 31 : i32
    %broadcast_in_dim3A_1905 = vector.broadcast %broadcast_in_dim3A_1904 : i32 to vector<16xi32>
    %get3A_1906 = arith.constant 31 : i32
    %get3A_1907 = arith.index_cast %get3A_1906 : i32 to index
    %get3A_1908 = arith.constant 0 : index
    %get3A_1909 = tpu.vector_load %arg6[%get3A_1907, %get3A_1908] {strides = array<i32>} : memref<50x128xf32, #tpu.memory_space<vmem>>, vector<16xf32>,
    tpu.vector_store_idx %arg7[%add3A_504, %broadcast_in_dim3A_1905], %get3A_1909 : memref<128x56xf32, #tpu.memory_space<vmem>>[vector<16xi32>, vector<16xi32>], vector<16xf32>,
    %get3A_1910 = arith.constant 31 : i32
    %get3A_1911 = arith.index_cast %get3A_1910 : i32 to index
    %get3A_1912 = arith.constant 16 : index
    %get3A_1913 = tpu.vector_load %arg6[%get3A_1911, %get3A_1912] {strides = array<i32>} : memref<50x128xf32, #tpu.memory_space<vmem>>, vector<16xf32>,
    tpu.vector_store_idx %arg7[%add3A_508, %broadcast_in_dim3A_1905], %get3A_1913 : memref<128x56xf32, #tpu.memory_space<vmem>>[vector<16xi32>, vector<16xi32>], vector<16xf32>,
    %get3A_1914 = arith.constant 31 : i32
    %get3A_1915 = arith.index_cast %get3A_1914 : i32 to index
    %get3A_1916 = arith.constant 32 : index
    %get3A_1917 = tpu.vector_load %arg6[%get3A_1915, %get3A_1916] {strides = array<i32>} : memref<50x128xf32, #tpu.memory_space<vmem>>, vector<16xf32>,
    tpu.vector_store_idx %arg7[%add3A_512, %broadcast_in_dim3A_1905], %get3A_1917 : memref<128x56xf32, #tpu.memory_space<vmem>>[vector<16xi32>, vector<16xi32>], vector<16xf32>,
    %get3A_1918 = arith.constant 31 : i32
    %get3A_1919 = arith.index_cast %get3A_1918 : i32 to index
    %get3A_1920 = arith.constant 48 : index
    %get3A_1921 = tpu.vector_load %arg6[%get3A_1919, %get3A_1920] {strides = array<i32>} : memref<50x128xf32, #tpu.memory_space<vmem>>, vector<16xf32>,
    tpu.vector_store_idx %arg7[%add3A_516, %broadcast_in_dim3A_1905], %get3A_1921 : memref<128x56xf32, #tpu.memory_space<vmem>>[vector<16xi32>, vector<16xi32>], vector<16xf32>,
    %get3A_1922 = arith.constant 31 : i32
    %get3A_1923 = arith.index_cast %get3A_1922 : i32 to index
    %get3A_1924 = arith.constant 64 : index
    %get3A_1925 = tpu.vector_load %arg6[%get3A_1923, %get3A_1924] {strides = array<i32>} : memref<50x128xf32, #tpu.memory_space<vmem>>, vector<16xf32>,
    tpu.vector_store_idx %arg7[%add3A_520, %broadcast_in_dim3A_1905], %get3A_1925 : memref<128x56xf32, #tpu.memory_space<vmem>>[vector<16xi32>, vector<16xi32>], vector<16xf32>,
    %get3A_1926 = arith.constant 31 : i32
    %get3A_1927 = arith.index_cast %get3A_1926 : i32 to index
    %get3A_1928 = arith.constant 80 : index
    %get3A_1929 = tpu.vector_load %arg6[%get3A_1927, %get3A_1928] {strides = array<i32>} : memref<50x128xf32, #tpu.memory_space<vmem>>, vector<16xf32>,
    tpu.vector_store_idx %arg7[%add3A_524, %broadcast_in_dim3A_1905], %get3A_1929 : memref<128x56xf32, #tpu.memory_space<vmem>>[vector<16xi32>, vector<16xi32>], vector<16xf32>,
    %get3A_1930 = arith.constant 31 : i32
    %get3A_1931 = arith.index_cast %get3A_1930 : i32 to index
    %get3A_1932 = arith.constant 96 : index
    %get3A_1933 = tpu.vector_load %arg6[%get3A_1931, %get3A_1932] {strides = array<i32>} : memref<50x128xf32, #tpu.memory_space<vmem>>, vector<16xf32>,
    tpu.vector_store_idx %arg7[%add3A_528, %broadcast_in_dim3A_1905], %get3A_1933 : memref<128x56xf32, #tpu.memory_space<vmem>>[vector<16xi32>, vector<16xi32>], vector<16xf32>,
    %get3A_1934 = arith.constant 31 : i32
    %get3A_1935 = arith.index_cast %get3A_1934 : i32 to index
    %get3A_1936 = arith.constant 112 : index
    %get3A_1937 = tpu.vector_load %arg6[%get3A_1935, %get3A_1936] {strides = array<i32>} : memref<50x128xf32, #tpu.memory_space<vmem>>, vector<16xf32>,
    tpu.vector_store_idx %arg7[%add3A_532, %broadcast_in_dim3A_1905], %get3A_1937 : memref<128x56xf32, #tpu.memory_space<vmem>>[vector<16xi32>, vector<16xi32>], vector<16xf32>,
    %dma_wait3A_1938 = arith.constant 32 : i32
    %dma_wait3A_1939 = arith.constant 32 : i32
    %dma_wait3A_1940 = arith.constant 0 : i32
    %dma_wait3A_1941 = tpu.memref_slice %arg6[%dma_wait3A_1939, %dma_wait3A_1940] : memref<50x128xf32, #tpu.memory_space<vmem>> -> memref<1x128xf32, #tpu.memory_space<vmem>>
    %dma_wait3A_1942 = tpu.memref_squeeze %dma_wait3A_1941 : memref<1x128xf32, #tpu.memory_space<vmem>> -> memref<128xf32, #tpu.memory_space<vmem>>
    %dma_wait3A_1943 = arith.constant 0 : i32
    %dma_wait3A_1944 = tpu.memref_slice %arg3[%dma_wait3A_1938, %dma_wait3A_1943] : memref<50x100000xf32, #tpu.memory_space<hbm>> -> memref<1x100000xf32, #tpu.memory_space<hbm>>
    %dma_wait3A_1945 = tpu.memref_squeeze %dma_wait3A_1944 : memref<1x100000xf32, #tpu.memory_space<hbm>> -> memref<100000xf32, #tpu.memory_space<hbm>>
    %dma_wait3A_1946 = arith.constant 0 : i32
    %dma_wait3A_1947 = tpu.memref_slice %dma_wait3A_1945[%dma_wait3A_1946] : memref<100000xf32, #tpu.memory_space<hbm>> -> memref<100000xf32, #tpu.memory_space<hbm>>
    tpu.wait_indirect_dma semaphore(%arg8 : memref<!tpu.dma_semaphore, #tpu.memory_space<semaphore_mem>>) src(%dma_wait3A_1947 : memref<100000xf32, #tpu.memory_space<hbm>>) dst(%dma_wait3A_1942 : memref<128xf32, #tpu.memory_space<vmem>>)
    %broadcast_in_dim3A_1948 = arith.constant 32 : i32
    %broadcast_in_dim3A_1949 = vector.broadcast %broadcast_in_dim3A_1948 : i32 to vector<16xi32>
    %get3A_1950 = arith.constant 32 : i32
    %get3A_1951 = arith.index_cast %get3A_1950 : i32 to index
    %get3A_1952 = arith.constant 0 : index
    %get3A_1953 = tpu.vector_load %arg6[%get3A_1951, %get3A_1952] {strides = array<i32>} : memref<50x128xf32, #tpu.memory_space<vmem>>, vector<16xf32>,
    tpu.vector_store_idx %arg7[%add3A_504, %broadcast_in_dim3A_1949], %get3A_1953 : memref<128x56xf32, #tpu.memory_space<vmem>>[vector<16xi32>, vector<16xi32>], vector<16xf32>,
    %get3A_1954 = arith.constant 32 : i32
    %get3A_1955 = arith.index_cast %get3A_1954 : i32 to index
    %get3A_1956 = arith.constant 16 : index
    %get3A_1957 = tpu.vector_load %arg6[%get3A_1955, %get3A_1956] {strides = array<i32>} : memref<50x128xf32, #tpu.memory_space<vmem>>, vector<16xf32>,
    tpu.vector_store_idx %arg7[%add3A_508, %broadcast_in_dim3A_1949], %get3A_1957 : memref<128x56xf32, #tpu.memory_space<vmem>>[vector<16xi32>, vector<16xi32>], vector<16xf32>,
    %get3A_1958 = arith.constant 32 : i32
    %get3A_1959 = arith.index_cast %get3A_1958 : i32 to index
    %get3A_1960 = arith.constant 32 : index
    %get3A_1961 = tpu.vector_load %arg6[%get3A_1959, %get3A_1960] {strides = array<i32>} : memref<50x128xf32, #tpu.memory_space<vmem>>, vector<16xf32>,
    tpu.vector_store_idx %arg7[%add3A_512, %broadcast_in_dim3A_1949], %get3A_1961 : memref<128x56xf32, #tpu.memory_space<vmem>>[vector<16xi32>, vector<16xi32>], vector<16xf32>,
    %get3A_1962 = arith.constant 32 : i32
    %get3A_1963 = arith.index_cast %get3A_1962 : i32 to index
    %get3A_1964 = arith.constant 48 : index
    %get3A_1965 = tpu.vector_load %arg6[%get3A_1963, %get3A_1964] {strides = array<i32>} : memref<50x128xf32, #tpu.memory_space<vmem>>, vector<16xf32>,
    tpu.vector_store_idx %arg7[%add3A_516, %broadcast_in_dim3A_1949], %get3A_1965 : memref<128x56xf32, #tpu.memory_space<vmem>>[vector<16xi32>, vector<16xi32>], vector<16xf32>,
    %get3A_1966 = arith.constant 32 : i32
    %get3A_1967 = arith.index_cast %get3A_1966 : i32 to index
    %get3A_1968 = arith.constant 64 : index
    %get3A_1969 = tpu.vector_load %arg6[%get3A_1967, %get3A_1968] {strides = array<i32>} : memref<50x128xf32, #tpu.memory_space<vmem>>, vector<16xf32>,
    tpu.vector_store_idx %arg7[%add3A_520, %broadcast_in_dim3A_1949], %get3A_1969 : memref<128x56xf32, #tpu.memory_space<vmem>>[vector<16xi32>, vector<16xi32>], vector<16xf32>,
    %get3A_1970 = arith.constant 32 : i32
    %get3A_1971 = arith.index_cast %get3A_1970 : i32 to index
    %get3A_1972 = arith.constant 80 : index
    %get3A_1973 = tpu.vector_load %arg6[%get3A_1971, %get3A_1972] {strides = array<i32>} : memref<50x128xf32, #tpu.memory_space<vmem>>, vector<16xf32>,
    tpu.vector_store_idx %arg7[%add3A_524, %broadcast_in_dim3A_1949], %get3A_1973 : memref<128x56xf32, #tpu.memory_space<vmem>>[vector<16xi32>, vector<16xi32>], vector<16xf32>,
    %get3A_1974 = arith.constant 32 : i32
    %get3A_1975 = arith.index_cast %get3A_1974 : i32 to index
    %get3A_1976 = arith.constant 96 : index
    %get3A_1977 = tpu.vector_load %arg6[%get3A_1975, %get3A_1976] {strides = array<i32>} : memref<50x128xf32, #tpu.memory_space<vmem>>, vector<16xf32>,
    tpu.vector_store_idx %arg7[%add3A_528, %broadcast_in_dim3A_1949], %get3A_1977 : memref<128x56xf32, #tpu.memory_space<vmem>>[vector<16xi32>, vector<16xi32>], vector<16xf32>,
    %get3A_1978 = arith.constant 32 : i32
    %get3A_1979 = arith.index_cast %get3A_1978 : i32 to index
    %get3A_1980 = arith.constant 112 : index
    %get3A_1981 = tpu.vector_load %arg6[%get3A_1979, %get3A_1980] {strides = array<i32>} : memref<50x128xf32, #tpu.memory_space<vmem>>, vector<16xf32>,
    tpu.vector_store_idx %arg7[%add3A_532, %broadcast_in_dim3A_1949], %get3A_1981 : memref<128x56xf32, #tpu.memory_space<vmem>>[vector<16xi32>, vector<16xi32>], vector<16xf32>,
    %dma_wait3A_1982 = arith.constant 33 : i32
    %dma_wait3A_1983 = arith.constant 33 : i32
    %dma_wait3A_1984 = arith.constant 0 : i32
    %dma_wait3A_1985 = tpu.memref_slice %arg6[%dma_wait3A_1983, %dma_wait3A_1984] : memref<50x128xf32, #tpu.memory_space<vmem>> -> memref<1x128xf32, #tpu.memory_space<vmem>>
    %dma_wait3A_1986 = tpu.memref_squeeze %dma_wait3A_1985 : memref<1x128xf32, #tpu.memory_space<vmem>> -> memref<128xf32, #tpu.memory_space<vmem>>
    %dma_wait3A_1987 = arith.constant 0 : i32
    %dma_wait3A_1988 = tpu.memref_slice %arg3[%dma_wait3A_1982, %dma_wait3A_1987] : memref<50x100000xf32, #tpu.memory_space<hbm>> -> memref<1x100000xf32, #tpu.memory_space<hbm>>
    %dma_wait3A_1989 = tpu.memref_squeeze %dma_wait3A_1988 : memref<1x100000xf32, #tpu.memory_space<hbm>> -> memref<100000xf32, #tpu.memory_space<hbm>>
    %dma_wait3A_1990 = arith.constant 0 : i32
    %dma_wait3A_1991 = tpu.memref_slice %dma_wait3A_1989[%dma_wait3A_1990] : memref<100000xf32, #tpu.memory_space<hbm>> -> memref<100000xf32, #tpu.memory_space<hbm>>
    tpu.wait_indirect_dma semaphore(%arg8 : memref<!tpu.dma_semaphore, #tpu.memory_space<semaphore_mem>>) src(%dma_wait3A_1991 : memref<100000xf32, #tpu.memory_space<hbm>>) dst(%dma_wait3A_1986 : memref<128xf32, #tpu.memory_space<vmem>>)
    %broadcast_in_dim3A_1992 = arith.constant 33 : i32
    %broadcast_in_dim3A_1993 = vector.broadcast %broadcast_in_dim3A_1992 : i32 to vector<16xi32>
    %get3A_1994 = arith.constant 33 : i32
    %get3A_1995 = arith.index_cast %get3A_1994 : i32 to index
    %get3A_1996 = arith.constant 0 : index
    %get3A_1997 = tpu.vector_load %arg6[%get3A_1995, %get3A_1996] {strides = array<i32>} : memref<50x128xf32, #tpu.memory_space<vmem>>, vector<16xf32>,
    tpu.vector_store_idx %arg7[%add3A_504, %broadcast_in_dim3A_1993], %get3A_1997 : memref<128x56xf32, #tpu.memory_space<vmem>>[vector<16xi32>, vector<16xi32>], vector<16xf32>,
    %get3A_1998 = arith.constant 33 : i32
    %get3A_1999 = arith.index_cast %get3A_1998 : i32 to index
    %get3A_2000 = arith.constant 16 : index
    %get3A_2001 = tpu.vector_load %arg6[%get3A_1999, %get3A_2000] {strides = array<i32>} : memref<50x128xf32, #tpu.memory_space<vmem>>, vector<16xf32>,
    tpu.vector_store_idx %arg7[%add3A_508, %broadcast_in_dim3A_1993], %get3A_2001 : memref<128x56xf32, #tpu.memory_space<vmem>>[vector<16xi32>, vector<16xi32>], vector<16xf32>,
    %get3A_2002 = arith.constant 33 : i32
    %get3A_2003 = arith.index_cast %get3A_2002 : i32 to index
    %get3A_2004 = arith.constant 32 : index
    %get3A_2005 = tpu.vector_load %arg6[%get3A_2003, %get3A_2004] {strides = array<i32>} : memref<50x128xf32, #tpu.memory_space<vmem>>, vector<16xf32>,
    tpu.vector_store_idx %arg7[%add3A_512, %broadcast_in_dim3A_1993], %get3A_2005 : memref<128x56xf32, #tpu.memory_space<vmem>>[vector<16xi32>, vector<16xi32>], vector<16xf32>,
    %get3A_2006 = arith.constant 33 : i32
    %get3A_2007 = arith.index_cast %get3A_2006 : i32 to index
    %get3A_2008 = arith.constant 48 : index
    %get3A_2009 = tpu.vector_load %arg6[%get3A_2007, %get3A_2008] {strides = array<i32>} : memref<50x128xf32, #tpu.memory_space<vmem>>, vector<16xf32>,
    tpu.vector_store_idx %arg7[%add3A_516, %broadcast_in_dim3A_1993], %get3A_2009 : memref<128x56xf32, #tpu.memory_space<vmem>>[vector<16xi32>, vector<16xi32>], vector<16xf32>,
    %get3A_2010 = arith.constant 33 : i32
    %get3A_2011 = arith.index_cast %get3A_2010 : i32 to index
    %get3A_2012 = arith.constant 64 : index
    %get3A_2013 = tpu.vector_load %arg6[%get3A_2011, %get3A_2012] {strides = array<i32>} : memref<50x128xf32, #tpu.memory_space<vmem>>, vector<16xf32>,
    tpu.vector_store_idx %arg7[%add3A_520, %broadcast_in_dim3A_1993], %get3A_2013 : memref<128x56xf32, #tpu.memory_space<vmem>>[vector<16xi32>, vector<16xi32>], vector<16xf32>,
    %get3A_2014 = arith.constant 33 : i32
    %get3A_2015 = arith.index_cast %get3A_2014 : i32 to index
    %get3A_2016 = arith.constant 80 : index
    %get3A_2017 = tpu.vector_load %arg6[%get3A_2015, %get3A_2016] {strides = array<i32>} : memref<50x128xf32, #tpu.memory_space<vmem>>, vector<16xf32>,
    tpu.vector_store_idx %arg7[%add3A_524, %broadcast_in_dim3A_1993], %get3A_2017 : memref<128x56xf32, #tpu.memory_space<vmem>>[vector<16xi32>, vector<16xi32>], vector<16xf32>,
    %get3A_2018 = arith.constant 33 : i32
    %get3A_2019 = arith.index_cast %get3A_2018 : i32 to index
    %get3A_2020 = arith.constant 96 : index
    %get3A_2021 = tpu.vector_load %arg6[%get3A_2019, %get3A_2020] {strides = array<i32>} : memref<50x128xf32, #tpu.memory_space<vmem>>, vector<16xf32>,
    tpu.vector_store_idx %arg7[%add3A_528, %broadcast_in_dim3A_1993], %get3A_2021 : memref<128x56xf32, #tpu.memory_space<vmem>>[vector<16xi32>, vector<16xi32>], vector<16xf32>,
    %get3A_2022 = arith.constant 33 : i32
    %get3A_2023 = arith.index_cast %get3A_2022 : i32 to index
    %get3A_2024 = arith.constant 112 : index
    %get3A_2025 = tpu.vector_load %arg6[%get3A_2023, %get3A_2024] {strides = array<i32>} : memref<50x128xf32, #tpu.memory_space<vmem>>, vector<16xf32>,
    tpu.vector_store_idx %arg7[%add3A_532, %broadcast_in_dim3A_1993], %get3A_2025 : memref<128x56xf32, #tpu.memory_space<vmem>>[vector<16xi32>, vector<16xi32>], vector<16xf32>,
    %dma_wait3A_2026 = arith.constant 34 : i32
    %dma_wait3A_2027 = arith.constant 34 : i32
    %dma_wait3A_2028 = arith.constant 0 : i32
    %dma_wait3A_2029 = tpu.memref_slice %arg6[%dma_wait3A_2027, %dma_wait3A_2028] : memref<50x128xf32, #tpu.memory_space<vmem>> -> memref<1x128xf32, #tpu.memory_space<vmem>>
    %dma_wait3A_2030 = tpu.memref_squeeze %dma_wait3A_2029 : memref<1x128xf32, #tpu.memory_space<vmem>> -> memref<128xf32, #tpu.memory_space<vmem>>
    %dma_wait3A_2031 = arith.constant 0 : i32
    %dma_wait3A_2032 = tpu.memref_slice %arg3[%dma_wait3A_2026, %dma_wait3A_2031] : memref<50x100000xf32, #tpu.memory_space<hbm>> -> memref<1x100000xf32, #tpu.memory_space<hbm>>
    %dma_wait3A_2033 = tpu.memref_squeeze %dma_wait3A_2032 : memref<1x100000xf32, #tpu.memory_space<hbm>> -> memref<100000xf32, #tpu.memory_space<hbm>>
    %dma_wait3A_2034 = arith.constant 0 : i32
    %dma_wait3A_2035 = tpu.memref_slice %dma_wait3A_2033[%dma_wait3A_2034] : memref<100000xf32, #tpu.memory_space<hbm>> -> memref<100000xf32, #tpu.memory_space<hbm>>
    tpu.wait_indirect_dma semaphore(%arg8 : memref<!tpu.dma_semaphore, #tpu.memory_space<semaphore_mem>>) src(%dma_wait3A_2035 : memref<100000xf32, #tpu.memory_space<hbm>>) dst(%dma_wait3A_2030 : memref<128xf32, #tpu.memory_space<vmem>>)
    %broadcast_in_dim3A_2036 = arith.constant 34 : i32
    %broadcast_in_dim3A_2037 = vector.broadcast %broadcast_in_dim3A_2036 : i32 to vector<16xi32>
    %get3A_2038 = arith.constant 34 : i32
    %get3A_2039 = arith.index_cast %get3A_2038 : i32 to index
    %get3A_2040 = arith.constant 0 : index
    %get3A_2041 = tpu.vector_load %arg6[%get3A_2039, %get3A_2040] {strides = array<i32>} : memref<50x128xf32, #tpu.memory_space<vmem>>, vector<16xf32>,
    tpu.vector_store_idx %arg7[%add3A_504, %broadcast_in_dim3A_2037], %get3A_2041 : memref<128x56xf32, #tpu.memory_space<vmem>>[vector<16xi32>, vector<16xi32>], vector<16xf32>,
    %get3A_2042 = arith.constant 34 : i32
    %get3A_2043 = arith.index_cast %get3A_2042 : i32 to index
    %get3A_2044 = arith.constant 16 : index
    %get3A_2045 = tpu.vector_load %arg6[%get3A_2043, %get3A_2044] {strides = array<i32>} : memref<50x128xf32, #tpu.memory_space<vmem>>, vector<16xf32>,
    tpu.vector_store_idx %arg7[%add3A_508, %broadcast_in_dim3A_2037], %get3A_2045 : memref<128x56xf32, #tpu.memory_space<vmem>>[vector<16xi32>, vector<16xi32>], vector<16xf32>,
    %get3A_2046 = arith.constant 34 : i32
    %get3A_2047 = arith.index_cast %get3A_2046 : i32 to index
    %get3A_2048 = arith.constant 32 : index
    %get3A_2049 = tpu.vector_load %arg6[%get3A_2047, %get3A_2048] {strides = array<i32>} : memref<50x128xf32, #tpu.memory_space<vmem>>, vector<16xf32>,
    tpu.vector_store_idx %arg7[%add3A_512, %broadcast_in_dim3A_2037], %get3A_2049 : memref<128x56xf32, #tpu.memory_space<vmem>>[vector<16xi32>, vector<16xi32>], vector<16xf32>,
    %get3A_2050 = arith.constant 34 : i32
    %get3A_2051 = arith.index_cast %get3A_2050 : i32 to index
    %get3A_2052 = arith.constant 48 : index
    %get3A_2053 = tpu.vector_load %arg6[%get3A_2051, %get3A_2052] {strides = array<i32>} : memref<50x128xf32, #tpu.memory_space<vmem>>, vector<16xf32>,
    tpu.vector_store_idx %arg7[%add3A_516, %broadcast_in_dim3A_2037], %get3A_2053 : memref<128x56xf32, #tpu.memory_space<vmem>>[vector<16xi32>, vector<16xi32>], vector<16xf32>,
    %get3A_2054 = arith.constant 34 : i32
    %get3A_2055 = arith.index_cast %get3A_2054 : i32 to index
    %get3A_2056 = arith.constant 64 : index
    %get3A_2057 = tpu.vector_load %arg6[%get3A_2055, %get3A_2056] {strides = array<i32>} : memref<50x128xf32, #tpu.memory_space<vmem>>, vector<16xf32>,
    tpu.vector_store_idx %arg7[%add3A_520, %broadcast_in_dim3A_2037], %get3A_2057 : memref<128x56xf32, #tpu.memory_space<vmem>>[vector<16xi32>, vector<16xi32>], vector<16xf32>,
    %get3A_2058 = arith.constant 34 : i32
    %get3A_2059 = arith.index_cast %get3A_2058 : i32 to index
    %get3A_2060 = arith.constant 80 : index
    %get3A_2061 = tpu.vector_load %arg6[%get3A_2059, %get3A_2060] {strides = array<i32>} : memref<50x128xf32, #tpu.memory_space<vmem>>, vector<16xf32>,
    tpu.vector_store_idx %arg7[%add3A_524, %broadcast_in_dim3A_2037], %get3A_2061 : memref<128x56xf32, #tpu.memory_space<vmem>>[vector<16xi32>, vector<16xi32>], vector<16xf32>,
    %get3A_2062 = arith.constant 34 : i32
    %get3A_2063 = arith.index_cast %get3A_2062 : i32 to index
    %get3A_2064 = arith.constant 96 : index
    %get3A_2065 = tpu.vector_load %arg6[%get3A_2063, %get3A_2064] {strides = array<i32>} : memref<50x128xf32, #tpu.memory_space<vmem>>, vector<16xf32>,
    tpu.vector_store_idx %arg7[%add3A_528, %broadcast_in_dim3A_2037], %get3A_2065 : memref<128x56xf32, #tpu.memory_space<vmem>>[vector<16xi32>, vector<16xi32>], vector<16xf32>,
    %get3A_2066 = arith.constant 34 : i32
    %get3A_2067 = arith.index_cast %get3A_2066 : i32 to index
    %get3A_2068 = arith.constant 112 : index
    %get3A_2069 = tpu.vector_load %arg6[%get3A_2067, %get3A_2068] {strides = array<i32>} : memref<50x128xf32, #tpu.memory_space<vmem>>, vector<16xf32>,
    tpu.vector_store_idx %arg7[%add3A_532, %broadcast_in_dim3A_2037], %get3A_2069 : memref<128x56xf32, #tpu.memory_space<vmem>>[vector<16xi32>, vector<16xi32>], vector<16xf32>,
    %dma_wait3A_2070 = arith.constant 35 : i32
    %dma_wait3A_2071 = arith.constant 35 : i32
    %dma_wait3A_2072 = arith.constant 0 : i32
    %dma_wait3A_2073 = tpu.memref_slice %arg6[%dma_wait3A_2071, %dma_wait3A_2072] : memref<50x128xf32, #tpu.memory_space<vmem>> -> memref<1x128xf32, #tpu.memory_space<vmem>>
    %dma_wait3A_2074 = tpu.memref_squeeze %dma_wait3A_2073 : memref<1x128xf32, #tpu.memory_space<vmem>> -> memref<128xf32, #tpu.memory_space<vmem>>
    %dma_wait3A_2075 = arith.constant 0 : i32
    %dma_wait3A_2076 = tpu.memref_slice %arg3[%dma_wait3A_2070, %dma_wait3A_2075] : memref<50x100000xf32, #tpu.memory_space<hbm>> -> memref<1x100000xf32, #tpu.memory_space<hbm>>
    %dma_wait3A_2077 = tpu.memref_squeeze %dma_wait3A_2076 : memref<1x100000xf32, #tpu.memory_space<hbm>> -> memref<100000xf32, #tpu.memory_space<hbm>>
    %dma_wait3A_2078 = arith.constant 0 : i32
    %dma_wait3A_2079 = tpu.memref_slice %dma_wait3A_2077[%dma_wait3A_2078] : memref<100000xf32, #tpu.memory_space<hbm>> -> memref<100000xf32, #tpu.memory_space<hbm>>
    tpu.wait_indirect_dma semaphore(%arg8 : memref<!tpu.dma_semaphore, #tpu.memory_space<semaphore_mem>>) src(%dma_wait3A_2079 : memref<100000xf32, #tpu.memory_space<hbm>>) dst(%dma_wait3A_2074 : memref<128xf32, #tpu.memory_space<vmem>>)
    %broadcast_in_dim3A_2080 = arith.constant 35 : i32
    %broadcast_in_dim3A_2081 = vector.broadcast %broadcast_in_dim3A_2080 : i32 to vector<16xi32>
    %get3A_2082 = arith.constant 35 : i32
    %get3A_2083 = arith.index_cast %get3A_2082 : i32 to index
    %get3A_2084 = arith.constant 0 : index
    %get3A_2085 = tpu.vector_load %arg6[%get3A_2083, %get3A_2084] {strides = array<i32>} : memref<50x128xf32, #tpu.memory_space<vmem>>, vector<16xf32>,
    tpu.vector_store_idx %arg7[%add3A_504, %broadcast_in_dim3A_2081], %get3A_2085 : memref<128x56xf32, #tpu.memory_space<vmem>>[vector<16xi32>, vector<16xi32>], vector<16xf32>,
    %get3A_2086 = arith.constant 35 : i32
    %get3A_2087 = arith.index_cast %get3A_2086 : i32 to index
    %get3A_2088 = arith.constant 16 : index
    %get3A_2089 = tpu.vector_load %arg6[%get3A_2087, %get3A_2088] {strides = array<i32>} : memref<50x128xf32, #tpu.memory_space<vmem>>, vector<16xf32>,
    tpu.vector_store_idx %arg7[%add3A_508, %broadcast_in_dim3A_2081], %get3A_2089 : memref<128x56xf32, #tpu.memory_space<vmem>>[vector<16xi32>, vector<16xi32>], vector<16xf32>,
    %get3A_2090 = arith.constant 35 : i32
    %get3A_2091 = arith.index_cast %get3A_2090 : i32 to index
    %get3A_2092 = arith.constant 32 : index
    %get3A_2093 = tpu.vector_load %arg6[%get3A_2091, %get3A_2092] {strides = array<i32>} : memref<50x128xf32, #tpu.memory_space<vmem>>, vector<16xf32>,
    tpu.vector_store_idx %arg7[%add3A_512, %broadcast_in_dim3A_2081], %get3A_2093 : memref<128x56xf32, #tpu.memory_space<vmem>>[vector<16xi32>, vector<16xi32>], vector<16xf32>,
    %get3A_2094 = arith.constant 35 : i32
    %get3A_2095 = arith.index_cast %get3A_2094 : i32 to index
    %get3A_2096 = arith.constant 48 : index
    %get3A_2097 = tpu.vector_load %arg6[%get3A_2095, %get3A_2096] {strides = array<i32>} : memref<50x128xf32, #tpu.memory_space<vmem>>, vector<16xf32>,
    tpu.vector_store_idx %arg7[%add3A_516, %broadcast_in_dim3A_2081], %get3A_2097 : memref<128x56xf32, #tpu.memory_space<vmem>>[vector<16xi32>, vector<16xi32>], vector<16xf32>,
    %get3A_2098 = arith.constant 35 : i32
    %get3A_2099 = arith.index_cast %get3A_2098 : i32 to index
    %get3A_2100 = arith.constant 64 : index
    %get3A_2101 = tpu.vector_load %arg6[%get3A_2099, %get3A_2100] {strides = array<i32>} : memref<50x128xf32, #tpu.memory_space<vmem>>, vector<16xf32>,
    tpu.vector_store_idx %arg7[%add3A_520, %broadcast_in_dim3A_2081], %get3A_2101 : memref<128x56xf32, #tpu.memory_space<vmem>>[vector<16xi32>, vector<16xi32>], vector<16xf32>,
    %get3A_2102 = arith.constant 35 : i32
    %get3A_2103 = arith.index_cast %get3A_2102 : i32 to index
    %get3A_2104 = arith.constant 80 : index
    %get3A_2105 = tpu.vector_load %arg6[%get3A_2103, %get3A_2104] {strides = array<i32>} : memref<50x128xf32, #tpu.memory_space<vmem>>, vector<16xf32>,
    tpu.vector_store_idx %arg7[%add3A_524, %broadcast_in_dim3A_2081], %get3A_2105 : memref<128x56xf32, #tpu.memory_space<vmem>>[vector<16xi32>, vector<16xi32>], vector<16xf32>,
    %get3A_2106 = arith.constant 35 : i32
    %get3A_2107 = arith.index_cast %get3A_2106 : i32 to index
    %get3A_2108 = arith.constant 96 : index
    %get3A_2109 = tpu.vector_load %arg6[%get3A_2107, %get3A_2108] {strides = array<i32>} : memref<50x128xf32, #tpu.memory_space<vmem>>, vector<16xf32>,
    tpu.vector_store_idx %arg7[%add3A_528, %broadcast_in_dim3A_2081], %get3A_2109 : memref<128x56xf32, #tpu.memory_space<vmem>>[vector<16xi32>, vector<16xi32>], vector<16xf32>,
    %get3A_2110 = arith.constant 35 : i32
    %get3A_2111 = arith.index_cast %get3A_2110 : i32 to index
    %get3A_2112 = arith.constant 112 : index
    %get3A_2113 = tpu.vector_load %arg6[%get3A_2111, %get3A_2112] {strides = array<i32>} : memref<50x128xf32, #tpu.memory_space<vmem>>, vector<16xf32>,
    tpu.vector_store_idx %arg7[%add3A_532, %broadcast_in_dim3A_2081], %get3A_2113 : memref<128x56xf32, #tpu.memory_space<vmem>>[vector<16xi32>, vector<16xi32>], vector<16xf32>,
    %dma_wait3A_2114 = arith.constant 36 : i32
    %dma_wait3A_2115 = arith.constant 36 : i32
    %dma_wait3A_2116 = arith.constant 0 : i32
    %dma_wait3A_2117 = tpu.memref_slice %arg6[%dma_wait3A_2115, %dma_wait3A_2116] : memref<50x128xf32, #tpu.memory_space<vmem>> -> memref<1x128xf32, #tpu.memory_space<vmem>>
    %dma_wait3A_2118 = tpu.memref_squeeze %dma_wait3A_2117 : memref<1x128xf32, #tpu.memory_space<vmem>> -> memref<128xf32, #tpu.memory_space<vmem>>
    %dma_wait3A_2119 = arith.constant 0 : i32
    %dma_wait3A_2120 = tpu.memref_slice %arg3[%dma_wait3A_2114, %dma_wait3A_2119] : memref<50x100000xf32, #tpu.memory_space<hbm>> -> memref<1x100000xf32, #tpu.memory_space<hbm>>
    %dma_wait3A_2121 = tpu.memref_squeeze %dma_wait3A_2120 : memref<1x100000xf32, #tpu.memory_space<hbm>> -> memref<100000xf32, #tpu.memory_space<hbm>>
    %dma_wait3A_2122 = arith.constant 0 : i32
    %dma_wait3A_2123 = tpu.memref_slice %dma_wait3A_2121[%dma_wait3A_2122] : memref<100000xf32, #tpu.memory_space<hbm>> -> memref<100000xf32, #tpu.memory_space<hbm>>
    tpu.wait_indirect_dma semaphore(%arg8 : memref<!tpu.dma_semaphore, #tpu.memory_space<semaphore_mem>>) src(%dma_wait3A_2123 : memref<100000xf32, #tpu.memory_space<hbm>>) dst(%dma_wait3A_2118 : memref<128xf32, #tpu.memory_space<vmem>>)
    %broadcast_in_dim3A_2124 = arith.constant 36 : i32
    %broadcast_in_dim3A_2125 = vector.broadcast %broadcast_in_dim3A_2124 : i32 to vector<16xi32>
    %get3A_2126 = arith.constant 36 : i32
    %get3A_2127 = arith.index_cast %get3A_2126 : i32 to index
    %get3A_2128 = arith.constant 0 : index
    %get3A_2129 = tpu.vector_load %arg6[%get3A_2127, %get3A_2128] {strides = array<i32>} : memref<50x128xf32, #tpu.memory_space<vmem>>, vector<16xf32>,
    tpu.vector_store_idx %arg7[%add3A_504, %broadcast_in_dim3A_2125], %get3A_2129 : memref<128x56xf32, #tpu.memory_space<vmem>>[vector<16xi32>, vector<16xi32>], vector<16xf32>,
    %get3A_2130 = arith.constant 36 : i32
    %get3A_2131 = arith.index_cast %get3A_2130 : i32 to index
    %get3A_2132 = arith.constant 16 : index
    %get3A_2133 = tpu.vector_load %arg6[%get3A_2131, %get3A_2132] {strides = array<i32>} : memref<50x128xf32, #tpu.memory_space<vmem>>, vector<16xf32>,
    tpu.vector_store_idx %arg7[%add3A_508, %broadcast_in_dim3A_2125], %get3A_2133 : memref<128x56xf32, #tpu.memory_space<vmem>>[vector<16xi32>, vector<16xi32>], vector<16xf32>,
    %get3A_2134 = arith.constant 36 : i32
    %get3A_2135 = arith.index_cast %get3A_2134 : i32 to index
    %get3A_2136 = arith.constant 32 : index
    %get3A_2137 = tpu.vector_load %arg6[%get3A_2135, %get3A_2136] {strides = array<i32>} : memref<50x128xf32, #tpu.memory_space<vmem>>, vector<16xf32>,
    tpu.vector_store_idx %arg7[%add3A_512, %broadcast_in_dim3A_2125], %get3A_2137 : memref<128x56xf32, #tpu.memory_space<vmem>>[vector<16xi32>, vector<16xi32>], vector<16xf32>,
    %get3A_2138 = arith.constant 36 : i32
    %get3A_2139 = arith.index_cast %get3A_2138 : i32 to index
    %get3A_2140 = arith.constant 48 : index
    %get3A_2141 = tpu.vector_load %arg6[%get3A_2139, %get3A_2140] {strides = array<i32>} : memref<50x128xf32, #tpu.memory_space<vmem>>, vector<16xf32>,
    tpu.vector_store_idx %arg7[%add3A_516, %broadcast_in_dim3A_2125], %get3A_2141 : memref<128x56xf32, #tpu.memory_space<vmem>>[vector<16xi32>, vector<16xi32>], vector<16xf32>,
    %get3A_2142 = arith.constant 36 : i32
    %get3A_2143 = arith.index_cast %get3A_2142 : i32 to index
    %get3A_2144 = arith.constant 64 : index
    %get3A_2145 = tpu.vector_load %arg6[%get3A_2143, %get3A_2144] {strides = array<i32>} : memref<50x128xf32, #tpu.memory_space<vmem>>, vector<16xf32>,
    tpu.vector_store_idx %arg7[%add3A_520, %broadcast_in_dim3A_2125], %get3A_2145 : memref<128x56xf32, #tpu.memory_space<vmem>>[vector<16xi32>, vector<16xi32>], vector<16xf32>,
    %get3A_2146 = arith.constant 36 : i32
    %get3A_2147 = arith.index_cast %get3A_2146 : i32 to index
    %get3A_2148 = arith.constant 80 : index
    %get3A_2149 = tpu.vector_load %arg6[%get3A_2147, %get3A_2148] {strides = array<i32>} : memref<50x128xf32, #tpu.memory_space<vmem>>, vector<16xf32>,
    tpu.vector_store_idx %arg7[%add3A_524, %broadcast_in_dim3A_2125], %get3A_2149 : memref<128x56xf32, #tpu.memory_space<vmem>>[vector<16xi32>, vector<16xi32>], vector<16xf32>,
    %get3A_2150 = arith.constant 36 : i32
    %get3A_2151 = arith.index_cast %get3A_2150 : i32 to index
    %get3A_2152 = arith.constant 96 : index
    %get3A_2153 = tpu.vector_load %arg6[%get3A_2151, %get3A_2152] {strides = array<i32>} : memref<50x128xf32, #tpu.memory_space<vmem>>, vector<16xf32>,
    tpu.vector_store_idx %arg7[%add3A_528, %broadcast_in_dim3A_2125], %get3A_2153 : memref<128x56xf32, #tpu.memory_space<vmem>>[vector<16xi32>, vector<16xi32>], vector<16xf32>,
    %get3A_2154 = arith.constant 36 : i32
    %get3A_2155 = arith.index_cast %get3A_2154 : i32 to index
    %get3A_2156 = arith.constant 112 : index
    %get3A_2157 = tpu.vector_load %arg6[%get3A_2155, %get3A_2156] {strides = array<i32>} : memref<50x128xf32, #tpu.memory_space<vmem>>, vector<16xf32>,
    tpu.vector_store_idx %arg7[%add3A_532, %broadcast_in_dim3A_2125], %get3A_2157 : memref<128x56xf32, #tpu.memory_space<vmem>>[vector<16xi32>, vector<16xi32>], vector<16xf32>,
    %dma_wait3A_2158 = arith.constant 37 : i32
    %dma_wait3A_2159 = arith.constant 37 : i32
    %dma_wait3A_2160 = arith.constant 0 : i32
    %dma_wait3A_2161 = tpu.memref_slice %arg6[%dma_wait3A_2159, %dma_wait3A_2160] : memref<50x128xf32, #tpu.memory_space<vmem>> -> memref<1x128xf32, #tpu.memory_space<vmem>>
    %dma_wait3A_2162 = tpu.memref_squeeze %dma_wait3A_2161 : memref<1x128xf32, #tpu.memory_space<vmem>> -> memref<128xf32, #tpu.memory_space<vmem>>
    %dma_wait3A_2163 = arith.constant 0 : i32
    %dma_wait3A_2164 = tpu.memref_slice %arg3[%dma_wait3A_2158, %dma_wait3A_2163] : memref<50x100000xf32, #tpu.memory_space<hbm>> -> memref<1x100000xf32, #tpu.memory_space<hbm>>
    %dma_wait3A_2165 = tpu.memref_squeeze %dma_wait3A_2164 : memref<1x100000xf32, #tpu.memory_space<hbm>> -> memref<100000xf32, #tpu.memory_space<hbm>>
    %dma_wait3A_2166 = arith.constant 0 : i32
    %dma_wait3A_2167 = tpu.memref_slice %dma_wait3A_2165[%dma_wait3A_2166] : memref<100000xf32, #tpu.memory_space<hbm>> -> memref<100000xf32, #tpu.memory_space<hbm>>
    tpu.wait_indirect_dma semaphore(%arg8 : memref<!tpu.dma_semaphore, #tpu.memory_space<semaphore_mem>>) src(%dma_wait3A_2167 : memref<100000xf32, #tpu.memory_space<hbm>>) dst(%dma_wait3A_2162 : memref<128xf32, #tpu.memory_space<vmem>>)
    %broadcast_in_dim3A_2168 = arith.constant 37 : i32
    %broadcast_in_dim3A_2169 = vector.broadcast %broadcast_in_dim3A_2168 : i32 to vector<16xi32>
    %get3A_2170 = arith.constant 37 : i32
    %get3A_2171 = arith.index_cast %get3A_2170 : i32 to index
    %get3A_2172 = arith.constant 0 : index
    %get3A_2173 = tpu.vector_load %arg6[%get3A_2171, %get3A_2172] {strides = array<i32>} : memref<50x128xf32, #tpu.memory_space<vmem>>, vector<16xf32>,
    tpu.vector_store_idx %arg7[%add3A_504, %broadcast_in_dim3A_2169], %get3A_2173 : memref<128x56xf32, #tpu.memory_space<vmem>>[vector<16xi32>, vector<16xi32>], vector<16xf32>,
    %get3A_2174 = arith.constant 37 : i32
    %get3A_2175 = arith.index_cast %get3A_2174 : i32 to index
    %get3A_2176 = arith.constant 16 : index
    %get3A_2177 = tpu.vector_load %arg6[%get3A_2175, %get3A_2176] {strides = array<i32>} : memref<50x128xf32, #tpu.memory_space<vmem>>, vector<16xf32>,
    tpu.vector_store_idx %arg7[%add3A_508, %broadcast_in_dim3A_2169], %get3A_2177 : memref<128x56xf32, #tpu.memory_space<vmem>>[vector<16xi32>, vector<16xi32>], vector<16xf32>,
    %get3A_2178 = arith.constant 37 : i32
    %get3A_2179 = arith.index_cast %get3A_2178 : i32 to index
    %get3A_2180 = arith.constant 32 : index
    %get3A_2181 = tpu.vector_load %arg6[%get3A_2179, %get3A_2180] {strides = array<i32>} : memref<50x128xf32, #tpu.memory_space<vmem>>, vector<16xf32>,
    tpu.vector_store_idx %arg7[%add3A_512, %broadcast_in_dim3A_2169], %get3A_2181 : memref<128x56xf32, #tpu.memory_space<vmem>>[vector<16xi32>, vector<16xi32>], vector<16xf32>,
    %get3A_2182 = arith.constant 37 : i32
    %get3A_2183 = arith.index_cast %get3A_2182 : i32 to index
    %get3A_2184 = arith.constant 48 : index
    %get3A_2185 = tpu.vector_load %arg6[%get3A_2183, %get3A_2184] {strides = array<i32>} : memref<50x128xf32, #tpu.memory_space<vmem>>, vector<16xf32>,
    tpu.vector_store_idx %arg7[%add3A_516, %broadcast_in_dim3A_2169], %get3A_2185 : memref<128x56xf32, #tpu.memory_space<vmem>>[vector<16xi32>, vector<16xi32>], vector<16xf32>,
    %get3A_2186 = arith.constant 37 : i32
    %get3A_2187 = arith.index_cast %get3A_2186 : i32 to index
    %get3A_2188 = arith.constant 64 : index
    %get3A_2189 = tpu.vector_load %arg6[%get3A_2187, %get3A_2188] {strides = array<i32>} : memref<50x128xf32, #tpu.memory_space<vmem>>, vector<16xf32>,
    tpu.vector_store_idx %arg7[%add3A_520, %broadcast_in_dim3A_2169], %get3A_2189 : memref<128x56xf32, #tpu.memory_space<vmem>>[vector<16xi32>, vector<16xi32>], vector<16xf32>,
    %get3A_2190 = arith.constant 37 : i32
    %get3A_2191 = arith.index_cast %get3A_2190 : i32 to index
    %get3A_2192 = arith.constant 80 : index
    %get3A_2193 = tpu.vector_load %arg6[%get3A_2191, %get3A_2192] {strides = array<i32>} : memref<50x128xf32, #tpu.memory_space<vmem>>, vector<16xf32>,
    tpu.vector_store_idx %arg7[%add3A_524, %broadcast_in_dim3A_2169], %get3A_2193 : memref<128x56xf32, #tpu.memory_space<vmem>>[vector<16xi32>, vector<16xi32>], vector<16xf32>,
    %get3A_2194 = arith.constant 37 : i32
    %get3A_2195 = arith.index_cast %get3A_2194 : i32 to index
    %get3A_2196 = arith.constant 96 : index
    %get3A_2197 = tpu.vector_load %arg6[%get3A_2195, %get3A_2196] {strides = array<i32>} : memref<50x128xf32, #tpu.memory_space<vmem>>, vector<16xf32>,
    tpu.vector_store_idx %arg7[%add3A_528, %broadcast_in_dim3A_2169], %get3A_2197 : memref<128x56xf32, #tpu.memory_space<vmem>>[vector<16xi32>, vector<16xi32>], vector<16xf32>,
    %get3A_2198 = arith.constant 37 : i32
    %get3A_2199 = arith.index_cast %get3A_2198 : i32 to index
    %get3A_2200 = arith.constant 112 : index
    %get3A_2201 = tpu.vector_load %arg6[%get3A_2199, %get3A_2200] {strides = array<i32>} : memref<50x128xf32, #tpu.memory_space<vmem>>, vector<16xf32>,
    tpu.vector_store_idx %arg7[%add3A_532, %broadcast_in_dim3A_2169], %get3A_2201 : memref<128x56xf32, #tpu.memory_space<vmem>>[vector<16xi32>, vector<16xi32>], vector<16xf32>,
    %dma_wait3A_2202 = arith.constant 38 : i32
    %dma_wait3A_2203 = arith.constant 38 : i32
    %dma_wait3A_2204 = arith.constant 0 : i32
    %dma_wait3A_2205 = tpu.memref_slice %arg6[%dma_wait3A_2203, %dma_wait3A_2204] : memref<50x128xf32, #tpu.memory_space<vmem>> -> memref<1x128xf32, #tpu.memory_space<vmem>>
    %dma_wait3A_2206 = tpu.memref_squeeze %dma_wait3A_2205 : memref<1x128xf32, #tpu.memory_space<vmem>> -> memref<128xf32, #tpu.memory_space<vmem>>
    %dma_wait3A_2207 = arith.constant 0 : i32
    %dma_wait3A_2208 = tpu.memref_slice %arg3[%dma_wait3A_2202, %dma_wait3A_2207] : memref<50x100000xf32, #tpu.memory_space<hbm>> -> memref<1x100000xf32, #tpu.memory_space<hbm>>
    %dma_wait3A_2209 = tpu.memref_squeeze %dma_wait3A_2208 : memref<1x100000xf32, #tpu.memory_space<hbm>> -> memref<100000xf32, #tpu.memory_space<hbm>>
    %dma_wait3A_2210 = arith.constant 0 : i32
    %dma_wait3A_2211 = tpu.memref_slice %dma_wait3A_2209[%dma_wait3A_2210] : memref<100000xf32, #tpu.memory_space<hbm>> -> memref<100000xf32, #tpu.memory_space<hbm>>
    tpu.wait_indirect_dma semaphore(%arg8 : memref<!tpu.dma_semaphore, #tpu.memory_space<semaphore_mem>>) src(%dma_wait3A_2211 : memref<100000xf32, #tpu.memory_space<hbm>>) dst(%dma_wait3A_2206 : memref<128xf32, #tpu.memory_space<vmem>>)
    %broadcast_in_dim3A_2212 = arith.constant 38 : i32
    %broadcast_in_dim3A_2213 = vector.broadcast %broadcast_in_dim3A_2212 : i32 to vector<16xi32>
    %get3A_2214 = arith.constant 38 : i32
    %get3A_2215 = arith.index_cast %get3A_2214 : i32 to index
    %get3A_2216 = arith.constant 0 : index
    %get3A_2217 = tpu.vector_load %arg6[%get3A_2215, %get3A_2216] {strides = array<i32>} : memref<50x128xf32, #tpu.memory_space<vmem>>, vector<16xf32>,
    tpu.vector_store_idx %arg7[%add3A_504, %broadcast_in_dim3A_2213], %get3A_2217 : memref<128x56xf32, #tpu.memory_space<vmem>>[vector<16xi32>, vector<16xi32>], vector<16xf32>,
    %get3A_2218 = arith.constant 38 : i32
    %get3A_2219 = arith.index_cast %get3A_2218 : i32 to index
    %get3A_2220 = arith.constant 16 : index
    %get3A_2221 = tpu.vector_load %arg6[%get3A_2219, %get3A_2220] {strides = array<i32>} : memref<50x128xf32, #tpu.memory_space<vmem>>, vector<16xf32>,
    tpu.vector_store_idx %arg7[%add3A_508, %broadcast_in_dim3A_2213], %get3A_2221 : memref<128x56xf32, #tpu.memory_space<vmem>>[vector<16xi32>, vector<16xi32>], vector<16xf32>,
    %get3A_2222 = arith.constant 38 : i32
    %get3A_2223 = arith.index_cast %get3A_2222 : i32 to index
    %get3A_2224 = arith.constant 32 : index
    %get3A_2225 = tpu.vector_load %arg6[%get3A_2223, %get3A_2224] {strides = array<i32>} : memref<50x128xf32, #tpu.memory_space<vmem>>, vector<16xf32>,
    tpu.vector_store_idx %arg7[%add3A_512, %broadcast_in_dim3A_2213], %get3A_2225 : memref<128x56xf32, #tpu.memory_space<vmem>>[vector<16xi32>, vector<16xi32>], vector<16xf32>,
    %get3A_2226 = arith.constant 38 : i32
    %get3A_2227 = arith.index_cast %get3A_2226 : i32 to index
    %get3A_2228 = arith.constant 48 : index
    %get3A_2229 = tpu.vector_load %arg6[%get3A_2227, %get3A_2228] {strides = array<i32>} : memref<50x128xf32, #tpu.memory_space<vmem>>, vector<16xf32>,
    tpu.vector_store_idx %arg7[%add3A_516, %broadcast_in_dim3A_2213], %get3A_2229 : memref<128x56xf32, #tpu.memory_space<vmem>>[vector<16xi32>, vector<16xi32>], vector<16xf32>,
    %get3A_2230 = arith.constant 38 : i32
    %get3A_2231 = arith.index_cast %get3A_2230 : i32 to index
    %get3A_2232 = arith.constant 64 : index
    %get3A_2233 = tpu.vector_load %arg6[%get3A_2231, %get3A_2232] {strides = array<i32>} : memref<50x128xf32, #tpu.memory_space<vmem>>, vector<16xf32>,
    tpu.vector_store_idx %arg7[%add3A_520, %broadcast_in_dim3A_2213], %get3A_2233 : memref<128x56xf32, #tpu.memory_space<vmem>>[vector<16xi32>, vector<16xi32>], vector<16xf32>,
    %get3A_2234 = arith.constant 38 : i32
    %get3A_2235 = arith.index_cast %get3A_2234 : i32 to index
    %get3A_2236 = arith.constant 80 : index
    %get3A_2237 = tpu.vector_load %arg6[%get3A_2235, %get3A_2236] {strides = array<i32>} : memref<50x128xf32, #tpu.memory_space<vmem>>, vector<16xf32>,
    tpu.vector_store_idx %arg7[%add3A_524, %broadcast_in_dim3A_2213], %get3A_2237 : memref<128x56xf32, #tpu.memory_space<vmem>>[vector<16xi32>, vector<16xi32>], vector<16xf32>,
    %get3A_2238 = arith.constant 38 : i32
    %get3A_2239 = arith.index_cast %get3A_2238 : i32 to index
    %get3A_2240 = arith.constant 96 : index
    %get3A_2241 = tpu.vector_load %arg6[%get3A_2239, %get3A_2240] {strides = array<i32>} : memref<50x128xf32, #tpu.memory_space<vmem>>, vector<16xf32>,
    tpu.vector_store_idx %arg7[%add3A_528, %broadcast_in_dim3A_2213], %get3A_2241 : memref<128x56xf32, #tpu.memory_space<vmem>>[vector<16xi32>, vector<16xi32>], vector<16xf32>,
    %get3A_2242 = arith.constant 38 : i32
    %get3A_2243 = arith.index_cast %get3A_2242 : i32 to index
    %get3A_2244 = arith.constant 112 : index
    %get3A_2245 = tpu.vector_load %arg6[%get3A_2243, %get3A_2244] {strides = array<i32>} : memref<50x128xf32, #tpu.memory_space<vmem>>, vector<16xf32>,
    tpu.vector_store_idx %arg7[%add3A_532, %broadcast_in_dim3A_2213], %get3A_2245 : memref<128x56xf32, #tpu.memory_space<vmem>>[vector<16xi32>, vector<16xi32>], vector<16xf32>,
    %dma_wait3A_2246 = arith.constant 39 : i32
    %dma_wait3A_2247 = arith.constant 39 : i32
    %dma_wait3A_2248 = arith.constant 0 : i32
    %dma_wait3A_2249 = tpu.memref_slice %arg6[%dma_wait3A_2247, %dma_wait3A_2248] : memref<50x128xf32, #tpu.memory_space<vmem>> -> memref<1x128xf32, #tpu.memory_space<vmem>>
    %dma_wait3A_2250 = tpu.memref_squeeze %dma_wait3A_2249 : memref<1x128xf32, #tpu.memory_space<vmem>> -> memref<128xf32, #tpu.memory_space<vmem>>
    %dma_wait3A_2251 = arith.constant 0 : i32
    %dma_wait3A_2252 = tpu.memref_slice %arg3[%dma_wait3A_2246, %dma_wait3A_2251] : memref<50x100000xf32, #tpu.memory_space<hbm>> -> memref<1x100000xf32, #tpu.memory_space<hbm>>
    %dma_wait3A_2253 = tpu.memref_squeeze %dma_wait3A_2252 : memref<1x100000xf32, #tpu.memory_space<hbm>> -> memref<100000xf32, #tpu.memory_space<hbm>>
    %dma_wait3A_2254 = arith.constant 0 : i32
    %dma_wait3A_2255 = tpu.memref_slice %dma_wait3A_2253[%dma_wait3A_2254] : memref<100000xf32, #tpu.memory_space<hbm>> -> memref<100000xf32, #tpu.memory_space<hbm>>
    tpu.wait_indirect_dma semaphore(%arg8 : memref<!tpu.dma_semaphore, #tpu.memory_space<semaphore_mem>>) src(%dma_wait3A_2255 : memref<100000xf32, #tpu.memory_space<hbm>>) dst(%dma_wait3A_2250 : memref<128xf32, #tpu.memory_space<vmem>>)
    %broadcast_in_dim3A_2256 = arith.constant 39 : i32
    %broadcast_in_dim3A_2257 = vector.broadcast %broadcast_in_dim3A_2256 : i32 to vector<16xi32>
    %get3A_2258 = arith.constant 39 : i32
    %get3A_2259 = arith.index_cast %get3A_2258 : i32 to index
    %get3A_2260 = arith.constant 0 : index
    %get3A_2261 = tpu.vector_load %arg6[%get3A_2259, %get3A_2260] {strides = array<i32>} : memref<50x128xf32, #tpu.memory_space<vmem>>, vector<16xf32>,
    tpu.vector_store_idx %arg7[%add3A_504, %broadcast_in_dim3A_2257], %get3A_2261 : memref<128x56xf32, #tpu.memory_space<vmem>>[vector<16xi32>, vector<16xi32>], vector<16xf32>,
    %get3A_2262 = arith.constant 39 : i32
    %get3A_2263 = arith.index_cast %get3A_2262 : i32 to index
    %get3A_2264 = arith.constant 16 : index
    %get3A_2265 = tpu.vector_load %arg6[%get3A_2263, %get3A_2264] {strides = array<i32>} : memref<50x128xf32, #tpu.memory_space<vmem>>, vector<16xf32>,
    tpu.vector_store_idx %arg7[%add3A_508, %broadcast_in_dim3A_2257], %get3A_2265 : memref<128x56xf32, #tpu.memory_space<vmem>>[vector<16xi32>, vector<16xi32>], vector<16xf32>,
    %get3A_2266 = arith.constant 39 : i32
    %get3A_2267 = arith.index_cast %get3A_2266 : i32 to index
    %get3A_2268 = arith.constant 32 : index
    %get3A_2269 = tpu.vector_load %arg6[%get3A_2267, %get3A_2268] {strides = array<i32>} : memref<50x128xf32, #tpu.memory_space<vmem>>, vector<16xf32>,
    tpu.vector_store_idx %arg7[%add3A_512, %broadcast_in_dim3A_2257], %get3A_2269 : memref<128x56xf32, #tpu.memory_space<vmem>>[vector<16xi32>, vector<16xi32>], vector<16xf32>,
    %get3A_2270 = arith.constant 39 : i32
    %get3A_2271 = arith.index_cast %get3A_2270 : i32 to index
    %get3A_2272 = arith.constant 48 : index
    %get3A_2273 = tpu.vector_load %arg6[%get3A_2271, %get3A_2272] {strides = array<i32>} : memref<50x128xf32, #tpu.memory_space<vmem>>, vector<16xf32>,
    tpu.vector_store_idx %arg7[%add3A_516, %broadcast_in_dim3A_2257], %get3A_2273 : memref<128x56xf32, #tpu.memory_space<vmem>>[vector<16xi32>, vector<16xi32>], vector<16xf32>,
    %get3A_2274 = arith.constant 39 : i32
    %get3A_2275 = arith.index_cast %get3A_2274 : i32 to index
    %get3A_2276 = arith.constant 64 : index
    %get3A_2277 = tpu.vector_load %arg6[%get3A_2275, %get3A_2276] {strides = array<i32>} : memref<50x128xf32, #tpu.memory_space<vmem>>, vector<16xf32>,
    tpu.vector_store_idx %arg7[%add3A_520, %broadcast_in_dim3A_2257], %get3A_2277 : memref<128x56xf32, #tpu.memory_space<vmem>>[vector<16xi32>, vector<16xi32>], vector<16xf32>,
    %get3A_2278 = arith.constant 39 : i32
    %get3A_2279 = arith.index_cast %get3A_2278 : i32 to index
    %get3A_2280 = arith.constant 80 : index
    %get3A_2281 = tpu.vector_load %arg6[%get3A_2279, %get3A_2280] {strides = array<i32>} : memref<50x128xf32, #tpu.memory_space<vmem>>, vector<16xf32>,
    tpu.vector_store_idx %arg7[%add3A_524, %broadcast_in_dim3A_2257], %get3A_2281 : memref<128x56xf32, #tpu.memory_space<vmem>>[vector<16xi32>, vector<16xi32>], vector<16xf32>,
    %get3A_2282 = arith.constant 39 : i32
    %get3A_2283 = arith.index_cast %get3A_2282 : i32 to index
    %get3A_2284 = arith.constant 96 : index
    %get3A_2285 = tpu.vector_load %arg6[%get3A_2283, %get3A_2284] {strides = array<i32>} : memref<50x128xf32, #tpu.memory_space<vmem>>, vector<16xf32>,
    tpu.vector_store_idx %arg7[%add3A_528, %broadcast_in_dim3A_2257], %get3A_2285 : memref<128x56xf32, #tpu.memory_space<vmem>>[vector<16xi32>, vector<16xi32>], vector<16xf32>,
    %get3A_2286 = arith.constant 39 : i32
    %get3A_2287 = arith.index_cast %get3A_2286 : i32 to index
    %get3A_2288 = arith.constant 112 : index
    %get3A_2289 = tpu.vector_load %arg6[%get3A_2287, %get3A_2288] {strides = array<i32>} : memref<50x128xf32, #tpu.memory_space<vmem>>, vector<16xf32>,
    tpu.vector_store_idx %arg7[%add3A_532, %broadcast_in_dim3A_2257], %get3A_2289 : memref<128x56xf32, #tpu.memory_space<vmem>>[vector<16xi32>, vector<16xi32>], vector<16xf32>,
    %dma_wait3A_2290 = arith.constant 40 : i32
    %dma_wait3A_2291 = arith.constant 40 : i32
    %dma_wait3A_2292 = arith.constant 0 : i32
    %dma_wait3A_2293 = tpu.memref_slice %arg6[%dma_wait3A_2291, %dma_wait3A_2292] : memref<50x128xf32, #tpu.memory_space<vmem>> -> memref<1x128xf32, #tpu.memory_space<vmem>>
    %dma_wait3A_2294 = tpu.memref_squeeze %dma_wait3A_2293 : memref<1x128xf32, #tpu.memory_space<vmem>> -> memref<128xf32, #tpu.memory_space<vmem>>
    %dma_wait3A_2295 = arith.constant 0 : i32
    %dma_wait3A_2296 = tpu.memref_slice %arg3[%dma_wait3A_2290, %dma_wait3A_2295] : memref<50x100000xf32, #tpu.memory_space<hbm>> -> memref<1x100000xf32, #tpu.memory_space<hbm>>
    %dma_wait3A_2297 = tpu.memref_squeeze %dma_wait3A_2296 : memref<1x100000xf32, #tpu.memory_space<hbm>> -> memref<100000xf32, #tpu.memory_space<hbm>>
    %dma_wait3A_2298 = arith.constant 0 : i32
    %dma_wait3A_2299 = tpu.memref_slice %dma_wait3A_2297[%dma_wait3A_2298] : memref<100000xf32, #tpu.memory_space<hbm>> -> memref<100000xf32, #tpu.memory_space<hbm>>
    tpu.wait_indirect_dma semaphore(%arg8 : memref<!tpu.dma_semaphore, #tpu.memory_space<semaphore_mem>>) src(%dma_wait3A_2299 : memref<100000xf32, #tpu.memory_space<hbm>>) dst(%dma_wait3A_2294 : memref<128xf32, #tpu.memory_space<vmem>>)
    %broadcast_in_dim3A_2300 = arith.constant 40 : i32
    %broadcast_in_dim3A_2301 = vector.broadcast %broadcast_in_dim3A_2300 : i32 to vector<16xi32>
    %get3A_2302 = arith.constant 40 : i32
    %get3A_2303 = arith.index_cast %get3A_2302 : i32 to index
    %get3A_2304 = arith.constant 0 : index
    %get3A_2305 = tpu.vector_load %arg6[%get3A_2303, %get3A_2304] {strides = array<i32>} : memref<50x128xf32, #tpu.memory_space<vmem>>, vector<16xf32>,
    tpu.vector_store_idx %arg7[%add3A_504, %broadcast_in_dim3A_2301], %get3A_2305 : memref<128x56xf32, #tpu.memory_space<vmem>>[vector<16xi32>, vector<16xi32>], vector<16xf32>,
    %get3A_2306 = arith.constant 40 : i32
    %get3A_2307 = arith.index_cast %get3A_2306 : i32 to index
    %get3A_2308 = arith.constant 16 : index
    %get3A_2309 = tpu.vector_load %arg6[%get3A_2307, %get3A_2308] {strides = array<i32>} : memref<50x128xf32, #tpu.memory_space<vmem>>, vector<16xf32>,
    tpu.vector_store_idx %arg7[%add3A_508, %broadcast_in_dim3A_2301], %get3A_2309 : memref<128x56xf32, #tpu.memory_space<vmem>>[vector<16xi32>, vector<16xi32>], vector<16xf32>,
    %get3A_2310 = arith.constant 40 : i32
    %get3A_2311 = arith.index_cast %get3A_2310 : i32 to index
    %get3A_2312 = arith.constant 32 : index
    %get3A_2313 = tpu.vector_load %arg6[%get3A_2311, %get3A_2312] {strides = array<i32>} : memref<50x128xf32, #tpu.memory_space<vmem>>, vector<16xf32>,
    tpu.vector_store_idx %arg7[%add3A_512, %broadcast_in_dim3A_2301], %get3A_2313 : memref<128x56xf32, #tpu.memory_space<vmem>>[vector<16xi32>, vector<16xi32>], vector<16xf32>,
    %get3A_2314 = arith.constant 40 : i32
    %get3A_2315 = arith.index_cast %get3A_2314 : i32 to index
    %get3A_2316 = arith.constant 48 : index
    %get3A_2317 = tpu.vector_load %arg6[%get3A_2315, %get3A_2316] {strides = array<i32>} : memref<50x128xf32, #tpu.memory_space<vmem>>, vector<16xf32>,
    tpu.vector_store_idx %arg7[%add3A_516, %broadcast_in_dim3A_2301], %get3A_2317 : memref<128x56xf32, #tpu.memory_space<vmem>>[vector<16xi32>, vector<16xi32>], vector<16xf32>,
    %get3A_2318 = arith.constant 40 : i32
    %get3A_2319 = arith.index_cast %get3A_2318 : i32 to index
    %get3A_2320 = arith.constant 64 : index
    %get3A_2321 = tpu.vector_load %arg6[%get3A_2319, %get3A_2320] {strides = array<i32>} : memref<50x128xf32, #tpu.memory_space<vmem>>, vector<16xf32>,
    tpu.vector_store_idx %arg7[%add3A_520, %broadcast_in_dim3A_2301], %get3A_2321 : memref<128x56xf32, #tpu.memory_space<vmem>>[vector<16xi32>, vector<16xi32>], vector<16xf32>,
    %get3A_2322 = arith.constant 40 : i32
    %get3A_2323 = arith.index_cast %get3A_2322 : i32 to index
    %get3A_2324 = arith.constant 80 : index
    %get3A_2325 = tpu.vector_load %arg6[%get3A_2323, %get3A_2324] {strides = array<i32>} : memref<50x128xf32, #tpu.memory_space<vmem>>, vector<16xf32>,
    tpu.vector_store_idx %arg7[%add3A_524, %broadcast_in_dim3A_2301], %get3A_2325 : memref<128x56xf32, #tpu.memory_space<vmem>>[vector<16xi32>, vector<16xi32>], vector<16xf32>,
    %get3A_2326 = arith.constant 40 : i32
    %get3A_2327 = arith.index_cast %get3A_2326 : i32 to index
    %get3A_2328 = arith.constant 96 : index
    %get3A_2329 = tpu.vector_load %arg6[%get3A_2327, %get3A_2328] {strides = array<i32>} : memref<50x128xf32, #tpu.memory_space<vmem>>, vector<16xf32>,
    tpu.vector_store_idx %arg7[%add3A_528, %broadcast_in_dim3A_2301], %get3A_2329 : memref<128x56xf32, #tpu.memory_space<vmem>>[vector<16xi32>, vector<16xi32>], vector<16xf32>,
    %get3A_2330 = arith.constant 40 : i32
    %get3A_2331 = arith.index_cast %get3A_2330 : i32 to index
    %get3A_2332 = arith.constant 112 : index
    %get3A_2333 = tpu.vector_load %arg6[%get3A_2331, %get3A_2332] {strides = array<i32>} : memref<50x128xf32, #tpu.memory_space<vmem>>, vector<16xf32>,
    tpu.vector_store_idx %arg7[%add3A_532, %broadcast_in_dim3A_2301], %get3A_2333 : memref<128x56xf32, #tpu.memory_space<vmem>>[vector<16xi32>, vector<16xi32>], vector<16xf32>,
    %dma_wait3A_2334 = arith.constant 41 : i32
    %dma_wait3A_2335 = arith.constant 41 : i32
    %dma_wait3A_2336 = arith.constant 0 : i32
    %dma_wait3A_2337 = tpu.memref_slice %arg6[%dma_wait3A_2335, %dma_wait3A_2336] : memref<50x128xf32, #tpu.memory_space<vmem>> -> memref<1x128xf32, #tpu.memory_space<vmem>>
    %dma_wait3A_2338 = tpu.memref_squeeze %dma_wait3A_2337 : memref<1x128xf32, #tpu.memory_space<vmem>> -> memref<128xf32, #tpu.memory_space<vmem>>
    %dma_wait3A_2339 = arith.constant 0 : i32
    %dma_wait3A_2340 = tpu.memref_slice %arg3[%dma_wait3A_2334, %dma_wait3A_2339] : memref<50x100000xf32, #tpu.memory_space<hbm>> -> memref<1x100000xf32, #tpu.memory_space<hbm>>
    %dma_wait3A_2341 = tpu.memref_squeeze %dma_wait3A_2340 : memref<1x100000xf32, #tpu.memory_space<hbm>> -> memref<100000xf32, #tpu.memory_space<hbm>>
    %dma_wait3A_2342 = arith.constant 0 : i32
    %dma_wait3A_2343 = tpu.memref_slice %dma_wait3A_2341[%dma_wait3A_2342] : memref<100000xf32, #tpu.memory_space<hbm>> -> memref<100000xf32, #tpu.memory_space<hbm>>
    tpu.wait_indirect_dma semaphore(%arg8 : memref<!tpu.dma_semaphore, #tpu.memory_space<semaphore_mem>>) src(%dma_wait3A_2343 : memref<100000xf32, #tpu.memory_space<hbm>>) dst(%dma_wait3A_2338 : memref<128xf32, #tpu.memory_space<vmem>>)
    %broadcast_in_dim3A_2344 = arith.constant 41 : i32
    %broadcast_in_dim3A_2345 = vector.broadcast %broadcast_in_dim3A_2344 : i32 to vector<16xi32>
    %get3A_2346 = arith.constant 41 : i32
    %get3A_2347 = arith.index_cast %get3A_2346 : i32 to index
    %get3A_2348 = arith.constant 0 : index
    %get3A_2349 = tpu.vector_load %arg6[%get3A_2347, %get3A_2348] {strides = array<i32>} : memref<50x128xf32, #tpu.memory_space<vmem>>, vector<16xf32>,
    tpu.vector_store_idx %arg7[%add3A_504, %broadcast_in_dim3A_2345], %get3A_2349 : memref<128x56xf32, #tpu.memory_space<vmem>>[vector<16xi32>, vector<16xi32>], vector<16xf32>,
    %get3A_2350 = arith.constant 41 : i32
    %get3A_2351 = arith.index_cast %get3A_2350 : i32 to index
    %get3A_2352 = arith.constant 16 : index
    %get3A_2353 = tpu.vector_load %arg6[%get3A_2351, %get3A_2352] {strides = array<i32>} : memref<50x128xf32, #tpu.memory_space<vmem>>, vector<16xf32>,
    tpu.vector_store_idx %arg7[%add3A_508, %broadcast_in_dim3A_2345], %get3A_2353 : memref<128x56xf32, #tpu.memory_space<vmem>>[vector<16xi32>, vector<16xi32>], vector<16xf32>,
    %get3A_2354 = arith.constant 41 : i32
    %get3A_2355 = arith.index_cast %get3A_2354 : i32 to index
    %get3A_2356 = arith.constant 32 : index
    %get3A_2357 = tpu.vector_load %arg6[%get3A_2355, %get3A_2356] {strides = array<i32>} : memref<50x128xf32, #tpu.memory_space<vmem>>, vector<16xf32>,
    tpu.vector_store_idx %arg7[%add3A_512, %broadcast_in_dim3A_2345], %get3A_2357 : memref<128x56xf32, #tpu.memory_space<vmem>>[vector<16xi32>, vector<16xi32>], vector<16xf32>,
    %get3A_2358 = arith.constant 41 : i32
    %get3A_2359 = arith.index_cast %get3A_2358 : i32 to index
    %get3A_2360 = arith.constant 48 : index
    %get3A_2361 = tpu.vector_load %arg6[%get3A_2359, %get3A_2360] {strides = array<i32>} : memref<50x128xf32, #tpu.memory_space<vmem>>, vector<16xf32>,
    tpu.vector_store_idx %arg7[%add3A_516, %broadcast_in_dim3A_2345], %get3A_2361 : memref<128x56xf32, #tpu.memory_space<vmem>>[vector<16xi32>, vector<16xi32>], vector<16xf32>,
    %get3A_2362 = arith.constant 41 : i32
    %get3A_2363 = arith.index_cast %get3A_2362 : i32 to index
    %get3A_2364 = arith.constant 64 : index
    %get3A_2365 = tpu.vector_load %arg6[%get3A_2363, %get3A_2364] {strides = array<i32>} : memref<50x128xf32, #tpu.memory_space<vmem>>, vector<16xf32>,
    tpu.vector_store_idx %arg7[%add3A_520, %broadcast_in_dim3A_2345], %get3A_2365 : memref<128x56xf32, #tpu.memory_space<vmem>>[vector<16xi32>, vector<16xi32>], vector<16xf32>,
    %get3A_2366 = arith.constant 41 : i32
    %get3A_2367 = arith.index_cast %get3A_2366 : i32 to index
    %get3A_2368 = arith.constant 80 : index
    %get3A_2369 = tpu.vector_load %arg6[%get3A_2367, %get3A_2368] {strides = array<i32>} : memref<50x128xf32, #tpu.memory_space<vmem>>, vector<16xf32>,
    tpu.vector_store_idx %arg7[%add3A_524, %broadcast_in_dim3A_2345], %get3A_2369 : memref<128x56xf32, #tpu.memory_space<vmem>>[vector<16xi32>, vector<16xi32>], vector<16xf32>,
    %get3A_2370 = arith.constant 41 : i32
    %get3A_2371 = arith.index_cast %get3A_2370 : i32 to index
    %get3A_2372 = arith.constant 96 : index
    %get3A_2373 = tpu.vector_load %arg6[%get3A_2371, %get3A_2372] {strides = array<i32>} : memref<50x128xf32, #tpu.memory_space<vmem>>, vector<16xf32>,
    tpu.vector_store_idx %arg7[%add3A_528, %broadcast_in_dim3A_2345], %get3A_2373 : memref<128x56xf32, #tpu.memory_space<vmem>>[vector<16xi32>, vector<16xi32>], vector<16xf32>,
    %get3A_2374 = arith.constant 41 : i32
    %get3A_2375 = arith.index_cast %get3A_2374 : i32 to index
    %get3A_2376 = arith.constant 112 : index
    %get3A_2377 = tpu.vector_load %arg6[%get3A_2375, %get3A_2376] {strides = array<i32>} : memref<50x128xf32, #tpu.memory_space<vmem>>, vector<16xf32>,
    tpu.vector_store_idx %arg7[%add3A_532, %broadcast_in_dim3A_2345], %get3A_2377 : memref<128x56xf32, #tpu.memory_space<vmem>>[vector<16xi32>, vector<16xi32>], vector<16xf32>,
    %dma_wait3A_2378 = arith.constant 42 : i32
    %dma_wait3A_2379 = arith.constant 42 : i32
    %dma_wait3A_2380 = arith.constant 0 : i32
    %dma_wait3A_2381 = tpu.memref_slice %arg6[%dma_wait3A_2379, %dma_wait3A_2380] : memref<50x128xf32, #tpu.memory_space<vmem>> -> memref<1x128xf32, #tpu.memory_space<vmem>>
    %dma_wait3A_2382 = tpu.memref_squeeze %dma_wait3A_2381 : memref<1x128xf32, #tpu.memory_space<vmem>> -> memref<128xf32, #tpu.memory_space<vmem>>
    %dma_wait3A_2383 = arith.constant 0 : i32
    %dma_wait3A_2384 = tpu.memref_slice %arg3[%dma_wait3A_2378, %dma_wait3A_2383] : memref<50x100000xf32, #tpu.memory_space<hbm>> -> memref<1x100000xf32, #tpu.memory_space<hbm>>
    %dma_wait3A_2385 = tpu.memref_squeeze %dma_wait3A_2384 : memref<1x100000xf32, #tpu.memory_space<hbm>> -> memref<100000xf32, #tpu.memory_space<hbm>>
    %dma_wait3A_2386 = arith.constant 0 : i32
    %dma_wait3A_2387 = tpu.memref_slice %dma_wait3A_2385[%dma_wait3A_2386] : memref<100000xf32, #tpu.memory_space<hbm>> -> memref<100000xf32, #tpu.memory_space<hbm>>
    tpu.wait_indirect_dma semaphore(%arg8 : memref<!tpu.dma_semaphore, #tpu.memory_space<semaphore_mem>>) src(%dma_wait3A_2387 : memref<100000xf32, #tpu.memory_space<hbm>>) dst(%dma_wait3A_2382 : memref<128xf32, #tpu.memory_space<vmem>>)
    %broadcast_in_dim3A_2388 = arith.constant 42 : i32
    %broadcast_in_dim3A_2389 = vector.broadcast %broadcast_in_dim3A_2388 : i32 to vector<16xi32>
    %get3A_2390 = arith.constant 42 : i32
    %get3A_2391 = arith.index_cast %get3A_2390 : i32 to index
    %get3A_2392 = arith.constant 0 : index
    %get3A_2393 = tpu.vector_load %arg6[%get3A_2391, %get3A_2392] {strides = array<i32>} : memref<50x128xf32, #tpu.memory_space<vmem>>, vector<16xf32>,
    tpu.vector_store_idx %arg7[%add3A_504, %broadcast_in_dim3A_2389], %get3A_2393 : memref<128x56xf32, #tpu.memory_space<vmem>>[vector<16xi32>, vector<16xi32>], vector<16xf32>,
    %get3A_2394 = arith.constant 42 : i32
    %get3A_2395 = arith.index_cast %get3A_2394 : i32 to index
    %get3A_2396 = arith.constant 16 : index
    %get3A_2397 = tpu.vector_load %arg6[%get3A_2395, %get3A_2396] {strides = array<i32>} : memref<50x128xf32, #tpu.memory_space<vmem>>, vector<16xf32>,
    tpu.vector_store_idx %arg7[%add3A_508, %broadcast_in_dim3A_2389], %get3A_2397 : memref<128x56xf32, #tpu.memory_space<vmem>>[vector<16xi32>, vector<16xi32>], vector<16xf32>,
    %get3A_2398 = arith.constant 42 : i32
    %get3A_2399 = arith.index_cast %get3A_2398 : i32 to index
    %get3A_2400 = arith.constant 32 : index
    %get3A_2401 = tpu.vector_load %arg6[%get3A_2399, %get3A_2400] {strides = array<i32>} : memref<50x128xf32, #tpu.memory_space<vmem>>, vector<16xf32>,
    tpu.vector_store_idx %arg7[%add3A_512, %broadcast_in_dim3A_2389], %get3A_2401 : memref<128x56xf32, #tpu.memory_space<vmem>>[vector<16xi32>, vector<16xi32>], vector<16xf32>,
    %get3A_2402 = arith.constant 42 : i32
    %get3A_2403 = arith.index_cast %get3A_2402 : i32 to index
    %get3A_2404 = arith.constant 48 : index
    %get3A_2405 = tpu.vector_load %arg6[%get3A_2403, %get3A_2404] {strides = array<i32>} : memref<50x128xf32, #tpu.memory_space<vmem>>, vector<16xf32>,
    tpu.vector_store_idx %arg7[%add3A_516, %broadcast_in_dim3A_2389], %get3A_2405 : memref<128x56xf32, #tpu.memory_space<vmem>>[vector<16xi32>, vector<16xi32>], vector<16xf32>,
    %get3A_2406 = arith.constant 42 : i32
    %get3A_2407 = arith.index_cast %get3A_2406 : i32 to index
    %get3A_2408 = arith.constant 64 : index
    %get3A_2409 = tpu.vector_load %arg6[%get3A_2407, %get3A_2408] {strides = array<i32>} : memref<50x128xf32, #tpu.memory_space<vmem>>, vector<16xf32>,
    tpu.vector_store_idx %arg7[%add3A_520, %broadcast_in_dim3A_2389], %get3A_2409 : memref<128x56xf32, #tpu.memory_space<vmem>>[vector<16xi32>, vector<16xi32>], vector<16xf32>,
    %get3A_2410 = arith.constant 42 : i32
    %get3A_2411 = arith.index_cast %get3A_2410 : i32 to index
    %get3A_2412 = arith.constant 80 : index
    %get3A_2413 = tpu.vector_load %arg6[%get3A_2411, %get3A_2412] {strides = array<i32>} : memref<50x128xf32, #tpu.memory_space<vmem>>, vector<16xf32>,
    tpu.vector_store_idx %arg7[%add3A_524, %broadcast_in_dim3A_2389], %get3A_2413 : memref<128x56xf32, #tpu.memory_space<vmem>>[vector<16xi32>, vector<16xi32>], vector<16xf32>,
    %get3A_2414 = arith.constant 42 : i32
    %get3A_2415 = arith.index_cast %get3A_2414 : i32 to index
    %get3A_2416 = arith.constant 96 : index
    %get3A_2417 = tpu.vector_load %arg6[%get3A_2415, %get3A_2416] {strides = array<i32>} : memref<50x128xf32, #tpu.memory_space<vmem>>, vector<16xf32>,
    tpu.vector_store_idx %arg7[%add3A_528, %broadcast_in_dim3A_2389], %get3A_2417 : memref<128x56xf32, #tpu.memory_space<vmem>>[vector<16xi32>, vector<16xi32>], vector<16xf32>,
    %get3A_2418 = arith.constant 42 : i32
    %get3A_2419 = arith.index_cast %get3A_2418 : i32 to index
    %get3A_2420 = arith.constant 112 : index
    %get3A_2421 = tpu.vector_load %arg6[%get3A_2419, %get3A_2420] {strides = array<i32>} : memref<50x128xf32, #tpu.memory_space<vmem>>, vector<16xf32>,
    tpu.vector_store_idx %arg7[%add3A_532, %broadcast_in_dim3A_2389], %get3A_2421 : memref<128x56xf32, #tpu.memory_space<vmem>>[vector<16xi32>, vector<16xi32>], vector<16xf32>,
    %dma_wait3A_2422 = arith.constant 43 : i32
    %dma_wait3A_2423 = arith.constant 43 : i32
    %dma_wait3A_2424 = arith.constant 0 : i32
    %dma_wait3A_2425 = tpu.memref_slice %arg6[%dma_wait3A_2423, %dma_wait3A_2424] : memref<50x128xf32, #tpu.memory_space<vmem>> -> memref<1x128xf32, #tpu.memory_space<vmem>>
    %dma_wait3A_2426 = tpu.memref_squeeze %dma_wait3A_2425 : memref<1x128xf32, #tpu.memory_space<vmem>> -> memref<128xf32, #tpu.memory_space<vmem>>
    %dma_wait3A_2427 = arith.constant 0 : i32
    %dma_wait3A_2428 = tpu.memref_slice %arg3[%dma_wait3A_2422, %dma_wait3A_2427] : memref<50x100000xf32, #tpu.memory_space<hbm>> -> memref<1x100000xf32, #tpu.memory_space<hbm>>
    %dma_wait3A_2429 = tpu.memref_squeeze %dma_wait3A_2428 : memref<1x100000xf32, #tpu.memory_space<hbm>> -> memref<100000xf32, #tpu.memory_space<hbm>>
    %dma_wait3A_2430 = arith.constant 0 : i32
    %dma_wait3A_2431 = tpu.memref_slice %dma_wait3A_2429[%dma_wait3A_2430] : memref<100000xf32, #tpu.memory_space<hbm>> -> memref<100000xf32, #tpu.memory_space<hbm>>
    tpu.wait_indirect_dma semaphore(%arg8 : memref<!tpu.dma_semaphore, #tpu.memory_space<semaphore_mem>>) src(%dma_wait3A_2431 : memref<100000xf32, #tpu.memory_space<hbm>>) dst(%dma_wait3A_2426 : memref<128xf32, #tpu.memory_space<vmem>>)
    %broadcast_in_dim3A_2432 = arith.constant 43 : i32
    %broadcast_in_dim3A_2433 = vector.broadcast %broadcast_in_dim3A_2432 : i32 to vector<16xi32>
    %get3A_2434 = arith.constant 43 : i32
    %get3A_2435 = arith.index_cast %get3A_2434 : i32 to index
    %get3A_2436 = arith.constant 0 : index
    %get3A_2437 = tpu.vector_load %arg6[%get3A_2435, %get3A_2436] {strides = array<i32>} : memref<50x128xf32, #tpu.memory_space<vmem>>, vector<16xf32>,
    tpu.vector_store_idx %arg7[%add3A_504, %broadcast_in_dim3A_2433], %get3A_2437 : memref<128x56xf32, #tpu.memory_space<vmem>>[vector<16xi32>, vector<16xi32>], vector<16xf32>,
    %get3A_2438 = arith.constant 43 : i32
    %get3A_2439 = arith.index_cast %get3A_2438 : i32 to index
    %get3A_2440 = arith.constant 16 : index
    %get3A_2441 = tpu.vector_load %arg6[%get3A_2439, %get3A_2440] {strides = array<i32>} : memref<50x128xf32, #tpu.memory_space<vmem>>, vector<16xf32>,
    tpu.vector_store_idx %arg7[%add3A_508, %broadcast_in_dim3A_2433], %get3A_2441 : memref<128x56xf32, #tpu.memory_space<vmem>>[vector<16xi32>, vector<16xi32>], vector<16xf32>,
    %get3A_2442 = arith.constant 43 : i32
    %get3A_2443 = arith.index_cast %get3A_2442 : i32 to index
    %get3A_2444 = arith.constant 32 : index
    %get3A_2445 = tpu.vector_load %arg6[%get3A_2443, %get3A_2444] {strides = array<i32>} : memref<50x128xf32, #tpu.memory_space<vmem>>, vector<16xf32>,
    tpu.vector_store_idx %arg7[%add3A_512, %broadcast_in_dim3A_2433], %get3A_2445 : memref<128x56xf32, #tpu.memory_space<vmem>>[vector<16xi32>, vector<16xi32>], vector<16xf32>,
    %get3A_2446 = arith.constant 43 : i32
    %get3A_2447 = arith.index_cast %get3A_2446 : i32 to index
    %get3A_2448 = arith.constant 48 : index
    %get3A_2449 = tpu.vector_load %arg6[%get3A_2447, %get3A_2448] {strides = array<i32>} : memref<50x128xf32, #tpu.memory_space<vmem>>, vector<16xf32>,
    tpu.vector_store_idx %arg7[%add3A_516, %broadcast_in_dim3A_2433], %get3A_2449 : memref<128x56xf32, #tpu.memory_space<vmem>>[vector<16xi32>, vector<16xi32>], vector<16xf32>,
    %get3A_2450 = arith.constant 43 : i32
    %get3A_2451 = arith.index_cast %get3A_2450 : i32 to index
    %get3A_2452 = arith.constant 64 : index
    %get3A_2453 = tpu.vector_load %arg6[%get3A_2451, %get3A_2452] {strides = array<i32>} : memref<50x128xf32, #tpu.memory_space<vmem>>, vector<16xf32>,
    tpu.vector_store_idx %arg7[%add3A_520, %broadcast_in_dim3A_2433], %get3A_2453 : memref<128x56xf32, #tpu.memory_space<vmem>>[vector<16xi32>, vector<16xi32>], vector<16xf32>,
    %get3A_2454 = arith.constant 43 : i32
    %get3A_2455 = arith.index_cast %get3A_2454 : i32 to index
    %get3A_2456 = arith.constant 80 : index
    %get3A_2457 = tpu.vector_load %arg6[%get3A_2455, %get3A_2456] {strides = array<i32>} : memref<50x128xf32, #tpu.memory_space<vmem>>, vector<16xf32>,
    tpu.vector_store_idx %arg7[%add3A_524, %broadcast_in_dim3A_2433], %get3A_2457 : memref<128x56xf32, #tpu.memory_space<vmem>>[vector<16xi32>, vector<16xi32>], vector<16xf32>,
    %get3A_2458 = arith.constant 43 : i32
    %get3A_2459 = arith.index_cast %get3A_2458 : i32 to index
    %get3A_2460 = arith.constant 96 : index
    %get3A_2461 = tpu.vector_load %arg6[%get3A_2459, %get3A_2460] {strides = array<i32>} : memref<50x128xf32, #tpu.memory_space<vmem>>, vector<16xf32>,
    tpu.vector_store_idx %arg7[%add3A_528, %broadcast_in_dim3A_2433], %get3A_2461 : memref<128x56xf32, #tpu.memory_space<vmem>>[vector<16xi32>, vector<16xi32>], vector<16xf32>,
    %get3A_2462 = arith.constant 43 : i32
    %get3A_2463 = arith.index_cast %get3A_2462 : i32 to index
    %get3A_2464 = arith.constant 112 : index
    %get3A_2465 = tpu.vector_load %arg6[%get3A_2463, %get3A_2464] {strides = array<i32>} : memref<50x128xf32, #tpu.memory_space<vmem>>, vector<16xf32>,
    tpu.vector_store_idx %arg7[%add3A_532, %broadcast_in_dim3A_2433], %get3A_2465 : memref<128x56xf32, #tpu.memory_space<vmem>>[vector<16xi32>, vector<16xi32>], vector<16xf32>,
    %dma_wait3A_2466 = arith.constant 44 : i32
    %dma_wait3A_2467 = arith.constant 44 : i32
    %dma_wait3A_2468 = arith.constant 0 : i32
    %dma_wait3A_2469 = tpu.memref_slice %arg6[%dma_wait3A_2467, %dma_wait3A_2468] : memref<50x128xf32, #tpu.memory_space<vmem>> -> memref<1x128xf32, #tpu.memory_space<vmem>>
    %dma_wait3A_2470 = tpu.memref_squeeze %dma_wait3A_2469 : memref<1x128xf32, #tpu.memory_space<vmem>> -> memref<128xf32, #tpu.memory_space<vmem>>
    %dma_wait3A_2471 = arith.constant 0 : i32
    %dma_wait3A_2472 = tpu.memref_slice %arg3[%dma_wait3A_2466, %dma_wait3A_2471] : memref<50x100000xf32, #tpu.memory_space<hbm>> -> memref<1x100000xf32, #tpu.memory_space<hbm>>
    %dma_wait3A_2473 = tpu.memref_squeeze %dma_wait3A_2472 : memref<1x100000xf32, #tpu.memory_space<hbm>> -> memref<100000xf32, #tpu.memory_space<hbm>>
    %dma_wait3A_2474 = arith.constant 0 : i32
    %dma_wait3A_2475 = tpu.memref_slice %dma_wait3A_2473[%dma_wait3A_2474] : memref<100000xf32, #tpu.memory_space<hbm>> -> memref<100000xf32, #tpu.memory_space<hbm>>
    tpu.wait_indirect_dma semaphore(%arg8 : memref<!tpu.dma_semaphore, #tpu.memory_space<semaphore_mem>>) src(%dma_wait3A_2475 : memref<100000xf32, #tpu.memory_space<hbm>>) dst(%dma_wait3A_2470 : memref<128xf32, #tpu.memory_space<vmem>>)
    %broadcast_in_dim3A_2476 = arith.constant 44 : i32
    %broadcast_in_dim3A_2477 = vector.broadcast %broadcast_in_dim3A_2476 : i32 to vector<16xi32>
    %get3A_2478 = arith.constant 44 : i32
    %get3A_2479 = arith.index_cast %get3A_2478 : i32 to index
    %get3A_2480 = arith.constant 0 : index
    %get3A_2481 = tpu.vector_load %arg6[%get3A_2479, %get3A_2480] {strides = array<i32>} : memref<50x128xf32, #tpu.memory_space<vmem>>, vector<16xf32>,
    tpu.vector_store_idx %arg7[%add3A_504, %broadcast_in_dim3A_2477], %get3A_2481 : memref<128x56xf32, #tpu.memory_space<vmem>>[vector<16xi32>, vector<16xi32>], vector<16xf32>,
    %get3A_2482 = arith.constant 44 : i32
    %get3A_2483 = arith.index_cast %get3A_2482 : i32 to index
    %get3A_2484 = arith.constant 16 : index
    %get3A_2485 = tpu.vector_load %arg6[%get3A_2483, %get3A_2484] {strides = array<i32>} : memref<50x128xf32, #tpu.memory_space<vmem>>, vector<16xf32>,
    tpu.vector_store_idx %arg7[%add3A_508, %broadcast_in_dim3A_2477], %get3A_2485 : memref<128x56xf32, #tpu.memory_space<vmem>>[vector<16xi32>, vector<16xi32>], vector<16xf32>,
    %get3A_2486 = arith.constant 44 : i32
    %get3A_2487 = arith.index_cast %get3A_2486 : i32 to index
    %get3A_2488 = arith.constant 32 : index
    %get3A_2489 = tpu.vector_load %arg6[%get3A_2487, %get3A_2488] {strides = array<i32>} : memref<50x128xf32, #tpu.memory_space<vmem>>, vector<16xf32>,
    tpu.vector_store_idx %arg7[%add3A_512, %broadcast_in_dim3A_2477], %get3A_2489 : memref<128x56xf32, #tpu.memory_space<vmem>>[vector<16xi32>, vector<16xi32>], vector<16xf32>,
    %get3A_2490 = arith.constant 44 : i32
    %get3A_2491 = arith.index_cast %get3A_2490 : i32 to index
    %get3A_2492 = arith.constant 48 : index
    %get3A_2493 = tpu.vector_load %arg6[%get3A_2491, %get3A_2492] {strides = array<i32>} : memref<50x128xf32, #tpu.memory_space<vmem>>, vector<16xf32>,
    tpu.vector_store_idx %arg7[%add3A_516, %broadcast_in_dim3A_2477], %get3A_2493 : memref<128x56xf32, #tpu.memory_space<vmem>>[vector<16xi32>, vector<16xi32>], vector<16xf32>,
    %get3A_2494 = arith.constant 44 : i32
    %get3A_2495 = arith.index_cast %get3A_2494 : i32 to index
    %get3A_2496 = arith.constant 64 : index
    %get3A_2497 = tpu.vector_load %arg6[%get3A_2495, %get3A_2496] {strides = array<i32>} : memref<50x128xf32, #tpu.memory_space<vmem>>, vector<16xf32>,
    tpu.vector_store_idx %arg7[%add3A_520, %broadcast_in_dim3A_2477], %get3A_2497 : memref<128x56xf32, #tpu.memory_space<vmem>>[vector<16xi32>, vector<16xi32>], vector<16xf32>,
    %get3A_2498 = arith.constant 44 : i32
    %get3A_2499 = arith.index_cast %get3A_2498 : i32 to index
    %get3A_2500 = arith.constant 80 : index
    %get3A_2501 = tpu.vector_load %arg6[%get3A_2499, %get3A_2500] {strides = array<i32>} : memref<50x128xf32, #tpu.memory_space<vmem>>, vector<16xf32>,
    tpu.vector_store_idx %arg7[%add3A_524, %broadcast_in_dim3A_2477], %get3A_2501 : memref<128x56xf32, #tpu.memory_space<vmem>>[vector<16xi32>, vector<16xi32>], vector<16xf32>,
    %get3A_2502 = arith.constant 44 : i32
    %get3A_2503 = arith.index_cast %get3A_2502 : i32 to index
    %get3A_2504 = arith.constant 96 : index
    %get3A_2505 = tpu.vector_load %arg6[%get3A_2503, %get3A_2504] {strides = array<i32>} : memref<50x128xf32, #tpu.memory_space<vmem>>, vector<16xf32>,
    tpu.vector_store_idx %arg7[%add3A_528, %broadcast_in_dim3A_2477], %get3A_2505 : memref<128x56xf32, #tpu.memory_space<vmem>>[vector<16xi32>, vector<16xi32>], vector<16xf32>,
    %get3A_2506 = arith.constant 44 : i32
    %get3A_2507 = arith.index_cast %get3A_2506 : i32 to index
    %get3A_2508 = arith.constant 112 : index
    %get3A_2509 = tpu.vector_load %arg6[%get3A_2507, %get3A_2508] {strides = array<i32>} : memref<50x128xf32, #tpu.memory_space<vmem>>, vector<16xf32>,
    tpu.vector_store_idx %arg7[%add3A_532, %broadcast_in_dim3A_2477], %get3A_2509 : memref<128x56xf32, #tpu.memory_space<vmem>>[vector<16xi32>, vector<16xi32>], vector<16xf32>,
    %dma_wait3A_2510 = arith.constant 45 : i32
    %dma_wait3A_2511 = arith.constant 45 : i32
    %dma_wait3A_2512 = arith.constant 0 : i32
    %dma_wait3A_2513 = tpu.memref_slice %arg6[%dma_wait3A_2511, %dma_wait3A_2512] : memref<50x128xf32, #tpu.memory_space<vmem>> -> memref<1x128xf32, #tpu.memory_space<vmem>>
    %dma_wait3A_2514 = tpu.memref_squeeze %dma_wait3A_2513 : memref<1x128xf32, #tpu.memory_space<vmem>> -> memref<128xf32, #tpu.memory_space<vmem>>
    %dma_wait3A_2515 = arith.constant 0 : i32
    %dma_wait3A_2516 = tpu.memref_slice %arg3[%dma_wait3A_2510, %dma_wait3A_2515] : memref<50x100000xf32, #tpu.memory_space<hbm>> -> memref<1x100000xf32, #tpu.memory_space<hbm>>
    %dma_wait3A_2517 = tpu.memref_squeeze %dma_wait3A_2516 : memref<1x100000xf32, #tpu.memory_space<hbm>> -> memref<100000xf32, #tpu.memory_space<hbm>>
    %dma_wait3A_2518 = arith.constant 0 : i32
    %dma_wait3A_2519 = tpu.memref_slice %dma_wait3A_2517[%dma_wait3A_2518] : memref<100000xf32, #tpu.memory_space<hbm>> -> memref<100000xf32, #tpu.memory_space<hbm>>
    tpu.wait_indirect_dma semaphore(%arg8 : memref<!tpu.dma_semaphore, #tpu.memory_space<semaphore_mem>>) src(%dma_wait3A_2519 : memref<100000xf32, #tpu.memory_space<hbm>>) dst(%dma_wait3A_2514 : memref<128xf32, #tpu.memory_space<vmem>>)
    %broadcast_in_dim3A_2520 = arith.constant 45 : i32
    %broadcast_in_dim3A_2521 = vector.broadcast %broadcast_in_dim3A_2520 : i32 to vector<16xi32>
    %get3A_2522 = arith.constant 45 : i32
    %get3A_2523 = arith.index_cast %get3A_2522 : i32 to index
    %get3A_2524 = arith.constant 0 : index
    %get3A_2525 = tpu.vector_load %arg6[%get3A_2523, %get3A_2524] {strides = array<i32>} : memref<50x128xf32, #tpu.memory_space<vmem>>, vector<16xf32>,
    tpu.vector_store_idx %arg7[%add3A_504, %broadcast_in_dim3A_2521], %get3A_2525 : memref<128x56xf32, #tpu.memory_space<vmem>>[vector<16xi32>, vector<16xi32>], vector<16xf32>,
    %get3A_2526 = arith.constant 45 : i32
    %get3A_2527 = arith.index_cast %get3A_2526 : i32 to index
    %get3A_2528 = arith.constant 16 : index
    %get3A_2529 = tpu.vector_load %arg6[%get3A_2527, %get3A_2528] {strides = array<i32>} : memref<50x128xf32, #tpu.memory_space<vmem>>, vector<16xf32>,
    tpu.vector_store_idx %arg7[%add3A_508, %broadcast_in_dim3A_2521], %get3A_2529 : memref<128x56xf32, #tpu.memory_space<vmem>>[vector<16xi32>, vector<16xi32>], vector<16xf32>,
    %get3A_2530 = arith.constant 45 : i32
    %get3A_2531 = arith.index_cast %get3A_2530 : i32 to index
    %get3A_2532 = arith.constant 32 : index
    %get3A_2533 = tpu.vector_load %arg6[%get3A_2531, %get3A_2532] {strides = array<i32>} : memref<50x128xf32, #tpu.memory_space<vmem>>, vector<16xf32>,
    tpu.vector_store_idx %arg7[%add3A_512, %broadcast_in_dim3A_2521], %get3A_2533 : memref<128x56xf32, #tpu.memory_space<vmem>>[vector<16xi32>, vector<16xi32>], vector<16xf32>,
    %get3A_2534 = arith.constant 45 : i32
    %get3A_2535 = arith.index_cast %get3A_2534 : i32 to index
    %get3A_2536 = arith.constant 48 : index
    %get3A_2537 = tpu.vector_load %arg6[%get3A_2535, %get3A_2536] {strides = array<i32>} : memref<50x128xf32, #tpu.memory_space<vmem>>, vector<16xf32>,
    tpu.vector_store_idx %arg7[%add3A_516, %broadcast_in_dim3A_2521], %get3A_2537 : memref<128x56xf32, #tpu.memory_space<vmem>>[vector<16xi32>, vector<16xi32>], vector<16xf32>,
    %get3A_2538 = arith.constant 45 : i32
    %get3A_2539 = arith.index_cast %get3A_2538 : i32 to index
    %get3A_2540 = arith.constant 64 : index
    %get3A_2541 = tpu.vector_load %arg6[%get3A_2539, %get3A_2540] {strides = array<i32>} : memref<50x128xf32, #tpu.memory_space<vmem>>, vector<16xf32>,
    tpu.vector_store_idx %arg7[%add3A_520, %broadcast_in_dim3A_2521], %get3A_2541 : memref<128x56xf32, #tpu.memory_space<vmem>>[vector<16xi32>, vector<16xi32>], vector<16xf32>,
    %get3A_2542 = arith.constant 45 : i32
    %get3A_2543 = arith.index_cast %get3A_2542 : i32 to index
    %get3A_2544 = arith.constant 80 : index
    %get3A_2545 = tpu.vector_load %arg6[%get3A_2543, %get3A_2544] {strides = array<i32>} : memref<50x128xf32, #tpu.memory_space<vmem>>, vector<16xf32>,
    tpu.vector_store_idx %arg7[%add3A_524, %broadcast_in_dim3A_2521], %get3A_2545 : memref<128x56xf32, #tpu.memory_space<vmem>>[vector<16xi32>, vector<16xi32>], vector<16xf32>,
    %get3A_2546 = arith.constant 45 : i32
    %get3A_2547 = arith.index_cast %get3A_2546 : i32 to index
    %get3A_2548 = arith.constant 96 : index
    %get3A_2549 = tpu.vector_load %arg6[%get3A_2547, %get3A_2548] {strides = array<i32>} : memref<50x128xf32, #tpu.memory_space<vmem>>, vector<16xf32>,
    tpu.vector_store_idx %arg7[%add3A_528, %broadcast_in_dim3A_2521], %get3A_2549 : memref<128x56xf32, #tpu.memory_space<vmem>>[vector<16xi32>, vector<16xi32>], vector<16xf32>,
    %get3A_2550 = arith.constant 45 : i32
    %get3A_2551 = arith.index_cast %get3A_2550 : i32 to index
    %get3A_2552 = arith.constant 112 : index
    %get3A_2553 = tpu.vector_load %arg6[%get3A_2551, %get3A_2552] {strides = array<i32>} : memref<50x128xf32, #tpu.memory_space<vmem>>, vector<16xf32>,
    tpu.vector_store_idx %arg7[%add3A_532, %broadcast_in_dim3A_2521], %get3A_2553 : memref<128x56xf32, #tpu.memory_space<vmem>>[vector<16xi32>, vector<16xi32>], vector<16xf32>,
    %dma_wait3A_2554 = arith.constant 46 : i32
    %dma_wait3A_2555 = arith.constant 46 : i32
    %dma_wait3A_2556 = arith.constant 0 : i32
    %dma_wait3A_2557 = tpu.memref_slice %arg6[%dma_wait3A_2555, %dma_wait3A_2556] : memref<50x128xf32, #tpu.memory_space<vmem>> -> memref<1x128xf32, #tpu.memory_space<vmem>>
    %dma_wait3A_2558 = tpu.memref_squeeze %dma_wait3A_2557 : memref<1x128xf32, #tpu.memory_space<vmem>> -> memref<128xf32, #tpu.memory_space<vmem>>
    %dma_wait3A_2559 = arith.constant 0 : i32
    %dma_wait3A_2560 = tpu.memref_slice %arg3[%dma_wait3A_2554, %dma_wait3A_2559] : memref<50x100000xf32, #tpu.memory_space<hbm>> -> memref<1x100000xf32, #tpu.memory_space<hbm>>
    %dma_wait3A_2561 = tpu.memref_squeeze %dma_wait3A_2560 : memref<1x100000xf32, #tpu.memory_space<hbm>> -> memref<100000xf32, #tpu.memory_space<hbm>>
    %dma_wait3A_2562 = arith.constant 0 : i32
    %dma_wait3A_2563 = tpu.memref_slice %dma_wait3A_2561[%dma_wait3A_2562] : memref<100000xf32, #tpu.memory_space<hbm>> -> memref<100000xf32, #tpu.memory_space<hbm>>
    tpu.wait_indirect_dma semaphore(%arg8 : memref<!tpu.dma_semaphore, #tpu.memory_space<semaphore_mem>>) src(%dma_wait3A_2563 : memref<100000xf32, #tpu.memory_space<hbm>>) dst(%dma_wait3A_2558 : memref<128xf32, #tpu.memory_space<vmem>>)
    %broadcast_in_dim3A_2564 = arith.constant 46 : i32
    %broadcast_in_dim3A_2565 = vector.broadcast %broadcast_in_dim3A_2564 : i32 to vector<16xi32>
    %get3A_2566 = arith.constant 46 : i32
    %get3A_2567 = arith.index_cast %get3A_2566 : i32 to index
    %get3A_2568 = arith.constant 0 : index
    %get3A_2569 = tpu.vector_load %arg6[%get3A_2567, %get3A_2568] {strides = array<i32>} : memref<50x128xf32, #tpu.memory_space<vmem>>, vector<16xf32>,
    tpu.vector_store_idx %arg7[%add3A_504, %broadcast_in_dim3A_2565], %get3A_2569 : memref<128x56xf32, #tpu.memory_space<vmem>>[vector<16xi32>, vector<16xi32>], vector<16xf32>,
    %get3A_2570 = arith.constant 46 : i32
    %get3A_2571 = arith.index_cast %get3A_2570 : i32 to index
    %get3A_2572 = arith.constant 16 : index
    %get3A_2573 = tpu.vector_load %arg6[%get3A_2571, %get3A_2572] {strides = array<i32>} : memref<50x128xf32, #tpu.memory_space<vmem>>, vector<16xf32>,
    tpu.vector_store_idx %arg7[%add3A_508, %broadcast_in_dim3A_2565], %get3A_2573 : memref<128x56xf32, #tpu.memory_space<vmem>>[vector<16xi32>, vector<16xi32>], vector<16xf32>,
    %get3A_2574 = arith.constant 46 : i32
    %get3A_2575 = arith.index_cast %get3A_2574 : i32 to index
    %get3A_2576 = arith.constant 32 : index
    %get3A_2577 = tpu.vector_load %arg6[%get3A_2575, %get3A_2576] {strides = array<i32>} : memref<50x128xf32, #tpu.memory_space<vmem>>, vector<16xf32>,
    tpu.vector_store_idx %arg7[%add3A_512, %broadcast_in_dim3A_2565], %get3A_2577 : memref<128x56xf32, #tpu.memory_space<vmem>>[vector<16xi32>, vector<16xi32>], vector<16xf32>,
    %get3A_2578 = arith.constant 46 : i32
    %get3A_2579 = arith.index_cast %get3A_2578 : i32 to index
    %get3A_2580 = arith.constant 48 : index
    %get3A_2581 = tpu.vector_load %arg6[%get3A_2579, %get3A_2580] {strides = array<i32>} : memref<50x128xf32, #tpu.memory_space<vmem>>, vector<16xf32>,
    tpu.vector_store_idx %arg7[%add3A_516, %broadcast_in_dim3A_2565], %get3A_2581 : memref<128x56xf32, #tpu.memory_space<vmem>>[vector<16xi32>, vector<16xi32>], vector<16xf32>,
    %get3A_2582 = arith.constant 46 : i32
    %get3A_2583 = arith.index_cast %get3A_2582 : i32 to index
    %get3A_2584 = arith.constant 64 : index
    %get3A_2585 = tpu.vector_load %arg6[%get3A_2583, %get3A_2584] {strides = array<i32>} : memref<50x128xf32, #tpu.memory_space<vmem>>, vector<16xf32>,
    tpu.vector_store_idx %arg7[%add3A_520, %broadcast_in_dim3A_2565], %get3A_2585 : memref<128x56xf32, #tpu.memory_space<vmem>>[vector<16xi32>, vector<16xi32>], vector<16xf32>,
    %get3A_2586 = arith.constant 46 : i32
    %get3A_2587 = arith.index_cast %get3A_2586 : i32 to index
    %get3A_2588 = arith.constant 80 : index
    %get3A_2589 = tpu.vector_load %arg6[%get3A_2587, %get3A_2588] {strides = array<i32>} : memref<50x128xf32, #tpu.memory_space<vmem>>, vector<16xf32>,
    tpu.vector_store_idx %arg7[%add3A_524, %broadcast_in_dim3A_2565], %get3A_2589 : memref<128x56xf32, #tpu.memory_space<vmem>>[vector<16xi32>, vector<16xi32>], vector<16xf32>,
    %get3A_2590 = arith.constant 46 : i32
    %get3A_2591 = arith.index_cast %get3A_2590 : i32 to index
    %get3A_2592 = arith.constant 96 : index
    %get3A_2593 = tpu.vector_load %arg6[%get3A_2591, %get3A_2592] {strides = array<i32>} : memref<50x128xf32, #tpu.memory_space<vmem>>, vector<16xf32>,
    tpu.vector_store_idx %arg7[%add3A_528, %broadcast_in_dim3A_2565], %get3A_2593 : memref<128x56xf32, #tpu.memory_space<vmem>>[vector<16xi32>, vector<16xi32>], vector<16xf32>,
    %get3A_2594 = arith.constant 46 : i32
    %get3A_2595 = arith.index_cast %get3A_2594 : i32 to index
    %get3A_2596 = arith.constant 112 : index
    %get3A_2597 = tpu.vector_load %arg6[%get3A_2595, %get3A_2596] {strides = array<i32>} : memref<50x128xf32, #tpu.memory_space<vmem>>, vector<16xf32>,
    tpu.vector_store_idx %arg7[%add3A_532, %broadcast_in_dim3A_2565], %get3A_2597 : memref<128x56xf32, #tpu.memory_space<vmem>>[vector<16xi32>, vector<16xi32>], vector<16xf32>,
    %dma_wait3A_2598 = arith.constant 47 : i32
    %dma_wait3A_2599 = arith.constant 47 : i32
    %dma_wait3A_2600 = arith.constant 0 : i32
    %dma_wait3A_2601 = tpu.memref_slice %arg6[%dma_wait3A_2599, %dma_wait3A_2600] : memref<50x128xf32, #tpu.memory_space<vmem>> -> memref<1x128xf32, #tpu.memory_space<vmem>>
    %dma_wait3A_2602 = tpu.memref_squeeze %dma_wait3A_2601 : memref<1x128xf32, #tpu.memory_space<vmem>> -> memref<128xf32, #tpu.memory_space<vmem>>
    %dma_wait3A_2603 = arith.constant 0 : i32
    %dma_wait3A_2604 = tpu.memref_slice %arg3[%dma_wait3A_2598, %dma_wait3A_2603] : memref<50x100000xf32, #tpu.memory_space<hbm>> -> memref<1x100000xf32, #tpu.memory_space<hbm>>
    %dma_wait3A_2605 = tpu.memref_squeeze %dma_wait3A_2604 : memref<1x100000xf32, #tpu.memory_space<hbm>> -> memref<100000xf32, #tpu.memory_space<hbm>>
    %dma_wait3A_2606 = arith.constant 0 : i32
    %dma_wait3A_2607 = tpu.memref_slice %dma_wait3A_2605[%dma_wait3A_2606] : memref<100000xf32, #tpu.memory_space<hbm>> -> memref<100000xf32, #tpu.memory_space<hbm>>
    tpu.wait_indirect_dma semaphore(%arg8 : memref<!tpu.dma_semaphore, #tpu.memory_space<semaphore_mem>>) src(%dma_wait3A_2607 : memref<100000xf32, #tpu.memory_space<hbm>>) dst(%dma_wait3A_2602 : memref<128xf32, #tpu.memory_space<vmem>>)
    %broadcast_in_dim3A_2608 = arith.constant 47 : i32
    %broadcast_in_dim3A_2609 = vector.broadcast %broadcast_in_dim3A_2608 : i32 to vector<16xi32>
    %get3A_2610 = arith.constant 47 : i32
    %get3A_2611 = arith.index_cast %get3A_2610 : i32 to index
    %get3A_2612 = arith.constant 0 : index
    %get3A_2613 = tpu.vector_load %arg6[%get3A_2611, %get3A_2612] {strides = array<i32>} : memref<50x128xf32, #tpu.memory_space<vmem>>, vector<16xf32>,
    tpu.vector_store_idx %arg7[%add3A_504, %broadcast_in_dim3A_2609], %get3A_2613 : memref<128x56xf32, #tpu.memory_space<vmem>>[vector<16xi32>, vector<16xi32>], vector<16xf32>,
    %get3A_2614 = arith.constant 47 : i32
    %get3A_2615 = arith.index_cast %get3A_2614 : i32 to index
    %get3A_2616 = arith.constant 16 : index
    %get3A_2617 = tpu.vector_load %arg6[%get3A_2615, %get3A_2616] {strides = array<i32>} : memref<50x128xf32, #tpu.memory_space<vmem>>, vector<16xf32>,
    tpu.vector_store_idx %arg7[%add3A_508, %broadcast_in_dim3A_2609], %get3A_2617 : memref<128x56xf32, #tpu.memory_space<vmem>>[vector<16xi32>, vector<16xi32>], vector<16xf32>,
    %get3A_2618 = arith.constant 47 : i32
    %get3A_2619 = arith.index_cast %get3A_2618 : i32 to index
    %get3A_2620 = arith.constant 32 : index
    %get3A_2621 = tpu.vector_load %arg6[%get3A_2619, %get3A_2620] {strides = array<i32>} : memref<50x128xf32, #tpu.memory_space<vmem>>, vector<16xf32>,
    tpu.vector_store_idx %arg7[%add3A_512, %broadcast_in_dim3A_2609], %get3A_2621 : memref<128x56xf32, #tpu.memory_space<vmem>>[vector<16xi32>, vector<16xi32>], vector<16xf32>,
    %get3A_2622 = arith.constant 47 : i32
    %get3A_2623 = arith.index_cast %get3A_2622 : i32 to index
    %get3A_2624 = arith.constant 48 : index
    %get3A_2625 = tpu.vector_load %arg6[%get3A_2623, %get3A_2624] {strides = array<i32>} : memref<50x128xf32, #tpu.memory_space<vmem>>, vector<16xf32>,
    tpu.vector_store_idx %arg7[%add3A_516, %broadcast_in_dim3A_2609], %get3A_2625 : memref<128x56xf32, #tpu.memory_space<vmem>>[vector<16xi32>, vector<16xi32>], vector<16xf32>,
    %get3A_2626 = arith.constant 47 : i32
    %get3A_2627 = arith.index_cast %get3A_2626 : i32 to index
    %get3A_2628 = arith.constant 64 : index
    %get3A_2629 = tpu.vector_load %arg6[%get3A_2627, %get3A_2628] {strides = array<i32>} : memref<50x128xf32, #tpu.memory_space<vmem>>, vector<16xf32>,
    tpu.vector_store_idx %arg7[%add3A_520, %broadcast_in_dim3A_2609], %get3A_2629 : memref<128x56xf32, #tpu.memory_space<vmem>>[vector<16xi32>, vector<16xi32>], vector<16xf32>,
    %get3A_2630 = arith.constant 47 : i32
    %get3A_2631 = arith.index_cast %get3A_2630 : i32 to index
    %get3A_2632 = arith.constant 80 : index
    %get3A_2633 = tpu.vector_load %arg6[%get3A_2631, %get3A_2632] {strides = array<i32>} : memref<50x128xf32, #tpu.memory_space<vmem>>, vector<16xf32>,
    tpu.vector_store_idx %arg7[%add3A_524, %broadcast_in_dim3A_2609], %get3A_2633 : memref<128x56xf32, #tpu.memory_space<vmem>>[vector<16xi32>, vector<16xi32>], vector<16xf32>,
    %get3A_2634 = arith.constant 47 : i32
    %get3A_2635 = arith.index_cast %get3A_2634 : i32 to index
    %get3A_2636 = arith.constant 96 : index
    %get3A_2637 = tpu.vector_load %arg6[%get3A_2635, %get3A_2636] {strides = array<i32>} : memref<50x128xf32, #tpu.memory_space<vmem>>, vector<16xf32>,
    tpu.vector_store_idx %arg7[%add3A_528, %broadcast_in_dim3A_2609], %get3A_2637 : memref<128x56xf32, #tpu.memory_space<vmem>>[vector<16xi32>, vector<16xi32>], vector<16xf32>,
    %get3A_2638 = arith.constant 47 : i32
    %get3A_2639 = arith.index_cast %get3A_2638 : i32 to index
    %get3A_2640 = arith.constant 112 : index
    %get3A_2641 = tpu.vector_load %arg6[%get3A_2639, %get3A_2640] {strides = array<i32>} : memref<50x128xf32, #tpu.memory_space<vmem>>, vector<16xf32>,
    tpu.vector_store_idx %arg7[%add3A_532, %broadcast_in_dim3A_2609], %get3A_2641 : memref<128x56xf32, #tpu.memory_space<vmem>>[vector<16xi32>, vector<16xi32>], vector<16xf32>,
    %dma_wait3A_2642 = arith.constant 48 : i32
    %dma_wait3A_2643 = arith.constant 48 : i32
    %dma_wait3A_2644 = arith.constant 0 : i32
    %dma_wait3A_2645 = tpu.memref_slice %arg6[%dma_wait3A_2643, %dma_wait3A_2644] : memref<50x128xf32, #tpu.memory_space<vmem>> -> memref<1x128xf32, #tpu.memory_space<vmem>>
    %dma_wait3A_2646 = tpu.memref_squeeze %dma_wait3A_2645 : memref<1x128xf32, #tpu.memory_space<vmem>> -> memref<128xf32, #tpu.memory_space<vmem>>
    %dma_wait3A_2647 = arith.constant 0 : i32
    %dma_wait3A_2648 = tpu.memref_slice %arg3[%dma_wait3A_2642, %dma_wait3A_2647] : memref<50x100000xf32, #tpu.memory_space<hbm>> -> memref<1x100000xf32, #tpu.memory_space<hbm>>
    %dma_wait3A_2649 = tpu.memref_squeeze %dma_wait3A_2648 : memref<1x100000xf32, #tpu.memory_space<hbm>> -> memref<100000xf32, #tpu.memory_space<hbm>>
    %dma_wait3A_2650 = arith.constant 0 : i32
    %dma_wait3A_2651 = tpu.memref_slice %dma_wait3A_2649[%dma_wait3A_2650] : memref<100000xf32, #tpu.memory_space<hbm>> -> memref<100000xf32, #tpu.memory_space<hbm>>
    tpu.wait_indirect_dma semaphore(%arg8 : memref<!tpu.dma_semaphore, #tpu.memory_space<semaphore_mem>>) src(%dma_wait3A_2651 : memref<100000xf32, #tpu.memory_space<hbm>>) dst(%dma_wait3A_2646 : memref<128xf32, #tpu.memory_space<vmem>>)
    %broadcast_in_dim3A_2652 = arith.constant 48 : i32
    %broadcast_in_dim3A_2653 = vector.broadcast %broadcast_in_dim3A_2652 : i32 to vector<16xi32>
    %get3A_2654 = arith.constant 48 : i32
    %get3A_2655 = arith.index_cast %get3A_2654 : i32 to index
    %get3A_2656 = arith.constant 0 : index
    %get3A_2657 = tpu.vector_load %arg6[%get3A_2655, %get3A_2656] {strides = array<i32>} : memref<50x128xf32, #tpu.memory_space<vmem>>, vector<16xf32>,
    tpu.vector_store_idx %arg7[%add3A_504, %broadcast_in_dim3A_2653], %get3A_2657 : memref<128x56xf32, #tpu.memory_space<vmem>>[vector<16xi32>, vector<16xi32>], vector<16xf32>,
    %get3A_2658 = arith.constant 48 : i32
    %get3A_2659 = arith.index_cast %get3A_2658 : i32 to index
    %get3A_2660 = arith.constant 16 : index
    %get3A_2661 = tpu.vector_load %arg6[%get3A_2659, %get3A_2660] {strides = array<i32>} : memref<50x128xf32, #tpu.memory_space<vmem>>, vector<16xf32>,
    tpu.vector_store_idx %arg7[%add3A_508, %broadcast_in_dim3A_2653], %get3A_2661 : memref<128x56xf32, #tpu.memory_space<vmem>>[vector<16xi32>, vector<16xi32>], vector<16xf32>,
    %get3A_2662 = arith.constant 48 : i32
    %get3A_2663 = arith.index_cast %get3A_2662 : i32 to index
    %get3A_2664 = arith.constant 32 : index
    %get3A_2665 = tpu.vector_load %arg6[%get3A_2663, %get3A_2664] {strides = array<i32>} : memref<50x128xf32, #tpu.memory_space<vmem>>, vector<16xf32>,
    tpu.vector_store_idx %arg7[%add3A_512, %broadcast_in_dim3A_2653], %get3A_2665 : memref<128x56xf32, #tpu.memory_space<vmem>>[vector<16xi32>, vector<16xi32>], vector<16xf32>,
    %get3A_2666 = arith.constant 48 : i32
    %get3A_2667 = arith.index_cast %get3A_2666 : i32 to index
    %get3A_2668 = arith.constant 48 : index
    %get3A_2669 = tpu.vector_load %arg6[%get3A_2667, %get3A_2668] {strides = array<i32>} : memref<50x128xf32, #tpu.memory_space<vmem>>, vector<16xf32>,
    tpu.vector_store_idx %arg7[%add3A_516, %broadcast_in_dim3A_2653], %get3A_2669 : memref<128x56xf32, #tpu.memory_space<vmem>>[vector<16xi32>, vector<16xi32>], vector<16xf32>,
    %get3A_2670 = arith.constant 48 : i32
    %get3A_2671 = arith.index_cast %get3A_2670 : i32 to index
    %get3A_2672 = arith.constant 64 : index
    %get3A_2673 = tpu.vector_load %arg6[%get3A_2671, %get3A_2672] {strides = array<i32>} : memref<50x128xf32, #tpu.memory_space<vmem>>, vector<16xf32>,
    tpu.vector_store_idx %arg7[%add3A_520, %broadcast_in_dim3A_2653], %get3A_2673 : memref<128x56xf32, #tpu.memory_space<vmem>>[vector<16xi32>, vector<16xi32>], vector<16xf32>,
    %get3A_2674 = arith.constant 48 : i32
    %get3A_2675 = arith.index_cast %get3A_2674 : i32 to index
    %get3A_2676 = arith.constant 80 : index
    %get3A_2677 = tpu.vector_load %arg6[%get3A_2675, %get3A_2676] {strides = array<i32>} : memref<50x128xf32, #tpu.memory_space<vmem>>, vector<16xf32>,
    tpu.vector_store_idx %arg7[%add3A_524, %broadcast_in_dim3A_2653], %get3A_2677 : memref<128x56xf32, #tpu.memory_space<vmem>>[vector<16xi32>, vector<16xi32>], vector<16xf32>,
    %get3A_2678 = arith.constant 48 : i32
    %get3A_2679 = arith.index_cast %get3A_2678 : i32 to index
    %get3A_2680 = arith.constant 96 : index
    %get3A_2681 = tpu.vector_load %arg6[%get3A_2679, %get3A_2680] {strides = array<i32>} : memref<50x128xf32, #tpu.memory_space<vmem>>, vector<16xf32>,
    tpu.vector_store_idx %arg7[%add3A_528, %broadcast_in_dim3A_2653], %get3A_2681 : memref<128x56xf32, #tpu.memory_space<vmem>>[vector<16xi32>, vector<16xi32>], vector<16xf32>,
    %get3A_2682 = arith.constant 48 : i32
    %get3A_2683 = arith.index_cast %get3A_2682 : i32 to index
    %get3A_2684 = arith.constant 112 : index
    %get3A_2685 = tpu.vector_load %arg6[%get3A_2683, %get3A_2684] {strides = array<i32>} : memref<50x128xf32, #tpu.memory_space<vmem>>, vector<16xf32>,
    tpu.vector_store_idx %arg7[%add3A_532, %broadcast_in_dim3A_2653], %get3A_2685 : memref<128x56xf32, #tpu.memory_space<vmem>>[vector<16xi32>, vector<16xi32>], vector<16xf32>,
    %dma_wait3A_2686 = arith.constant 49 : i32
    %dma_wait3A_2687 = arith.constant 49 : i32
    %dma_wait3A_2688 = arith.constant 0 : i32
    %dma_wait3A_2689 = tpu.memref_slice %arg6[%dma_wait3A_2687, %dma_wait3A_2688] : memref<50x128xf32, #tpu.memory_space<vmem>> -> memref<1x128xf32, #tpu.memory_space<vmem>>
    %dma_wait3A_2690 = tpu.memref_squeeze %dma_wait3A_2689 : memref<1x128xf32, #tpu.memory_space<vmem>> -> memref<128xf32, #tpu.memory_space<vmem>>
    %dma_wait3A_2691 = arith.constant 0 : i32
    %dma_wait3A_2692 = tpu.memref_slice %arg3[%dma_wait3A_2686, %dma_wait3A_2691] : memref<50x100000xf32, #tpu.memory_space<hbm>> -> memref<1x100000xf32, #tpu.memory_space<hbm>>
    %dma_wait3A_2693 = tpu.memref_squeeze %dma_wait3A_2692 : memref<1x100000xf32, #tpu.memory_space<hbm>> -> memref<100000xf32, #tpu.memory_space<hbm>>
    %dma_wait3A_2694 = arith.constant 0 : i32
    %dma_wait3A_2695 = tpu.memref_slice %dma_wait3A_2693[%dma_wait3A_2694] : memref<100000xf32, #tpu.memory_space<hbm>> -> memref<100000xf32, #tpu.memory_space<hbm>>
    tpu.wait_indirect_dma semaphore(%arg8 : memref<!tpu.dma_semaphore, #tpu.memory_space<semaphore_mem>>) src(%dma_wait3A_2695 : memref<100000xf32, #tpu.memory_space<hbm>>) dst(%dma_wait3A_2690 : memref<128xf32, #tpu.memory_space<vmem>>)
    %broadcast_in_dim3A_2696 = arith.constant 49 : i32
    %broadcast_in_dim3A_2697 = vector.broadcast %broadcast_in_dim3A_2696 : i32 to vector<16xi32>
    %get3A_2698 = arith.constant 49 : i32
    %get3A_2699 = arith.index_cast %get3A_2698 : i32 to index
    %get3A_2700 = arith.constant 0 : index
    %get3A_2701 = tpu.vector_load %arg6[%get3A_2699, %get3A_2700] {strides = array<i32>} : memref<50x128xf32, #tpu.memory_space<vmem>>, vector<16xf32>,
    tpu.vector_store_idx %arg7[%add3A_504, %broadcast_in_dim3A_2697], %get3A_2701 : memref<128x56xf32, #tpu.memory_space<vmem>>[vector<16xi32>, vector<16xi32>], vector<16xf32>,
    %get3A_2702 = arith.constant 49 : i32
    %get3A_2703 = arith.index_cast %get3A_2702 : i32 to index
    %get3A_2704 = arith.constant 16 : index
    %get3A_2705 = tpu.vector_load %arg6[%get3A_2703, %get3A_2704] {strides = array<i32>} : memref<50x128xf32, #tpu.memory_space<vmem>>, vector<16xf32>,
    tpu.vector_store_idx %arg7[%add3A_508, %broadcast_in_dim3A_2697], %get3A_2705 : memref<128x56xf32, #tpu.memory_space<vmem>>[vector<16xi32>, vector<16xi32>], vector<16xf32>,
    %get3A_2706 = arith.constant 49 : i32
    %get3A_2707 = arith.index_cast %get3A_2706 : i32 to index
    %get3A_2708 = arith.constant 32 : index
    %get3A_2709 = tpu.vector_load %arg6[%get3A_2707, %get3A_2708] {strides = array<i32>} : memref<50x128xf32, #tpu.memory_space<vmem>>, vector<16xf32>,
    tpu.vector_store_idx %arg7[%add3A_512, %broadcast_in_dim3A_2697], %get3A_2709 : memref<128x56xf32, #tpu.memory_space<vmem>>[vector<16xi32>, vector<16xi32>], vector<16xf32>,
    %get3A_2710 = arith.constant 49 : i32
    %get3A_2711 = arith.index_cast %get3A_2710 : i32 to index
    %get3A_2712 = arith.constant 48 : index
    %get3A_2713 = tpu.vector_load %arg6[%get3A_2711, %get3A_2712] {strides = array<i32>} : memref<50x128xf32, #tpu.memory_space<vmem>>, vector<16xf32>,
    tpu.vector_store_idx %arg7[%add3A_516, %broadcast_in_dim3A_2697], %get3A_2713 : memref<128x56xf32, #tpu.memory_space<vmem>>[vector<16xi32>, vector<16xi32>], vector<16xf32>,
    %get3A_2714 = arith.constant 49 : i32
    %get3A_2715 = arith.index_cast %get3A_2714 : i32 to index
    %get3A_2716 = arith.constant 64 : index
    %get3A_2717 = tpu.vector_load %arg6[%get3A_2715, %get3A_2716] {strides = array<i32>} : memref<50x128xf32, #tpu.memory_space<vmem>>, vector<16xf32>,
    tpu.vector_store_idx %arg7[%add3A_520, %broadcast_in_dim3A_2697], %get3A_2717 : memref<128x56xf32, #tpu.memory_space<vmem>>[vector<16xi32>, vector<16xi32>], vector<16xf32>,
    %get3A_2718 = arith.constant 49 : i32
    %get3A_2719 = arith.index_cast %get3A_2718 : i32 to index
    %get3A_2720 = arith.constant 80 : index
    %get3A_2721 = tpu.vector_load %arg6[%get3A_2719, %get3A_2720] {strides = array<i32>} : memref<50x128xf32, #tpu.memory_space<vmem>>, vector<16xf32>,
    tpu.vector_store_idx %arg7[%add3A_524, %broadcast_in_dim3A_2697], %get3A_2721 : memref<128x56xf32, #tpu.memory_space<vmem>>[vector<16xi32>, vector<16xi32>], vector<16xf32>,
    %get3A_2722 = arith.constant 49 : i32
    %get3A_2723 = arith.index_cast %get3A_2722 : i32 to index
    %get3A_2724 = arith.constant 96 : index
    %get3A_2725 = tpu.vector_load %arg6[%get3A_2723, %get3A_2724] {strides = array<i32>} : memref<50x128xf32, #tpu.memory_space<vmem>>, vector<16xf32>,
    tpu.vector_store_idx %arg7[%add3A_528, %broadcast_in_dim3A_2697], %get3A_2725 : memref<128x56xf32, #tpu.memory_space<vmem>>[vector<16xi32>, vector<16xi32>], vector<16xf32>,
    %get3A_2726 = arith.constant 49 : i32
    %get3A_2727 = arith.index_cast %get3A_2726 : i32 to index
    %get3A_2728 = arith.constant 112 : index
    %get3A_2729 = tpu.vector_load %arg6[%get3A_2727, %get3A_2728] {strides = array<i32>} : memref<50x128xf32, #tpu.memory_space<vmem>>, vector<16xf32>,
    tpu.vector_store_idx %arg7[%add3A_532, %broadcast_in_dim3A_2697], %get3A_2729 : memref<128x56xf32, #tpu.memory_space<vmem>>[vector<16xi32>, vector<16xi32>], vector<16xf32>,
    "tpu.region"() ({
      %run_scoped3A = tpu.sem_alloc : memref<!tpu.dma_semaphore, #tpu.memory_space<semaphore_mem>>
      %dma_start3A_2730 = arith.constant 0 : i32
      %dma_start3A_2731 = tpu.memref_slice %arg4[%mul3A_2, %dma_start3A_2730] : memref<4096x56xf32, #tpu.memory_space<hbm>> -> memref<128x56xf32, #tpu.memory_space<hbm>>
      %dma_start3A_2732 = arith.constant 0 : i32
      %dma_start3A_2733 = tpu.memref_slice %arg4[%mul3A_2, %dma_start3A_2732] : memref<4096x56xf32, #tpu.memory_space<hbm>> -> memref<128x56xf32, #tpu.memory_space<hbm>>
      tpu.enqueue_dma source(%arg7 : memref<128x56xf32, #tpu.memory_space<vmem>>) target(%dma_start3A_2733 : memref<128x56xf32, #tpu.memory_space<hbm>>) target_semaphore(%run_scoped3A : memref<!tpu.dma_semaphore, #tpu.memory_space<semaphore_mem>>)
      %dma_wait3A_2734 = arith.constant 0 : i32
      %dma_wait3A_2735 = tpu.memref_slice %arg4[%mul3A_2, %dma_wait3A_2734] : memref<4096x56xf32, #tpu.memory_space<hbm>> -> memref<128x56xf32, #tpu.memory_space<hbm>>
      %dma_wait3A_2736 = arith.constant 0 : i32
      %dma_wait3A_2737 = tpu.memref_slice %arg4[%mul3A_2, %dma_wait3A_2736] : memref<4096x56xf32, #tpu.memory_space<hbm>> -> memref<128x56xf32, #tpu.memory_space<hbm>>
      tpu.wait_dma2 semaphore(%run_scoped3A : memref<!tpu.dma_semaphore, #tpu.memory_space<semaphore_mem>>) src(%arg7 : memref<128x56xf32, #tpu.memory_space<vmem>>) dst(%dma_wait3A_2737 : memref<128x56xf32, #tpu.memory_space<hbm>>)
      tpu.yield
    }) : () -> ()
    return
  }
}

</mosaic_0001>

<sc_bundles>
// kernel: kernel.3.cloned.1.call-start
scs
__scs_entry_jumppad:
0x0: {  	(pc) =	sbr.rel $0x88, $3  }
0x1: {  	(tag) =	ssettag $0x0;
	lr =	simm.s32 $0x1  }
0x2: {  	[smem:$0x3F9F] =	sst lr;
	_ =	strace $0xD0000000  }
0x3: {  	_ = 	snop  }
0x4: {  	_ = 	snop  }
0x5: {  	_ = 	snop  }
0x6: {  	_ = 	snop  }
0x7: {  	_ = 	snop  }
__scs_overlays_trampoline_lowered:
0x8: {  	[smem:$0x3FAE] =	sst s0  }
0x9: {  	[smem:$0x3FAF] =	sst s1  }
0xa: {  	[smem:$0x3FB0] =	sst s2  }
0xb: {  	[smem:$0x3FB1] =	sst s3  }
0xc: {  	[smem:$0x3FB2] =	sst s4  }
0xd: {  	[smem:$0x3FB3] =	sst s5  }
0xe: {  	[smem:$0x3FB4] =	sst s6  }
0xf: {  	[smem:$0x3FB5] =	sst s7  }
0x10: {  	[smem:$0x3FB6] =	sst s8  }
0x11: {  	[smem:$0x3FB7] =	sst s9;
	s0 =	simm.s32 @!p0 $0x0  }
0x12: {  	s1 =	sld [smem:$0x3F9D];
	s0 =	simm.s32 @p0 $0x1  }
0x13: {  	[smem:$0x3FB8] =	sst s0;
	s0 =	simm.s32 @!p1 $0x0  }
0x14: {  	s2 =	sld [smem:$0x3F9C];
	s0 =	simm.s32 @p1 $0x1  }
0x15: {  	[smem:$0x3FB9] =	sst s0;
	s0 =	simm.s32 @!p2 $0x0  }
0x16: {  	s3 =	sld [smem:$0x3FDB];
	s0 =	simm.s32 @p2 $0x1  }
0x17: {  	s4 =	simm.s32 $0x1BF5;
	[smem:$0x3FBB] =	sst s0  }
0x18: {  	s0 =	sld [smem:$0x3F9E];
	_ =	swait.ge [sflag:s4], $0x0  }
0x19: {  	s7 =	sld [smem:$0x3F9F]  }
0x1a: {  	s8 =	sadd.s32 $0xFFFFE003, lr  }
0x1b: {  	s9 =	sadd.s32 $0xFFFFFEF7, lr;
	s5 =	simm.s32 $0xFFFFFFFF;
	p2 =	slt.u32 s8, $0xFFFFF086  }
0x1c: {  	p1 =	slt.u32 s9, $0xF7A;
	s5 =	simm.s32 @!p2 $0x0  }
0x1d: {  	s5 =	simm.s32 @p1 $0x1;
	p0 =	seq.s32 s7, s2  }
0x1e: {  	s7 =	smul.u32 @!p0 $0xF7A, s2;
	p2 =	seq.s32 @!p0 s5, $0x0  }
0x1f: {  	s9 =	smul.u32 $0xF7A, s1;
	s8 =	simm.s32 @!p0 $0x1BF5;
	p2 =	por !p2, p0  }
0x20: {  	[sflag:s8] =	ssyncset.s32 @!p0 $0xFFFFF086;
	s6 =	sadd.s32 @!p0 s3, s7;
	s7 =	simm.s32 @!p0 $0x108  }
0x21: {  	s3 =	sadd.s32 s3, s9;
	s6 =	sadd.s32 @!p0 $0x88, s6;
	s7 =	simm.s32 @p2 $0x1082  }
0x22: {  	[simem:s7], [sflag:s8] =	dma.local @!p0 [hbm:s6], $0xF7A  }
0x23: {  	s9 =	sor.u32 $0xD0000000, s2;
	s6 =	simm.s32 $0x108;
	_ =	swait.ge @!p0 [sflag:s8], $0x0  }
0x24: {  	s3 =	sadd.s32 $0x88, s3;
	s6 =	simm.s32 @!p1 $0x1082;
	[sflag:s4] =	ssyncset.s32 $0xFFFFF086  }
0x25: {  	[simem:s6], [sflag:s4] =	dma.local [hbm:s3], $0xF7A  }
0x26: {  	[smem:$0x3F9F] =	sst s1;
	(tag) =	ssettag s2;
	_ =	strace s9  }
0x27: {  	s1 =	sld [smem:$0x3FAF]  }
0x28: {  	s2 =	sld [smem:$0x3FB0]  }
0x29: {  	s4 =	sld [smem:$0x3FB2]  }
0x2a: {  	p0 =	seq.s32 s5, $0x0;
	s5 =	sld [smem:$0x3FB3]  }
0x2b: {  	s6 =	sld [smem:$0x3FB4]  }
0x2c: {  	s7 =	sld [smem:$0x3FB5]  }
0x2d: {  	s3 =	simm.s32 $0x108;
	s8 =	sld [smem:$0x3FB6]  }
0x2e: {  	s3 =	simm.s32 @!p0 $0x1082;
	s9 =	sld [smem:$0x3FB7]  }
0x2f: {  	lr =	sadd.s32 s0, s3;
	s0 =	sld [smem:$0x3FAE]  }
0x30: {  	s3 =	sld [smem:$0x3FB1]  }
0x31: {  	[smem:$0x3FBA] =	sst s10  }
0x32: {  	s10 =	sld [smem:$0x3FB8];
	_ =	sdelay $0x3  }
0x33: {  	p0 =	seq.s32 s10, $0x1;
	s10 =	sld [smem:$0x3FBA];
	_ =	sdelay $0x3  }
0x34: {  	[smem:$0x3FBA] =	sst s10  }
0x35: {  	s10 =	sld [smem:$0x3FB9];
	_ =	sdelay $0x3  }
0x36: {  	p1 =	seq.s32 s10, $0x1;
	s10 =	sld [smem:$0x3FBA];
	_ =	sdelay $0x3  }
0x37: {  	[smem:$0x3FBA] =	sst s10  }
0x38: {  	s10 =	sld [smem:$0x3FBB]  }
0x39: {  	_ = 	snop;
	(pc) =	sbr.ind lr, $3  }
0x3a: {  	_ = 	snop  }
0x3b: {  	_ = 	snop  }
0x3c: {  	p2 =	seq.s32 s10, $0x1;
	s10 =	sld [smem:$0x3FBA]  }
0x3d: {  	_ =	shalt  }
0x3e: {  	_ =	shalt  }
0x3f: {  	_ =	shalt  }
0x40: {  	_ =	shalt  }
0x41: {  	_ =	shalt  }
0x42: {  	_ =	shalt  }
0x43: {  	_ =	shalt  }
0x44: {  	_ =	shalt  }
0x45: {  	_ =	shalt  }
0x46: {  	_ =	shalt  }
0x47: {  	_ =	shalt  }
0x48: {  	_ =	shalt  }
0x49: {  	_ =	shalt  }
0x4a: {  	_ =	shalt  }
0x4b: {  	_ =	shalt  }
0x4c: {  	_ =	shalt  }
0x4d: {  	_ =	shalt  }
0x4e: {  	_ =	shalt  }
0x4f: {  	_ =	shalt  }
0x50: {  	_ =	shalt  }
0x51: {  	_ =	shalt  }
0x52: {  	_ =	shalt  }
0x53: {  	_ =	shalt  }
0x54: {  	_ =	shalt  }
0x55: {  	_ =	shalt  }
0x56: {  	_ =	shalt  }
0x57: {  	_ =	shalt  }
0x58: {  	_ =	shalt  }
0x59: {  	_ =	shalt  }
0x5a: {  	_ =	shalt  }
0x5b: {  	_ =	shalt  }
0x5c: {  	_ =	shalt  }
0x5d: {  	_ =	shalt  }
0x5e: {  	_ =	shalt  }
0x5f: {  	_ =	shalt  }
0x60: {  	_ =	shalt  }
0x61: {  	_ =	shalt  }
0x62: {  	_ =	shalt  }
0x63: {  	_ =	shalt  }
0x64: {  	_ =	shalt  }
0x65: {  	_ =	shalt  }
0x66: {  	_ =	shalt  }
0x67: {  	_ =	shalt  }
0x68: {  	_ =	shalt  }
0x69: {  	_ =	shalt  }
0x6a: {  	_ =	shalt  }
0x6b: {  	_ =	shalt  }
0x6c: {  	_ =	shalt  }
0x6d: {  	_ =	shalt  }
0x6e: {  	_ =	shalt  }
0x6f: {  	_ =	shalt  }
0x70: {  	_ =	shalt  }
0x71: {  	_ =	shalt  }
0x72: {  	_ =	shalt  }
0x73: {  	_ =	shalt  }
0x74: {  	_ =	shalt  }
0x75: {  	_ =	shalt  }
0x76: {  	_ =	shalt  }
0x77: {  	_ =	shalt  }
0x78: {  	_ =	shalt  }
0x79: {  	_ =	shalt  }
0x7a: {  	_ =	shalt  }
0x7b: {  	_ =	shalt  }
0x7c: {  	_ =	shalt  }
0x7d: {  	_ =	shalt  }
0x7e: {  	_ =	shalt  }
0x7f: {  	_ =	shalt  }
0x80: {  	_ =	shalt  }
0x81: {  	_ =	shalt  }
0x82: {  	_ =	shalt  }
0x83: {  	_ =	shalt  }
0x84: {  	_ =	shalt  }
0x85: {  	_ =	shalt  }
0x86: {  	_ =	shalt  }
0x87: {  	_ =	shalt  }
.Lfunc_end0:
.L_simem_size_0:
called_computation_lowered:
.L_overlay_start_0:
0x88: {  	s2 =	sld [smem:$0x3FD9]  }
0x89: {  	s3 =	sld [smem:$0x3FFE];
	_ =	sdelay $0x1  }
0x8a: {  	s1 =	srdreg.scid  }
0x8b: {  	s0 =	sand.u32 $0x1, s1  }
0x8c: {  	s17 =	sshll.u32 s0, $0xA;
	s2 =	sadd.s32 s3, s2  }
0x8d: {  	s2 =	sadd.s32 s2, s17  }
0x8e: {  	[smem:$0x3FC6] =	sst s2  }
0x8f: {  	_ = 	snop  }
0x90: {  	s2 =	sld [smem:$0x3FD0];
	(tm) =	ssettm $0x1  }
0x91: {  	s18 =	sld [smem:$0x3FFB];
	_ =	sdelay $0x3  }
0x92: {  	_ =	strace s18  }
0x93: {  	s3 =	sld [smem:$0x3FFC];
	_ =	sdelay $0x3  }
0x94: {  	_ =	strace s3  }
0x95: {  	s3 =	sld [smem:$0x3FFD];
	_ =	sdelay $0x3  }
0x96: {  	_ =	strace s3  }
0x97: {  	_ =	strace $0x8FFFFFFF  }
0x98: {  	s19 =	sld [smem:$0x3FDB];
	_ =	sdelay $0x1  }
0x99: {  	s4 =	simm.s32 $_scs_section_size  }
0x9a: {  	s5 =	simm.s32 $_size__tile_overlayer_lowered;
	s6 =	simm.s32 $_tile_overlayer_lowered  }
0x9b: {  	s22 =	simm.s32 $0x1BFF;
	s21 =	sshll.u32 s6, $0x1;
	s3 =	sadd.s32 s4, s19  }
0x9c: {  	s7 =	simm.s32 $0x0;
	s20 =	sshll.u32 s5, $0x1;
	s5 =	sadd.s32 s21, s3  }
0x9d: {  	[timem:s7], [sflag:s22] =	dma.local [hbm:s5], s20  }
0x9e: {  	_ =	swait.ge [sflag:s22], s20  }
0x9f: {  	s4 =	ssub.s32 $0x0, s20;
	[sflag:s22] =	ssyncset.done $0x0  }
0xa0: {  	[sflag:s22] =	ssyncadd.s32 s4;
	_ =	sdelay $0x1  }
0xa1: {  	s23 =	simm.s32 $0x1B8B  }
0xa2: {  	_ =	swait.ge [sflag:s23], $0x1  }
0xa3: {  	[sflag:s23] =	ssyncset.done $0x0  }
0xa4: {  	s25 =	simm.s32 $0x1B8E;
	s24 =	sld [smem:$0x3FFE];
	[sflag:s23] =	ssyncadd.s32 $0xFFFFFFFF  }
0xa5: {  	s26 =	simm.s32 $execute0_lowered;
	[smem:$0x3FD2] =	sst s25  }
0xa6: {  	s5 =	sshll.u32 s26, $0x1;
	_ =	strace $0x80000046;
	[dreg:$0x1] =	wrdreg $0xFFFFFFFF  }
0xa7: {  	s28 =	simm.s32 $_size_execute0_lowered;
	s3 =	sadd.s32 s3, s5;
	[dreg:$0x0] =	wrdreg $0x0  }
0xa8: {  	s5 =	sshll.u32 s28, $0x1;
	[dreg:$0x2] =	wrdreg s3  }
0xa9: {  	[dreg:$0x3] =	wrdreg s5  }
0xaa: {  	[dreg:$0x4] =	wrdreg $0xC0  }
0xab: {  	_ =	task [dreg:s7], $0x5FFFF  }
0xac: {  	[dreg:$0x1] =	wrdreg $0xFFFFFFFF  }
0xad: {  	[dreg:$0x0] =	wrdreg $0x60  }
0xae: {  	[dreg:$0x2] =	wrdreg s24  }
0xaf: {  	[dreg:$0x3] =	wrdreg s2  }
0xb0: {  	[dreg:$0x4] =	wrdreg $0x9  }
0xb1: {  	_ =	task.clear_ibuf [dreg:s7], $0x5FFFF;
	_ =	strace $0x90000046  }
0xb2: {  	s29 =	simm.s32 $0x9;
	_ =	strace $0x80000048  }
0xb3: {  	_ =	swait.ge [sflag:s29], $0x1  }
0xb4: {  	[sflag:s29] =	ssyncadd.s32 $0xFFFFFFFF  }
0xb5: {  	_ =	strace $0x90000048  }
0xb6: {  	_ =	sfence  }
0xb7: {  	s30 =	sld [smem:$0x0];
	_ =	sdelay $0x2  }
0xb8: {  	s31 =	sshll.u32 s1, $0xD;
	s1 =	sshrl.u32 s1, $0x2  }
0xb9: {  	s3 =	sand.u32 $0x4000, s31;
	s1 =	sadd.s32 s1, s30  }
0xba: {  	s0 =	sor.u32 s3, s0;
	s1 =	sshll.u32 s1, $0x11  }
0xbb: {  	s0 =	sor.u32 s1, s0  }
0xbc: {  	s0 =	sadd.s32 $0x8F2B, s0  }
0xbd: {  	[sflag:s0] =	ssyncadd.remote.s32 $0x1  }
0xbe: {  	_ =	sfence.sel $0xFFFF  }
0xbf: {  	[dreg:$0x0] =	wrdreg $0xFFFFFFFF;
	(pc) =	sbr.abs _section_cstart, $3  }
0xc0: {  	[dreg:$0x1] =	wrdreg $0xFFFFFFFF  }
0xc1: {  	_ =	task.clear_ibuf [dreg:s7], $0x2FFFF;
	_ =	strace $0x9FFFFFFF  }
0xc2: {  	(tm) =	ssettm $0x7FFFFFFF  }
0xc3: {  	_ =	shalt  }
tec
execute0_lowered:
.L_overlay_start_1:
0x0: {  	(tag) =	ssettag $0x1  }
0x1: {  	s3 =	rddreg [dreg:$0x0]  }
0x2: {  	s4 =	rddreg [dreg:$0x1];
	s2 =	simm.s32 $0x0  }
0x3: {  	[smem:$0x7FF] =	sst s2;
	s7 =	sadd.s32 $0x600, s3  }
0x4: {  	s18 =	sadd.s32 $0x36D4, s3;
	_ =	strace $0x80000047;
	[dreg:$0x3] =	wrdreg s7  }
0x5: {  	s19 =	sadd.s32 $0x67A8, s3;
	[dreg:$0x5] =	wrdreg s18  }
0x6: {  	s20 =	sadd.s32 $0x987C, s3;
	[dreg:$0x6] =	wrdreg s19  }
0x7: {  	s21 =	sadd.s32 $0xC950, s3;
	[dreg:$0x7] =	wrdreg s20  }
0x8: {  	s22 =	sadd.s32 $0xFA24, s3;
	[dreg:$0x8] =	wrdreg s21  }
0x9: {  	s23 =	sadd.s32 $0x12AF8, s3;
	[dreg:$0x9] =	wrdreg s22  }
0xa: {  	s24 =	sadd.s32 $0x15BCC, s3;
	[dreg:$0xa] =	wrdreg s23  }
0xb: {  	s25 =	sadd.s32 $0x18CA0, s3;
	[dreg:$0xb] =	wrdreg s24  }
0xc: {  	s0 =	stileid.u32;
	s26 =	sadd.s32 $0x1BD74, s3;
	[dreg:$0xc] =	wrdreg s25  }
0xd: {  	s5 =	sshll.u32 s0, $0x8;
	s0 =	sadd.s32 $0x1EE48, s3;
	[dreg:$0xd] =	wrdreg s26  }
0xe: {  	s8 =	sadd.s32 $0x24FF0, s3;
	[dreg:$0xe] =	wrdreg s0  }
0xf: {  	s9 =	sadd.s32 $0x280C4, s3;
	[dreg:$0x10] =	wrdreg s8  }
0x10: {  	s10 =	sadd.s32 $0x2B198, s3;
	[dreg:$0x11] =	wrdreg s9  }
0x11: {  	s11 =	sadd.s32 $0x2E26C, s3;
	[dreg:$0x12] =	wrdreg s10  }
0x12: {  	s12 =	sadd.s32 $0x31340, s3;
	[dreg:$0x13] =	wrdreg s11  }
0x13: {  	s13 =	sadd.s32 $0x34414, s3;
	[dreg:$0x14] =	wrdreg s12  }
0x14: {  	s14 =	sadd.s32 $0x374E8, s3;
	[dreg:$0x15] =	wrdreg s13  }
0x15: {  	s15 =	sadd.s32 $0x3A5BC, s3;
	[dreg:$0x16] =	wrdreg s14  }
0x16: {  	s16 =	sadd.s32 $0x3D690, s3;
	[dreg:$0x17] =	wrdreg s15  }
0x17: {  	s17 =	sadd.s32 $0x40764, s3;
	[dreg:$0x18] =	wrdreg s16  }
0x18: {  	s7 =	sadd.s32 $0x21F1C, s3;
	[dreg:$0x19] =	wrdreg s17  }
0x19: {  	s18 =	sadd.s32 $0x43838, s3;
	[dreg:$0xf] =	wrdreg s7  }
0x1a: {  	s19 =	sadd.s32 $0x4690C, s3;
	[dreg:$0x1a] =	wrdreg s18  }
0x1b: {  	s20 =	sadd.s32 $0x499E0, s3;
	[dreg:$0x1b] =	wrdreg s19  }
0x1c: {  	s21 =	sadd.s32 $0x4CAB4, s3;
	[dreg:$0x1c] =	wrdreg s20  }
0x1d: {  	s22 =	sadd.s32 $0x4FB88, s3;
	[dreg:$0x1d] =	wrdreg s21  }
0x1e: {  	s23 =	sadd.s32 $0x52C5C, s3;
	[dreg:$0x1e] =	wrdreg s22  }
0x1f: {  	s24 =	sadd.s32 $0x55D30, s3;
	[dreg:$0x1f] =	wrdreg s23  }
0x20: {  	s25 =	sadd.s32 $0x58E04, s3;
	[smem:$0x7CE] =	sst s24  }
0x21: {  	s26 =	sadd.s32 $0x5BED8, s3;
	[smem:$0x7CF] =	sst s25  }
0x22: {  	s0 =	sadd.s32 $0x5EFAC, s3;
	[smem:$0x7D0] =	sst s26  }
0x23: {  	s8 =	sadd.s32 $0x65154, s3;
	[smem:$0x7D1] =	sst s0  }
0x24: {  	s9 =	sadd.s32 $0x68228, s3;
	[smem:$0x7D3] =	sst s8  }
0x25: {  	s10 =	sadd.s32 $0x6B2FC, s3;
	[smem:$0x7D4] =	sst s9  }
0x26: {  	s11 =	sadd.s32 $0x6E3D0, s3;
	[smem:$0x7D5] =	sst s10  }
0x27: {  	s12 =	sadd.s32 $0x714A4, s3;
	[smem:$0x7D6] =	sst s11  }
0x28: {  	s13 =	sadd.s32 $0x74578, s3;
	[smem:$0x7D7] =	sst s12  }
0x29: {  	s14 =	sadd.s32 $0x7764C, s3;
	[smem:$0x7D8] =	sst s13  }
0x2a: {  	s15 =	sadd.s32 $0x7A720, s3;
	[smem:$0x7D9] =	sst s14  }
0x2b: {  	s16 =	sadd.s32 $0x7D7F4, s3;
	[smem:$0x7DA] =	sst s15  }
0x2c: {  	s17 =	sadd.s32 $0x808C8, s3;
	[smem:$0x7DB] =	sst s16  }
0x2d: {  	s7 =	sadd.s32 $0x62080, s3;
	[smem:$0x7DC] =	sst s17  }
0x2e: {  	s18 =	sadd.s32 $0x8399C, s3;
	[smem:$0x7D2] =	sst s7  }
0x2f: {  	s19 =	sadd.s32 $0x86A70, s3;
	[smem:$0x7DD] =	sst s18  }
0x30: {  	s20 =	sadd.s32 $0x89B44, s3;
	[smem:$0x7DE] =	sst s19  }
0x31: {  	s21 =	sadd.s32 $0x8CC18, s3;
	[smem:$0x7DF] =	sst s20  }
0x32: {  	s22 =	sadd.s32 $0x8FCEC, s3;
	[smem:$0x7E0] =	sst s21  }
0x33: {  	s23 =	sadd.s32 $0x92DC0, s3;
	[smem:$0x7E1] =	sst s22  }
0x34: {  	s25 =	simm.s32 $0x100;
	[smem:$0x7E2] =	sst s23  }
0x35: {  	s26 =	simm.s32 $0x180;
	[smem:$0x7E5] =	sst s25  }
0x36: {  	s0 =	simm.s32 $0x200;
	[smem:$0x7E6] =	sst s26  }
0x37: {  	s1 =	srdreg.scid;
	s8 =	simm.s32 $0x480;
	[smem:$0x7E7] =	sst s0  }
0x38: {  	s28 =	simm.s32 $0x1800;
	s9 =	simm.s32 $0x500;
	[smem:$0x7EC] =	sst s8  }
0x39: {  	s29 =	simm.s32 $0x1880;
	s10 =	simm.s32 $0x580;
	[smem:$0x7ED] =	sst s9  }
0x3a: {  	s30 =	simm.s32 $0x1900;
	s11 =	simm.s32 $0x600;
	[smem:$0x7EE] =	sst s10  }
0x3b: {  	s31 =	simm.s32 $0x1;
	s12 =	simm.s32 $0x680;
	[smem:$0x7EF] =	sst s11  }
0x3c: {  	v0 =	vlaneseq.u32;
	s1 =	sand.u32 $0x1, s1;
	s13 =	simm.s32 $0x700;
	[smem:$0x7F0] =	sst s12  }
0x3d: {  	v0 =	vmul.u32 $0x38, v0;
	s6 =	sshll.u32 s1, $0x7;
	s14 =	simm.s32 $0x780;
	[smem:$0x7F1] =	sst s13  }
0x3e: {  	s1 =	ssub.s32 $0x2, s1;
	s15 =	simm.s32 $0x800;
	[smem:$0x7F2] =	sst s14  }
0x3f: {  	s5 =	sor.u32 s6, s5;
	v1 =	vadd.s32 $0x380, v0;
	v3 =	vadd.s32 $0xA80, v0;
	v4 =	vadd.s32 $0xE00, v0;
	s16 =	simm.s32 $0x880;
	[smem:$0x7F3] =	sst s15  }
0x40: {  	v5 =	vadd.s32 $0x1180, v0;
	v6 =	vadd.s32 $0x1500, v0;
	v7 =	vadd.s32 $0x1880, v0;
	s17 =	simm.s32 $0x900;
	s6 =	sshrl.u32 s5, $0x3;
	[smem:$0x7F4] =	sst s16  }
0x41: {  	v8 =	vor.u32 $0x1, v0;
	v9 =	vadd.s32 $0x381, v0;
	v10 =	vadd.s32 $0x701, v0;
	s5 =	smul.u32 $0x7, s5;
	s7 =	simm.s32 $0x400;
	[smem:$0x7F5] =	sst s17  }
0x42: {  	v11 =	vadd.s32 $0xA81, v0;
	v12 =	vadd.s32 $0xE01, v0;
	v13 =	vadd.s32 $0x1181, v0;
	s18 =	simm.s32 $0x980;
	s19 =	simm.s32 $0xA00;
	s20 =	simm.s32 $0xA80  }
0x43: {  	v14 =	vadd.s32 $0x1501, v0;
	v15 =	vadd.s32 $0x1881, v0;
	v16 =	vor.u32 $0x2, v0;
	s21 =	sshrl.u32 s1, $0x1;
	s22 =	simm.s32 $0xB00;
	s23 =	simm.s32 $0xB80  }
0x44: {  	v17 =	vadd.s32 $0x382, v0;
	v18 =	vadd.s32 $0x702, v0;
	v19 =	vadd.s32 $0xA82, v0;
	s25 =	simm.s32 $0xC80;
	s26 =	simm.s32 $0xD00;
	[smem:$0x7EB] =	sst s7  }
0x45: {  	v20 =	vadd.s32 $0xE02, v0;
	v21 =	vadd.s32 $0x1182, v0;
	v22 =	vadd.s32 $0x1502, v0;
	s9 =	simm.s32 $0xF00;
	s10 =	simm.s32 $0xF80;
	[smem:$0x7F6] =	sst s18  }
0x46: {  	v23 =	vadd.s32 $0x1882, v0;
	v24 =	vor.u32 $0x3, v0;
	v25 =	vadd.s32 $0x383, v0;
	s11 =	simm.s32 $0x1000;
	s12 =	simm.s32 $0x1080;
	[smem:$0x7F7] =	sst s19  }
0x47: {  	v26 =	vadd.s32 $0x703, v0;
	v27 =	vadd.s32 $0xA83, v0;
	v28 =	vadd.s32 $0xE03, v0;
	s13 =	simm.s32 $0x1100;
	s14 =	simm.s32 $0x1180;
	[smem:$0x7F8] =	sst s20  }
0x48: {  	v29 =	vadd.s32 $0x1183, v0;
	v30 =	vadd.s32 $0x1503, v0;
	v31 =	vadd.s32 $0x1883, v0;
	s15 =	simm.s32 $0x1200;
	s16 =	simm.s32 $0x1280;
	[smem:$0x7F9] =	sst s22  }
0x49: {  	v32 =	vor.u32 $0x4, v0;
	v33 =	vadd.s32 $0x384, v0;
	v34 =	vadd.s32 $0x704, v0;
	s17 =	simm.s32 $0x1300;
	s6 =	sadd.s32 s6, s3;
	[smem:$0x7FA] =	sst s23  }
0x4a: {  	v35 =	vadd.s32 $0xA84, v0;
	v36 =	vadd.s32 $0xE04, v0;
	v37 =	vadd.s32 $0x1184, v0;
	s3 =	sadd.s32 $0x95E94, s3;
	s1 =	ssub.s32 s1, s21;
	[smem:$0x7FC] =	sst s25  }
0x4b: {  	v38 =	vadd.s32 $0x1504, v0;
	v39 =	vadd.s32 $0x1884, v0;
	v40 =	vor.u32 $0x5, v0;
	[smem:$0x7FD] =	sst s26;
	s18 =	simm.s32 $0x1380;
	s19 =	simm.s32 $0x1400  }
0x4c: {  	v41 =	vadd.s32 $0x385, v0;
	v42 =	vadd.s32 $0x705, v0;
	v43 =	vadd.s32 $0xA85, v0;
	s20 =	simm.s32 $0x1480;
	s21 =	simm.s32 $0x1500;
	s22 =	simm.s32 $0x1580  }
0x4d: {  	v44 =	vadd.s32 $0xE05, v0;
	v45 =	vadd.s32 $0x1185, v0;
	v46 =	vadd.s32 $0x1505, v0;
	s23 =	simm.s32 $0x1600;
	s6 =	sadd.s32 $0x400, s6;
	[smem:$0x7E3] =	sst s3  }
0x4e: {  	v47 =	vadd.s32 $0x1885, v0;
	v48 =	vor.u32 $0x6, v0;
	v49 =	vadd.s32 $0x386, v0;
	s25 =	simm.s32 $0x1700;
	s24 =	sadd.s32 s4, s5;
	[dreg:$0x4] =	wrdreg s6  }
0x4f: {  	v50 =	vadd.s32 $0x706, v0;
	v51 =	vadd.s32 $0xA86, v0;
	v52 =	vadd.s32 $0xE06, v0;
	s26 =	simm.s32 $0x1780;
	s4 =	simm.s32 $0x280;
	[smem:$0x7E4] =	sst s24  }
0x50: {  	v53 =	vadd.s32 $0x1186, v0;
	v54 =	vadd.s32 $0x1506, v0;
	v55 =	vadd.s32 $0x1886, v0;
	s5 =	simm.s32 $0x300;
	s3 =	smax.u32 s1, $0x1;
	[smem:$0x7E8] =	sst s4  }
0x51: {  	v56 =	vor.u32 $0x7, v0;
	v57 =	vadd.s32 $0x387, v0;
	v58 =	vadd.s32 $0x707, v0;
	s1 =	simm.s32 $0x1980;
	[smem:$0x7E9] =	sst s5;
	s6 =	simm.s32 $0x380  }
0x52: {  	v59 =	vadd.s32 $0xA87, v0;
	v60 =	vadd.s32 $0xE07, v0;
	[tilespmem:$0x1FFE0] =	vst v1;
	v1 =	vadd.s32 $0x700, v0;
	s24 =	simm.s32 $0xC00;
	s4 =	simm.s32 $0x2;
	[smem:$0x7EA] =	sst s6  }
0x53: {  	v61 =	vadd.s32 $0x1187, v0;
	v62 =	vadd.s32 $0x1507, v0;
	v63 =	vadd.s32 $0x1887, v0;
	[tilespmem:$0x1FFF0] =	vst v1;
	s5 =	simm.s32 $0x80;
	[smem:$0x7FB] =	sst s24;
	s24 =	simm.s32 $0x1680  }
.LBB2_1:
0x54: {  	s0 =	rddreg [dreg:$0x4]  }
0x55: {  	[tilespmem:s2], [sflag:$0x2] =	stream.linear.gather [hbm4b:s0+s2], $0x80, $0x38;
	[tilespmem:$0x3580] =	vst v63  }
0x56: {  	_ =	swait.ge [sflag:s4], $0x80  }
0x57: {  	s8 =	rddreg [dreg:$0x3]  }
0x58: {  	[sflag:s4] =	ssyncset.done $0x0;
	s6 =	rddreg [dreg:$0x5]  }
0x59: {  	s7 =	sld [smem:$0x7E5];
	[sflag:s4] =	ssyncadd.s32 $0xFFFFFF80  }
0x5a: {  	[tilespmem:s5], [sflag:$0x1] =	stream.indirect.gather [hbm4b:s8+s5], $0x1, s2, s5, $0xb8;
	[tilespmem:$0x3580] =	vst v63  }
0x5b: {  	s0 =	rddreg [dreg:$0x6]  }
0x5c: {  	[tilespmem:s7], [sflag:$0x1] =	stream.indirect.gather [hbm4b:s6+s5], $0x1, s2, s5, $0xb8;
	[tilespmem:$0x3580] =	vst v63  }
0x5d: {  	s6 =	sld [smem:$0x7E6]  }
0x5e: {  	s8 =	sld [smem:$0x7E7]  }
0x5f: {  	s7 =	rddreg [dreg:$0x7]  }
0x60: {  	[tilespmem:s6], [sflag:$0x1] =	stream.indirect.gather [hbm4b:s0+s5], $0x1, s2, s5, $0xb8;
	[tilespmem:$0x3580] =	vst v63  }
0x61: {  	s0 =	rddreg [dreg:$0x8]  }
0x62: {  	s6 =	sld [smem:$0x7E8]  }
0x63: {  	[tilespmem:s8], [sflag:$0x1] =	stream.indirect.gather [hbm4b:s7+s5], $0x1, s2, s5, $0xb8;
	[tilespmem:$0x3580] =	vst v63  }
0x64: {  	s7 =	rddreg [dreg:$0x9]  }
0x65: {  	s8 =	sld [smem:$0x7E9]  }
0x66: {  	[tilespmem:s6], [sflag:$0x1] =	stream.indirect.gather [hbm4b:s0+s5], $0x1, s2, s5, $0xb8;
	[tilespmem:$0x3580] =	vst v63  }
0x67: {  	s0 =	rddreg [dreg:$0xa]  }
0x68: {  	s6 =	sld [smem:$0x7EA]  }
0x69: {  	[tilespmem:s8], [sflag:$0x1] =	stream.indirect.gather [hbm4b:s7+s5], $0x1, s2, s5, $0xb8;
	[tilespmem:$0x3580] =	vst v63  }
0x6a: {  	s7 =	rddreg [dreg:$0xb]  }
0x6b: {  	s8 =	sld [smem:$0x7EB]  }
0x6c: {  	[tilespmem:s6], [sflag:$0x1] =	stream.indirect.gather [hbm4b:s0+s5], $0x1, s2, s5, $0xb8;
	[tilespmem:$0x3580] =	vst v63  }
0x6d: {  	s0 =	rddreg [dreg:$0xc]  }
0x6e: {  	s6 =	sld [smem:$0x7EC]  }
0x6f: {  	[tilespmem:s8], [sflag:$0x1] =	stream.indirect.gather [hbm4b:s7+s5], $0x1, s2, s5, $0xb8;
	[tilespmem:$0x3580] =	vst v63  }
0x70: {  	s7 =	rddreg [dreg:$0xd]  }
0x71: {  	s8 =	sld [smem:$0x7ED]  }
0x72: {  	[tilespmem:s6], [sflag:$0x1] =	stream.indirect.gather [hbm4b:s0+s5], $0x1, s2, s5, $0xb8;
	[tilespmem:$0x3580] =	vst v63  }
0x73: {  	s0 =	rddreg [dreg:$0xe]  }
0x74: {  	s6 =	sld [smem:$0x7EE]  }
0x75: {  	[tilespmem:s8], [sflag:$0x1] =	stream.indirect.gather [hbm4b:s7+s5], $0x1, s2, s5, $0xb8;
	[tilespmem:$0x3580] =	vst v63  }
0x76: {  	s7 =	rddreg [dreg:$0xf]  }
0x77: {  	s8 =	sld [smem:$0x7EF]  }
0x78: {  	[tilespmem:s6], [sflag:$0x1] =	stream.indirect.gather [hbm4b:s0+s5], $0x1, s2, s5, $0xb8;
	[tilespmem:$0x3580] =	vst v63  }
0x79: {  	s0 =	rddreg [dreg:$0x10]  }
0x7a: {  	s6 =	sld [smem:$0x7F0]  }
0x7b: {  	[tilespmem:s8], [sflag:$0x1] =	stream.indirect.gather [hbm4b:s7+s5], $0x1, s2, s5, $0xb8;
	[tilespmem:$0x3580] =	vst v63  }
0x7c: {  	s7 =	rddreg [dreg:$0x11]  }
0x7d: {  	s8 =	sld [smem:$0x7F1]  }
0x7e: {  	[tilespmem:s6], [sflag:$0x1] =	stream.indirect.gather [hbm4b:s0+s5], $0x1, s2, s5, $0xb8;
	[tilespmem:$0x3580] =	vst v63  }
0x7f: {  	s0 =	rddreg [dreg:$0x12]  }
0x80: {  	s6 =	sld [smem:$0x7F2]  }
0x81: {  	[tilespmem:s8], [sflag:$0x1] =	stream.indirect.gather [hbm4b:s7+s5], $0x1, s2, s5, $0xb8;
	[tilespmem:$0x3580] =	vst v63  }
0x82: {  	s7 =	rddreg [dreg:$0x13]  }
0x83: {  	s8 =	sld [smem:$0x7F3]  }
0x84: {  	[tilespmem:s6], [sflag:$0x1] =	stream.indirect.gather [hbm4b:s0+s5], $0x1, s2, s5, $0xb8;
	[tilespmem:$0x3580] =	vst v63  }
0x85: {  	s0 =	rddreg [dreg:$0x14]  }
0x86: {  	s6 =	sld [smem:$0x7F4]  }
0x87: {  	[tilespmem:s8], [sflag:$0x1] =	stream.indirect.gather [hbm4b:s7+s5], $0x1, s2, s5, $0xb8;
	[tilespmem:$0x3580] =	vst v63  }
0x88: {  	s7 =	rddreg [dreg:$0x15]  }
0x89: {  	s8 =	sld [smem:$0x7F5]  }
0x8a: {  	[tilespmem:s6], [sflag:$0x1] =	stream.indirect.gather [hbm4b:s0+s5], $0x1, s2, s5, $0xb8;
	[tilespmem:$0x3580] =	vst v63  }
0x8b: {  	s0 =	rddreg [dreg:$0x16]  }
0x8c: {  	s6 =	sld [smem:$0x7F6]  }
0x8d: {  	[tilespmem:s8], [sflag:$0x1] =	stream.indirect.gather [hbm4b:s7+s5], $0x1, s2, s5, $0xb8;
	[tilespmem:$0x3580] =	vst v63  }
0x8e: {  	s7 =	rddreg [dreg:$0x17]  }
0x8f: {  	s8 =	sld [smem:$0x7F7]  }
0x90: {  	[tilespmem:s6], [sflag:$0x1] =	stream.indirect.gather [hbm4b:s0+s5], $0x1, s2, s5, $0xb8;
	[tilespmem:$0x3580] =	vst v63  }
0x91: {  	s0 =	rddreg [dreg:$0x18]  }
0x92: {  	s6 =	sld [smem:$0x7F8]  }
0x93: {  	[tilespmem:s8], [sflag:$0x1] =	stream.indirect.gather [hbm4b:s7+s5], $0x1, s2, s5, $0xb8;
	[tilespmem:$0x3580] =	vst v63  }
0x94: {  	s7 =	rddreg [dreg:$0x19]  }
0x95: {  	s8 =	sld [smem:$0x7F9]  }
0x96: {  	[tilespmem:s6], [sflag:$0x1] =	stream.indirect.gather [hbm4b:s0+s5], $0x1, s2, s5, $0xb8;
	[tilespmem:$0x3580] =	vst v63  }
0x97: {  	s0 =	rddreg [dreg:$0x1a]  }
0x98: {  	s6 =	sld [smem:$0x7FA]  }
0x99: {  	[tilespmem:s8], [sflag:$0x1] =	stream.indirect.gather [hbm4b:s7+s5], $0x1, s2, s5, $0xb8;
	[tilespmem:$0x3580] =	vst v63  }
0x9a: {  	s7 =	rddreg [dreg:$0x1b]  }
0x9b: {  	s8 =	sld [smem:$0x7FB]  }
0x9c: {  	[tilespmem:s6], [sflag:$0x1] =	stream.indirect.gather [hbm4b:s0+s5], $0x1, s2, s5, $0xb8;
	[tilespmem:$0x3580] =	vst v63  }
0x9d: {  	s0 =	rddreg [dreg:$0x1c]  }
0x9e: {  	s6 =	sld [smem:$0x7FC]  }
0x9f: {  	[tilespmem:s8], [sflag:$0x1] =	stream.indirect.gather [hbm4b:s7+s5], $0x1, s2, s5, $0xb8;
	[tilespmem:$0x3580] =	vst v63  }
0xa0: {  	s7 =	rddreg [dreg:$0x1d]  }
0xa1: {  	s8 =	sld [smem:$0x7FD]  }
0xa2: {  	[tilespmem:s6], [sflag:$0x1] =	stream.indirect.gather [hbm4b:s0+s5], $0x1, s2, s5, $0xb8;
	[tilespmem:$0x3580] =	vst v63  }
0xa3: {  	s0 =	rddreg [dreg:$0x1e]  }
0xa4: {  	[tilespmem:s8], [sflag:$0x1] =	stream.indirect.gather [hbm4b:s7+s5], $0x1, s2, s5, $0xb8;
	[tilespmem:$0x3580] =	vst v63  }
0xa5: {  	s6 =	rddreg [dreg:$0x1f];
	s8 =	simm.s32 $0xD80  }
0xa6: {  	[tilespmem:s8], [sflag:$0x1] =	stream.indirect.gather [hbm4b:s0+s5], $0x1, s2, s5, $0xb8;
	[tilespmem:$0x3580] =	vst v63  }
0xa7: {  	s0 =	sld [smem:$0x7CE];
	s8 =	simm.s32 $0xE00  }
0xa8: {  	[tilespmem:s8], [sflag:$0x1] =	stream.indirect.gather [hbm4b:s6+s5], $0x1, s2, s5, $0xb8;
	[tilespmem:$0x3580] =	vst v63  }
0xa9: {  	s6 =	sld [smem:$0x7CF];
	s8 =	simm.s32 $0xE80  }
0xaa: {  	[tilespmem:s8], [sflag:$0x1] =	stream.indirect.gather [hbm4b:s0+s5], $0x1, s2, s5, $0xb8;
	[tilespmem:$0x3580] =	vst v63  }
0xab: {  	s8 =	sld [smem:$0x7D0]  }
0xac: {  	[tilespmem:s9], [sflag:$0x1] =	stream.indirect.gather [hbm4b:s6+s5], $0x1, s2, s5, $0xb8;
	[tilespmem:$0x3580] =	vst v63  }
0xad: {  	s7 =	sld [smem:$0x7D1]  }
0xae: {  	[tilespmem:s10], [sflag:$0x1] =	stream.indirect.gather [hbm4b:s8+s5], $0x1, s2, s5, $0xb8;
	[tilespmem:$0x3580] =	vst v63  }
0xaf: {  	s8 =	sld [smem:$0x7D2]  }
0xb0: {  	[tilespmem:s11], [sflag:$0x1] =	stream.indirect.gather [hbm4b:s7+s5], $0x1, s2, s5, $0xb8;
	[tilespmem:$0x3580] =	vst v63  }
0xb1: {  	s7 =	sld [smem:$0x7D3]  }
0xb2: {  	[tilespmem:s12], [sflag:$0x1] =	stream.indirect.gather [hbm4b:s8+s5], $0x1, s2, s5, $0xb8;
	[tilespmem:$0x3580] =	vst v63  }
0xb3: {  	s8 =	sld [smem:$0x7D4]  }
0xb4: {  	[tilespmem:s13], [sflag:$0x1] =	stream.indirect.gather [hbm4b:s7+s5], $0x1, s2, s5, $0xb8;
	[tilespmem:$0x3580] =	vst v63  }
0xb5: {  	s7 =	sld [smem:$0x7D5]  }
0xb6: {  	[tilespmem:s14], [sflag:$0x1] =	stream.indirect.gather [hbm4b:s8+s5], $0x1, s2, s5, $0xb8;
	[tilespmem:$0x3580] =	vst v63  }
0xb7: {  	s8 =	sld [smem:$0x7D6]  }
0xb8: {  	[tilespmem:s15], [sflag:$0x1] =	stream.indirect.gather [hbm4b:s7+s5], $0x1, s2, s5, $0xb8;
	[tilespmem:$0x3580] =	vst v63  }
0xb9: {  	s7 =	sld [smem:$0x7D7]  }
0xba: {  	[tilespmem:s16], [sflag:$0x1] =	stream.indirect.gather [hbm4b:s8+s5], $0x1, s2, s5, $0xb8;
	[tilespmem:$0x3580] =	vst v63  }
0xbb: {  	s8 =	sld [smem:$0x7D8]  }
0xbc: {  	[tilespmem:s17], [sflag:$0x1] =	stream.indirect.gather [hbm4b:s7+s5], $0x1, s2, s5, $0xb8;
	[tilespmem:$0x3580] =	vst v63  }
0xbd: {  	s7 =	sld [smem:$0x7D9]  }
0xbe: {  	[tilespmem:s18], [sflag:$0x1] =	stream.indirect.gather [hbm4b:s8+s5], $0x1, s2, s5, $0xb8;
	[tilespmem:$0x3580] =	vst v63  }
0xbf: {  	s8 =	sld [smem:$0x7DA]  }
0xc0: {  	[tilespmem:s19], [sflag:$0x1] =	stream.indirect.gather [hbm4b:s7+s5], $0x1, s2, s5, $0xb8;
	[tilespmem:$0x3580] =	vst v63  }
0xc1: {  	s7 =	sld [smem:$0x7DB]  }
0xc2: {  	[tilespmem:s20], [sflag:$0x1] =	stream.indirect.gather [hbm4b:s8+s5], $0x1, s2, s5, $0xb8;
	[tilespmem:$0x3580] =	vst v63  }
0xc3: {  	s8 =	sld [smem:$0x7DC]  }
0xc4: {  	[tilespmem:s21], [sflag:$0x1] =	stream.indirect.gather [hbm4b:s7+s5], $0x1, s2, s5, $0xb8;
	[tilespmem:$0x3580] =	vst v63  }
0xc5: {  	s7 =	sld [smem:$0x7DD]  }
0xc6: {  	[tilespmem:s22], [sflag:$0x1] =	stream.indirect.gather [hbm4b:s8+s5], $0x1, s2, s5, $0xb8;
	[tilespmem:$0x3580] =	vst v63  }
0xc7: {  	s8 =	sld [smem:$0x7DE]  }
0xc8: {  	[tilespmem:s23], [sflag:$0x1] =	stream.indirect.gather [hbm4b:s7+s5], $0x1, s2, s5, $0xb8;
	[tilespmem:$0x3580] =	vst v63  }
0xc9: {  	s7 =	sld [smem:$0x7DF]  }
0xca: {  	[tilespmem:s24], [sflag:$0x1] =	stream.indirect.gather [hbm4b:s8+s5], $0x1, s2, s5, $0xb8;
	[tilespmem:$0x3580] =	vst v63  }
0xcb: {  	s8 =	sld [smem:$0x7E0]  }
0xcc: {  	[tilespmem:s25], [sflag:$0x1] =	stream.indirect.gather [hbm4b:s7+s5], $0x1, s2, s5, $0xb8;
	[tilespmem:$0x3580] =	vst v63  }
0xcd: {  	s7 =	sld [smem:$0x7E1]  }
0xce: {  	[tilespmem:s26], [sflag:$0x1] =	stream.indirect.gather [hbm4b:s8+s5], $0x1, s2, s5, $0xb8;
	[tilespmem:$0x3580] =	vst v63  }
0xcf: {  	s8 =	sld [smem:$0x7E2]  }
0xd0: {  	[tilespmem:s28], [sflag:$0x1] =	stream.indirect.gather [hbm4b:s7+s5], $0x1, s2, s5, $0xb8;
	[tilespmem:$0x3580] =	vst v63  }
0xd1: {  	s7 =	sld [smem:$0x7E3]  }
0xd2: {  	[tilespmem:s29], [sflag:$0x1] =	stream.indirect.gather [hbm4b:s8+s5], $0x1, s2, s5, $0xb8;
	[tilespmem:$0x3580] =	vst v63  }
0xd3: {  	_ = 	snop  }
0xd4: {  	[tilespmem:s30], [sflag:$0x1] =	stream.indirect.gather [hbm4b:s7+s5], $0x1, s2, s5, $0xb8;
	[tilespmem:$0x3580] =	vst v63  }
0xd5: {  	_ =	swait.ge [sflag:s31], $0x80  }
0xd6: {  	[sflag:s31] =	ssyncset.done $0x0  }
0xd7: {  	[sflag:s31] =	ssyncadd.s32 $0xFFFFFF80  }
0xd8: {  	v1 =	vld [tilespmem:$0x80];
	_ =	sdelay $0x2  }
0xd9: {  	v2 =	vld [tilespmem:$0x1FFE0];
	_ =	sdelay $0x1  }
0xda: {  	[tilespmem:v0+s1+$0x0] =	vst.idx.msk $0xffff, v1  }
0xdb: {  	v1 =	vld [tilespmem:$0x90];
	_ =	sdelay $0x4  }
0xdc: {  	[tilespmem:v2+s1+$0x0] =	vst.idx.msk $0xffff, v1;
	v2 =	vld [tilespmem:$0x1FFF0];
	_ =	sdelay $0x2  }
0xdd: {  	v1 =	vld [tilespmem:$0xA0];
	_ =	sdelay $0x4  }
0xde: {  	[tilespmem:v2+s1+$0x0] =	vst.idx.msk $0xffff, v1  }
0xdf: {  	v1 =	vld [tilespmem:$0xB0];
	_ =	sdelay $0x4  }
0xe0: {  	[tilespmem:v3+s1+$0x0] =	vst.idx.msk $0xffff, v1  }
0xe1: {  	v1 =	vld [tilespmem:$0xC0];
	_ =	sdelay $0x4  }
0xe2: {  	[tilespmem:v4+s1+$0x0] =	vst.idx.msk $0xffff, v1  }
0xe3: {  	v1 =	vld [tilespmem:$0xD0];
	_ =	sdelay $0x4  }
0xe4: {  	[tilespmem:v5+s1+$0x0] =	vst.idx.msk $0xffff, v1  }
0xe5: {  	v1 =	vld [tilespmem:$0xE0];
	_ =	sdelay $0x4  }
0xe6: {  	[tilespmem:v6+s1+$0x0] =	vst.idx.msk $0xffff, v1  }
0xe7: {  	v1 =	vld [tilespmem:$0xF0];
	_ =	sdelay $0x4  }
0xe8: {  	[tilespmem:v7+s1+$0x0] =	vst.idx.msk $0xffff, v1  }
0xe9: {  	_ =	swait.ge [sflag:s31], $0x80  }
0xea: {  	[sflag:s31] =	ssyncset.done $0x0  }
0xeb: {  	[sflag:s31] =	ssyncadd.s32 $0xFFFFFF80  }
0xec: {  	v1 =	vld [tilespmem:$0x100];
	_ =	sdelay $0x4  }
0xed: {  	[tilespmem:v8+s1+$0x0] =	vst.idx.msk $0xffff, v1  }
0xee: {  	v1 =	vld [tilespmem:$0x110];
	_ =	sdelay $0x4  }
0xef: {  	[tilespmem:v9+s1+$0x0] =	vst.idx.msk $0xffff, v1  }
0xf0: {  	v1 =	vld [tilespmem:$0x120];
	_ =	sdelay $0x4  }
0xf1: {  	[tilespmem:v10+s1+$0x0] =	vst.idx.msk $0xffff, v1  }
0xf2: {  	v1 =	vld [tilespmem:$0x130];
	_ =	sdelay $0x4  }
0xf3: {  	[tilespmem:v11+s1+$0x0] =	vst.idx.msk $0xffff, v1  }
0xf4: {  	v1 =	vld [tilespmem:$0x140];
	_ =	sdelay $0x4  }
0xf5: {  	[tilespmem:v12+s1+$0x0] =	vst.idx.msk $0xffff, v1  }
0xf6: {  	v1 =	vld [tilespmem:$0x150];
	_ =	sdelay $0x4  }
0xf7: {  	[tilespmem:v13+s1+$0x0] =	vst.idx.msk $0xffff, v1  }
0xf8: {  	v1 =	vld [tilespmem:$0x160];
	_ =	sdelay $0x4  }
0xf9: {  	[tilespmem:v14+s1+$0x0] =	vst.idx.msk $0xffff, v1  }
0xfa: {  	v1 =	vld [tilespmem:$0x170];
	_ =	sdelay $0x4  }
0xfb: {  	[tilespmem:v15+s1+$0x0] =	vst.idx.msk $0xffff, v1  }
0xfc: {  	_ =	swait.ge [sflag:s31], $0x80  }
0xfd: {  	[sflag:s31] =	ssyncset.done $0x0  }
0xfe: {  	[sflag:s31] =	ssyncadd.s32 $0xFFFFFF80  }
0xff: {  	v1 =	vld [tilespmem:$0x180];
	_ =	sdelay $0x4  }
0x100: {  	[tilespmem:v16+s1+$0x0] =	vst.idx.msk $0xffff, v1  }
0x101: {  	v1 =	vld [tilespmem:$0x190];
	_ =	sdelay $0x4  }
0x102: {  	[tilespmem:v17+s1+$0x0] =	vst.idx.msk $0xffff, v1  }
0x103: {  	v1 =	vld [tilespmem:$0x1A0];
	_ =	sdelay $0x4  }
0x104: {  	[tilespmem:v18+s1+$0x0] =	vst.idx.msk $0xffff, v1  }
0x105: {  	v1 =	vld [tilespmem:$0x1B0];
	_ =	sdelay $0x4  }
0x106: {  	[tilespmem:v19+s1+$0x0] =	vst.idx.msk $0xffff, v1  }
0x107: {  	v1 =	vld [tilespmem:$0x1C0];
	_ =	sdelay $0x4  }
0x108: {  	[tilespmem:v20+s1+$0x0] =	vst.idx.msk $0xffff, v1  }
0x109: {  	v1 =	vld [tilespmem:$0x1D0];
	_ =	sdelay $0x4  }
0x10a: {  	[tilespmem:v21+s1+$0x0] =	vst.idx.msk $0xffff, v1  }
0x10b: {  	v1 =	vld [tilespmem:$0x1E0];
	_ =	sdelay $0x4  }
0x10c: {  	[tilespmem:v22+s1+$0x0] =	vst.idx.msk $0xffff, v1  }
0x10d: {  	v1 =	vld [tilespmem:$0x1F0];
	_ =	sdelay $0x4  }
0x10e: {  	[tilespmem:v23+s1+$0x0] =	vst.idx.msk $0xffff, v1  }
0x10f: {  	_ =	swait.ge [sflag:s31], $0x80  }
0x110: {  	[sflag:s31] =	ssyncset.done $0x0  }
0x111: {  	[sflag:s31] =	ssyncadd.s32 $0xFFFFFF80  }
0x112: {  	v1 =	vld [tilespmem:$0x200];
	_ =	sdelay $0x4  }
0x113: {  	[tilespmem:v24+s1+$0x0] =	vst.idx.msk $0xffff, v1  }
0x114: {  	v1 =	vld [tilespmem:$0x210];
	_ =	sdelay $0x4  }
0x115: {  	[tilespmem:v25+s1+$0x0] =	vst.idx.msk $0xffff, v1  }
0x116: {  	v1 =	vld [tilespmem:$0x220];
	_ =	sdelay $0x4  }
0x117: {  	[tilespmem:v26+s1+$0x0] =	vst.idx.msk $0xffff, v1  }
0x118: {  	v1 =	vld [tilespmem:$0x230];
	_ =	sdelay $0x4  }
0x119: {  	[tilespmem:v27+s1+$0x0] =	vst.idx.msk $0xffff, v1  }
0x11a: {  	v1 =	vld [tilespmem:$0x240];
	_ =	sdelay $0x4  }
0x11b: {  	[tilespmem:v28+s1+$0x0] =	vst.idx.msk $0xffff, v1  }
0x11c: {  	v1 =	vld [tilespmem:$0x250];
	_ =	sdelay $0x4  }
0x11d: {  	[tilespmem:v29+s1+$0x0] =	vst.idx.msk $0xffff, v1  }
0x11e: {  	v1 =	vld [tilespmem:$0x260];
	_ =	sdelay $0x4  }
0x11f: {  	[tilespmem:v30+s1+$0x0] =	vst.idx.msk $0xffff, v1  }
0x120: {  	v1 =	vld [tilespmem:$0x270];
	_ =	sdelay $0x4  }
0x121: {  	[tilespmem:v31+s1+$0x0] =	vst.idx.msk $0xffff, v1  }
0x122: {  	_ =	swait.ge [sflag:s31], $0x80  }
0x123: {  	[sflag:s31] =	ssyncset.done $0x0  }
0x124: {  	[sflag:s31] =	ssyncadd.s32 $0xFFFFFF80  }
0x125: {  	v1 =	vld [tilespmem:$0x280];
	_ =	sdelay $0x4  }
0x126: {  	[tilespmem:v32+s1+$0x0] =	vst.idx.msk $0xffff, v1  }
0x127: {  	v1 =	vld [tilespmem:$0x290];
	_ =	sdelay $0x4  }
0x128: {  	[tilespmem:v33+s1+$0x0] =	vst.idx.msk $0xffff, v1  }
0x129: {  	v1 =	vld [tilespmem:$0x2A0];
	_ =	sdelay $0x4  }
0x12a: {  	[tilespmem:v34+s1+$0x0] =	vst.idx.msk $0xffff, v1  }
0x12b: {  	v1 =	vld [tilespmem:$0x2B0];
	_ =	sdelay $0x4  }
0x12c: {  	[tilespmem:v35+s1+$0x0] =	vst.idx.msk $0xffff, v1  }
0x12d: {  	v1 =	vld [tilespmem:$0x2C0];
	_ =	sdelay $0x4  }
0x12e: {  	[tilespmem:v36+s1+$0x0] =	vst.idx.msk $0xffff, v1  }
0x12f: {  	v1 =	vld [tilespmem:$0x2D0];
	_ =	sdelay $0x4  }
0x130: {  	[tilespmem:v37+s1+$0x0] =	vst.idx.msk $0xffff, v1  }
0x131: {  	v1 =	vld [tilespmem:$0x2E0];
	_ =	sdelay $0x4  }
0x132: {  	[tilespmem:v38+s1+$0x0] =	vst.idx.msk $0xffff, v1  }
0x133: {  	v1 =	vld [tilespmem:$0x2F0];
	_ =	sdelay $0x4  }
0x134: {  	[tilespmem:v39+s1+$0x0] =	vst.idx.msk $0xffff, v1  }
0x135: {  	_ =	swait.ge [sflag:s31], $0x80  }
0x136: {  	[sflag:s31] =	ssyncset.done $0x0  }
0x137: {  	[sflag:s31] =	ssyncadd.s32 $0xFFFFFF80  }
0x138: {  	v1 =	vld [tilespmem:$0x300];
	_ =	sdelay $0x4  }
0x139: {  	[tilespmem:v40+s1+$0x0] =	vst.idx.msk $0xffff, v1  }
0x13a: {  	v1 =	vld [tilespmem:$0x310];
	_ =	sdelay $0x4  }
0x13b: {  	[tilespmem:v41+s1+$0x0] =	vst.idx.msk $0xffff, v1  }
0x13c: {  	v1 =	vld [tilespmem:$0x320];
	_ =	sdelay $0x4  }
0x13d: {  	[tilespmem:v42+s1+$0x0] =	vst.idx.msk $0xffff, v1  }
0x13e: {  	v1 =	vld [tilespmem:$0x330];
	_ =	sdelay $0x4  }
0x13f: {  	[tilespmem:v43+s1+$0x0] =	vst.idx.msk $0xffff, v1  }
0x140: {  	v1 =	vld [tilespmem:$0x340];
	_ =	sdelay $0x4  }
0x141: {  	[tilespmem:v44+s1+$0x0] =	vst.idx.msk $0xffff, v1  }
0x142: {  	v1 =	vld [tilespmem:$0x350];
	_ =	sdelay $0x4  }
0x143: {  	[tilespmem:v45+s1+$0x0] =	vst.idx.msk $0xffff, v1  }
0x144: {  	v1 =	vld [tilespmem:$0x360];
	_ =	sdelay $0x4  }
0x145: {  	[tilespmem:v46+s1+$0x0] =	vst.idx.msk $0xffff, v1  }
0x146: {  	v1 =	vld [tilespmem:$0x370];
	_ =	sdelay $0x4  }
0x147: {  	[tilespmem:v47+s1+$0x0] =	vst.idx.msk $0xffff, v1  }
0x148: {  	_ =	swait.ge [sflag:s31], $0x80  }
0x149: {  	[sflag:s31] =	ssyncset.done $0x0  }
0x14a: {  	[sflag:s31] =	ssyncadd.s32 $0xFFFFFF80  }
0x14b: {  	v1 =	vld [tilespmem:$0x380];
	_ =	sdelay $0x4  }
0x14c: {  	[tilespmem:v48+s1+$0x0] =	vst.idx.msk $0xffff, v1  }
0x14d: {  	v1 =	vld [tilespmem:$0x390];
	_ =	sdelay $0x4  }
0x14e: {  	[tilespmem:v49+s1+$0x0] =	vst.idx.msk $0xffff, v1  }
0x14f: {  	v1 =	vld [tilespmem:$0x3A0];
	_ =	sdelay $0x4  }
0x150: {  	[tilespmem:v50+s1+$0x0] =	vst.idx.msk $0xffff, v1  }
0x151: {  	v1 =	vld [tilespmem:$0x3B0];
	_ =	sdelay $0x4  }
0x152: {  	[tilespmem:v51+s1+$0x0] =	vst.idx.msk $0xffff, v1  }
0x153: {  	v1 =	vld [tilespmem:$0x3C0];
	_ =	sdelay $0x4  }
0x154: {  	[tilespmem:v52+s1+$0x0] =	vst.idx.msk $0xffff, v1  }
0x155: {  	v1 =	vld [tilespmem:$0x3D0];
	_ =	sdelay $0x4  }
0x156: {  	[tilespmem:v53+s1+$0x0] =	vst.idx.msk $0xffff, v1  }
0x157: {  	v1 =	vld [tilespmem:$0x3E0];
	_ =	sdelay $0x4  }
0x158: {  	[tilespmem:v54+s1+$0x0] =	vst.idx.msk $0xffff, v1  }
0x159: {  	v1 =	vld [tilespmem:$0x3F0];
	_ =	sdelay $0x4  }
0x15a: {  	[tilespmem:v55+s1+$0x0] =	vst.idx.msk $0xffff, v1  }
0x15b: {  	_ =	swait.ge [sflag:s31], $0x80  }
0x15c: {  	[sflag:s31] =	ssyncset.done $0x0  }
0x15d: {  	[sflag:s31] =	ssyncadd.s32 $0xFFFFFF80  }
0x15e: {  	v1 =	vld [tilespmem:$0x400];
	_ =	sdelay $0x4  }
0x15f: {  	[tilespmem:v56+s1+$0x0] =	vst.idx.msk $0xffff, v1  }
0x160: {  	v1 =	vld [tilespmem:$0x410];
	_ =	sdelay $0x4  }
0x161: {  	[tilespmem:v57+s1+$0x0] =	vst.idx.msk $0xffff, v1  }
0x162: {  	v1 =	vld [tilespmem:$0x420];
	_ =	sdelay $0x4  }
0x163: {  	[tilespmem:v58+s1+$0x0] =	vst.idx.msk $0xffff, v1  }
0x164: {  	v1 =	vld [tilespmem:$0x430];
	_ =	sdelay $0x4  }
0x165: {  	[tilespmem:v59+s1+$0x0] =	vst.idx.msk $0xffff, v1  }
0x166: {  	v1 =	vld [tilespmem:$0x440];
	_ =	sdelay $0x4  }
0x167: {  	[tilespmem:v60+s1+$0x0] =	vst.idx.msk $0xffff, v1  }
0x168: {  	v1 =	vld [tilespmem:$0x450];
	_ =	sdelay $0x4  }
0x169: {  	[tilespmem:v61+s1+$0x0] =	vst.idx.msk $0xffff, v1  }
0x16a: {  	v1 =	vld [tilespmem:$0x460];
	_ =	sdelay $0x4  }
0x16b: {  	[tilespmem:v62+s1+$0x0] =	vst.idx.msk $0xffff, v1  }
0x16c: {  	v1 =	vld [tilespmem:$0x470];
	_ =	sdelay $0x4  }
0x16d: {  	[tilespmem:v63+s1+$0x0] =	vst.idx.msk $0xffff, v1  }
0x16e: {  	_ =	swait.ge [sflag:s31], $0x80  }
0x16f: {  	[sflag:s31] =	ssyncset.done $0x0  }
0x170: {  	[sflag:s31] =	ssyncadd.s32 $0xFFFFFF80  }
0x171: {  	v2 =	vadd.s32 $0x8, v0;
	v1 =	vld [tilespmem:$0x480];
	_ =	sdelay $0x4  }
0x172: {  	[tilespmem:v2+s1+$0x0] =	vst.idx.msk $0xffff, v1  }
0x173: {  	v2 =	vadd.s32 $0x388, v0;
	v1 =	vld [tilespmem:$0x490];
	_ =	sdelay $0x4  }
0x174: {  	[tilespmem:v2+s1+$0x0] =	vst.idx.msk $0xffff, v1  }
0x175: {  	v2 =	vadd.s32 $0x708, v0;
	v1 =	vld [tilespmem:$0x4A0];
	_ =	sdelay $0x4  }
0x176: {  	[tilespmem:v2+s1+$0x0] =	vst.idx.msk $0xffff, v1  }
0x177: {  	v2 =	vadd.s32 $0xA88, v0;
	v1 =	vld [tilespmem:$0x4B0];
	_ =	sdelay $0x4  }
0x178: {  	[tilespmem:v2+s1+$0x0] =	vst.idx.msk $0xffff, v1  }
0x179: {  	v2 =	vadd.s32 $0xE08, v0;
	v1 =	vld [tilespmem:$0x4C0];
	_ =	sdelay $0x4  }
0x17a: {  	[tilespmem:v2+s1+$0x0] =	vst.idx.msk $0xffff, v1  }
0x17b: {  	v2 =	vadd.s32 $0x1188, v0;
	v1 =	vld [tilespmem:$0x4D0];
	_ =	sdelay $0x4  }
0x17c: {  	[tilespmem:v2+s1+$0x0] =	vst.idx.msk $0xffff, v1  }
0x17d: {  	v2 =	vadd.s32 $0x1508, v0;
	v1 =	vld [tilespmem:$0x4E0];
	_ =	sdelay $0x4  }
0x17e: {  	[tilespmem:v2+s1+$0x0] =	vst.idx.msk $0xffff, v1  }
0x17f: {  	v2 =	vadd.s32 $0x1888, v0;
	v1 =	vld [tilespmem:$0x4F0];
	_ =	sdelay $0x4  }
0x180: {  	[tilespmem:v2+s1+$0x0] =	vst.idx.msk $0xffff, v1  }
0x181: {  	_ =	swait.ge [sflag:s31], $0x80  }
0x182: {  	[sflag:s31] =	ssyncset.done $0x0  }
0x183: {  	[sflag:s31] =	ssyncadd.s32 $0xFFFFFF80  }
0x184: {  	v2 =	vadd.s32 $0x9, v0;
	v1 =	vld [tilespmem:$0x500];
	_ =	sdelay $0x4  }
0x185: {  	[tilespmem:v2+s1+$0x0] =	vst.idx.msk $0xffff, v1  }
0x186: {  	v2 =	vadd.s32 $0x389, v0;
	v1 =	vld [tilespmem:$0x510];
	_ =	sdelay $0x4  }
0x187: {  	[tilespmem:v2+s1+$0x0] =	vst.idx.msk $0xffff, v1  }
0x188: {  	v2 =	vadd.s32 $0x709, v0;
	v1 =	vld [tilespmem:$0x520];
	_ =	sdelay $0x4  }
0x189: {  	[tilespmem:v2+s1+$0x0] =	vst.idx.msk $0xffff, v1  }
0x18a: {  	v2 =	vadd.s32 $0xA89, v0;
	v1 =	vld [tilespmem:$0x530];
	_ =	sdelay $0x4  }
0x18b: {  	[tilespmem:v2+s1+$0x0] =	vst.idx.msk $0xffff, v1  }
0x18c: {  	v2 =	vadd.s32 $0xE09, v0;
	v1 =	vld [tilespmem:$0x540];
	_ =	sdelay $0x4  }
0x18d: {  	[tilespmem:v2+s1+$0x0] =	vst.idx.msk $0xffff, v1  }
0x18e: {  	v2 =	vadd.s32 $0x1189, v0;
	v1 =	vld [tilespmem:$0x550];
	_ =	sdelay $0x4  }
0x18f: {  	[tilespmem:v2+s1+$0x0] =	vst.idx.msk $0xffff, v1  }
0x190: {  	v2 =	vadd.s32 $0x1509, v0;
	v1 =	vld [tilespmem:$0x560];
	_ =	sdelay $0x4  }
0x191: {  	[tilespmem:v2+s1+$0x0] =	vst.idx.msk $0xffff, v1  }
0x192: {  	v2 =	vadd.s32 $0x1889, v0;
	v1 =	vld [tilespmem:$0x570];
	_ =	sdelay $0x4  }
0x193: {  	[tilespmem:v2+s1+$0x0] =	vst.idx.msk $0xffff, v1  }
0x194: {  	_ =	swait.ge [sflag:s31], $0x80  }
0x195: {  	[sflag:s31] =	ssyncset.done $0x0  }
0x196: {  	[sflag:s31] =	ssyncadd.s32 $0xFFFFFF80  }
0x197: {  	v2 =	vadd.s32 $0xA, v0;
	v1 =	vld [tilespmem:$0x580];
	_ =	sdelay $0x4  }
0x198: {  	[tilespmem:v2+s1+$0x0] =	vst.idx.msk $0xffff, v1  }
0x199: {  	v2 =	vadd.s32 $0x38A, v0;
	v1 =	vld [tilespmem:$0x590];
	_ =	sdelay $0x4  }
0x19a: {  	[tilespmem:v2+s1+$0x0] =	vst.idx.msk $0xffff, v1  }
0x19b: {  	v2 =	vadd.s32 $0x70A, v0;
	v1 =	vld [tilespmem:$0x5A0];
	_ =	sdelay $0x4  }
0x19c: {  	[tilespmem:v2+s1+$0x0] =	vst.idx.msk $0xffff, v1  }
0x19d: {  	v2 =	vadd.s32 $0xA8A, v0;
	v1 =	vld [tilespmem:$0x5B0];
	_ =	sdelay $0x4  }
0x19e: {  	[tilespmem:v2+s1+$0x0] =	vst.idx.msk $0xffff, v1  }
0x19f: {  	v2 =	vadd.s32 $0xE0A, v0;
	v1 =	vld [tilespmem:$0x5C0];
	_ =	sdelay $0x4  }
0x1a0: {  	[tilespmem:v2+s1+$0x0] =	vst.idx.msk $0xffff, v1  }
0x1a1: {  	v2 =	vadd.s32 $0x118A, v0;
	v1 =	vld [tilespmem:$0x5D0];
	_ =	sdelay $0x4  }
0x1a2: {  	[tilespmem:v2+s1+$0x0] =	vst.idx.msk $0xffff, v1  }
0x1a3: {  	v2 =	vadd.s32 $0x150A, v0;
	v1 =	vld [tilespmem:$0x5E0];
	_ =	sdelay $0x4  }
0x1a4: {  	[tilespmem:v2+s1+$0x0] =	vst.idx.msk $0xffff, v1  }
0x1a5: {  	v2 =	vadd.s32 $0x188A, v0;
	v1 =	vld [tilespmem:$0x5F0];
	_ =	sdelay $0x4  }
0x1a6: {  	[tilespmem:v2+s1+$0x0] =	vst.idx.msk $0xffff, v1  }
0x1a7: {  	_ =	swait.ge [sflag:s31], $0x80  }
0x1a8: {  	[sflag:s31] =	ssyncset.done $0x0  }
0x1a9: {  	[sflag:s31] =	ssyncadd.s32 $0xFFFFFF80  }
0x1aa: {  	v2 =	vadd.s32 $0xB, v0;
	v1 =	vld [tilespmem:$0x600];
	_ =	sdelay $0x4  }
0x1ab: {  	[tilespmem:v2+s1+$0x0] =	vst.idx.msk $0xffff, v1  }
0x1ac: {  	v2 =	vadd.s32 $0x38B, v0;
	v1 =	vld [tilespmem:$0x610];
	_ =	sdelay $0x4  }
0x1ad: {  	[tilespmem:v2+s1+$0x0] =	vst.idx.msk $0xffff, v1  }
0x1ae: {  	v2 =	vadd.s32 $0x70B, v0;
	v1 =	vld [tilespmem:$0x620];
	_ =	sdelay $0x4  }
0x1af: {  	[tilespmem:v2+s1+$0x0] =	vst.idx.msk $0xffff, v1  }
0x1b0: {  	v2 =	vadd.s32 $0xA8B, v0;
	v1 =	vld [tilespmem:$0x630];
	_ =	sdelay $0x4  }
0x1b1: {  	[tilespmem:v2+s1+$0x0] =	vst.idx.msk $0xffff, v1  }
0x1b2: {  	v2 =	vadd.s32 $0xE0B, v0;
	v1 =	vld [tilespmem:$0x640];
	_ =	sdelay $0x4  }
0x1b3: {  	[tilespmem:v2+s1+$0x0] =	vst.idx.msk $0xffff, v1  }
0x1b4: {  	v2 =	vadd.s32 $0x118B, v0;
	v1 =	vld [tilespmem:$0x650];
	_ =	sdelay $0x4  }
0x1b5: {  	[tilespmem:v2+s1+$0x0] =	vst.idx.msk $0xffff, v1  }
0x1b6: {  	v2 =	vadd.s32 $0x150B, v0;
	v1 =	vld [tilespmem:$0x660];
	_ =	sdelay $0x4  }
0x1b7: {  	[tilespmem:v2+s1+$0x0] =	vst.idx.msk $0xffff, v1  }
0x1b8: {  	v2 =	vadd.s32 $0x188B, v0;
	v1 =	vld [tilespmem:$0x670];
	_ =	sdelay $0x4  }
0x1b9: {  	[tilespmem:v2+s1+$0x0] =	vst.idx.msk $0xffff, v1  }
0x1ba: {  	_ =	swait.ge [sflag:s31], $0x80  }
0x1bb: {  	[sflag:s31] =	ssyncset.done $0x0  }
0x1bc: {  	[sflag:s31] =	ssyncadd.s32 $0xFFFFFF80  }
0x1bd: {  	v2 =	vadd.s32 $0xC, v0;
	v1 =	vld [tilespmem:$0x680];
	_ =	sdelay $0x4  }
0x1be: {  	[tilespmem:v2+s1+$0x0] =	vst.idx.msk $0xffff, v1  }
0x1bf: {  	v2 =	vadd.s32 $0x38C, v0;
	v1 =	vld [tilespmem:$0x690];
	_ =	sdelay $0x4  }
0x1c0: {  	[tilespmem:v2+s1+$0x0] =	vst.idx.msk $0xffff, v1  }
0x1c1: {  	v2 =	vadd.s32 $0x70C, v0;
	v1 =	vld [tilespmem:$0x6A0];
	_ =	sdelay $0x4  }
0x1c2: {  	[tilespmem:v2+s1+$0x0] =	vst.idx.msk $0xffff, v1  }
0x1c3: {  	v2 =	vadd.s32 $0xA8C, v0;
	v1 =	vld [tilespmem:$0x6B0];
	_ =	sdelay $0x4  }
0x1c4: {  	[tilespmem:v2+s1+$0x0] =	vst.idx.msk $0xffff, v1  }
0x1c5: {  	v2 =	vadd.s32 $0xE0C, v0;
	v1 =	vld [tilespmem:$0x6C0];
	_ =	sdelay $0x4  }
0x1c6: {  	[tilespmem:v2+s1+$0x0] =	vst.idx.msk $0xffff, v1  }
0x1c7: {  	v2 =	vadd.s32 $0x118C, v0;
	v1 =	vld [tilespmem:$0x6D0];
	_ =	sdelay $0x4  }
0x1c8: {  	[tilespmem:v2+s1+$0x0] =	vst.idx.msk $0xffff, v1  }
0x1c9: {  	v2 =	vadd.s32 $0x150C, v0;
	v1 =	vld [tilespmem:$0x6E0];
	_ =	sdelay $0x4  }
0x1ca: {  	[tilespmem:v2+s1+$0x0] =	vst.idx.msk $0xffff, v1  }
0x1cb: {  	v2 =	vadd.s32 $0x188C, v0;
	v1 =	vld [tilespmem:$0x6F0];
	_ =	sdelay $0x4  }
0x1cc: {  	[tilespmem:v2+s1+$0x0] =	vst.idx.msk $0xffff, v1  }
0x1cd: {  	_ =	swait.ge [sflag:s31], $0x80  }
0x1ce: {  	[sflag:s31] =	ssyncset.done $0x0  }
0x1cf: {  	[sflag:s31] =	ssyncadd.s32 $0xFFFFFF80  }
0x1d0: {  	v2 =	vadd.s32 $0xD, v0;
	v1 =	vld [tilespmem:$0x700];
	_ =	sdelay $0x4  }
0x1d1: {  	[tilespmem:v2+s1+$0x0] =	vst.idx.msk $0xffff, v1  }
0x1d2: {  	v2 =	vadd.s32 $0x38D, v0;
	v1 =	vld [tilespmem:$0x710];
	_ =	sdelay $0x4  }
0x1d3: {  	[tilespmem:v2+s1+$0x0] =	vst.idx.msk $0xffff, v1  }
0x1d4: {  	v2 =	vadd.s32 $0x70D, v0;
	v1 =	vld [tilespmem:$0x720];
	_ =	sdelay $0x4  }
0x1d5: {  	[tilespmem:v2+s1+$0x0] =	vst.idx.msk $0xffff, v1  }
0x1d6: {  	v2 =	vadd.s32 $0xA8D, v0;
	v1 =	vld [tilespmem:$0x730];
	_ =	sdelay $0x4  }
0x1d7: {  	[tilespmem:v2+s1+$0x0] =	vst.idx.msk $0xffff, v1  }
0x1d8: {  	v2 =	vadd.s32 $0xE0D, v0;
	v1 =	vld [tilespmem:$0x740];
	_ =	sdelay $0x4  }
0x1d9: {  	[tilespmem:v2+s1+$0x0] =	vst.idx.msk $0xffff, v1  }
0x1da: {  	v2 =	vadd.s32 $0x118D, v0;
	v1 =	vld [tilespmem:$0x750];
	_ =	sdelay $0x4  }
0x1db: {  	[tilespmem:v2+s1+$0x0] =	vst.idx.msk $0xffff, v1  }
0x1dc: {  	v2 =	vadd.s32 $0x150D, v0;
	v1 =	vld [tilespmem:$0x760];
	_ =	sdelay $0x4  }
0x1dd: {  	[tilespmem:v2+s1+$0x0] =	vst.idx.msk $0xffff, v1  }
0x1de: {  	v2 =	vadd.s32 $0x188D, v0;
	v1 =	vld [tilespmem:$0x770];
	_ =	sdelay $0x4  }
0x1df: {  	[tilespmem:v2+s1+$0x0] =	vst.idx.msk $0xffff, v1  }
0x1e0: {  	_ =	swait.ge [sflag:s31], $0x80  }
0x1e1: {  	[sflag:s31] =	ssyncset.done $0x0  }
0x1e2: {  	[sflag:s31] =	ssyncadd.s32 $0xFFFFFF80  }
0x1e3: {  	v2 =	vadd.s32 $0xE, v0;
	v1 =	vld [tilespmem:$0x780];
	_ =	sdelay $0x4  }
0x1e4: {  	[tilespmem:v2+s1+$0x0] =	vst.idx.msk $0xffff, v1  }
0x1e5: {  	v2 =	vadd.s32 $0x38E, v0;
	v1 =	vld [tilespmem:$0x790];
	_ =	sdelay $0x4  }
0x1e6: {  	[tilespmem:v2+s1+$0x0] =	vst.idx.msk $0xffff, v1  }
0x1e7: {  	v2 =	vadd.s32 $0x70E, v0;
	v1 =	vld [tilespmem:$0x7A0];
	_ =	sdelay $0x4  }
0x1e8: {  	[tilespmem:v2+s1+$0x0] =	vst.idx.msk $0xffff, v1  }
0x1e9: {  	v2 =	vadd.s32 $0xA8E, v0;
	v1 =	vld [tilespmem:$0x7B0];
	_ =	sdelay $0x4  }
0x1ea: {  	[tilespmem:v2+s1+$0x0] =	vst.idx.msk $0xffff, v1  }
0x1eb: {  	v2 =	vadd.s32 $0xE0E, v0;
	v1 =	vld [tilespmem:$0x7C0];
	_ =	sdelay $0x4  }
0x1ec: {  	[tilespmem:v2+s1+$0x0] =	vst.idx.msk $0xffff, v1  }
0x1ed: {  	v2 =	vadd.s32 $0x118E, v0;
	v1 =	vld [tilespmem:$0x7D0];
	_ =	sdelay $0x4  }
0x1ee: {  	[tilespmem:v2+s1+$0x0] =	vst.idx.msk $0xffff, v1  }
0x1ef: {  	v2 =	vadd.s32 $0x150E, v0;
	v1 =	vld [tilespmem:$0x7E0];
	_ =	sdelay $0x4  }
0x1f0: {  	[tilespmem:v2+s1+$0x0] =	vst.idx.msk $0xffff, v1  }
0x1f1: {  	v2 =	vadd.s32 $0x188E, v0;
	v1 =	vld [tilespmem:$0x7F0];
	_ =	sdelay $0x4  }
0x1f2: {  	[tilespmem:v2+s1+$0x0] =	vst.idx.msk $0xffff, v1  }
0x1f3: {  	_ =	swait.ge [sflag:s31], $0x80  }
0x1f4: {  	[sflag:s31] =	ssyncset.done $0x0  }
0x1f5: {  	[sflag:s31] =	ssyncadd.s32 $0xFFFFFF80  }
0x1f6: {  	v2 =	vadd.s32 $0xF, v0;
	v1 =	vld [tilespmem:$0x800];
	_ =	sdelay $0x4  }
0x1f7: {  	[tilespmem:v2+s1+$0x0] =	vst.idx.msk $0xffff, v1  }
0x1f8: {  	v2 =	vadd.s32 $0x38F, v0;
	v1 =	vld [tilespmem:$0x810];
	_ =	sdelay $0x4  }
0x1f9: {  	[tilespmem:v2+s1+$0x0] =	vst.idx.msk $0xffff, v1  }
0x1fa: {  	v2 =	vadd.s32 $0x70F, v0;
	v1 =	vld [tilespmem:$0x820];
	_ =	sdelay $0x4  }
0x1fb: {  	[tilespmem:v2+s1+$0x0] =	vst.idx.msk $0xffff, v1  }
0x1fc: {  	v2 =	vadd.s32 $0xA8F, v0;
	v1 =	vld [tilespmem:$0x830];
	_ =	sdelay $0x4  }
0x1fd: {  	[tilespmem:v2+s1+$0x0] =	vst.idx.msk $0xffff, v1  }
0x1fe: {  	v2 =	vadd.s32 $0xE0F, v0;
	v1 =	vld [tilespmem:$0x840];
	_ =	sdelay $0x4  }
0x1ff: {  	[tilespmem:v2+s1+$0x0] =	vst.idx.msk $0xffff, v1  }
0x200: {  	v2 =	vadd.s32 $0x118F, v0;
	v1 =	vld [tilespmem:$0x850];
	_ =	sdelay $0x4  }
0x201: {  	[tilespmem:v2+s1+$0x0] =	vst.idx.msk $0xffff, v1  }
0x202: {  	v2 =	vadd.s32 $0x150F, v0;
	v1 =	vld [tilespmem:$0x860];
	_ =	sdelay $0x4  }
0x203: {  	[tilespmem:v2+s1+$0x0] =	vst.idx.msk $0xffff, v1  }
0x204: {  	v2 =	vadd.s32 $0x188F, v0;
	v1 =	vld [tilespmem:$0x870];
	_ =	sdelay $0x4  }
0x205: {  	[tilespmem:v2+s1+$0x0] =	vst.idx.msk $0xffff, v1  }
0x206: {  	_ =	swait.ge [sflag:s31], $0x80  }
0x207: {  	[sflag:s31] =	ssyncset.done $0x0  }
0x208: {  	[sflag:s31] =	ssyncadd.s32 $0xFFFFFF80  }
0x209: {  	v2 =	vadd.s32 $0x10, v0;
	v1 =	vld [tilespmem:$0x880];
	_ =	sdelay $0x4  }
0x20a: {  	[tilespmem:v2+s1+$0x0] =	vst.idx.msk $0xffff, v1  }
0x20b: {  	v2 =	vadd.s32 $0x390, v0;
	v1 =	vld [tilespmem:$0x890];
	_ =	sdelay $0x4  }
0x20c: {  	[tilespmem:v2+s1+$0x0] =	vst.idx.msk $0xffff, v1  }
0x20d: {  	v2 =	vadd.s32 $0x710, v0;
	v1 =	vld [tilespmem:$0x8A0];
	_ =	sdelay $0x4  }
0x20e: {  	[tilespmem:v2+s1+$0x0] =	vst.idx.msk $0xffff, v1  }
0x20f: {  	v2 =	vadd.s32 $0xA90, v0;
	v1 =	vld [tilespmem:$0x8B0];
	_ =	sdelay $0x4  }
0x210: {  	[tilespmem:v2+s1+$0x0] =	vst.idx.msk $0xffff, v1  }
0x211: {  	v2 =	vadd.s32 $0xE10, v0;
	v1 =	vld [tilespmem:$0x8C0];
	_ =	sdelay $0x4  }
0x212: {  	[tilespmem:v2+s1+$0x0] =	vst.idx.msk $0xffff, v1  }
0x213: {  	v2 =	vadd.s32 $0x1190, v0;
	v1 =	vld [tilespmem:$0x8D0];
	_ =	sdelay $0x4  }
0x214: {  	[tilespmem:v2+s1+$0x0] =	vst.idx.msk $0xffff, v1  }
0x215: {  	v2 =	vadd.s32 $0x1510, v0;
	v1 =	vld [tilespmem:$0x8E0];
	_ =	sdelay $0x4  }
0x216: {  	[tilespmem:v2+s1+$0x0] =	vst.idx.msk $0xffff, v1  }
0x217: {  	v2 =	vadd.s32 $0x1890, v0;
	v1 =	vld [tilespmem:$0x8F0];
	_ =	sdelay $0x4  }
0x218: {  	[tilespmem:v2+s1+$0x0] =	vst.idx.msk $0xffff, v1  }
0x219: {  	_ =	swait.ge [sflag:s31], $0x80  }
0x21a: {  	[sflag:s31] =	ssyncset.done $0x0  }
0x21b: {  	[sflag:s31] =	ssyncadd.s32 $0xFFFFFF80  }
0x21c: {  	v2 =	vadd.s32 $0x11, v0;
	v1 =	vld [tilespmem:$0x900];
	_ =	sdelay $0x4  }
0x21d: {  	[tilespmem:v2+s1+$0x0] =	vst.idx.msk $0xffff, v1  }
0x21e: {  	v2 =	vadd.s32 $0x391, v0;
	v1 =	vld [tilespmem:$0x910];
	_ =	sdelay $0x4  }
0x21f: {  	[tilespmem:v2+s1+$0x0] =	vst.idx.msk $0xffff, v1  }
0x220: {  	v2 =	vadd.s32 $0x711, v0;
	v1 =	vld [tilespmem:$0x920];
	_ =	sdelay $0x4  }
0x221: {  	[tilespmem:v2+s1+$0x0] =	vst.idx.msk $0xffff, v1  }
0x222: {  	v2 =	vadd.s32 $0xA91, v0;
	v1 =	vld [tilespmem:$0x930];
	_ =	sdelay $0x4  }
0x223: {  	[tilespmem:v2+s1+$0x0] =	vst.idx.msk $0xffff, v1  }
0x224: {  	v2 =	vadd.s32 $0xE11, v0;
	v1 =	vld [tilespmem:$0x940];
	_ =	sdelay $0x4  }
0x225: {  	[tilespmem:v2+s1+$0x0] =	vst.idx.msk $0xffff, v1  }
0x226: {  	v2 =	vadd.s32 $0x1191, v0;
	v1 =	vld [tilespmem:$0x950];
	_ =	sdelay $0x4  }
0x227: {  	[tilespmem:v2+s1+$0x0] =	vst.idx.msk $0xffff, v1  }
0x228: {  	v2 =	vadd.s32 $0x1511, v0;
	v1 =	vld [tilespmem:$0x960];
	_ =	sdelay $0x4  }
0x229: {  	[tilespmem:v2+s1+$0x0] =	vst.idx.msk $0xffff, v1  }
0x22a: {  	v2 =	vadd.s32 $0x1891, v0;
	v1 =	vld [tilespmem:$0x970];
	_ =	sdelay $0x4  }
0x22b: {  	[tilespmem:v2+s1+$0x0] =	vst.idx.msk $0xffff, v1  }
0x22c: {  	_ =	swait.ge [sflag:s31], $0x80  }
0x22d: {  	[sflag:s31] =	ssyncset.done $0x0  }
0x22e: {  	[sflag:s31] =	ssyncadd.s32 $0xFFFFFF80  }
0x22f: {  	v2 =	vadd.s32 $0x12, v0;
	v1 =	vld [tilespmem:$0x980];
	_ =	sdelay $0x4  }
0x230: {  	[tilespmem:v2+s1+$0x0] =	vst.idx.msk $0xffff, v1  }
0x231: {  	v2 =	vadd.s32 $0x392, v0;
	v1 =	vld [tilespmem:$0x990];
	_ =	sdelay $0x4  }
0x232: {  	[tilespmem:v2+s1+$0x0] =	vst.idx.msk $0xffff, v1  }
0x233: {  	v2 =	vadd.s32 $0x712, v0;
	v1 =	vld [tilespmem:$0x9A0];
	_ =	sdelay $0x4  }
0x234: {  	[tilespmem:v2+s1+$0x0] =	vst.idx.msk $0xffff, v1  }
0x235: {  	v2 =	vadd.s32 $0xA92, v0;
	v1 =	vld [tilespmem:$0x9B0];
	_ =	sdelay $0x4  }
0x236: {  	[tilespmem:v2+s1+$0x0] =	vst.idx.msk $0xffff, v1  }
0x237: {  	v2 =	vadd.s32 $0xE12, v0;
	v1 =	vld [tilespmem:$0x9C0];
	_ =	sdelay $0x4  }
0x238: {  	[tilespmem:v2+s1+$0x0] =	vst.idx.msk $0xffff, v1  }
0x239: {  	v2 =	vadd.s32 $0x1192, v0;
	v1 =	vld [tilespmem:$0x9D0];
	_ =	sdelay $0x4  }
0x23a: {  	[tilespmem:v2+s1+$0x0] =	vst.idx.msk $0xffff, v1  }
0x23b: {  	v2 =	vadd.s32 $0x1512, v0;
	v1 =	vld [tilespmem:$0x9E0];
	_ =	sdelay $0x4  }
0x23c: {  	[tilespmem:v2+s1+$0x0] =	vst.idx.msk $0xffff, v1  }
0x23d: {  	v2 =	vadd.s32 $0x1892, v0;
	v1 =	vld [tilespmem:$0x9F0];
	_ =	sdelay $0x4  }
0x23e: {  	[tilespmem:v2+s1+$0x0] =	vst.idx.msk $0xffff, v1  }
0x23f: {  	_ =	swait.ge [sflag:s31], $0x80  }
0x240: {  	[sflag:s31] =	ssyncset.done $0x0  }
0x241: {  	[sflag:s31] =	ssyncadd.s32 $0xFFFFFF80  }
0x242: {  	v2 =	vadd.s32 $0x13, v0;
	v1 =	vld [tilespmem:$0xA00];
	_ =	sdelay $0x4  }
0x243: {  	[tilespmem:v2+s1+$0x0] =	vst.idx.msk $0xffff, v1  }
0x244: {  	v2 =	vadd.s32 $0x393, v0;
	v1 =	vld [tilespmem:$0xA10];
	_ =	sdelay $0x4  }
0x245: {  	[tilespmem:v2+s1+$0x0] =	vst.idx.msk $0xffff, v1  }
0x246: {  	v2 =	vadd.s32 $0x713, v0;
	v1 =	vld [tilespmem:$0xA20];
	_ =	sdelay $0x4  }
0x247: {  	[tilespmem:v2+s1+$0x0] =	vst.idx.msk $0xffff, v1  }
0x248: {  	v2 =	vadd.s32 $0xA93, v0;
	v1 =	vld [tilespmem:$0xA30];
	_ =	sdelay $0x4  }
0x249: {  	[tilespmem:v2+s1+$0x0] =	vst.idx.msk $0xffff, v1  }
0x24a: {  	v2 =	vadd.s32 $0xE13, v0;
	v1 =	vld [tilespmem:$0xA40];
	_ =	sdelay $0x4  }
0x24b: {  	[tilespmem:v2+s1+$0x0] =	vst.idx.msk $0xffff, v1  }
0x24c: {  	v2 =	vadd.s32 $0x1193, v0;
	v1 =	vld [tilespmem:$0xA50];
	_ =	sdelay $0x4  }
0x24d: {  	[tilespmem:v2+s1+$0x0] =	vst.idx.msk $0xffff, v1  }
0x24e: {  	v2 =	vadd.s32 $0x1513, v0;
	v1 =	vld [tilespmem:$0xA60];
	_ =	sdelay $0x4  }
0x24f: {  	[tilespmem:v2+s1+$0x0] =	vst.idx.msk $0xffff, v1  }
0x250: {  	v2 =	vadd.s32 $0x1893, v0;
	v1 =	vld [tilespmem:$0xA70];
	_ =	sdelay $0x4  }
0x251: {  	[tilespmem:v2+s1+$0x0] =	vst.idx.msk $0xffff, v1  }
0x252: {  	_ =	swait.ge [sflag:s31], $0x80  }
0x253: {  	[sflag:s31] =	ssyncset.done $0x0  }
0x254: {  	[sflag:s31] =	ssyncadd.s32 $0xFFFFFF80  }
0x255: {  	v2 =	vadd.s32 $0x14, v0;
	v1 =	vld [tilespmem:$0xA80];
	_ =	sdelay $0x4  }
0x256: {  	[tilespmem:v2+s1+$0x0] =	vst.idx.msk $0xffff, v1  }
0x257: {  	v2 =	vadd.s32 $0x394, v0;
	v1 =	vld [tilespmem:$0xA90];
	_ =	sdelay $0x4  }
0x258: {  	[tilespmem:v2+s1+$0x0] =	vst.idx.msk $0xffff, v1  }
0x259: {  	v2 =	vadd.s32 $0x714, v0;
	v1 =	vld [tilespmem:$0xAA0];
	_ =	sdelay $0x4  }
0x25a: {  	[tilespmem:v2+s1+$0x0] =	vst.idx.msk $0xffff, v1  }
0x25b: {  	v2 =	vadd.s32 $0xA94, v0;
	v1 =	vld [tilespmem:$0xAB0];
	_ =	sdelay $0x4  }
0x25c: {  	[tilespmem:v2+s1+$0x0] =	vst.idx.msk $0xffff, v1  }
0x25d: {  	v2 =	vadd.s32 $0xE14, v0;
	v1 =	vld [tilespmem:$0xAC0];
	_ =	sdelay $0x4  }
0x25e: {  	[tilespmem:v2+s1+$0x0] =	vst.idx.msk $0xffff, v1  }
0x25f: {  	v2 =	vadd.s32 $0x1194, v0;
	v1 =	vld [tilespmem:$0xAD0];
	_ =	sdelay $0x4  }
0x260: {  	[tilespmem:v2+s1+$0x0] =	vst.idx.msk $0xffff, v1  }
0x261: {  	v2 =	vadd.s32 $0x1514, v0;
	v1 =	vld [tilespmem:$0xAE0];
	_ =	sdelay $0x4  }
0x262: {  	[tilespmem:v2+s1+$0x0] =	vst.idx.msk $0xffff, v1  }
0x263: {  	v2 =	vadd.s32 $0x1894, v0;
	v1 =	vld [tilespmem:$0xAF0];
	_ =	sdelay $0x4  }
0x264: {  	[tilespmem:v2+s1+$0x0] =	vst.idx.msk $0xffff, v1  }
0x265: {  	_ =	swait.ge [sflag:s31], $0x80  }
0x266: {  	[sflag:s31] =	ssyncset.done $0x0  }
0x267: {  	[sflag:s31] =	ssyncadd.s32 $0xFFFFFF80  }
0x268: {  	v2 =	vadd.s32 $0x15, v0;
	v1 =	vld [tilespmem:$0xB00];
	_ =	sdelay $0x4  }
0x269: {  	[tilespmem:v2+s1+$0x0] =	vst.idx.msk $0xffff, v1  }
0x26a: {  	v2 =	vadd.s32 $0x395, v0;
	v1 =	vld [tilespmem:$0xB10];
	_ =	sdelay $0x4  }
0x26b: {  	[tilespmem:v2+s1+$0x0] =	vst.idx.msk $0xffff, v1  }
0x26c: {  	v2 =	vadd.s32 $0x715, v0;
	v1 =	vld [tilespmem:$0xB20];
	_ =	sdelay $0x4  }
0x26d: {  	[tilespmem:v2+s1+$0x0] =	vst.idx.msk $0xffff, v1  }
0x26e: {  	v2 =	vadd.s32 $0xA95, v0;
	v1 =	vld [tilespmem:$0xB30];
	_ =	sdelay $0x4  }
0x26f: {  	[tilespmem:v2+s1+$0x0] =	vst.idx.msk $0xffff, v1  }
0x270: {  	v2 =	vadd.s32 $0xE15, v0;
	v1 =	vld [tilespmem:$0xB40];
	_ =	sdelay $0x4  }
0x271: {  	[tilespmem:v2+s1+$0x0] =	vst.idx.msk $0xffff, v1  }
0x272: {  	v2 =	vadd.s32 $0x1195, v0;
	v1 =	vld [tilespmem:$0xB50];
	_ =	sdelay $0x4  }
0x273: {  	[tilespmem:v2+s1+$0x0] =	vst.idx.msk $0xffff, v1  }
0x274: {  	v2 =	vadd.s32 $0x1515, v0;
	v1 =	vld [tilespmem:$0xB60];
	_ =	sdelay $0x4  }
0x275: {  	[tilespmem:v2+s1+$0x0] =	vst.idx.msk $0xffff, v1  }
0x276: {  	v2 =	vadd.s32 $0x1895, v0;
	v1 =	vld [tilespmem:$0xB70];
	_ =	sdelay $0x4  }
0x277: {  	[tilespmem:v2+s1+$0x0] =	vst.idx.msk $0xffff, v1  }
0x278: {  	_ =	swait.ge [sflag:s31], $0x80  }
0x279: {  	[sflag:s31] =	ssyncset.done $0x0  }
0x27a: {  	[sflag:s31] =	ssyncadd.s32 $0xFFFFFF80  }
0x27b: {  	v2 =	vadd.s32 $0x16, v0;
	v1 =	vld [tilespmem:$0xB80];
	_ =	sdelay $0x4  }
0x27c: {  	[tilespmem:v2+s1+$0x0] =	vst.idx.msk $0xffff, v1  }
0x27d: {  	v2 =	vadd.s32 $0x396, v0;
	v1 =	vld [tilespmem:$0xB90];
	_ =	sdelay $0x4  }
0x27e: {  	[tilespmem:v2+s1+$0x0] =	vst.idx.msk $0xffff, v1  }
0x27f: {  	v2 =	vadd.s32 $0x716, v0;
	v1 =	vld [tilespmem:$0xBA0];
	_ =	sdelay $0x4  }
0x280: {  	[tilespmem:v2+s1+$0x0] =	vst.idx.msk $0xffff, v1  }
0x281: {  	v2 =	vadd.s32 $0xA96, v0;
	v1 =	vld [tilespmem:$0xBB0];
	_ =	sdelay $0x4  }
0x282: {  	[tilespmem:v2+s1+$0x0] =	vst.idx.msk $0xffff, v1  }
0x283: {  	v2 =	vadd.s32 $0xE16, v0;
	v1 =	vld [tilespmem:$0xBC0];
	_ =	sdelay $0x4  }
0x284: {  	[tilespmem:v2+s1+$0x0] =	vst.idx.msk $0xffff, v1  }
0x285: {  	v2 =	vadd.s32 $0x1196, v0;
	v1 =	vld [tilespmem:$0xBD0];
	_ =	sdelay $0x4  }
0x286: {  	[tilespmem:v2+s1+$0x0] =	vst.idx.msk $0xffff, v1  }
0x287: {  	v2 =	vadd.s32 $0x1516, v0;
	v1 =	vld [tilespmem:$0xBE0];
	_ =	sdelay $0x4  }
0x288: {  	[tilespmem:v2+s1+$0x0] =	vst.idx.msk $0xffff, v1  }
0x289: {  	v2 =	vadd.s32 $0x1896, v0;
	v1 =	vld [tilespmem:$0xBF0];
	_ =	sdelay $0x4  }
0x28a: {  	[tilespmem:v2+s1+$0x0] =	vst.idx.msk $0xffff, v1  }
0x28b: {  	_ =	swait.ge [sflag:s31], $0x80  }
0x28c: {  	[sflag:s31] =	ssyncset.done $0x0  }
0x28d: {  	[sflag:s31] =	ssyncadd.s32 $0xFFFFFF80  }
0x28e: {  	v2 =	vadd.s32 $0x17, v0;
	v1 =	vld [tilespmem:$0xC00];
	_ =	sdelay $0x4  }
0x28f: {  	[tilespmem:v2+s1+$0x0] =	vst.idx.msk $0xffff, v1  }
0x290: {  	v2 =	vadd.s32 $0x397, v0;
	v1 =	vld [tilespmem:$0xC10];
	_ =	sdelay $0x4  }
0x291: {  	[tilespmem:v2+s1+$0x0] =	vst.idx.msk $0xffff, v1  }
0x292: {  	v2 =	vadd.s32 $0x717, v0;
	v1 =	vld [tilespmem:$0xC20];
	_ =	sdelay $0x4  }
0x293: {  	[tilespmem:v2+s1+$0x0] =	vst.idx.msk $0xffff, v1  }
0x294: {  	v2 =	vadd.s32 $0xA97, v0;
	v1 =	vld [tilespmem:$0xC30];
	_ =	sdelay $0x4  }
0x295: {  	[tilespmem:v2+s1+$0x0] =	vst.idx.msk $0xffff, v1  }
0x296: {  	v2 =	vadd.s32 $0xE17, v0;
	v1 =	vld [tilespmem:$0xC40];
	_ =	sdelay $0x4  }
0x297: {  	[tilespmem:v2+s1+$0x0] =	vst.idx.msk $0xffff, v1  }
0x298: {  	v2 =	vadd.s32 $0x1197, v0;
	v1 =	vld [tilespmem:$0xC50];
	_ =	sdelay $0x4  }
0x299: {  	[tilespmem:v2+s1+$0x0] =	vst.idx.msk $0xffff, v1  }
0x29a: {  	v2 =	vadd.s32 $0x1517, v0;
	v1 =	vld [tilespmem:$0xC60];
	_ =	sdelay $0x4  }
0x29b: {  	[tilespmem:v2+s1+$0x0] =	vst.idx.msk $0xffff, v1  }
0x29c: {  	v2 =	vadd.s32 $0x1897, v0;
	v1 =	vld [tilespmem:$0xC70];
	_ =	sdelay $0x4  }
0x29d: {  	[tilespmem:v2+s1+$0x0] =	vst.idx.msk $0xffff, v1  }
0x29e: {  	_ =	swait.ge [sflag:s31], $0x80  }
0x29f: {  	[sflag:s31] =	ssyncset.done $0x0  }
0x2a0: {  	[sflag:s31] =	ssyncadd.s32 $0xFFFFFF80  }
0x2a1: {  	v2 =	vadd.s32 $0x18, v0;
	v1 =	vld [tilespmem:$0xC80];
	_ =	sdelay $0x4  }
0x2a2: {  	[tilespmem:v2+s1+$0x0] =	vst.idx.msk $0xffff, v1  }
0x2a3: {  	v2 =	vadd.s32 $0x398, v0;
	v1 =	vld [tilespmem:$0xC90];
	_ =	sdelay $0x4  }
0x2a4: {  	[tilespmem:v2+s1+$0x0] =	vst.idx.msk $0xffff, v1  }
0x2a5: {  	v2 =	vadd.s32 $0x718, v0;
	v1 =	vld [tilespmem:$0xCA0];
	_ =	sdelay $0x4  }
0x2a6: {  	[tilespmem:v2+s1+$0x0] =	vst.idx.msk $0xffff, v1  }
0x2a7: {  	v2 =	vadd.s32 $0xA98, v0;
	v1 =	vld [tilespmem:$0xCB0];
	_ =	sdelay $0x4  }
0x2a8: {  	[tilespmem:v2+s1+$0x0] =	vst.idx.msk $0xffff, v1  }
0x2a9: {  	v2 =	vadd.s32 $0xE18, v0;
	v1 =	vld [tilespmem:$0xCC0];
	_ =	sdelay $0x4  }
0x2aa: {  	[tilespmem:v2+s1+$0x0] =	vst.idx.msk $0xffff, v1  }
0x2ab: {  	v2 =	vadd.s32 $0x1198, v0;
	v1 =	vld [tilespmem:$0xCD0];
	_ =	sdelay $0x4  }
0x2ac: {  	[tilespmem:v2+s1+$0x0] =	vst.idx.msk $0xffff, v1  }
0x2ad: {  	v2 =	vadd.s32 $0x1518, v0;
	v1 =	vld [tilespmem:$0xCE0];
	_ =	sdelay $0x4  }
0x2ae: {  	[tilespmem:v2+s1+$0x0] =	vst.idx.msk $0xffff, v1  }
0x2af: {  	v2 =	vadd.s32 $0x1898, v0;
	v1 =	vld [tilespmem:$0xCF0];
	_ =	sdelay $0x4  }
0x2b0: {  	[tilespmem:v2+s1+$0x0] =	vst.idx.msk $0xffff, v1  }
0x2b1: {  	_ =	swait.ge [sflag:s31], $0x80  }
0x2b2: {  	[sflag:s31] =	ssyncset.done $0x0  }
0x2b3: {  	[sflag:s31] =	ssyncadd.s32 $0xFFFFFF80  }
0x2b4: {  	v2 =	vadd.s32 $0x19, v0;
	v1 =	vld [tilespmem:$0xD00];
	_ =	sdelay $0x4  }
0x2b5: {  	[tilespmem:v2+s1+$0x0] =	vst.idx.msk $0xffff, v1  }
0x2b6: {  	v2 =	vadd.s32 $0x399, v0;
	v1 =	vld [tilespmem:$0xD10];
	_ =	sdelay $0x4  }
0x2b7: {  	[tilespmem:v2+s1+$0x0] =	vst.idx.msk $0xffff, v1  }
0x2b8: {  	v2 =	vadd.s32 $0x719, v0;
	v1 =	vld [tilespmem:$0xD20];
	_ =	sdelay $0x4  }
0x2b9: {  	[tilespmem:v2+s1+$0x0] =	vst.idx.msk $0xffff, v1  }
0x2ba: {  	v2 =	vadd.s32 $0xA99, v0;
	v1 =	vld [tilespmem:$0xD30];
	_ =	sdelay $0x4  }
0x2bb: {  	[tilespmem:v2+s1+$0x0] =	vst.idx.msk $0xffff, v1  }
0x2bc: {  	v2 =	vadd.s32 $0xE19, v0;
	v1 =	vld [tilespmem:$0xD40];
	_ =	sdelay $0x4  }
0x2bd: {  	[tilespmem:v2+s1+$0x0] =	vst.idx.msk $0xffff, v1  }
0x2be: {  	v2 =	vadd.s32 $0x1199, v0;
	v1 =	vld [tilespmem:$0xD50];
	_ =	sdelay $0x4  }
0x2bf: {  	[tilespmem:v2+s1+$0x0] =	vst.idx.msk $0xffff, v1  }
0x2c0: {  	v2 =	vadd.s32 $0x1519, v0;
	v1 =	vld [tilespmem:$0xD60];
	_ =	sdelay $0x4  }
0x2c1: {  	[tilespmem:v2+s1+$0x0] =	vst.idx.msk $0xffff, v1  }
0x2c2: {  	v2 =	vadd.s32 $0x1899, v0;
	v1 =	vld [tilespmem:$0xD70];
	_ =	sdelay $0x4  }
0x2c3: {  	[tilespmem:v2+s1+$0x0] =	vst.idx.msk $0xffff, v1  }
0x2c4: {  	_ =	swait.ge [sflag:s31], $0x80  }
0x2c5: {  	[sflag:s31] =	ssyncset.done $0x0  }
0x2c6: {  	[sflag:s31] =	ssyncadd.s32 $0xFFFFFF80  }
0x2c7: {  	v2 =	vadd.s32 $0x1A, v0;
	v1 =	vld [tilespmem:$0xD80];
	_ =	sdelay $0x4  }
0x2c8: {  	[tilespmem:v2+s1+$0x0] =	vst.idx.msk $0xffff, v1  }
0x2c9: {  	v2 =	vadd.s32 $0x39A, v0;
	v1 =	vld [tilespmem:$0xD90];
	_ =	sdelay $0x4  }
0x2ca: {  	[tilespmem:v2+s1+$0x0] =	vst.idx.msk $0xffff, v1  }
0x2cb: {  	v2 =	vadd.s32 $0x71A, v0;
	v1 =	vld [tilespmem:$0xDA0];
	_ =	sdelay $0x4  }
0x2cc: {  	[tilespmem:v2+s1+$0x0] =	vst.idx.msk $0xffff, v1  }
0x2cd: {  	v2 =	vadd.s32 $0xA9A, v0;
	v1 =	vld [tilespmem:$0xDB0];
	_ =	sdelay $0x4  }
0x2ce: {  	[tilespmem:v2+s1+$0x0] =	vst.idx.msk $0xffff, v1  }
0x2cf: {  	v2 =	vadd.s32 $0xE1A, v0;
	v1 =	vld [tilespmem:$0xDC0];
	_ =	sdelay $0x4  }
0x2d0: {  	[tilespmem:v2+s1+$0x0] =	vst.idx.msk $0xffff, v1  }
0x2d1: {  	v2 =	vadd.s32 $0x119A, v0;
	v1 =	vld [tilespmem:$0xDD0];
	_ =	sdelay $0x4  }
0x2d2: {  	[tilespmem:v2+s1+$0x0] =	vst.idx.msk $0xffff, v1  }
0x2d3: {  	v2 =	vadd.s32 $0x151A, v0;
	v1 =	vld [tilespmem:$0xDE0];
	_ =	sdelay $0x4  }
0x2d4: {  	[tilespmem:v2+s1+$0x0] =	vst.idx.msk $0xffff, v1  }
0x2d5: {  	v2 =	vadd.s32 $0x189A, v0;
	v1 =	vld [tilespmem:$0xDF0];
	_ =	sdelay $0x4  }
0x2d6: {  	[tilespmem:v2+s1+$0x0] =	vst.idx.msk $0xffff, v1  }
0x2d7: {  	_ =	swait.ge [sflag:s31], $0x80  }
0x2d8: {  	[sflag:s31] =	ssyncset.done $0x0  }
0x2d9: {  	[sflag:s31] =	ssyncadd.s32 $0xFFFFFF80  }
0x2da: {  	v2 =	vadd.s32 $0x1B, v0;
	v1 =	vld [tilespmem:$0xE00];
	_ =	sdelay $0x4  }
0x2db: {  	[tilespmem:v2+s1+$0x0] =	vst.idx.msk $0xffff, v1  }
0x2dc: {  	v2 =	vadd.s32 $0x39B, v0;
	v1 =	vld [tilespmem:$0xE10];
	_ =	sdelay $0x4  }
0x2dd: {  	[tilespmem:v2+s1+$0x0] =	vst.idx.msk $0xffff, v1  }
0x2de: {  	v2 =	vadd.s32 $0x71B, v0;
	v1 =	vld [tilespmem:$0xE20];
	_ =	sdelay $0x4  }
0x2df: {  	[tilespmem:v2+s1+$0x0] =	vst.idx.msk $0xffff, v1  }
0x2e0: {  	v2 =	vadd.s32 $0xA9B, v0;
	v1 =	vld [tilespmem:$0xE30];
	_ =	sdelay $0x4  }
0x2e1: {  	[tilespmem:v2+s1+$0x0] =	vst.idx.msk $0xffff, v1  }
0x2e2: {  	v2 =	vadd.s32 $0xE1B, v0;
	v1 =	vld [tilespmem:$0xE40];
	_ =	sdelay $0x4  }
0x2e3: {  	[tilespmem:v2+s1+$0x0] =	vst.idx.msk $0xffff, v1  }
0x2e4: {  	v2 =	vadd.s32 $0x119B, v0;
	v1 =	vld [tilespmem:$0xE50];
	_ =	sdelay $0x4  }
0x2e5: {  	[tilespmem:v2+s1+$0x0] =	vst.idx.msk $0xffff, v1  }
0x2e6: {  	v2 =	vadd.s32 $0x151B, v0;
	v1 =	vld [tilespmem:$0xE60];
	_ =	sdelay $0x4  }
0x2e7: {  	[tilespmem:v2+s1+$0x0] =	vst.idx.msk $0xffff, v1  }
0x2e8: {  	v2 =	vadd.s32 $0x189B, v0;
	v1 =	vld [tilespmem:$0xE70];
	_ =	sdelay $0x4  }
0x2e9: {  	[tilespmem:v2+s1+$0x0] =	vst.idx.msk $0xffff, v1  }
0x2ea: {  	_ =	swait.ge [sflag:s31], $0x80  }
0x2eb: {  	[sflag:s31] =	ssyncset.done $0x0  }
0x2ec: {  	[sflag:s31] =	ssyncadd.s32 $0xFFFFFF80  }
0x2ed: {  	v2 =	vadd.s32 $0x1C, v0;
	v1 =	vld [tilespmem:$0xE80];
	_ =	sdelay $0x4  }
0x2ee: {  	[tilespmem:v2+s1+$0x0] =	vst.idx.msk $0xffff, v1  }
0x2ef: {  	v2 =	vadd.s32 $0x39C, v0;
	v1 =	vld [tilespmem:$0xE90];
	_ =	sdelay $0x4  }
0x2f0: {  	[tilespmem:v2+s1+$0x0] =	vst.idx.msk $0xffff, v1  }
0x2f1: {  	v2 =	vadd.s32 $0x71C, v0;
	v1 =	vld [tilespmem:$0xEA0];
	_ =	sdelay $0x4  }
0x2f2: {  	[tilespmem:v2+s1+$0x0] =	vst.idx.msk $0xffff, v1  }
0x2f3: {  	v2 =	vadd.s32 $0xA9C, v0;
	v1 =	vld [tilespmem:$0xEB0];
	_ =	sdelay $0x4  }
0x2f4: {  	[tilespmem:v2+s1+$0x0] =	vst.idx.msk $0xffff, v1  }
0x2f5: {  	v2 =	vadd.s32 $0xE1C, v0;
	v1 =	vld [tilespmem:$0xEC0];
	_ =	sdelay $0x4  }
0x2f6: {  	[tilespmem:v2+s1+$0x0] =	vst.idx.msk $0xffff, v1  }
0x2f7: {  	v2 =	vadd.s32 $0x119C, v0;
	v1 =	vld [tilespmem:$0xED0];
	_ =	sdelay $0x4  }
0x2f8: {  	[tilespmem:v2+s1+$0x0] =	vst.idx.msk $0xffff, v1  }
0x2f9: {  	v2 =	vadd.s32 $0x151C, v0;
	v1 =	vld [tilespmem:$0xEE0];
	_ =	sdelay $0x4  }
0x2fa: {  	[tilespmem:v2+s1+$0x0] =	vst.idx.msk $0xffff, v1  }
0x2fb: {  	v2 =	vadd.s32 $0x189C, v0;
	v1 =	vld [tilespmem:$0xEF0];
	_ =	sdelay $0x4  }
0x2fc: {  	[tilespmem:v2+s1+$0x0] =	vst.idx.msk $0xffff, v1  }
0x2fd: {  	_ =	swait.ge [sflag:s31], $0x80  }
0x2fe: {  	[sflag:s31] =	ssyncset.done $0x0  }
0x2ff: {  	[sflag:s31] =	ssyncadd.s32 $0xFFFFFF80  }
0x300: {  	v2 =	vadd.s32 $0x1D, v0;
	v1 =	vld [tilespmem:$0xF00];
	_ =	sdelay $0x4  }
0x301: {  	[tilespmem:v2+s1+$0x0] =	vst.idx.msk $0xffff, v1  }
0x302: {  	v2 =	vadd.s32 $0x39D, v0;
	v1 =	vld [tilespmem:$0xF10];
	_ =	sdelay $0x4  }
0x303: {  	[tilespmem:v2+s1+$0x0] =	vst.idx.msk $0xffff, v1  }
0x304: {  	v2 =	vadd.s32 $0x71D, v0;
	v1 =	vld [tilespmem:$0xF20];
	_ =	sdelay $0x4  }
0x305: {  	[tilespmem:v2+s1+$0x0] =	vst.idx.msk $0xffff, v1  }
0x306: {  	v2 =	vadd.s32 $0xA9D, v0;
	v1 =	vld [tilespmem:$0xF30];
	_ =	sdelay $0x4  }
0x307: {  	[tilespmem:v2+s1+$0x0] =	vst.idx.msk $0xffff, v1  }
0x308: {  	v2 =	vadd.s32 $0xE1D, v0;
	v1 =	vld [tilespmem:$0xF40];
	_ =	sdelay $0x4  }
0x309: {  	[tilespmem:v2+s1+$0x0] =	vst.idx.msk $0xffff, v1  }
0x30a: {  	v2 =	vadd.s32 $0x119D, v0;
	v1 =	vld [tilespmem:$0xF50];
	_ =	sdelay $0x4  }
0x30b: {  	[tilespmem:v2+s1+$0x0] =	vst.idx.msk $0xffff, v1  }
0x30c: {  	v2 =	vadd.s32 $0x151D, v0;
	v1 =	vld [tilespmem:$0xF60];
	_ =	sdelay $0x4  }
0x30d: {  	[tilespmem:v2+s1+$0x0] =	vst.idx.msk $0xffff, v1  }
0x30e: {  	v2 =	vadd.s32 $0x189D, v0;
	v1 =	vld [tilespmem:$0xF70];
	_ =	sdelay $0x4  }
0x30f: {  	[tilespmem:v2+s1+$0x0] =	vst.idx.msk $0xffff, v1  }
0x310: {  	_ =	swait.ge [sflag:s31], $0x80  }
0x311: {  	[sflag:s31] =	ssyncset.done $0x0  }
0x312: {  	[sflag:s31] =	ssyncadd.s32 $0xFFFFFF80  }
0x313: {  	v2 =	vadd.s32 $0x1E, v0;
	v1 =	vld [tilespmem:$0xF80];
	_ =	sdelay $0x4  }
0x314: {  	[tilespmem:v2+s1+$0x0] =	vst.idx.msk $0xffff, v1  }
0x315: {  	v2 =	vadd.s32 $0x39E, v0;
	v1 =	vld [tilespmem:$0xF90];
	_ =	sdelay $0x4  }
0x316: {  	[tilespmem:v2+s1+$0x0] =	vst.idx.msk $0xffff, v1  }
0x317: {  	v2 =	vadd.s32 $0x71E, v0;
	v1 =	vld [tilespmem:$0xFA0];
	_ =	sdelay $0x4  }
0x318: {  	[tilespmem:v2+s1+$0x0] =	vst.idx.msk $0xffff, v1  }
0x319: {  	v2 =	vadd.s32 $0xA9E, v0;
	v1 =	vld [tilespmem:$0xFB0];
	_ =	sdelay $0x4  }
0x31a: {  	[tilespmem:v2+s1+$0x0] =	vst.idx.msk $0xffff, v1  }
0x31b: {  	v2 =	vadd.s32 $0xE1E, v0;
	v1 =	vld [tilespmem:$0xFC0];
	_ =	sdelay $0x4  }
0x31c: {  	[tilespmem:v2+s1+$0x0] =	vst.idx.msk $0xffff, v1  }
0x31d: {  	v2 =	vadd.s32 $0x119E, v0;
	v1 =	vld [tilespmem:$0xFD0];
	_ =	sdelay $0x4  }
0x31e: {  	[tilespmem:v2+s1+$0x0] =	vst.idx.msk $0xffff, v1  }
0x31f: {  	v2 =	vadd.s32 $0x151E, v0;
	v1 =	vld [tilespmem:$0xFE0];
	_ =	sdelay $0x4  }
0x320: {  	[tilespmem:v2+s1+$0x0] =	vst.idx.msk $0xffff, v1  }
0x321: {  	v2 =	vadd.s32 $0x189E, v0;
	v1 =	vld [tilespmem:$0xFF0];
	_ =	sdelay $0x4  }
0x322: {  	[tilespmem:v2+s1+$0x0] =	vst.idx.msk $0xffff, v1  }
0x323: {  	_ =	swait.ge [sflag:s31], $0x80  }
0x324: {  	[sflag:s31] =	ssyncset.done $0x0  }
0x325: {  	[sflag:s31] =	ssyncadd.s32 $0xFFFFFF80  }
0x326: {  	v2 =	vadd.s32 $0x1F, v0;
	v1 =	vld [tilespmem:$0x1000];
	_ =	sdelay $0x4  }
0x327: {  	[tilespmem:v2+s1+$0x0] =	vst.idx.msk $0xffff, v1  }
0x328: {  	v2 =	vadd.s32 $0x39F, v0;
	v1 =	vld [tilespmem:$0x1010];
	_ =	sdelay $0x4  }
0x329: {  	[tilespmem:v2+s1+$0x0] =	vst.idx.msk $0xffff, v1  }
0x32a: {  	v2 =	vadd.s32 $0x71F, v0;
	v1 =	vld [tilespmem:$0x1020];
	_ =	sdelay $0x4  }
0x32b: {  	[tilespmem:v2+s1+$0x0] =	vst.idx.msk $0xffff, v1  }
0x32c: {  	v2 =	vadd.s32 $0xA9F, v0;
	v1 =	vld [tilespmem:$0x1030];
	_ =	sdelay $0x4  }
0x32d: {  	[tilespmem:v2+s1+$0x0] =	vst.idx.msk $0xffff, v1  }
0x32e: {  	v2 =	vadd.s32 $0xE1F, v0;
	v1 =	vld [tilespmem:$0x1040];
	_ =	sdelay $0x4  }
0x32f: {  	[tilespmem:v2+s1+$0x0] =	vst.idx.msk $0xffff, v1  }
0x330: {  	v2 =	vadd.s32 $0x119F, v0;
	v1 =	vld [tilespmem:$0x1050];
	_ =	sdelay $0x4  }
0x331: {  	[tilespmem:v2+s1+$0x0] =	vst.idx.msk $0xffff, v1  }
0x332: {  	v2 =	vadd.s32 $0x151F, v0;
	v1 =	vld [tilespmem:$0x1060];
	_ =	sdelay $0x4  }
0x333: {  	[tilespmem:v2+s1+$0x0] =	vst.idx.msk $0xffff, v1  }
0x334: {  	v2 =	vadd.s32 $0x189F, v0;
	v1 =	vld [tilespmem:$0x1070];
	_ =	sdelay $0x4  }
0x335: {  	[tilespmem:v2+s1+$0x0] =	vst.idx.msk $0xffff, v1  }
0x336: {  	_ =	swait.ge [sflag:s31], $0x80  }
0x337: {  	[sflag:s31] =	ssyncset.done $0x0  }
0x338: {  	[sflag:s31] =	ssyncadd.s32 $0xFFFFFF80  }
0x339: {  	v2 =	vadd.s32 $0x20, v0;
	v1 =	vld [tilespmem:$0x1080];
	_ =	sdelay $0x4  }
0x33a: {  	[tilespmem:v2+s1+$0x0] =	vst.idx.msk $0xffff, v1  }
0x33b: {  	v2 =	vadd.s32 $0x3A0, v0;
	v1 =	vld [tilespmem:$0x1090];
	_ =	sdelay $0x4  }
0x33c: {  	[tilespmem:v2+s1+$0x0] =	vst.idx.msk $0xffff, v1  }
0x33d: {  	v2 =	vadd.s32 $0x720, v0;
	v1 =	vld [tilespmem:$0x10A0];
	_ =	sdelay $0x4  }
0x33e: {  	[tilespmem:v2+s1+$0x0] =	vst.idx.msk $0xffff, v1  }
0x33f: {  	v2 =	vadd.s32 $0xAA0, v0;
	v1 =	vld [tilespmem:$0x10B0];
	_ =	sdelay $0x4  }
0x340: {  	[tilespmem:v2+s1+$0x0] =	vst.idx.msk $0xffff, v1  }
0x341: {  	v2 =	vadd.s32 $0xE20, v0;
	v1 =	vld [tilespmem:$0x10C0];
	_ =	sdelay $0x4  }
0x342: {  	[tilespmem:v2+s1+$0x0] =	vst.idx.msk $0xffff, v1  }
0x343: {  	v2 =	vadd.s32 $0x11A0, v0;
	v1 =	vld [tilespmem:$0x10D0];
	_ =	sdelay $0x4  }
0x344: {  	[tilespmem:v2+s1+$0x0] =	vst.idx.msk $0xffff, v1  }
0x345: {  	v2 =	vadd.s32 $0x1520, v0;
	v1 =	vld [tilespmem:$0x10E0];
	_ =	sdelay $0x4  }
0x346: {  	[tilespmem:v2+s1+$0x0] =	vst.idx.msk $0xffff, v1  }
0x347: {  	v2 =	vadd.s32 $0x18A0, v0;
	v1 =	vld [tilespmem:$0x10F0];
	_ =	sdelay $0x4  }
0x348: {  	[tilespmem:v2+s1+$0x0] =	vst.idx.msk $0xffff, v1  }
0x349: {  	_ =	swait.ge [sflag:s31], $0x80  }
0x34a: {  	[sflag:s31] =	ssyncset.done $0x0  }
0x34b: {  	[sflag:s31] =	ssyncadd.s32 $0xFFFFFF80  }
0x34c: {  	v2 =	vadd.s32 $0x21, v0;
	v1 =	vld [tilespmem:$0x1100];
	_ =	sdelay $0x4  }
0x34d: {  	[tilespmem:v2+s1+$0x0] =	vst.idx.msk $0xffff, v1  }
0x34e: {  	v2 =	vadd.s32 $0x3A1, v0;
	v1 =	vld [tilespmem:$0x1110];
	_ =	sdelay $0x4  }
0x34f: {  	[tilespmem:v2+s1+$0x0] =	vst.idx.msk $0xffff, v1  }
0x350: {  	v2 =	vadd.s32 $0x721, v0;
	v1 =	vld [tilespmem:$0x1120];
	_ =	sdelay $0x4  }
0x351: {  	[tilespmem:v2+s1+$0x0] =	vst.idx.msk $0xffff, v1  }
0x352: {  	v2 =	vadd.s32 $0xAA1, v0;
	v1 =	vld [tilespmem:$0x1130];
	_ =	sdelay $0x4  }
0x353: {  	[tilespmem:v2+s1+$0x0] =	vst.idx.msk $0xffff, v1  }
0x354: {  	v2 =	vadd.s32 $0xE21, v0;
	v1 =	vld [tilespmem:$0x1140];
	_ =	sdelay $0x4  }
0x355: {  	[tilespmem:v2+s1+$0x0] =	vst.idx.msk $0xffff, v1  }
0x356: {  	v2 =	vadd.s32 $0x11A1, v0;
	v1 =	vld [tilespmem:$0x1150];
	_ =	sdelay $0x4  }
0x357: {  	[tilespmem:v2+s1+$0x0] =	vst.idx.msk $0xffff, v1  }
0x358: {  	v2 =	vadd.s32 $0x1521, v0;
	v1 =	vld [tilespmem:$0x1160];
	_ =	sdelay $0x4  }
0x359: {  	[tilespmem:v2+s1+$0x0] =	vst.idx.msk $0xffff, v1  }
0x35a: {  	v2 =	vadd.s32 $0x18A1, v0;
	v1 =	vld [tilespmem:$0x1170];
	_ =	sdelay $0x4  }
0x35b: {  	[tilespmem:v2+s1+$0x0] =	vst.idx.msk $0xffff, v1  }
0x35c: {  	_ =	swait.ge [sflag:s31], $0x80  }
0x35d: {  	[sflag:s31] =	ssyncset.done $0x0  }
0x35e: {  	[sflag:s31] =	ssyncadd.s32 $0xFFFFFF80  }
0x35f: {  	v2 =	vadd.s32 $0x22, v0;
	v1 =	vld [tilespmem:$0x1180];
	_ =	sdelay $0x4  }
0x360: {  	[tilespmem:v2+s1+$0x0] =	vst.idx.msk $0xffff, v1  }
0x361: {  	v2 =	vadd.s32 $0x3A2, v0;
	v1 =	vld [tilespmem:$0x1190];
	_ =	sdelay $0x4  }
0x362: {  	[tilespmem:v2+s1+$0x0] =	vst.idx.msk $0xffff, v1  }
0x363: {  	v2 =	vadd.s32 $0x722, v0;
	v1 =	vld [tilespmem:$0x11A0];
	_ =	sdelay $0x4  }
0x364: {  	[tilespmem:v2+s1+$0x0] =	vst.idx.msk $0xffff, v1  }
0x365: {  	v2 =	vadd.s32 $0xAA2, v0;
	v1 =	vld [tilespmem:$0x11B0];
	_ =	sdelay $0x4  }
0x366: {  	[tilespmem:v2+s1+$0x0] =	vst.idx.msk $0xffff, v1  }
0x367: {  	v2 =	vadd.s32 $0xE22, v0;
	v1 =	vld [tilespmem:$0x11C0];
	_ =	sdelay $0x4  }
0x368: {  	[tilespmem:v2+s1+$0x0] =	vst.idx.msk $0xffff, v1  }
0x369: {  	v2 =	vadd.s32 $0x11A2, v0;
	v1 =	vld [tilespmem:$0x11D0];
	_ =	sdelay $0x4  }
0x36a: {  	[tilespmem:v2+s1+$0x0] =	vst.idx.msk $0xffff, v1  }
0x36b: {  	v2 =	vadd.s32 $0x1522, v0;
	v1 =	vld [tilespmem:$0x11E0];
	_ =	sdelay $0x4  }
0x36c: {  	[tilespmem:v2+s1+$0x0] =	vst.idx.msk $0xffff, v1  }
0x36d: {  	v2 =	vadd.s32 $0x18A2, v0;
	v1 =	vld [tilespmem:$0x11F0];
	_ =	sdelay $0x4  }
0x36e: {  	[tilespmem:v2+s1+$0x0] =	vst.idx.msk $0xffff, v1  }
0x36f: {  	_ =	swait.ge [sflag:s31], $0x80  }
0x370: {  	[sflag:s31] =	ssyncset.done $0x0  }
0x371: {  	[sflag:s31] =	ssyncadd.s32 $0xFFFFFF80  }
0x372: {  	v2 =	vadd.s32 $0x23, v0;
	v1 =	vld [tilespmem:$0x1200];
	_ =	sdelay $0x4  }
0x373: {  	[tilespmem:v2+s1+$0x0] =	vst.idx.msk $0xffff, v1  }
0x374: {  	v2 =	vadd.s32 $0x3A3, v0;
	v1 =	vld [tilespmem:$0x1210];
	_ =	sdelay $0x4  }
0x375: {  	[tilespmem:v2+s1+$0x0] =	vst.idx.msk $0xffff, v1  }
0x376: {  	v2 =	vadd.s32 $0x723, v0;
	v1 =	vld [tilespmem:$0x1220];
	_ =	sdelay $0x4  }
0x377: {  	[tilespmem:v2+s1+$0x0] =	vst.idx.msk $0xffff, v1  }
0x378: {  	v2 =	vadd.s32 $0xAA3, v0;
	v1 =	vld [tilespmem:$0x1230];
	_ =	sdelay $0x4  }
0x379: {  	[tilespmem:v2+s1+$0x0] =	vst.idx.msk $0xffff, v1  }
0x37a: {  	v2 =	vadd.s32 $0xE23, v0;
	v1 =	vld [tilespmem:$0x1240];
	_ =	sdelay $0x4  }
0x37b: {  	[tilespmem:v2+s1+$0x0] =	vst.idx.msk $0xffff, v1  }
0x37c: {  	v2 =	vadd.s32 $0x11A3, v0;
	v1 =	vld [tilespmem:$0x1250];
	_ =	sdelay $0x4  }
0x37d: {  	[tilespmem:v2+s1+$0x0] =	vst.idx.msk $0xffff, v1  }
0x37e: {  	v2 =	vadd.s32 $0x1523, v0;
	v1 =	vld [tilespmem:$0x1260];
	_ =	sdelay $0x4  }
0x37f: {  	[tilespmem:v2+s1+$0x0] =	vst.idx.msk $0xffff, v1  }
0x380: {  	v2 =	vadd.s32 $0x18A3, v0;
	v1 =	vld [tilespmem:$0x1270];
	_ =	sdelay $0x4  }
0x381: {  	[tilespmem:v2+s1+$0x0] =	vst.idx.msk $0xffff, v1  }
0x382: {  	_ =	swait.ge [sflag:s31], $0x80  }
0x383: {  	[sflag:s31] =	ssyncset.done $0x0  }
0x384: {  	[sflag:s31] =	ssyncadd.s32 $0xFFFFFF80  }
0x385: {  	v2 =	vadd.s32 $0x24, v0;
	v1 =	vld [tilespmem:$0x1280];
	_ =	sdelay $0x4  }
0x386: {  	[tilespmem:v2+s1+$0x0] =	vst.idx.msk $0xffff, v1  }
0x387: {  	v2 =	vadd.s32 $0x3A4, v0;
	v1 =	vld [tilespmem:$0x1290];
	_ =	sdelay $0x4  }
0x388: {  	[tilespmem:v2+s1+$0x0] =	vst.idx.msk $0xffff, v1  }
0x389: {  	v2 =	vadd.s32 $0x724, v0;
	v1 =	vld [tilespmem:$0x12A0];
	_ =	sdelay $0x4  }
0x38a: {  	[tilespmem:v2+s1+$0x0] =	vst.idx.msk $0xffff, v1  }
0x38b: {  	v2 =	vadd.s32 $0xAA4, v0;
	v1 =	vld [tilespmem:$0x12B0];
	_ =	sdelay $0x4  }
0x38c: {  	[tilespmem:v2+s1+$0x0] =	vst.idx.msk $0xffff, v1  }
0x38d: {  	v2 =	vadd.s32 $0xE24, v0;
	v1 =	vld [tilespmem:$0x12C0];
	_ =	sdelay $0x4  }
0x38e: {  	[tilespmem:v2+s1+$0x0] =	vst.idx.msk $0xffff, v1  }
0x38f: {  	v2 =	vadd.s32 $0x11A4, v0;
	v1 =	vld [tilespmem:$0x12D0];
	_ =	sdelay $0x4  }
0x390: {  	[tilespmem:v2+s1+$0x0] =	vst.idx.msk $0xffff, v1  }
0x391: {  	v2 =	vadd.s32 $0x1524, v0;
	v1 =	vld [tilespmem:$0x12E0];
	_ =	sdelay $0x4  }
0x392: {  	[tilespmem:v2+s1+$0x0] =	vst.idx.msk $0xffff, v1  }
0x393: {  	v2 =	vadd.s32 $0x18A4, v0;
	v1 =	vld [tilespmem:$0x12F0];
	_ =	sdelay $0x4  }
0x394: {  	[tilespmem:v2+s1+$0x0] =	vst.idx.msk $0xffff, v1  }
0x395: {  	_ =	swait.ge [sflag:s31], $0x80  }
0x396: {  	[sflag:s31] =	ssyncset.done $0x0  }
0x397: {  	[sflag:s31] =	ssyncadd.s32 $0xFFFFFF80  }
0x398: {  	v2 =	vadd.s32 $0x25, v0;
	v1 =	vld [tilespmem:$0x1300];
	_ =	sdelay $0x4  }
0x399: {  	[tilespmem:v2+s1+$0x0] =	vst.idx.msk $0xffff, v1  }
0x39a: {  	v2 =	vadd.s32 $0x3A5, v0;
	v1 =	vld [tilespmem:$0x1310];
	_ =	sdelay $0x4  }
0x39b: {  	[tilespmem:v2+s1+$0x0] =	vst.idx.msk $0xffff, v1  }
0x39c: {  	v2 =	vadd.s32 $0x725, v0;
	v1 =	vld [tilespmem:$0x1320];
	_ =	sdelay $0x4  }
0x39d: {  	[tilespmem:v2+s1+$0x0] =	vst.idx.msk $0xffff, v1  }
0x39e: {  	v2 =	vadd.s32 $0xAA5, v0;
	v1 =	vld [tilespmem:$0x1330];
	_ =	sdelay $0x4  }
0x39f: {  	[tilespmem:v2+s1+$0x0] =	vst.idx.msk $0xffff, v1  }
0x3a0: {  	v2 =	vadd.s32 $0xE25, v0;
	v1 =	vld [tilespmem:$0x1340];
	_ =	sdelay $0x4  }
0x3a1: {  	[tilespmem:v2+s1+$0x0] =	vst.idx.msk $0xffff, v1  }
0x3a2: {  	v2 =	vadd.s32 $0x11A5, v0;
	v1 =	vld [tilespmem:$0x1350];
	_ =	sdelay $0x4  }
0x3a3: {  	[tilespmem:v2+s1+$0x0] =	vst.idx.msk $0xffff, v1  }
0x3a4: {  	v2 =	vadd.s32 $0x1525, v0;
	v1 =	vld [tilespmem:$0x1360];
	_ =	sdelay $0x4  }
0x3a5: {  	[tilespmem:v2+s1+$0x0] =	vst.idx.msk $0xffff, v1  }
0x3a6: {  	v2 =	vadd.s32 $0x18A5, v0;
	v1 =	vld [tilespmem:$0x1370];
	_ =	sdelay $0x4  }
0x3a7: {  	[tilespmem:v2+s1+$0x0] =	vst.idx.msk $0xffff, v1  }
0x3a8: {  	_ =	swait.ge [sflag:s31], $0x80  }
0x3a9: {  	[sflag:s31] =	ssyncset.done $0x0  }
0x3aa: {  	[sflag:s31] =	ssyncadd.s32 $0xFFFFFF80  }
0x3ab: {  	v2 =	vadd.s32 $0x26, v0;
	v1 =	vld [tilespmem:$0x1380];
	_ =	sdelay $0x4  }
0x3ac: {  	[tilespmem:v2+s1+$0x0] =	vst.idx.msk $0xffff, v1  }
0x3ad: {  	v2 =	vadd.s32 $0x3A6, v0;
	v1 =	vld [tilespmem:$0x1390];
	_ =	sdelay $0x4  }
0x3ae: {  	[tilespmem:v2+s1+$0x0] =	vst.idx.msk $0xffff, v1  }
0x3af: {  	v2 =	vadd.s32 $0x726, v0;
	v1 =	vld [tilespmem:$0x13A0];
	_ =	sdelay $0x4  }
0x3b0: {  	[tilespmem:v2+s1+$0x0] =	vst.idx.msk $0xffff, v1  }
0x3b1: {  	v2 =	vadd.s32 $0xAA6, v0;
	v1 =	vld [tilespmem:$0x13B0];
	_ =	sdelay $0x4  }
0x3b2: {  	[tilespmem:v2+s1+$0x0] =	vst.idx.msk $0xffff, v1  }
0x3b3: {  	v2 =	vadd.s32 $0xE26, v0;
	v1 =	vld [tilespmem:$0x13C0];
	_ =	sdelay $0x4  }
0x3b4: {  	[tilespmem:v2+s1+$0x0] =	vst.idx.msk $0xffff, v1  }
0x3b5: {  	v2 =	vadd.s32 $0x11A6, v0;
	v1 =	vld [tilespmem:$0x13D0];
	_ =	sdelay $0x4  }
0x3b6: {  	[tilespmem:v2+s1+$0x0] =	vst.idx.msk $0xffff, v1  }
0x3b7: {  	v2 =	vadd.s32 $0x1526, v0;
	v1 =	vld [tilespmem:$0x13E0];
	_ =	sdelay $0x4  }
0x3b8: {  	[tilespmem:v2+s1+$0x0] =	vst.idx.msk $0xffff, v1  }
0x3b9: {  	v2 =	vadd.s32 $0x18A6, v0;
	v1 =	vld [tilespmem:$0x13F0];
	_ =	sdelay $0x4  }
0x3ba: {  	[tilespmem:v2+s1+$0x0] =	vst.idx.msk $0xffff, v1  }
0x3bb: {  	_ =	swait.ge [sflag:s31], $0x80  }
0x3bc: {  	[sflag:s31] =	ssyncset.done $0x0  }
0x3bd: {  	[sflag:s31] =	ssyncadd.s32 $0xFFFFFF80  }
0x3be: {  	v2 =	vadd.s32 $0x27, v0;
	v1 =	vld [tilespmem:$0x1400];
	_ =	sdelay $0x4  }
0x3bf: {  	[tilespmem:v2+s1+$0x0] =	vst.idx.msk $0xffff, v1  }
0x3c0: {  	v2 =	vadd.s32 $0x3A7, v0;
	v1 =	vld [tilespmem:$0x1410];
	_ =	sdelay $0x4  }
0x3c1: {  	[tilespmem:v2+s1+$0x0] =	vst.idx.msk $0xffff, v1  }
0x3c2: {  	v2 =	vadd.s32 $0x727, v0;
	v1 =	vld [tilespmem:$0x1420];
	_ =	sdelay $0x4  }
0x3c3: {  	[tilespmem:v2+s1+$0x0] =	vst.idx.msk $0xffff, v1  }
0x3c4: {  	v2 =	vadd.s32 $0xAA7, v0;
	v1 =	vld [tilespmem:$0x1430];
	_ =	sdelay $0x4  }
0x3c5: {  	[tilespmem:v2+s1+$0x0] =	vst.idx.msk $0xffff, v1  }
0x3c6: {  	v2 =	vadd.s32 $0xE27, v0;
	v1 =	vld [tilespmem:$0x1440];
	_ =	sdelay $0x4  }
0x3c7: {  	[tilespmem:v2+s1+$0x0] =	vst.idx.msk $0xffff, v1  }
0x3c8: {  	v2 =	vadd.s32 $0x11A7, v0;
	v1 =	vld [tilespmem:$0x1450];
	_ =	sdelay $0x4  }
0x3c9: {  	[tilespmem:v2+s1+$0x0] =	vst.idx.msk $0xffff, v1  }
0x3ca: {  	v2 =	vadd.s32 $0x1527, v0;
	v1 =	vld [tilespmem:$0x1460];
	_ =	sdelay $0x4  }
0x3cb: {  	[tilespmem:v2+s1+$0x0] =	vst.idx.msk $0xffff, v1  }
0x3cc: {  	v2 =	vadd.s32 $0x18A7, v0;
	v1 =	vld [tilespmem:$0x1470];
	_ =	sdelay $0x4  }
0x3cd: {  	[tilespmem:v2+s1+$0x0] =	vst.idx.msk $0xffff, v1  }
0x3ce: {  	_ =	swait.ge [sflag:s31], $0x80  }
0x3cf: {  	[sflag:s31] =	ssyncset.done $0x0  }
0x3d0: {  	[sflag:s31] =	ssyncadd.s32 $0xFFFFFF80  }
0x3d1: {  	v2 =	vadd.s32 $0x28, v0;
	v1 =	vld [tilespmem:$0x1480];
	_ =	sdelay $0x4  }
0x3d2: {  	[tilespmem:v2+s1+$0x0] =	vst.idx.msk $0xffff, v1  }
0x3d3: {  	v2 =	vadd.s32 $0x3A8, v0;
	v1 =	vld [tilespmem:$0x1490];
	_ =	sdelay $0x4  }
0x3d4: {  	[tilespmem:v2+s1+$0x0] =	vst.idx.msk $0xffff, v1  }
0x3d5: {  	v2 =	vadd.s32 $0x728, v0;
	v1 =	vld [tilespmem:$0x14A0];
	_ =	sdelay $0x4  }
0x3d6: {  	[tilespmem:v2+s1+$0x0] =	vst.idx.msk $0xffff, v1  }
0x3d7: {  	v2 =	vadd.s32 $0xAA8, v0;
	v1 =	vld [tilespmem:$0x14B0];
	_ =	sdelay $0x4  }
0x3d8: {  	[tilespmem:v2+s1+$0x0] =	vst.idx.msk $0xffff, v1  }
0x3d9: {  	v2 =	vadd.s32 $0xE28, v0;
	v1 =	vld [tilespmem:$0x14C0];
	_ =	sdelay $0x4  }
0x3da: {  	[tilespmem:v2+s1+$0x0] =	vst.idx.msk $0xffff, v1  }
0x3db: {  	v2 =	vadd.s32 $0x11A8, v0;
	v1 =	vld [tilespmem:$0x14D0];
	_ =	sdelay $0x4  }
0x3dc: {  	[tilespmem:v2+s1+$0x0] =	vst.idx.msk $0xffff, v1  }
0x3dd: {  	v2 =	vadd.s32 $0x1528, v0;
	v1 =	vld [tilespmem:$0x14E0];
	_ =	sdelay $0x4  }
0x3de: {  	[tilespmem:v2+s1+$0x0] =	vst.idx.msk $0xffff, v1  }
0x3df: {  	v2 =	vadd.s32 $0x18A8, v0;
	v1 =	vld [tilespmem:$0x14F0];
	_ =	sdelay $0x4  }
0x3e0: {  	[tilespmem:v2+s1+$0x0] =	vst.idx.msk $0xffff, v1  }
0x3e1: {  	_ =	swait.ge [sflag:s31], $0x80  }
0x3e2: {  	[sflag:s31] =	ssyncset.done $0x0  }
0x3e3: {  	[sflag:s31] =	ssyncadd.s32 $0xFFFFFF80  }
0x3e4: {  	v2 =	vadd.s32 $0x29, v0;
	v1 =	vld [tilespmem:$0x1500];
	_ =	sdelay $0x4  }
0x3e5: {  	[tilespmem:v2+s1+$0x0] =	vst.idx.msk $0xffff, v1  }
0x3e6: {  	v2 =	vadd.s32 $0x3A9, v0;
	v1 =	vld [tilespmem:$0x1510];
	_ =	sdelay $0x4  }
0x3e7: {  	[tilespmem:v2+s1+$0x0] =	vst.idx.msk $0xffff, v1  }
0x3e8: {  	v2 =	vadd.s32 $0x729, v0;
	v1 =	vld [tilespmem:$0x1520];
	_ =	sdelay $0x4  }
0x3e9: {  	[tilespmem:v2+s1+$0x0] =	vst.idx.msk $0xffff, v1  }
0x3ea: {  	v2 =	vadd.s32 $0xAA9, v0;
	v1 =	vld [tilespmem:$0x1530];
	_ =	sdelay $0x4  }
0x3eb: {  	[tilespmem:v2+s1+$0x0] =	vst.idx.msk $0xffff, v1  }
0x3ec: {  	v2 =	vadd.s32 $0xE29, v0;
	v1 =	vld [tilespmem:$0x1540];
	_ =	sdelay $0x4  }
0x3ed: {  	[tilespmem:v2+s1+$0x0] =	vst.idx.msk $0xffff, v1  }
0x3ee: {  	v2 =	vadd.s32 $0x11A9, v0;
	v1 =	vld [tilespmem:$0x1550];
	_ =	sdelay $0x4  }
0x3ef: {  	[tilespmem:v2+s1+$0x0] =	vst.idx.msk $0xffff, v1  }
0x3f0: {  	v2 =	vadd.s32 $0x1529, v0;
	v1 =	vld [tilespmem:$0x1560];
	_ =	sdelay $0x4  }
0x3f1: {  	[tilespmem:v2+s1+$0x0] =	vst.idx.msk $0xffff, v1  }
0x3f2: {  	v2 =	vadd.s32 $0x18A9, v0;
	v1 =	vld [tilespmem:$0x1570];
	_ =	sdelay $0x4  }
0x3f3: {  	[tilespmem:v2+s1+$0x0] =	vst.idx.msk $0xffff, v1  }
0x3f4: {  	_ =	swait.ge [sflag:s31], $0x80  }
0x3f5: {  	[sflag:s31] =	ssyncset.done $0x0  }
0x3f6: {  	[sflag:s31] =	ssyncadd.s32 $0xFFFFFF80  }
0x3f7: {  	v2 =	vadd.s32 $0x2A, v0;
	v1 =	vld [tilespmem:$0x1580];
	_ =	sdelay $0x4  }
0x3f8: {  	[tilespmem:v2+s1+$0x0] =	vst.idx.msk $0xffff, v1  }
0x3f9: {  	v2 =	vadd.s32 $0x3AA, v0;
	v1 =	vld [tilespmem:$0x1590];
	_ =	sdelay $0x4  }
0x3fa: {  	[tilespmem:v2+s1+$0x0] =	vst.idx.msk $0xffff, v1  }
0x3fb: {  	v2 =	vadd.s32 $0x72A, v0;
	v1 =	vld [tilespmem:$0x15A0];
	_ =	sdelay $0x4  }
0x3fc: {  	[tilespmem:v2+s1+$0x0] =	vst.idx.msk $0xffff, v1  }
0x3fd: {  	v2 =	vadd.s32 $0xAAA, v0;
	v1 =	vld [tilespmem:$0x15B0];
	_ =	sdelay $0x4  }
0x3fe: {  	[tilespmem:v2+s1+$0x0] =	vst.idx.msk $0xffff, v1  }
0x3ff: {  	v2 =	vadd.s32 $0xE2A, v0;
	v1 =	vld [tilespmem:$0x15C0];
	_ =	sdelay $0x4  }
0x400: {  	[tilespmem:v2+s1+$0x0] =	vst.idx.msk $0xffff, v1  }
0x401: {  	v2 =	vadd.s32 $0x11AA, v0;
	v1 =	vld [tilespmem:$0x15D0];
	_ =	sdelay $0x4  }
0x402: {  	[tilespmem:v2+s1+$0x0] =	vst.idx.msk $0xffff, v1  }
0x403: {  	v2 =	vadd.s32 $0x152A, v0;
	v1 =	vld [tilespmem:$0x15E0];
	_ =	sdelay $0x4  }
0x404: {  	[tilespmem:v2+s1+$0x0] =	vst.idx.msk $0xffff, v1  }
0x405: {  	v2 =	vadd.s32 $0x18AA, v0;
	v1 =	vld [tilespmem:$0x15F0];
	_ =	sdelay $0x4  }
0x406: {  	[tilespmem:v2+s1+$0x0] =	vst.idx.msk $0xffff, v1  }
0x407: {  	_ =	swait.ge [sflag:s31], $0x80  }
0x408: {  	[sflag:s31] =	ssyncset.done $0x0  }
0x409: {  	[sflag:s31] =	ssyncadd.s32 $0xFFFFFF80  }
0x40a: {  	v2 =	vadd.s32 $0x2B, v0;
	v1 =	vld [tilespmem:$0x1600];
	_ =	sdelay $0x4  }
0x40b: {  	[tilespmem:v2+s1+$0x0] =	vst.idx.msk $0xffff, v1  }
0x40c: {  	v2 =	vadd.s32 $0x3AB, v0;
	v1 =	vld [tilespmem:$0x1610];
	_ =	sdelay $0x4  }
0x40d: {  	[tilespmem:v2+s1+$0x0] =	vst.idx.msk $0xffff, v1  }
0x40e: {  	v2 =	vadd.s32 $0x72B, v0;
	v1 =	vld [tilespmem:$0x1620];
	_ =	sdelay $0x4  }
0x40f: {  	[tilespmem:v2+s1+$0x0] =	vst.idx.msk $0xffff, v1  }
0x410: {  	v2 =	vadd.s32 $0xAAB, v0;
	v1 =	vld [tilespmem:$0x1630];
	_ =	sdelay $0x4  }
0x411: {  	[tilespmem:v2+s1+$0x0] =	vst.idx.msk $0xffff, v1  }
0x412: {  	v2 =	vadd.s32 $0xE2B, v0;
	v1 =	vld [tilespmem:$0x1640];
	_ =	sdelay $0x4  }
0x413: {  	[tilespmem:v2+s1+$0x0] =	vst.idx.msk $0xffff, v1  }
0x414: {  	v2 =	vadd.s32 $0x11AB, v0;
	v1 =	vld [tilespmem:$0x1650];
	_ =	sdelay $0x4  }
0x415: {  	[tilespmem:v2+s1+$0x0] =	vst.idx.msk $0xffff, v1  }
0x416: {  	v2 =	vadd.s32 $0x152B, v0;
	v1 =	vld [tilespmem:$0x1660];
	_ =	sdelay $0x4  }
0x417: {  	[tilespmem:v2+s1+$0x0] =	vst.idx.msk $0xffff, v1  }
0x418: {  	v2 =	vadd.s32 $0x18AB, v0;
	v1 =	vld [tilespmem:$0x1670];
	_ =	sdelay $0x4  }
0x419: {  	[tilespmem:v2+s1+$0x0] =	vst.idx.msk $0xffff, v1  }
0x41a: {  	_ =	swait.ge [sflag:s31], $0x80  }
0x41b: {  	[sflag:s31] =	ssyncset.done $0x0  }
0x41c: {  	[sflag:s31] =	ssyncadd.s32 $0xFFFFFF80  }
0x41d: {  	v2 =	vadd.s32 $0x2C, v0;
	v1 =	vld [tilespmem:$0x1680];
	_ =	sdelay $0x4  }
0x41e: {  	[tilespmem:v2+s1+$0x0] =	vst.idx.msk $0xffff, v1  }
0x41f: {  	v2 =	vadd.s32 $0x3AC, v0;
	v1 =	vld [tilespmem:$0x1690];
	_ =	sdelay $0x4  }
0x420: {  	[tilespmem:v2+s1+$0x0] =	vst.idx.msk $0xffff, v1  }
0x421: {  	v2 =	vadd.s32 $0x72C, v0;
	v1 =	vld [tilespmem:$0x16A0];
	_ =	sdelay $0x4  }
0x422: {  	[tilespmem:v2+s1+$0x0] =	vst.idx.msk $0xffff, v1  }
0x423: {  	v2 =	vadd.s32 $0xAAC, v0;
	v1 =	vld [tilespmem:$0x16B0];
	_ =	sdelay $0x4  }
0x424: {  	[tilespmem:v2+s1+$0x0] =	vst.idx.msk $0xffff, v1  }
0x425: {  	v2 =	vadd.s32 $0xE2C, v0;
	v1 =	vld [tilespmem:$0x16C0];
	_ =	sdelay $0x4  }
0x426: {  	[tilespmem:v2+s1+$0x0] =	vst.idx.msk $0xffff, v1  }
0x427: {  	v2 =	vadd.s32 $0x11AC, v0;
	v1 =	vld [tilespmem:$0x16D0];
	_ =	sdelay $0x4  }
0x428: {  	[tilespmem:v2+s1+$0x0] =	vst.idx.msk $0xffff, v1  }
0x429: {  	v2 =	vadd.s32 $0x152C, v0;
	v1 =	vld [tilespmem:$0x16E0];
	_ =	sdelay $0x4  }
0x42a: {  	[tilespmem:v2+s1+$0x0] =	vst.idx.msk $0xffff, v1  }
0x42b: {  	v2 =	vadd.s32 $0x18AC, v0;
	v1 =	vld [tilespmem:$0x16F0];
	_ =	sdelay $0x4  }
0x42c: {  	[tilespmem:v2+s1+$0x0] =	vst.idx.msk $0xffff, v1  }
0x42d: {  	_ =	swait.ge [sflag:s31], $0x80  }
0x42e: {  	[sflag:s31] =	ssyncset.done $0x0  }
0x42f: {  	[sflag:s31] =	ssyncadd.s32 $0xFFFFFF80  }
0x430: {  	v2 =	vadd.s32 $0x2D, v0;
	v1 =	vld [tilespmem:$0x1700];
	_ =	sdelay $0x4  }
0x431: {  	[tilespmem:v2+s1+$0x0] =	vst.idx.msk $0xffff, v1  }
0x432: {  	v2 =	vadd.s32 $0x3AD, v0;
	v1 =	vld [tilespmem:$0x1710];
	_ =	sdelay $0x4  }
0x433: {  	[tilespmem:v2+s1+$0x0] =	vst.idx.msk $0xffff, v1  }
0x434: {  	v2 =	vadd.s32 $0x72D, v0;
	v1 =	vld [tilespmem:$0x1720];
	_ =	sdelay $0x4  }
0x435: {  	[tilespmem:v2+s1+$0x0] =	vst.idx.msk $0xffff, v1  }
0x436: {  	v2 =	vadd.s32 $0xAAD, v0;
	v1 =	vld [tilespmem:$0x1730];
	_ =	sdelay $0x4  }
0x437: {  	[tilespmem:v2+s1+$0x0] =	vst.idx.msk $0xffff, v1  }
0x438: {  	v2 =	vadd.s32 $0xE2D, v0;
	v1 =	vld [tilespmem:$0x1740];
	_ =	sdelay $0x4  }
0x439: {  	[tilespmem:v2+s1+$0x0] =	vst.idx.msk $0xffff, v1  }
0x43a: {  	v2 =	vadd.s32 $0x11AD, v0;
	v1 =	vld [tilespmem:$0x1750];
	_ =	sdelay $0x4  }
0x43b: {  	[tilespmem:v2+s1+$0x0] =	vst.idx.msk $0xffff, v1  }
0x43c: {  	v2 =	vadd.s32 $0x152D, v0;
	v1 =	vld [tilespmem:$0x1760];
	_ =	sdelay $0x4  }
0x43d: {  	[tilespmem:v2+s1+$0x0] =	vst.idx.msk $0xffff, v1  }
0x43e: {  	v2 =	vadd.s32 $0x18AD, v0;
	v1 =	vld [tilespmem:$0x1770];
	_ =	sdelay $0x4  }
0x43f: {  	[tilespmem:v2+s1+$0x0] =	vst.idx.msk $0xffff, v1  }
0x440: {  	_ =	swait.ge [sflag:s31], $0x80  }
0x441: {  	[sflag:s31] =	ssyncset.done $0x0  }
0x442: {  	[sflag:s31] =	ssyncadd.s32 $0xFFFFFF80  }
0x443: {  	v2 =	vadd.s32 $0x2E, v0;
	v1 =	vld [tilespmem:$0x1780];
	_ =	sdelay $0x4  }
0x444: {  	[tilespmem:v2+s1+$0x0] =	vst.idx.msk $0xffff, v1  }
0x445: {  	v2 =	vadd.s32 $0x3AE, v0;
	v1 =	vld [tilespmem:$0x1790];
	_ =	sdelay $0x4  }
0x446: {  	[tilespmem:v2+s1+$0x0] =	vst.idx.msk $0xffff, v1  }
0x447: {  	v2 =	vadd.s32 $0x72E, v0;
	v1 =	vld [tilespmem:$0x17A0];
	_ =	sdelay $0x4  }
0x448: {  	[tilespmem:v2+s1+$0x0] =	vst.idx.msk $0xffff, v1  }
0x449: {  	v2 =	vadd.s32 $0xAAE, v0;
	v1 =	vld [tilespmem:$0x17B0];
	_ =	sdelay $0x4  }
0x44a: {  	[tilespmem:v2+s1+$0x0] =	vst.idx.msk $0xffff, v1  }
0x44b: {  	v2 =	vadd.s32 $0xE2E, v0;
	v1 =	vld [tilespmem:$0x17C0];
	_ =	sdelay $0x4  }
0x44c: {  	[tilespmem:v2+s1+$0x0] =	vst.idx.msk $0xffff, v1  }
0x44d: {  	v2 =	vadd.s32 $0x11AE, v0;
	v1 =	vld [tilespmem:$0x17D0];
	_ =	sdelay $0x4  }
0x44e: {  	[tilespmem:v2+s1+$0x0] =	vst.idx.msk $0xffff, v1  }
0x44f: {  	v2 =	vadd.s32 $0x152E, v0;
	v1 =	vld [tilespmem:$0x17E0];
	_ =	sdelay $0x4  }
0x450: {  	[tilespmem:v2+s1+$0x0] =	vst.idx.msk $0xffff, v1  }
0x451: {  	v2 =	vadd.s32 $0x18AE, v0;
	v1 =	vld [tilespmem:$0x17F0];
	_ =	sdelay $0x4  }
0x452: {  	[tilespmem:v2+s1+$0x0] =	vst.idx.msk $0xffff, v1  }
0x453: {  	_ =	swait.ge [sflag:s31], $0x80  }
0x454: {  	[sflag:s31] =	ssyncset.done $0x0  }
0x455: {  	[sflag:s31] =	ssyncadd.s32 $0xFFFFFF80  }
0x456: {  	v2 =	vadd.s32 $0x2F, v0;
	v1 =	vld [tilespmem:$0x1800];
	_ =	sdelay $0x4  }
0x457: {  	[tilespmem:v2+s1+$0x0] =	vst.idx.msk $0xffff, v1  }
0x458: {  	v2 =	vadd.s32 $0x3AF, v0;
	v1 =	vld [tilespmem:$0x1810];
	_ =	sdelay $0x4  }
0x459: {  	[tilespmem:v2+s1+$0x0] =	vst.idx.msk $0xffff, v1  }
0x45a: {  	v2 =	vadd.s32 $0x72F, v0;
	v1 =	vld [tilespmem:$0x1820];
	_ =	sdelay $0x4  }
0x45b: {  	[tilespmem:v2+s1+$0x0] =	vst.idx.msk $0xffff, v1  }
0x45c: {  	v2 =	vadd.s32 $0xAAF, v0;
	v1 =	vld [tilespmem:$0x1830];
	_ =	sdelay $0x4  }
0x45d: {  	[tilespmem:v2+s1+$0x0] =	vst.idx.msk $0xffff, v1  }
0x45e: {  	v2 =	vadd.s32 $0xE2F, v0;
	v1 =	vld [tilespmem:$0x1840];
	_ =	sdelay $0x4  }
0x45f: {  	[tilespmem:v2+s1+$0x0] =	vst.idx.msk $0xffff, v1  }
0x460: {  	v2 =	vadd.s32 $0x11AF, v0;
	v1 =	vld [tilespmem:$0x1850];
	_ =	sdelay $0x4  }
0x461: {  	[tilespmem:v2+s1+$0x0] =	vst.idx.msk $0xffff, v1  }
0x462: {  	v2 =	vadd.s32 $0x152F, v0;
	v1 =	vld [tilespmem:$0x1860];
	_ =	sdelay $0x4  }
0x463: {  	[tilespmem:v2+s1+$0x0] =	vst.idx.msk $0xffff, v1  }
0x464: {  	v2 =	vadd.s32 $0x18AF, v0;
	v1 =	vld [tilespmem:$0x1870];
	_ =	sdelay $0x4  }
0x465: {  	[tilespmem:v2+s1+$0x0] =	vst.idx.msk $0xffff, v1  }
0x466: {  	_ =	swait.ge [sflag:s31], $0x80  }
0x467: {  	[sflag:s31] =	ssyncset.done $0x0  }
0x468: {  	[sflag:s31] =	ssyncadd.s32 $0xFFFFFF80  }
0x469: {  	v2 =	vadd.s32 $0x30, v0;
	v1 =	vld [tilespmem:$0x1880];
	_ =	sdelay $0x4  }
0x46a: {  	[tilespmem:v2+s1+$0x0] =	vst.idx.msk $0xffff, v1  }
0x46b: {  	v2 =	vadd.s32 $0x3B0, v0;
	v1 =	vld [tilespmem:$0x1890];
	_ =	sdelay $0x4  }
0x46c: {  	[tilespmem:v2+s1+$0x0] =	vst.idx.msk $0xffff, v1  }
0x46d: {  	v2 =	vadd.s32 $0x730, v0;
	v1 =	vld [tilespmem:$0x18A0];
	_ =	sdelay $0x4  }
0x46e: {  	[tilespmem:v2+s1+$0x0] =	vst.idx.msk $0xffff, v1  }
0x46f: {  	v2 =	vadd.s32 $0xAB0, v0;
	v1 =	vld [tilespmem:$0x18B0];
	_ =	sdelay $0x4  }
0x470: {  	[tilespmem:v2+s1+$0x0] =	vst.idx.msk $0xffff, v1  }
0x471: {  	v2 =	vadd.s32 $0xE30, v0;
	v1 =	vld [tilespmem:$0x18C0];
	_ =	sdelay $0x4  }
0x472: {  	[tilespmem:v2+s1+$0x0] =	vst.idx.msk $0xffff, v1  }
0x473: {  	v2 =	vadd.s32 $0x11B0, v0;
	v1 =	vld [tilespmem:$0x18D0];
	_ =	sdelay $0x4  }
0x474: {  	[tilespmem:v2+s1+$0x0] =	vst.idx.msk $0xffff, v1  }
0x475: {  	v2 =	vadd.s32 $0x1530, v0;
	v1 =	vld [tilespmem:$0x18E0];
	_ =	sdelay $0x4  }
0x476: {  	[tilespmem:v2+s1+$0x0] =	vst.idx.msk $0xffff, v1  }
0x477: {  	v2 =	vadd.s32 $0x18B0, v0;
	v1 =	vld [tilespmem:$0x18F0];
	_ =	sdelay $0x4  }
0x478: {  	[tilespmem:v2+s1+$0x0] =	vst.idx.msk $0xffff, v1  }
0x479: {  	_ =	swait.ge [sflag:s31], $0x80  }
0x47a: {  	[sflag:s31] =	ssyncset.done $0x0  }
0x47b: {  	[sflag:s31] =	ssyncadd.s32 $0xFFFFFF80  }
0x47c: {  	v2 =	vadd.s32 $0x31, v0;
	v1 =	vld [tilespmem:$0x1900];
	_ =	sdelay $0x4  }
0x47d: {  	[tilespmem:v2+s1+$0x0] =	vst.idx.msk $0xffff, v1  }
0x47e: {  	v2 =	vadd.s32 $0x3B1, v0;
	v1 =	vld [tilespmem:$0x1910];
	_ =	sdelay $0x4  }
0x47f: {  	[tilespmem:v2+s1+$0x0] =	vst.idx.msk $0xffff, v1  }
0x480: {  	v2 =	vadd.s32 $0x731, v0;
	v1 =	vld [tilespmem:$0x1920];
	_ =	sdelay $0x4  }
0x481: {  	[tilespmem:v2+s1+$0x0] =	vst.idx.msk $0xffff, v1  }
0x482: {  	v2 =	vadd.s32 $0xAB1, v0;
	v1 =	vld [tilespmem:$0x1930];
	_ =	sdelay $0x4  }
0x483: {  	[tilespmem:v2+s1+$0x0] =	vst.idx.msk $0xffff, v1  }
0x484: {  	v2 =	vadd.s32 $0xE31, v0;
	v1 =	vld [tilespmem:$0x1940];
	_ =	sdelay $0x4  }
0x485: {  	[tilespmem:v2+s1+$0x0] =	vst.idx.msk $0xffff, v1  }
0x486: {  	v2 =	vadd.s32 $0x11B1, v0;
	v1 =	vld [tilespmem:$0x1950];
	_ =	sdelay $0x4  }
0x487: {  	[tilespmem:v2+s1+$0x0] =	vst.idx.msk $0xffff, v1  }
0x488: {  	v2 =	vadd.s32 $0x1531, v0;
	v1 =	vld [tilespmem:$0x1960];
	_ =	sdelay $0x4  }
0x489: {  	[tilespmem:v2+s1+$0x0] =	vst.idx.msk $0xffff, v1  }
0x48a: {  	v2 =	vadd.s32 $0x18B1, v0;
	v1 =	vld [tilespmem:$0x1970];
	_ =	sdelay $0x2  }
0x48b: {  	s8 =	sld [smem:$0x7E4]  }
0x48c: {  	p0 =	sne.s32 s3, $0x1  }
.Ltmp0:
0x48d: {  	[tilespmem:v2+s1+$0x0] =	vst.idx.msk $0xffff, v1;
	(pc) =	sbr.rel @p0 .LBB2_1-.Ltmp0, $4  }
0x48e: {  	[hbm4b:s8+s2] =	stream.linear.scatter [tilespmem:s1], [sflag:$0x2], $0x1C00, $0x38;
	[tilespmem:$0x3580] =	vst v63  }
0x48f: {  	_ =	swait.ge [sflag:s4], $0x1C00  }
0x490: {  	[sflag:s4] =	ssyncset.done $0x0  }
0x491: {  	s3 =	sadd.s32 $0xFFFFFFFF, s3;
	[sflag:s4] =	ssyncadd.s32 $0xFFFFE400  }
0x492: {  	_ =	sfence.sel $0x180000  }
0x493: {  	[bflag:$0x0] =	sbarrier.arrive $0xFFFF  }
0x494: {  	_ =	strace $0x90000047  }
0x495: {  	s0 =	stileid.u32;
	[bflag:$0x2] =	sbarrier.arrive $0xFFFF  }
0x496: {  	p0 =	sne.s32 s0, $0x0;
	s0 =	rddreg [dreg:$0x2]  }
0x497: {  	s0 =	sadd.s32 @!p0 $0x100000, s0  }
0x498: {  	[sflag:s0] =	ssyncadd.tile.s32 @!p0 $0x1;
	_ =	shalt  }
.Lfunc_end2:
_tile_overlayer_lowered:
.L_overlay_start_2:
0x499: {  	(tag) =	ssettag $0x2  }
0x49a: {  	s0 =	rddreg [dreg:$0x0];
	s2 =	stileid.u32  }
0x49b: {  	s1 =	rddreg [dreg:$0x1];
	p0 =	sne.s32 s2, $0x0  }
0x49c: {  	s3 =	rddreg [dreg:$0x2];
	[bflag:$0x3] =	sbarrier.arrive $0xFFFF;
	s2 =	simm.s32 @!p0 $0x1C02  }
0x49d: {  	[timem:s3], [sflag:s2] =	dma.local @!p0 [hbm:s0], s1  }
0x49e: {  	s0 =	simm.s32 @!p0 $0x2  }
0x49f: {  	_ =	swait.ge @!p0 [sflag:s0], s1  }
0x4a0: {  	s1 =	ssub.s32 @!p0 $0x0, s1;
	[sflag:s0] =	ssyncset.done @!p0 $0x0  }
0x4a1: {  	[sflag:s0] =	ssyncadd.s32 @!p0 s1  }
0x4a2: {  	[bflag:$0x3] =	sbarrier.arrive $0xFFFF  }
0x4a3: {  	_ =	shalt  }

</sc_bundles>
